<compile_context>
chip_gen: v7x
topology: tpu7x:2x2x1
jax: 0.10.2.dev20260603
libtpu: 0.0.44.dev20260713+nightly
codegen_flags: <defaults>
</compile_context>

<pallas_src>
import functools

import jax
import jax.numpy as jnp
import numpy as np
from jax import lax
from jax.experimental import pallas as pl
from jax.experimental.pallas import tpu as pltpu
from jax.experimental.pallas import tpu_sc as plsc

N_NODES = 10000
N_EDGES = 320000
D_IN = 128

NP = 10240
N_CORES = 2
N_SUB = 16
N_TILES = N_CORES * N_SUB
CHUNK = 128
EC = 125
CHUNKS_PER_TILE = 80
ROWS_PER_SUB = NP // N_SUB
ROW_CH = ROWS_PER_SUB // CHUNK


def _make_prop(feat, gather):
    mesh = plsc.VectorSubcoreMesh(core_axis_name="c", subcore_axis_name="s")

    scratch = [
        pltpu.VMEM((CHUNKS_PER_TILE, EC), jnp.int32),
        pltpu.VMEM((CHUNKS_PER_TILE, EC), jnp.int32),
        pltpu.VMEM((CHUNK, feat), jnp.float32),
        pltpu.VMEM((CHUNK, feat), jnp.float32),
        pltpu.VMEM((CHUNK, feat), jnp.float32),
        pltpu.VMEM((CHUNK, feat), jnp.float32),
        pltpu.VMEM((CHUNK, feat), jnp.float32),
        pltpu.VMEM((CHUNK, 128), jnp.float32),
        pltpu.VMEM_SHARED((NP, feat), jnp.float32),
        pltpu.VMEM_SHARED((NP, feat), jnp.float32),
        [pltpu.SemaphoreType.DMA] * 4,
        [pltpu.SemaphoreType.DMA] * 4,
    ]

    @functools.partial(
        pl.kernel,
        mesh=mesh,
        out_type=jax.ShapeDtypeStruct((N_CORES, NP, feat), jnp.float32),
        scratch_types=scratch,
        compiler_params=pltpu.CompilerParams(use_tc_tiling_on_sc=False),
    )
    def prop(edges_hbm, h_hbm, const_hbm, out_hbm,
             src_v, dst_v, rows0_v, rows1_v, rows2_v, rows3_v, stage_v,
             wide_v, acc, h_sh, semg, sems):
        c = lax.axis_index("c")
        s = lax.axis_index("s")
        w = c * N_SUB + s

        pltpu.async_copy(edges_hbm.at[0].at[w], src_v, sems[0])
        pltpu.async_copy(edges_hbm.at[1].at[w], dst_v, sems[1])
        if gather:
            pltpu.sync_copy(const_hbm, stage_v)
        else:
            pltpu.sync_copy(h_hbm, stage_v)
            pltpu.sync_copy(const_hbm, rows0_v)

        for k in range(ROW_CH):
            r = s * ROWS_PER_SUB + k * CHUNK
            pltpu.async_copy(stage_v, acc.at[pl.ds(r, CHUNK)], sems[2])
        if gather:
            for k in range(ROW_CH):
                r = s * ROWS_PER_SUB + k * CHUNK
                pltpu.async_copy(
                    h_hbm.at[pl.ds(r, CHUNK)], wide_v, semg[3]).wait()
                pltpu.sync_copy(wide_v.at[:, pl.ds(0, feat)],
                                h_sh.at[pl.ds(r, CHUNK)])
        pltpu.make_async_copy(edges_hbm.at[0].at[w], src_v, sems[0]).wait()
        pltpu.make_async_copy(edges_hbm.at[1].at[w], dst_v, sems[1]).wait()
        for k in range(ROW_CH):
            r = s * ROWS_PER_SUB + k * CHUNK
            pltpu.make_async_copy(
                stage_v, acc.at[pl.ds(r, CHUNK)], sems[2]).wait()

        plsc.subcore_barrier()

        bufs = tuple(rv.at[pl.ds(0, EC)]
                     for rv in (rows0_v, rows1_v, rows2_v, rows3_v))

        def g_copy(chunk, b):
            return pltpu.make_async_copy(
                h_sh.at[src_v.at[chunk]], bufs[b], semg[b])

        def s_copy(chunk, b):
            return pltpu.make_async_copy(
                bufs[b], acc.at[dst_v.at[chunk]], sems[b])

        if gather:
            for b in range(4):
                pltpu.async_copy(h_sh.at[src_v.at[b]], bufs[b], semg[b])

            def body(j, carry):
                for b in range(4):
                    cidx = 4 * j + b
                    g_copy(cidx, b).wait()
                    pltpu.async_copy(
                        bufs[b], acc.at[dst_v.at[cidx]], sems[b], add=True)
                    b2 = (b + 2) % 4
                    nxt = cidx + 2

                    @pl.when(jnp.logical_and(nxt >= 4,
                                             nxt < CHUNKS_PER_TILE))
                    def _():
                        s_copy(nxt - 4, b2).wait()
                        pltpu.async_copy(
                            h_sh.at[src_v.at[nxt]], bufs[b2], semg[b2])
                return carry

            lax.fori_loop(0, CHUNKS_PER_TILE // 4, body, 0)

            for ch in range(CHUNKS_PER_TILE - 4, CHUNKS_PER_TILE):
                s_copy(ch, ch % 4).wait()
        else:
            ones_ec = bufs[0]

            def body(j, carry):
                for b in range(2):
                    cidx = 2 * j + b

                    @pl.when(cidx >= 2)
                    def _():
                        pltpu.make_async_copy(
                            ones_ec, acc.at[dst_v.at[cidx - 2]],
                            sems[b]).wait()
                    pltpu.async_copy(
                        ones_ec, acc.at[dst_v.at[cidx]], sems[b], add=True)
                return carry

            lax.fori_loop(0, CHUNKS_PER_TILE // 2, body, 0)
            for ch in (CHUNKS_PER_TILE - 2, CHUNKS_PER_TILE - 1):
                pltpu.make_async_copy(
                    ones_ec, acc.at[dst_v.at[ch]], sems[ch % 2]).wait()

        plsc.subcore_barrier()

        wbufs = (rows0_v, rows1_v, rows2_v, rows3_v, stage_v)
        wsems = (sems[0], sems[1], sems[2], sems[3], semg[0])
        for k in range(ROW_CH):
            r = s * ROWS_PER_SUB + k * CHUNK
            pltpu.async_copy(acc.at[pl.ds(r, CHUNK)], wbufs[k], wsems[k])
        for k in range(ROW_CH):
            r = s * ROWS_PER_SUB + k * CHUNK
            pltpu.make_async_copy(
                acc.at[pl.ds(r, CHUNK)], wbufs[k], wsems[k]).wait()
            pltpu.async_copy(
                wbufs[k], out_hbm.at[c].at[pl.ds(r, CHUNK)], wsems[k])
        for k in range(ROW_CH):
            r = s * ROWS_PER_SUB + k * CHUNK
            pltpu.make_async_copy(
                wbufs[k], out_hbm.at[c].at[pl.ds(r, CHUNK)], wsems[k]).wait()

    return prop


_prop32 = _make_prop(32, gather=True)
_prop16 = _make_prop(16, gather=True)
_deg8 = _make_prop(8, gather=False)




def _stage_a0_body(x_ref, w_ref, o_ref):
    mm = jnp.dot(x_ref[...], w_ref[...], preferred_element_type=jnp.float32)
    o_ref[...] = jnp.concatenate(
        [mm, jnp.zeros((NP - N_NODES, mm.shape[1]), mm.dtype)], axis=0)


def _pad128(t):
    return jnp.concatenate(
        [t, jnp.zeros((t.shape[0], 128 - t.shape[1]), t.dtype)], axis=1)


def _stage_a1_body(mm_ref, pd_ref, o_ref, dis_ref):
    deg = 1.0 + pd_ref[0, :, 0:1] + pd_ref[1, :, 0:1]
    d = lax.rsqrt(deg)
    o_ref[...] = _pad128(mm_ref[...] * d)
    dis_ref[...] = jnp.broadcast_to(d, (NP, 8))


def _stage_bc_body(s_ref, h_ref, dis_ref, b_ref, w_ref, o_ref):
    d = dis_ref[:, 0:1]
    f_in = w_ref.shape[0]
    t = jnp.maximum(
        d * (s_ref[0] + s_ref[1] + h_ref[:, :f_in]) + b_ref[...], 0.0)
    o_ref[...] = _pad128(
        jnp.dot(t, w_ref[...], preferred_element_type=jnp.float32) * d)


def _stage_d_body(s_ref, h_ref, dis_ref, b_ref, o_ref):
    d = dis_ref[:, 0:1]
    t = d * (s_ref[0] + s_ref[1] + h_ref[:, :16]) + b_ref[...]
    o_ref[...] = t[:N_NODES, :8]


def _full_spec(shape):
    return pl.BlockSpec(shape, lambda: tuple(0 for _ in shape))


def _stage_a0(x, w):
    return pl.pallas_call(
        _stage_a0_body,
        in_specs=[_full_spec(x.shape), _full_spec(w.shape)],
        out_specs=_full_spec((NP, w.shape[1])),
        out_shape=jax.ShapeDtypeStruct((NP, w.shape[1]), jnp.float32),
    )(x, w)


def _stage_a1(mm, pdeg):
    return pl.pallas_call(
        _stage_a1_body,
        in_specs=[_full_spec(mm.shape), _full_spec(pdeg.shape)],
        out_specs=(_full_spec((NP, 128)), _full_spec((NP, 8))),
        out_shape=(jax.ShapeDtypeStruct((NP, 128), jnp.float32),
                   jax.ShapeDtypeStruct((NP, 8), jnp.float32)),
    )(mm, pdeg)


def _stage_bc(sp, h, dis, b, w):
    return pl.pallas_call(
        _stage_bc_body,
        in_specs=[_full_spec(sp.shape), _full_spec(h.shape),
                  _full_spec(dis.shape), _full_spec(b.shape),
                  _full_spec(w.shape)],
        out_specs=_full_spec((NP, 128)),
        out_shape=jax.ShapeDtypeStruct((NP, 128), jnp.float32),
    )(sp, h, dis, b, w)


def _stage_d(sp, h, dis, b):
    return pl.pallas_call(
        _stage_d_body,
        in_specs=[_full_spec(sp.shape), _full_spec(h.shape),
                  _full_spec(dis.shape), _full_spec(b.shape)],
        out_specs=_full_spec((N_NODES, 8)),
        out_shape=jax.ShapeDtypeStruct((N_NODES, 8), jnp.float32),
    )(sp, h, dis, b)



def kernel(x, edge_index, W1, b1, W2, b2, W3, b3):
    edges = edge_index.astype(jnp.int32).reshape(
        2, N_TILES, CHUNKS_PER_TILE, EC)

    W1p = jnp.pad(W1, ((0, 0), (0, 32 - W1.shape[1])))
    b1p = jnp.pad(b1, (0, 32 - b1.shape[0])).reshape(1, 32)
    W2p = jnp.pad(W2, ((0, 32 - W2.shape[0]), (0, 16 - W2.shape[1])))
    b2p = jnp.pad(b2, (0, 16 - b2.shape[0])).reshape(1, 16)
    W3p = jnp.pad(W3, ((0, 16 - W3.shape[0]), (0, 16 - W3.shape[1])))
    b3p = jnp.pad(b3, (0, 16 - b3.shape[0])).reshape(1, 16)

    zeros32 = jnp.asarray(np.zeros((CHUNK, 32), np.float32))
    zeros16 = jnp.asarray(np.zeros((CHUNK, 16), np.float32))
    zeros8 = jnp.asarray(np.zeros((CHUNK, 8), np.float32))
    ones8 = jnp.asarray(np.ones((CHUNK, 8), np.float32))

    mm = _stage_a0(x, W1p)
    pdeg = _deg8(edges, zeros8, ones8)

    h1, dis = _stage_a1(mm, pdeg)
    s1 = _prop32(edges, h1, zeros32)
    h2 = _stage_bc(s1, h1, dis, b1p, W2p)
    s2 = _prop16(edges, h2, zeros16)
    h3 = _stage_bc(s2, h2, dis, b2p, W3p)
    s3 = _prop16(edges, h3, zeros16)
    return _stage_d(s3, h3, dis, b3p)

# --- scband reference (transcript-rebuilt; emitter-appended) ---
"""Pipeline reference for scband-regression-gcn-44049184588188 (READ-ONLY COPY).

The authoritative reference and input builder live on the scoring server;
editing this copy changes nothing except your own understanding.
"""

import jax, jax.numpy as jnp
import numpy as np

N_NODES = 10000
N_EDGES = 320000
D_IN = 128


def gcn_conv(x, edge_index, W, b):
    N = x.shape[0]
    loop = jnp.arange(N, dtype=edge_index.dtype)
    src = jnp.concatenate([edge_index[0], loop])
    dst = jnp.concatenate([edge_index[1], loop])
    # symmetric normalization D^{-1/2} (A+I) D^{-1/2}
    deg = jnp.zeros((N,), dtype=x.dtype).at[dst].add(1.0)
    deg_inv_sqrt = jnp.where(deg > 0, 1.0 / jnp.sqrt(deg), 0.0)
    norm = deg_inv_sqrt[src] * deg_inv_sqrt[dst]
    h = x @ W
    msg = h[src] * norm[:, None]
    out = jnp.zeros((N, h.shape[1]), dtype=x.dtype).at[dst].add(msg)
    return out + b


def setup_inputs(seed: int = 0) -> dict:
    key = jax.random.key(seed)
    k_x, k_e, k1, k2, k3 = jax.random.split(key, 5)
    x = jax.random.normal(k_x, (N_NODES, D_IN), dtype=jnp.float32)
    edge_index = jax.random.randint(k_e, (2, N_EDGES), 0, N_NODES, dtype=jnp.int64)
    s = 1.0 / np.sqrt(D_IN)
    W1 = jax.random.uniform(k1, (D_IN, 25), jnp.float32, -s, s)
    b1 = jnp.zeros((25,), jnp.float32)
    s2 = 1.0 / np.sqrt(25)
    W2 = jax.random.uniform(k2, (25, 10), jnp.float32, -s2, s2)
    b2 = jnp.zeros((10,), jnp.float32)
    s3 = 1.0 / np.sqrt(10)
    W3 = jax.random.uniform(k3, (10, 8), jnp.float32, -s3, s3)
    b3 = jnp.zeros((8,), jnp.float32)
    return {"x": x, "edge_index": edge_index, "W1": W1, "b1": b1, "W2": W2, "b2": b2, "W3": W3, "b3": b3}


def reference(x, edge_index, W1, b1, W2, b2, W3, b3):
    # eval mode: dropout is identity
    h = gcn_conv(x, edge_index, W1, b1)
    h = jax.nn.relu(h)
    h = gcn_conv(h, edge_index, W2, b2)
    h = jax.nn.relu(h)
    h = gcn_conv(h, edge_index, W3, b3)
    return h

if __name__ == "__main__":
    import jax
    _d = setup_inputs()
    print(jax.jit(kernel)(*tuple(_d.values())))

</pallas_src>

<mosaic_0001>
#map = affine_map<(d0, d1) -> (0, 0, 0, 0)>
#map1 = affine_map<(d0, d1) -> (0, 0)>
#map2 = affine_map<(d0, d1) -> (0, 0, 0)>
module attributes {stable_mosaic.version = 14 : i64} {
  func.func @prop(%arg0: i32, %arg1: i32, %arg2: memref<2x32x80x125xi32, #tpu.memory_space<hbm>>, %arg3: memref<10240x128xf32, #tpu.memory_space<hbm>>, %arg4: memref<128x32xf32, #tpu.memory_space<hbm>>, %arg5: memref<2x10240x32xf32, #tpu.memory_space<hbm>>, %arg6: memref<80x125xi32, #tpu.memory_space<vmem>>, %arg7: memref<80x125xi32, #tpu.memory_space<vmem>>, %arg8: memref<128x32xf32, #tpu.memory_space<vmem>>, %arg9: memref<128x32xf32, #tpu.memory_space<vmem>>, %arg10: memref<128x32xf32, #tpu.memory_space<vmem>>, %arg11: memref<128x32xf32, #tpu.memory_space<vmem>>, %arg12: memref<128x32xf32, #tpu.memory_space<vmem>>, %arg13: memref<128x128xf32, #tpu.memory_space<vmem>>, %arg14: memref<10240x32xf32, #tpu.memory_space<vmem_shared>>, %arg15: memref<10240x32xf32, #tpu.memory_space<vmem_shared>>, %arg16: memref<!tpu.dma_semaphore, #tpu.memory_space<semaphore_mem>>, %arg17: memref<!tpu.dma_semaphore, #tpu.memory_space<semaphore_mem>>, %arg18: memref<!tpu.dma_semaphore, #tpu.memory_space<semaphore_mem>>, %arg19: memref<!tpu.dma_semaphore, #tpu.memory_space<semaphore_mem>>, %arg20: memref<!tpu.dma_semaphore, #tpu.memory_space<semaphore_mem>>, %arg21: memref<!tpu.dma_semaphore, #tpu.memory_space<semaphore_mem>>, %arg22: memref<!tpu.dma_semaphore, #tpu.memory_space<semaphore_mem>>, %arg23: memref<!tpu.dma_semaphore, #tpu.memory_space<semaphore_mem>>) attributes {dimension_semantics = [#tpu.dimension_semantics<core_parallel>, #tpu.dimension_semantics<subcore_parallel>], iteration_bounds = array<i64: 2, 16>, scalar_prefetch = 0 : i64, scratch_operands = 18 : i64, tpu.core_type = #tpu.core_type<sc_vector_subcore>, window_params = [{transform_indices = #map}, {transform_indices = #map1}, {transform_indices = #map1}, {transform_indices = #map2}]} {
    %mul3A = arith.constant 16 : i32
    %mul3A_0 = arith.muli %arg0, %mul3A : i32
    %add3A = arith.addi %mul3A_0, %arg1 : i32
    %dma_start3A = arith.constant 0 : i32
    %dma_start3A_1 = arith.constant 0 : i32
    %dma_start3A_2 = arith.constant 0 : i32
    %dma_start3A_3 = arith.constant 0 : i32
    %dma_start3A_4 = tpu.memref_slice %arg2[%dma_start3A, %dma_start3A_1, %dma_start3A_2, %dma_start3A_3] : memref<2x32x80x125xi32, #tpu.memory_space<hbm>> -> memref<1x32x80x125xi32, #tpu.memory_space<hbm>>
    %dma_start3A_5 = tpu.memref_squeeze %dma_start3A_4 : memref<1x32x80x125xi32, #tpu.memory_space<hbm>> -> memref<32x80x125xi32, #tpu.memory_space<hbm>>
    %dma_start3A_6 = arith.constant 0 : i32
    %dma_start3A_7 = arith.constant 0 : i32
    %dma_start3A_8 = tpu.memref_slice %dma_start3A_5[%add3A, %dma_start3A_6, %dma_start3A_7] : memref<32x80x125xi32, #tpu.memory_space<hbm>> -> memref<1x80x125xi32, #tpu.memory_space<hbm>>
    %dma_start3A_9 = tpu.memref_squeeze %dma_start3A_8 : memref<1x80x125xi32, #tpu.memory_space<hbm>> -> memref<80x125xi32, #tpu.memory_space<hbm>>
    %dma_start3A_10 = arith.constant 0 : i32
    %dma_start3A_11 = arith.constant 0 : i32
    %dma_start3A_12 = arith.constant 0 : i32
    %dma_start3A_13 = tpu.memref_slice %arg2[%dma_start3A, %dma_start3A_10, %dma_start3A_11, %dma_start3A_12] : memref<2x32x80x125xi32, #tpu.memory_space<hbm>> -> memref<1x32x80x125xi32, #tpu.memory_space<hbm>>
    %dma_start3A_14 = tpu.memref_squeeze %dma_start3A_13 : memref<1x32x80x125xi32, #tpu.memory_space<hbm>> -> memref<32x80x125xi32, #tpu.memory_space<hbm>>
    %dma_start3A_15 = arith.constant 0 : i32
    %dma_start3A_16 = arith.constant 0 : i32
    %dma_start3A_17 = tpu.memref_slice %dma_start3A_14[%add3A, %dma_start3A_15, %dma_start3A_16] : memref<32x80x125xi32, #tpu.memory_space<hbm>> -> memref<1x80x125xi32, #tpu.memory_space<hbm>>
    %dma_start3A_18 = tpu.memref_squeeze %dma_start3A_17 : memref<1x80x125xi32, #tpu.memory_space<hbm>> -> memref<80x125xi32, #tpu.memory_space<hbm>>
    tpu.enqueue_dma source(%dma_start3A_18 : memref<80x125xi32, #tpu.memory_space<hbm>>) target(%arg6 : memref<80x125xi32, #tpu.memory_space<vmem>>) target_semaphore(%arg20 : memref<!tpu.dma_semaphore, #tpu.memory_space<semaphore_mem>>)
    %dma_start3A_19 = arith.constant 1 : i32
    %dma_start3A_20 = arith.constant 0 : i32
    %dma_start3A_21 = arith.constant 0 : i32
    %dma_start3A_22 = arith.constant 0 : i32
    %dma_start3A_23 = tpu.memref_slice %arg2[%dma_start3A_19, %dma_start3A_20, %dma_start3A_21, %dma_start3A_22] : memref<2x32x80x125xi32, #tpu.memory_space<hbm>> -> memref<1x32x80x125xi32, #tpu.memory_space<hbm>>
    %dma_start3A_24 = tpu.memref_squeeze %dma_start3A_23 : memref<1x32x80x125xi32, #tpu.memory_space<hbm>> -> memref<32x80x125xi32, #tpu.memory_space<hbm>>
    %dma_start3A_25 = arith.constant 0 : i32
    %dma_start3A_26 = arith.constant 0 : i32
    %dma_start3A_27 = tpu.memref_slice %dma_start3A_24[%add3A, %dma_start3A_25, %dma_start3A_26] : memref<32x80x125xi32, #tpu.memory_space<hbm>> -> memref<1x80x125xi32, #tpu.memory_space<hbm>>
    %dma_start3A_28 = tpu.memref_squeeze %dma_start3A_27 : memref<1x80x125xi32, #tpu.memory_space<hbm>> -> memref<80x125xi32, #tpu.memory_space<hbm>>
    %dma_start3A_29 = arith.constant 0 : i32
    %dma_start3A_30 = arith.constant 0 : i32
    %dma_start3A_31 = arith.constant 0 : i32
    %dma_start3A_32 = tpu.memref_slice %arg2[%dma_start3A_19, %dma_start3A_29, %dma_start3A_30, %dma_start3A_31] : memref<2x32x80x125xi32, #tpu.memory_space<hbm>> -> memref<1x32x80x125xi32, #tpu.memory_space<hbm>>
    %dma_start3A_33 = tpu.memref_squeeze %dma_start3A_32 : memref<1x32x80x125xi32, #tpu.memory_space<hbm>> -> memref<32x80x125xi32, #tpu.memory_space<hbm>>
    %dma_start3A_34 = arith.constant 0 : i32
    %dma_start3A_35 = arith.constant 0 : i32
    %dma_start3A_36 = tpu.memref_slice %dma_start3A_33[%add3A, %dma_start3A_34, %dma_start3A_35] : memref<32x80x125xi32, #tpu.memory_space<hbm>> -> memref<1x80x125xi32, #tpu.memory_space<hbm>>
    %dma_start3A_37 = tpu.memref_squeeze %dma_start3A_36 : memref<1x80x125xi32, #tpu.memory_space<hbm>> -> memref<80x125xi32, #tpu.memory_space<hbm>>
    tpu.enqueue_dma source(%dma_start3A_37 : memref<80x125xi32, #tpu.memory_space<hbm>>) target(%arg7 : memref<80x125xi32, #tpu.memory_space<vmem>>) target_semaphore(%arg21 : memref<!tpu.dma_semaphore, #tpu.memory_space<semaphore_mem>>)
    "tpu.region"() ({
      %run_scoped3A = tpu.sem_alloc : memref<!tpu.dma_semaphore, #tpu.memory_space<semaphore_mem>>
      tpu.enqueue_dma source(%arg4 : memref<128x32xf32, #tpu.memory_space<hbm>>) target(%arg12 : memref<128x32xf32, #tpu.memory_space<vmem>>) target_semaphore(%run_scoped3A : memref<!tpu.dma_semaphore, #tpu.memory_space<semaphore_mem>>)
      tpu.wait_dma2 semaphore(%run_scoped3A : memref<!tpu.dma_semaphore, #tpu.memory_space<semaphore_mem>>) src(%arg4 : memref<128x32xf32, #tpu.memory_space<hbm>>) dst(%arg12 : memref<128x32xf32, #tpu.memory_space<vmem>>)
      tpu.yield
    }) : () -> ()
    %mul3A_38 = arith.constant 640 : i32
    %mul3A_39 = arith.muli %arg1, %mul3A_38 : i32
    %add3A_40 = arith.constant 0 : i32
    %add3A_41 = arith.addi %mul3A_39, %add3A_40 : i32
    %dma_start3A_42 = arith.constant 0 : i32
    %dma_start3A_43 = tpu.memref_slice %arg14[%add3A_41, %dma_start3A_42] : memref<10240x32xf32, #tpu.memory_space<vmem_shared>> -> memref<128x32xf32, #tpu.memory_space<vmem_shared>>
    %dma_start3A_44 = arith.constant 0 : i32
    %dma_start3A_45 = tpu.memref_slice %arg14[%add3A_41, %dma_start3A_44] : memref<10240x32xf32, #tpu.memory_space<vmem_shared>> -> memref<128x32xf32, #tpu.memory_space<vmem_shared>>
    tpu.enqueue_dma source(%arg12 : memref<128x32xf32, #tpu.memory_space<vmem>>) target(%dma_start3A_45 : memref<128x32xf32, #tpu.memory_space<vmem_shared>>) target_semaphore(%arg22 : memref<!tpu.dma_semaphore, #tpu.memory_space<semaphore_mem>>)
    %mul3A_46 = arith.constant 640 : i32
    %mul3A_47 = arith.muli %arg1, %mul3A_46 : i32
    %add3A_48 = arith.constant 128 : i32
    %add3A_49 = arith.addi %mul3A_47, %add3A_48 : i32
    %dma_start3A_50 = arith.constant 0 : i32
    %dma_start3A_51 = tpu.memref_slice %arg14[%add3A_49, %dma_start3A_50] : memref<10240x32xf32, #tpu.memory_space<vmem_shared>> -> memref<128x32xf32, #tpu.memory_space<vmem_shared>>
    %dma_start3A_52 = arith.constant 0 : i32
    %dma_start3A_53 = tpu.memref_slice %arg14[%add3A_49, %dma_start3A_52] : memref<10240x32xf32, #tpu.memory_space<vmem_shared>> -> memref<128x32xf32, #tpu.memory_space<vmem_shared>>
    tpu.enqueue_dma source(%arg12 : memref<128x32xf32, #tpu.memory_space<vmem>>) target(%dma_start3A_53 : memref<128x32xf32, #tpu.memory_space<vmem_shared>>) target_semaphore(%arg22 : memref<!tpu.dma_semaphore, #tpu.memory_space<semaphore_mem>>)
    %mul3A_54 = arith.constant 640 : i32
    %mul3A_55 = arith.muli %arg1, %mul3A_54 : i32
    %add3A_56 = arith.constant 256 : i32
    %add3A_57 = arith.addi %mul3A_55, %add3A_56 : i32
    %dma_start3A_58 = arith.constant 0 : i32
    %dma_start3A_59 = tpu.memref_slice %arg14[%add3A_57, %dma_start3A_58] : memref<10240x32xf32, #tpu.memory_space<vmem_shared>> -> memref<128x32xf32, #tpu.memory_space<vmem_shared>>
    %dma_start3A_60 = arith.constant 0 : i32
    %dma_start3A_61 = tpu.memref_slice %arg14[%add3A_57, %dma_start3A_60] : memref<10240x32xf32, #tpu.memory_space<vmem_shared>> -> memref<128x32xf32, #tpu.memory_space<vmem_shared>>
    tpu.enqueue_dma source(%arg12 : memref<128x32xf32, #tpu.memory_space<vmem>>) target(%dma_start3A_61 : memref<128x32xf32, #tpu.memory_space<vmem_shared>>) target_semaphore(%arg22 : memref<!tpu.dma_semaphore, #tpu.memory_space<semaphore_mem>>)
    %mul3A_62 = arith.constant 640 : i32
    %mul3A_63 = arith.muli %arg1, %mul3A_62 : i32
    %add3A_64 = arith.constant 384 : i32
    %add3A_65 = arith.addi %mul3A_63, %add3A_64 : i32
    %dma_start3A_66 = arith.constant 0 : i32
    %dma_start3A_67 = tpu.memref_slice %arg14[%add3A_65, %dma_start3A_66] : memref<10240x32xf32, #tpu.memory_space<vmem_shared>> -> memref<128x32xf32, #tpu.memory_space<vmem_shared>>
    %dma_start3A_68 = arith.constant 0 : i32
    %dma_start3A_69 = tpu.memref_slice %arg14[%add3A_65, %dma_start3A_68] : memref<10240x32xf32, #tpu.memory_space<vmem_shared>> -> memref<128x32xf32, #tpu.memory_space<vmem_shared>>
    tpu.enqueue_dma source(%arg12 : memref<128x32xf32, #tpu.memory_space<vmem>>) target(%dma_start3A_69 : memref<128x32xf32, #tpu.memory_space<vmem_shared>>) target_semaphore(%arg22 : memref<!tpu.dma_semaphore, #tpu.memory_space<semaphore_mem>>)
    %mul3A_70 = arith.constant 640 : i32
    %mul3A_71 = arith.muli %arg1, %mul3A_70 : i32
    %add3A_72 = arith.constant 512 : i32
    %add3A_73 = arith.addi %mul3A_71, %add3A_72 : i32
    %dma_start3A_74 = arith.constant 0 : i32
    %dma_start3A_75 = tpu.memref_slice %arg14[%add3A_73, %dma_start3A_74] : memref<10240x32xf32, #tpu.memory_space<vmem_shared>> -> memref<128x32xf32, #tpu.memory_space<vmem_shared>>
    %dma_start3A_76 = arith.constant 0 : i32
    %dma_start3A_77 = tpu.memref_slice %arg14[%add3A_73, %dma_start3A_76] : memref<10240x32xf32, #tpu.memory_space<vmem_shared>> -> memref<128x32xf32, #tpu.memory_space<vmem_shared>>
    tpu.enqueue_dma source(%arg12 : memref<128x32xf32, #tpu.memory_space<vmem>>) target(%dma_start3A_77 : memref<128x32xf32, #tpu.memory_space<vmem_shared>>) target_semaphore(%arg22 : memref<!tpu.dma_semaphore, #tpu.memory_space<semaphore_mem>>)
    %mul3A_78 = arith.constant 640 : i32
    %mul3A_79 = arith.muli %arg1, %mul3A_78 : i32
    %add3A_80 = arith.constant 0 : i32
    %add3A_81 = arith.addi %mul3A_79, %add3A_80 : i32
    %dma_start3A_82 = arith.constant 0 : i32
    %dma_start3A_83 = tpu.memref_slice %arg3[%add3A_81, %dma_start3A_82] : memref<10240x128xf32, #tpu.memory_space<hbm>> -> memref<128x128xf32, #tpu.memory_space<hbm>>
    %dma_start3A_84 = arith.constant 0 : i32
    %dma_start3A_85 = tpu.memref_slice %arg3[%add3A_81, %dma_start3A_84] : memref<10240x128xf32, #tpu.memory_space<hbm>> -> memref<128x128xf32, #tpu.memory_space<hbm>>
    tpu.enqueue_dma source(%dma_start3A_85 : memref<128x128xf32, #tpu.memory_space<hbm>>) target(%arg13 : memref<128x128xf32, #tpu.memory_space<vmem>>) target_semaphore(%arg19 : memref<!tpu.dma_semaphore, #tpu.memory_space<semaphore_mem>>)
    %dma_wait3A = arith.constant 0 : i32
    %dma_wait3A_86 = tpu.memref_slice %arg3[%add3A_81, %dma_wait3A] : memref<10240x128xf32, #tpu.memory_space<hbm>> -> memref<128x128xf32, #tpu.memory_space<hbm>>
    %dma_wait3A_87 = arith.constant 0 : i32
    %dma_wait3A_88 = tpu.memref_slice %arg3[%add3A_81, %dma_wait3A_87] : memref<10240x128xf32, #tpu.memory_space<hbm>> -> memref<128x128xf32, #tpu.memory_space<hbm>>
    tpu.wait_dma2 semaphore(%arg19 : memref<!tpu.dma_semaphore, #tpu.memory_space<semaphore_mem>>) src(%dma_wait3A_88 : memref<128x128xf32, #tpu.memory_space<hbm>>) dst(%arg13 : memref<128x128xf32, #tpu.memory_space<vmem>>)
    "tpu.region"() ({
      %run_scoped3A = tpu.sem_alloc : memref<!tpu.dma_semaphore, #tpu.memory_space<semaphore_mem>>
      %dma_start3A_521 = arith.constant 0 : i32
      %dma_start3A_522 = arith.constant 0 : i32
      %dma_start3A_523 = tpu.memref_slice %arg13[%dma_start3A_521, %dma_start3A_522] : memref<128x128xf32, #tpu.memory_space<vmem>> -> memref<128x32xf32, #tpu.memory_space<vmem>>
      %dma_start3A_524 = arith.constant 0 : i32
      %dma_start3A_525 = tpu.memref_slice %arg15[%add3A_81, %dma_start3A_524] : memref<10240x32xf32, #tpu.memory_space<vmem_shared>> -> memref<128x32xf32, #tpu.memory_space<vmem_shared>>
      %dma_start3A_526 = arith.constant 0 : i32
      %dma_start3A_527 = tpu.memref_slice %arg15[%add3A_81, %dma_start3A_526] : memref<10240x32xf32, #tpu.memory_space<vmem_shared>> -> memref<128x32xf32, #tpu.memory_space<vmem_shared>>
      %dma_start3A_528 = arith.constant 0 : i32
      %dma_start3A_529 = arith.constant 0 : i32
      %dma_start3A_530 = tpu.memref_slice %arg13[%dma_start3A_528, %dma_start3A_529] : memref<128x128xf32, #tpu.memory_space<vmem>> -> memref<128x32xf32, #tpu.memory_space<vmem>>
      tpu.enqueue_dma source(%dma_start3A_530 : memref<128x32xf32, #tpu.memory_space<vmem>>) target(%dma_start3A_527 : memref<128x32xf32, #tpu.memory_space<vmem_shared>>) target_semaphore(%run_scoped3A : memref<!tpu.dma_semaphore, #tpu.memory_space<semaphore_mem>>)
      %dma_wait3A_531 = arith.constant 0 : i32
      %dma_wait3A_532 = arith.constant 0 : i32
      %dma_wait3A_533 = tpu.memref_slice %arg13[%dma_wait3A_531, %dma_wait3A_532] : memref<128x128xf32, #tpu.memory_space<vmem>> -> memref<128x32xf32, #tpu.memory_space<vmem>>
      %dma_wait3A_534 = arith.constant 0 : i32
      %dma_wait3A_535 = tpu.memref_slice %arg15[%add3A_81, %dma_wait3A_534] : memref<10240x32xf32, #tpu.memory_space<vmem_shared>> -> memref<128x32xf32, #tpu.memory_space<vmem_shared>>
      %dma_wait3A_536 = arith.constant 0 : i32
      %dma_wait3A_537 = tpu.memref_slice %arg15[%add3A_81, %dma_wait3A_536] : memref<10240x32xf32, #tpu.memory_space<vmem_shared>> -> memref<128x32xf32, #tpu.memory_space<vmem_shared>>
      %dma_wait3A_538 = arith.constant 0 : i32
      %dma_wait3A_539 = arith.constant 0 : i32
      %dma_wait3A_540 = tpu.memref_slice %arg13[%dma_wait3A_538, %dma_wait3A_539] : memref<128x128xf32, #tpu.memory_space<vmem>> -> memref<128x32xf32, #tpu.memory_space<vmem>>
      tpu.wait_dma2 semaphore(%run_scoped3A : memref<!tpu.dma_semaphore, #tpu.memory_space<semaphore_mem>>) src(%dma_wait3A_540 : memref<128x32xf32, #tpu.memory_space<vmem>>) dst(%dma_wait3A_537 : memref<128x32xf32, #tpu.memory_space<vmem_shared>>)
      tpu.yield
    }) : () -> ()
    %mul3A_89 = arith.constant 640 : i32
    %mul3A_90 = arith.muli %arg1, %mul3A_89 : i32
    %add3A_91 = arith.constant 128 : i32
    %add3A_92 = arith.addi %mul3A_90, %add3A_91 : i32
    %dma_start3A_93 = arith.constant 0 : i32
    %dma_start3A_94 = tpu.memref_slice %arg3[%add3A_92, %dma_start3A_93] : memref<10240x128xf32, #tpu.memory_space<hbm>> -> memref<128x128xf32, #tpu.memory_space<hbm>>
    %dma_start3A_95 = arith.constant 0 : i32
    %dma_start3A_96 = tpu.memref_slice %arg3[%add3A_92, %dma_start3A_95] : memref<10240x128xf32, #tpu.memory_space<hbm>> -> memref<128x128xf32, #tpu.memory_space<hbm>>
    tpu.enqueue_dma source(%dma_start3A_96 : memref<128x128xf32, #tpu.memory_space<hbm>>) target(%arg13 : memref<128x128xf32, #tpu.memory_space<vmem>>) target_semaphore(%arg19 : memref<!tpu.dma_semaphore, #tpu.memory_space<semaphore_mem>>)
    %dma_wait3A_97 = arith.constant 0 : i32
    %dma_wait3A_98 = tpu.memref_slice %arg3[%add3A_92, %dma_wait3A_97] : memref<10240x128xf32, #tpu.memory_space<hbm>> -> memref<128x128xf32, #tpu.memory_space<hbm>>
    %dma_wait3A_99 = arith.constant 0 : i32
    %dma_wait3A_100 = tpu.memref_slice %arg3[%add3A_92, %dma_wait3A_99] : memref<10240x128xf32, #tpu.memory_space<hbm>> -> memref<128x128xf32, #tpu.memory_space<hbm>>
    tpu.wait_dma2 semaphore(%arg19 : memref<!tpu.dma_semaphore, #tpu.memory_space<semaphore_mem>>) src(%dma_wait3A_100 : memref<128x128xf32, #tpu.memory_space<hbm>>) dst(%arg13 : memref<128x128xf32, #tpu.memory_space<vmem>>)
    "tpu.region"() ({
      %run_scoped3A = tpu.sem_alloc : memref<!tpu.dma_semaphore, #tpu.memory_space<semaphore_mem>>
      %dma_start3A_521 = arith.constant 0 : i32
      %dma_start3A_522 = arith.constant 0 : i32
      %dma_start3A_523 = tpu.memref_slice %arg13[%dma_start3A_521, %dma_start3A_522] : memref<128x128xf32, #tpu.memory_space<vmem>> -> memref<128x32xf32, #tpu.memory_space<vmem>>
      %dma_start3A_524 = arith.constant 0 : i32
      %dma_start3A_525 = tpu.memref_slice %arg15[%add3A_92, %dma_start3A_524] : memref<10240x32xf32, #tpu.memory_space<vmem_shared>> -> memref<128x32xf32, #tpu.memory_space<vmem_shared>>
      %dma_start3A_526 = arith.constant 0 : i32
      %dma_start3A_527 = tpu.memref_slice %arg15[%add3A_92, %dma_start3A_526] : memref<10240x32xf32, #tpu.memory_space<vmem_shared>> -> memref<128x32xf32, #tpu.memory_space<vmem_shared>>
      %dma_start3A_528 = arith.constant 0 : i32
      %dma_start3A_529 = arith.constant 0 : i32
      %dma_start3A_530 = tpu.memref_slice %arg13[%dma_start3A_528, %dma_start3A_529] : memref<128x128xf32, #tpu.memory_space<vmem>> -> memref<128x32xf32, #tpu.memory_space<vmem>>
      tpu.enqueue_dma source(%dma_start3A_530 : memref<128x32xf32, #tpu.memory_space<vmem>>) target(%dma_start3A_527 : memref<128x32xf32, #tpu.memory_space<vmem_shared>>) target_semaphore(%run_scoped3A : memref<!tpu.dma_semaphore, #tpu.memory_space<semaphore_mem>>)
      %dma_wait3A_531 = arith.constant 0 : i32
      %dma_wait3A_532 = arith.constant 0 : i32
      %dma_wait3A_533 = tpu.memref_slice %arg13[%dma_wait3A_531, %dma_wait3A_532] : memref<128x128xf32, #tpu.memory_space<vmem>> -> memref<128x32xf32, #tpu.memory_space<vmem>>
      %dma_wait3A_534 = arith.constant 0 : i32
      %dma_wait3A_535 = tpu.memref_slice %arg15[%add3A_92, %dma_wait3A_534] : memref<10240x32xf32, #tpu.memory_space<vmem_shared>> -> memref<128x32xf32, #tpu.memory_space<vmem_shared>>
      %dma_wait3A_536 = arith.constant 0 : i32
      %dma_wait3A_537 = tpu.memref_slice %arg15[%add3A_92, %dma_wait3A_536] : memref<10240x32xf32, #tpu.memory_space<vmem_shared>> -> memref<128x32xf32, #tpu.memory_space<vmem_shared>>
      %dma_wait3A_538 = arith.constant 0 : i32
      %dma_wait3A_539 = arith.constant 0 : i32
      %dma_wait3A_540 = tpu.memref_slice %arg13[%dma_wait3A_538, %dma_wait3A_539] : memref<128x128xf32, #tpu.memory_space<vmem>> -> memref<128x32xf32, #tpu.memory_space<vmem>>
      tpu.wait_dma2 semaphore(%run_scoped3A : memref<!tpu.dma_semaphore, #tpu.memory_space<semaphore_mem>>) src(%dma_wait3A_540 : memref<128x32xf32, #tpu.memory_space<vmem>>) dst(%dma_wait3A_537 : memref<128x32xf32, #tpu.memory_space<vmem_shared>>)
      tpu.yield
    }) : () -> ()
    %mul3A_101 = arith.constant 640 : i32
    %mul3A_102 = arith.muli %arg1, %mul3A_101 : i32
    %add3A_103 = arith.constant 256 : i32
    %add3A_104 = arith.addi %mul3A_102, %add3A_103 : i32
    %dma_start3A_105 = arith.constant 0 : i32
    %dma_start3A_106 = tpu.memref_slice %arg3[%add3A_104, %dma_start3A_105] : memref<10240x128xf32, #tpu.memory_space<hbm>> -> memref<128x128xf32, #tpu.memory_space<hbm>>
    %dma_start3A_107 = arith.constant 0 : i32
    %dma_start3A_108 = tpu.memref_slice %arg3[%add3A_104, %dma_start3A_107] : memref<10240x128xf32, #tpu.memory_space<hbm>> -> memref<128x128xf32, #tpu.memory_space<hbm>>
    tpu.enqueue_dma source(%dma_start3A_108 : memref<128x128xf32, #tpu.memory_space<hbm>>) target(%arg13 : memref<128x128xf32, #tpu.memory_space<vmem>>) target_semaphore(%arg19 : memref<!tpu.dma_semaphore, #tpu.memory_space<semaphore_mem>>)
    %dma_wait3A_109 = arith.constant 0 : i32
    %dma_wait3A_110 = tpu.memref_slice %arg3[%add3A_104, %dma_wait3A_109] : memref<10240x128xf32, #tpu.memory_space<hbm>> -> memref<128x128xf32, #tpu.memory_space<hbm>>
    %dma_wait3A_111 = arith.constant 0 : i32
    %dma_wait3A_112 = tpu.memref_slice %arg3[%add3A_104, %dma_wait3A_111] : memref<10240x128xf32, #tpu.memory_space<hbm>> -> memref<128x128xf32, #tpu.memory_space<hbm>>
    tpu.wait_dma2 semaphore(%arg19 : memref<!tpu.dma_semaphore, #tpu.memory_space<semaphore_mem>>) src(%dma_wait3A_112 : memref<128x128xf32, #tpu.memory_space<hbm>>) dst(%arg13 : memref<128x128xf32, #tpu.memory_space<vmem>>)
    "tpu.region"() ({
      %run_scoped3A = tpu.sem_alloc : memref<!tpu.dma_semaphore, #tpu.memory_space<semaphore_mem>>
      %dma_start3A_521 = arith.constant 0 : i32
      %dma_start3A_522 = arith.constant 0 : i32
      %dma_start3A_523 = tpu.memref_slice %arg13[%dma_start3A_521, %dma_start3A_522] : memref<128x128xf32, #tpu.memory_space<vmem>> -> memref<128x32xf32, #tpu.memory_space<vmem>>
      %dma_start3A_524 = arith.constant 0 : i32
      %dma_start3A_525 = tpu.memref_slice %arg15[%add3A_104, %dma_start3A_524] : memref<10240x32xf32, #tpu.memory_space<vmem_shared>> -> memref<128x32xf32, #tpu.memory_space<vmem_shared>>
      %dma_start3A_526 = arith.constant 0 : i32
      %dma_start3A_527 = tpu.memref_slice %arg15[%add3A_104, %dma_start3A_526] : memref<10240x32xf32, #tpu.memory_space<vmem_shared>> -> memref<128x32xf32, #tpu.memory_space<vmem_shared>>
      %dma_start3A_528 = arith.constant 0 : i32
      %dma_start3A_529 = arith.constant 0 : i32
      %dma_start3A_530 = tpu.memref_slice %arg13[%dma_start3A_528, %dma_start3A_529] : memref<128x128xf32, #tpu.memory_space<vmem>> -> memref<128x32xf32, #tpu.memory_space<vmem>>
      tpu.enqueue_dma source(%dma_start3A_530 : memref<128x32xf32, #tpu.memory_space<vmem>>) target(%dma_start3A_527 : memref<128x32xf32, #tpu.memory_space<vmem_shared>>) target_semaphore(%run_scoped3A : memref<!tpu.dma_semaphore, #tpu.memory_space<semaphore_mem>>)
      %dma_wait3A_531 = arith.constant 0 : i32
      %dma_wait3A_532 = arith.constant 0 : i32
      %dma_wait3A_533 = tpu.memref_slice %arg13[%dma_wait3A_531, %dma_wait3A_532] : memref<128x128xf32, #tpu.memory_space<vmem>> -> memref<128x32xf32, #tpu.memory_space<vmem>>
      %dma_wait3A_534 = arith.constant 0 : i32
      %dma_wait3A_535 = tpu.memref_slice %arg15[%add3A_104, %dma_wait3A_534] : memref<10240x32xf32, #tpu.memory_space<vmem_shared>> -> memref<128x32xf32, #tpu.memory_space<vmem_shared>>
      %dma_wait3A_536 = arith.constant 0 : i32
      %dma_wait3A_537 = tpu.memref_slice %arg15[%add3A_104, %dma_wait3A_536] : memref<10240x32xf32, #tpu.memory_space<vmem_shared>> -> memref<128x32xf32, #tpu.memory_space<vmem_shared>>
      %dma_wait3A_538 = arith.constant 0 : i32
      %dma_wait3A_539 = arith.constant 0 : i32
      %dma_wait3A_540 = tpu.memref_slice %arg13[%dma_wait3A_538, %dma_wait3A_539] : memref<128x128xf32, #tpu.memory_space<vmem>> -> memref<128x32xf32, #tpu.memory_space<vmem>>
      tpu.wait_dma2 semaphore(%run_scoped3A : memref<!tpu.dma_semaphore, #tpu.memory_space<semaphore_mem>>) src(%dma_wait3A_540 : memref<128x32xf32, #tpu.memory_space<vmem>>) dst(%dma_wait3A_537 : memref<128x32xf32, #tpu.memory_space<vmem_shared>>)
      tpu.yield
    }) : () -> ()
    %mul3A_113 = arith.constant 640 : i32
    %mul3A_114 = arith.muli %arg1, %mul3A_113 : i32
    %add3A_115 = arith.constant 384 : i32
    %add3A_116 = arith.addi %mul3A_114, %add3A_115 : i32
    %dma_start3A_117 = arith.constant 0 : i32
    %dma_start3A_118 = tpu.memref_slice %arg3[%add3A_116, %dma_start3A_117] : memref<10240x128xf32, #tpu.memory_space<hbm>> -> memref<128x128xf32, #tpu.memory_space<hbm>>
    %dma_start3A_119 = arith.constant 0 : i32
    %dma_start3A_120 = tpu.memref_slice %arg3[%add3A_116, %dma_start3A_119] : memref<10240x128xf32, #tpu.memory_space<hbm>> -> memref<128x128xf32, #tpu.memory_space<hbm>>
    tpu.enqueue_dma source(%dma_start3A_120 : memref<128x128xf32, #tpu.memory_space<hbm>>) target(%arg13 : memref<128x128xf32, #tpu.memory_space<vmem>>) target_semaphore(%arg19 : memref<!tpu.dma_semaphore, #tpu.memory_space<semaphore_mem>>)
    %dma_wait3A_121 = arith.constant 0 : i32
    %dma_wait3A_122 = tpu.memref_slice %arg3[%add3A_116, %dma_wait3A_121] : memref<10240x128xf32, #tpu.memory_space<hbm>> -> memref<128x128xf32, #tpu.memory_space<hbm>>
    %dma_wait3A_123 = arith.constant 0 : i32
    %dma_wait3A_124 = tpu.memref_slice %arg3[%add3A_116, %dma_wait3A_123] : memref<10240x128xf32, #tpu.memory_space<hbm>> -> memref<128x128xf32, #tpu.memory_space<hbm>>
    tpu.wait_dma2 semaphore(%arg19 : memref<!tpu.dma_semaphore, #tpu.memory_space<semaphore_mem>>) src(%dma_wait3A_124 : memref<128x128xf32, #tpu.memory_space<hbm>>) dst(%arg13 : memref<128x128xf32, #tpu.memory_space<vmem>>)
    "tpu.region"() ({
      %run_scoped3A = tpu.sem_alloc : memref<!tpu.dma_semaphore, #tpu.memory_space<semaphore_mem>>
      %dma_start3A_521 = arith.constant 0 : i32
      %dma_start3A_522 = arith.constant 0 : i32
      %dma_start3A_523 = tpu.memref_slice %arg13[%dma_start3A_521, %dma_start3A_522] : memref<128x128xf32, #tpu.memory_space<vmem>> -> memref<128x32xf32, #tpu.memory_space<vmem>>
      %dma_start3A_524 = arith.constant 0 : i32
      %dma_start3A_525 = tpu.memref_slice %arg15[%add3A_116, %dma_start3A_524] : memref<10240x32xf32, #tpu.memory_space<vmem_shared>> -> memref<128x32xf32, #tpu.memory_space<vmem_shared>>
      %dma_start3A_526 = arith.constant 0 : i32
      %dma_start3A_527 = tpu.memref_slice %arg15[%add3A_116, %dma_start3A_526] : memref<10240x32xf32, #tpu.memory_space<vmem_shared>> -> memref<128x32xf32, #tpu.memory_space<vmem_shared>>
      %dma_start3A_528 = arith.constant 0 : i32
      %dma_start3A_529 = arith.constant 0 : i32
      %dma_start3A_530 = tpu.memref_slice %arg13[%dma_start3A_528, %dma_start3A_529] : memref<128x128xf32, #tpu.memory_space<vmem>> -> memref<128x32xf32, #tpu.memory_space<vmem>>
      tpu.enqueue_dma source(%dma_start3A_530 : memref<128x32xf32, #tpu.memory_space<vmem>>) target(%dma_start3A_527 : memref<128x32xf32, #tpu.memory_space<vmem_shared>>) target_semaphore(%run_scoped3A : memref<!tpu.dma_semaphore, #tpu.memory_space<semaphore_mem>>)
      %dma_wait3A_531 = arith.constant 0 : i32
      %dma_wait3A_532 = arith.constant 0 : i32
      %dma_wait3A_533 = tpu.memref_slice %arg13[%dma_wait3A_531, %dma_wait3A_532] : memref<128x128xf32, #tpu.memory_space<vmem>> -> memref<128x32xf32, #tpu.memory_space<vmem>>
      %dma_wait3A_534 = arith.constant 0 : i32
      %dma_wait3A_535 = tpu.memref_slice %arg15[%add3A_116, %dma_wait3A_534] : memref<10240x32xf32, #tpu.memory_space<vmem_shared>> -> memref<128x32xf32, #tpu.memory_space<vmem_shared>>
      %dma_wait3A_536 = arith.constant 0 : i32
      %dma_wait3A_537 = tpu.memref_slice %arg15[%add3A_116, %dma_wait3A_536] : memref<10240x32xf32, #tpu.memory_space<vmem_shared>> -> memref<128x32xf32, #tpu.memory_space<vmem_shared>>
      %dma_wait3A_538 = arith.constant 0 : i32
      %dma_wait3A_539 = arith.constant 0 : i32
      %dma_wait3A_540 = tpu.memref_slice %arg13[%dma_wait3A_538, %dma_wait3A_539] : memref<128x128xf32, #tpu.memory_space<vmem>> -> memref<128x32xf32, #tpu.memory_space<vmem>>
      tpu.wait_dma2 semaphore(%run_scoped3A : memref<!tpu.dma_semaphore, #tpu.memory_space<semaphore_mem>>) src(%dma_wait3A_540 : memref<128x32xf32, #tpu.memory_space<vmem>>) dst(%dma_wait3A_537 : memref<128x32xf32, #tpu.memory_space<vmem_shared>>)
      tpu.yield
    }) : () -> ()
    %mul3A_125 = arith.constant 640 : i32
    %mul3A_126 = arith.muli %arg1, %mul3A_125 : i32
    %add3A_127 = arith.constant 512 : i32
    %add3A_128 = arith.addi %mul3A_126, %add3A_127 : i32
    %dma_start3A_129 = arith.constant 0 : i32
    %dma_start3A_130 = tpu.memref_slice %arg3[%add3A_128, %dma_start3A_129] : memref<10240x128xf32, #tpu.memory_space<hbm>> -> memref<128x128xf32, #tpu.memory_space<hbm>>
    %dma_start3A_131 = arith.constant 0 : i32
    %dma_start3A_132 = tpu.memref_slice %arg3[%add3A_128, %dma_start3A_131] : memref<10240x128xf32, #tpu.memory_space<hbm>> -> memref<128x128xf32, #tpu.memory_space<hbm>>
    tpu.enqueue_dma source(%dma_start3A_132 : memref<128x128xf32, #tpu.memory_space<hbm>>) target(%arg13 : memref<128x128xf32, #tpu.memory_space<vmem>>) target_semaphore(%arg19 : memref<!tpu.dma_semaphore, #tpu.memory_space<semaphore_mem>>)
    %dma_wait3A_133 = arith.constant 0 : i32
    %dma_wait3A_134 = tpu.memref_slice %arg3[%add3A_128, %dma_wait3A_133] : memref<10240x128xf32, #tpu.memory_space<hbm>> -> memref<128x128xf32, #tpu.memory_space<hbm>>
    %dma_wait3A_135 = arith.constant 0 : i32
    %dma_wait3A_136 = tpu.memref_slice %arg3[%add3A_128, %dma_wait3A_135] : memref<10240x128xf32, #tpu.memory_space<hbm>> -> memref<128x128xf32, #tpu.memory_space<hbm>>
    tpu.wait_dma2 semaphore(%arg19 : memref<!tpu.dma_semaphore, #tpu.memory_space<semaphore_mem>>) src(%dma_wait3A_136 : memref<128x128xf32, #tpu.memory_space<hbm>>) dst(%arg13 : memref<128x128xf32, #tpu.memory_space<vmem>>)
    "tpu.region"() ({
      %run_scoped3A = tpu.sem_alloc : memref<!tpu.dma_semaphore, #tpu.memory_space<semaphore_mem>>
      %dma_start3A_521 = arith.constant 0 : i32
      %dma_start3A_522 = arith.constant 0 : i32
      %dma_start3A_523 = tpu.memref_slice %arg13[%dma_start3A_521, %dma_start3A_522] : memref<128x128xf32, #tpu.memory_space<vmem>> -> memref<128x32xf32, #tpu.memory_space<vmem>>
      %dma_start3A_524 = arith.constant 0 : i32
      %dma_start3A_525 = tpu.memref_slice %arg15[%add3A_128, %dma_start3A_524] : memref<10240x32xf32, #tpu.memory_space<vmem_shared>> -> memref<128x32xf32, #tpu.memory_space<vmem_shared>>
      %dma_start3A_526 = arith.constant 0 : i32
      %dma_start3A_527 = tpu.memref_slice %arg15[%add3A_128, %dma_start3A_526] : memref<10240x32xf32, #tpu.memory_space<vmem_shared>> -> memref<128x32xf32, #tpu.memory_space<vmem_shared>>
      %dma_start3A_528 = arith.constant 0 : i32
      %dma_start3A_529 = arith.constant 0 : i32
      %dma_start3A_530 = tpu.memref_slice %arg13[%dma_start3A_528, %dma_start3A_529] : memref<128x128xf32, #tpu.memory_space<vmem>> -> memref<128x32xf32, #tpu.memory_space<vmem>>
      tpu.enqueue_dma source(%dma_start3A_530 : memref<128x32xf32, #tpu.memory_space<vmem>>) target(%dma_start3A_527 : memref<128x32xf32, #tpu.memory_space<vmem_shared>>) target_semaphore(%run_scoped3A : memref<!tpu.dma_semaphore, #tpu.memory_space<semaphore_mem>>)
      %dma_wait3A_531 = arith.constant 0 : i32
      %dma_wait3A_532 = arith.constant 0 : i32
      %dma_wait3A_533 = tpu.memref_slice %arg13[%dma_wait3A_531, %dma_wait3A_532] : memref<128x128xf32, #tpu.memory_space<vmem>> -> memref<128x32xf32, #tpu.memory_space<vmem>>
      %dma_wait3A_534 = arith.constant 0 : i32
      %dma_wait3A_535 = tpu.memref_slice %arg15[%add3A_128, %dma_wait3A_534] : memref<10240x32xf32, #tpu.memory_space<vmem_shared>> -> memref<128x32xf32, #tpu.memory_space<vmem_shared>>
      %dma_wait3A_536 = arith.constant 0 : i32
      %dma_wait3A_537 = tpu.memref_slice %arg15[%add3A_128, %dma_wait3A_536] : memref<10240x32xf32, #tpu.memory_space<vmem_shared>> -> memref<128x32xf32, #tpu.memory_space<vmem_shared>>
      %dma_wait3A_538 = arith.constant 0 : i32
      %dma_wait3A_539 = arith.constant 0 : i32
      %dma_wait3A_540 = tpu.memref_slice %arg13[%dma_wait3A_538, %dma_wait3A_539] : memref<128x128xf32, #tpu.memory_space<vmem>> -> memref<128x32xf32, #tpu.memory_space<vmem>>
      tpu.wait_dma2 semaphore(%run_scoped3A : memref<!tpu.dma_semaphore, #tpu.memory_space<semaphore_mem>>) src(%dma_wait3A_540 : memref<128x32xf32, #tpu.memory_space<vmem>>) dst(%dma_wait3A_537 : memref<128x32xf32, #tpu.memory_space<vmem_shared>>)
      tpu.yield
    }) : () -> ()
    %dma_wait3A_137 = arith.constant 0 : i32
    %dma_wait3A_138 = arith.constant 0 : i32
    %dma_wait3A_139 = arith.constant 0 : i32
    %dma_wait3A_140 = arith.constant 0 : i32
    %dma_wait3A_141 = tpu.memref_slice %arg2[%dma_wait3A_137, %dma_wait3A_138, %dma_wait3A_139, %dma_wait3A_140] : memref<2x32x80x125xi32, #tpu.memory_space<hbm>> -> memref<1x32x80x125xi32, #tpu.memory_space<hbm>>
    %dma_wait3A_142 = tpu.memref_squeeze %dma_wait3A_141 : memref<1x32x80x125xi32, #tpu.memory_space<hbm>> -> memref<32x80x125xi32, #tpu.memory_space<hbm>>
    %dma_wait3A_143 = arith.constant 0 : i32
    %dma_wait3A_144 = arith.constant 0 : i32
    %dma_wait3A_145 = tpu.memref_slice %dma_wait3A_142[%add3A, %dma_wait3A_143, %dma_wait3A_144] : memref<32x80x125xi32, #tpu.memory_space<hbm>> -> memref<1x80x125xi32, #tpu.memory_space<hbm>>
    %dma_wait3A_146 = tpu.memref_squeeze %dma_wait3A_145 : memref<1x80x125xi32, #tpu.memory_space<hbm>> -> memref<80x125xi32, #tpu.memory_space<hbm>>
    %dma_wait3A_147 = arith.constant 0 : i32
    %dma_wait3A_148 = arith.constant 0 : i32
    %dma_wait3A_149 = arith.constant 0 : i32
    %dma_wait3A_150 = tpu.memref_slice %arg2[%dma_wait3A_137, %dma_wait3A_147, %dma_wait3A_148, %dma_wait3A_149] : memref<2x32x80x125xi32, #tpu.memory_space<hbm>> -> memref<1x32x80x125xi32, #tpu.memory_space<hbm>>
    %dma_wait3A_151 = tpu.memref_squeeze %dma_wait3A_150 : memref<1x32x80x125xi32, #tpu.memory_space<hbm>> -> memref<32x80x125xi32, #tpu.memory_space<hbm>>
    %dma_wait3A_152 = arith.constant 0 : i32
    %dma_wait3A_153 = arith.constant 0 : i32
    %dma_wait3A_154 = tpu.memref_slice %dma_wait3A_151[%add3A, %dma_wait3A_152, %dma_wait3A_153] : memref<32x80x125xi32, #tpu.memory_space<hbm>> -> memref<1x80x125xi32, #tpu.memory_space<hbm>>
    %dma_wait3A_155 = tpu.memref_squeeze %dma_wait3A_154 : memref<1x80x125xi32, #tpu.memory_space<hbm>> -> memref<80x125xi32, #tpu.memory_space<hbm>>
    tpu.wait_dma2 semaphore(%arg20 : memref<!tpu.dma_semaphore, #tpu.memory_space<semaphore_mem>>) src(%dma_wait3A_155 : memref<80x125xi32, #tpu.memory_space<hbm>>) dst(%arg6 : memref<80x125xi32, #tpu.memory_space<vmem>>)
    %dma_wait3A_156 = arith.constant 1 : i32
    %dma_wait3A_157 = arith.constant 0 : i32
    %dma_wait3A_158 = arith.constant 0 : i32
    %dma_wait3A_159 = arith.constant 0 : i32
    %dma_wait3A_160 = tpu.memref_slice %arg2[%dma_wait3A_156, %dma_wait3A_157, %dma_wait3A_158, %dma_wait3A_159] : memref<2x32x80x125xi32, #tpu.memory_space<hbm>> -> memref<1x32x80x125xi32, #tpu.memory_space<hbm>>
    %dma_wait3A_161 = tpu.memref_squeeze %dma_wait3A_160 : memref<1x32x80x125xi32, #tpu.memory_space<hbm>> -> memref<32x80x125xi32, #tpu.memory_space<hbm>>
    %dma_wait3A_162 = arith.constant 0 : i32
    %dma_wait3A_163 = arith.constant 0 : i32
    %dma_wait3A_164 = tpu.memref_slice %dma_wait3A_161[%add3A, %dma_wait3A_162, %dma_wait3A_163] : memref<32x80x125xi32, #tpu.memory_space<hbm>> -> memref<1x80x125xi32, #tpu.memory_space<hbm>>
    %dma_wait3A_165 = tpu.memref_squeeze %dma_wait3A_164 : memref<1x80x125xi32, #tpu.memory_space<hbm>> -> memref<80x125xi32, #tpu.memory_space<hbm>>
    %dma_wait3A_166 = arith.constant 0 : i32
    %dma_wait3A_167 = arith.constant 0 : i32
    %dma_wait3A_168 = arith.constant 0 : i32
    %dma_wait3A_169 = tpu.memref_slice %arg2[%dma_wait3A_156, %dma_wait3A_166, %dma_wait3A_167, %dma_wait3A_168] : memref<2x32x80x125xi32, #tpu.memory_space<hbm>> -> memref<1x32x80x125xi32, #tpu.memory_space<hbm>>
    %dma_wait3A_170 = tpu.memref_squeeze %dma_wait3A_169 : memref<1x32x80x125xi32, #tpu.memory_space<hbm>> -> memref<32x80x125xi32, #tpu.memory_space<hbm>>
    %dma_wait3A_171 = arith.constant 0 : i32
    %dma_wait3A_172 = arith.constant 0 : i32
    %dma_wait3A_173 = tpu.memref_slice %dma_wait3A_170[%add3A, %dma_wait3A_171, %dma_wait3A_172] : memref<32x80x125xi32, #tpu.memory_space<hbm>> -> memref<1x80x125xi32, #tpu.memory_space<hbm>>
    %dma_wait3A_174 = tpu.memref_squeeze %dma_wait3A_173 : memref<1x80x125xi32, #tpu.memory_space<hbm>> -> memref<80x125xi32, #tpu.memory_space<hbm>>
    tpu.wait_dma2 semaphore(%arg21 : memref<!tpu.dma_semaphore, #tpu.memory_space<semaphore_mem>>) src(%dma_wait3A_174 : memref<80x125xi32, #tpu.memory_space<hbm>>) dst(%arg7 : memref<80x125xi32, #tpu.memory_space<vmem>>)
    %mul3A_175 = arith.constant 640 : i32
    %mul3A_176 = arith.muli %arg1, %mul3A_175 : i32
    %add3A_177 = arith.constant 0 : i32
    %add3A_178 = arith.addi %mul3A_176, %add3A_177 : i32
    %dma_wait3A_179 = arith.constant 0 : i32
    %dma_wait3A_180 = tpu.memref_slice %arg14[%add3A_178, %dma_wait3A_179] : memref<10240x32xf32, #tpu.memory_space<vmem_shared>> -> memref<128x32xf32, #tpu.memory_space<vmem_shared>>
    %dma_wait3A_181 = arith.constant 0 : i32
    %dma_wait3A_182 = tpu.memref_slice %arg14[%add3A_178, %dma_wait3A_181] : memref<10240x32xf32, #tpu.memory_space<vmem_shared>> -> memref<128x32xf32, #tpu.memory_space<vmem_shared>>
    tpu.wait_dma2 semaphore(%arg22 : memref<!tpu.dma_semaphore, #tpu.memory_space<semaphore_mem>>) src(%arg12 : memref<128x32xf32, #tpu.memory_space<vmem>>) dst(%dma_wait3A_182 : memref<128x32xf32, #tpu.memory_space<vmem_shared>>)
    %mul3A_183 = arith.constant 640 : i32
    %mul3A_184 = arith.muli %arg1, %mul3A_183 : i32
    %add3A_185 = arith.constant 128 : i32
    %add3A_186 = arith.addi %mul3A_184, %add3A_185 : i32
    %dma_wait3A_187 = arith.constant 0 : i32
    %dma_wait3A_188 = tpu.memref_slice %arg14[%add3A_186, %dma_wait3A_187] : memref<10240x32xf32, #tpu.memory_space<vmem_shared>> -> memref<128x32xf32, #tpu.memory_space<vmem_shared>>
    %dma_wait3A_189 = arith.constant 0 : i32
    %dma_wait3A_190 = tpu.memref_slice %arg14[%add3A_186, %dma_wait3A_189] : memref<10240x32xf32, #tpu.memory_space<vmem_shared>> -> memref<128x32xf32, #tpu.memory_space<vmem_shared>>
    tpu.wait_dma2 semaphore(%arg22 : memref<!tpu.dma_semaphore, #tpu.memory_space<semaphore_mem>>) src(%arg12 : memref<128x32xf32, #tpu.memory_space<vmem>>) dst(%dma_wait3A_190 : memref<128x32xf32, #tpu.memory_space<vmem_shared>>)
    %mul3A_191 = arith.constant 640 : i32
    %mul3A_192 = arith.muli %arg1, %mul3A_191 : i32
    %add3A_193 = arith.constant 256 : i32
    %add3A_194 = arith.addi %mul3A_192, %add3A_193 : i32
    %dma_wait3A_195 = arith.constant 0 : i32
    %dma_wait3A_196 = tpu.memref_slice %arg14[%add3A_194, %dma_wait3A_195] : memref<10240x32xf32, #tpu.memory_space<vmem_shared>> -> memref<128x32xf32, #tpu.memory_space<vmem_shared>>
    %dma_wait3A_197 = arith.constant 0 : i32
    %dma_wait3A_198 = tpu.memref_slice %arg14[%add3A_194, %dma_wait3A_197] : memref<10240x32xf32, #tpu.memory_space<vmem_shared>> -> memref<128x32xf32, #tpu.memory_space<vmem_shared>>
    tpu.wait_dma2 semaphore(%arg22 : memref<!tpu.dma_semaphore, #tpu.memory_space<semaphore_mem>>) src(%arg12 : memref<128x32xf32, #tpu.memory_space<vmem>>) dst(%dma_wait3A_198 : memref<128x32xf32, #tpu.memory_space<vmem_shared>>)
    %mul3A_199 = arith.constant 640 : i32
    %mul3A_200 = arith.muli %arg1, %mul3A_199 : i32
    %add3A_201 = arith.constant 384 : i32
    %add3A_202 = arith.addi %mul3A_200, %add3A_201 : i32
    %dma_wait3A_203 = arith.constant 0 : i32
    %dma_wait3A_204 = tpu.memref_slice %arg14[%add3A_202, %dma_wait3A_203] : memref<10240x32xf32, #tpu.memory_space<vmem_shared>> -> memref<128x32xf32, #tpu.memory_space<vmem_shared>>
    %dma_wait3A_205 = arith.constant 0 : i32
    %dma_wait3A_206 = tpu.memref_slice %arg14[%add3A_202, %dma_wait3A_205] : memref<10240x32xf32, #tpu.memory_space<vmem_shared>> -> memref<128x32xf32, #tpu.memory_space<vmem_shared>>
    tpu.wait_dma2 semaphore(%arg22 : memref<!tpu.dma_semaphore, #tpu.memory_space<semaphore_mem>>) src(%arg12 : memref<128x32xf32, #tpu.memory_space<vmem>>) dst(%dma_wait3A_206 : memref<128x32xf32, #tpu.memory_space<vmem_shared>>)
    %mul3A_207 = arith.constant 640 : i32
    %mul3A_208 = arith.muli %arg1, %mul3A_207 : i32
    %add3A_209 = arith.constant 512 : i32
    %add3A_210 = arith.addi %mul3A_208, %add3A_209 : i32
    %dma_wait3A_211 = arith.constant 0 : i32
    %dma_wait3A_212 = tpu.memref_slice %arg14[%add3A_210, %dma_wait3A_211] : memref<10240x32xf32, #tpu.memory_space<vmem_shared>> -> memref<128x32xf32, #tpu.memory_space<vmem_shared>>
    %dma_wait3A_213 = arith.constant 0 : i32
    %dma_wait3A_214 = tpu.memref_slice %arg14[%add3A_210, %dma_wait3A_213] : memref<10240x32xf32, #tpu.memory_space<vmem_shared>> -> memref<128x32xf32, #tpu.memory_space<vmem_shared>>
    tpu.wait_dma2 semaphore(%arg22 : memref<!tpu.dma_semaphore, #tpu.memory_space<semaphore_mem>>) src(%arg12 : memref<128x32xf32, #tpu.memory_space<vmem>>) dst(%dma_wait3A_214 : memref<128x32xf32, #tpu.memory_space<vmem_shared>>)
    %barrier3A = arith.constant 0 : index
    tpu.barrier barrier_id(%barrier3A)
    %dma_start3A_215 = arith.constant 0 : i32
    %dma_start3A_216 = arith.constant 0 : i32
    %dma_start3A_217 = arith.constant 0 : i32
    %dma_start3A_218 = tpu.memref_slice %arg8[%dma_start3A_216, %dma_start3A_217] : memref<128x32xf32, #tpu.memory_space<vmem>> -> memref<125x32xf32, #tpu.memory_space<vmem>>
    %dma_start3A_219 = arith.constant 0 : i32
    %dma_start3A_220 = tpu.memref_slice %arg6[%dma_start3A_215, %dma_start3A_219] : memref<80x125xi32, #tpu.memory_space<vmem>> -> memref<1x125xi32, #tpu.memory_space<vmem>>
    %dma_start3A_221 = tpu.memref_squeeze %dma_start3A_220 : memref<1x125xi32, #tpu.memory_space<vmem>> -> memref<125xi32, #tpu.memory_space<vmem>>
    %dma_start3A_222 = arith.constant 0 : i32
    %dma_start3A_223 = arith.constant 0 : i32
    %dma_start3A_224 = tpu.memref_slice %arg15[%dma_start3A_222, %dma_start3A_223] : memref<10240x32xf32, #tpu.memory_space<vmem_shared>> -> memref<10240x32xf32, #tpu.memory_space<vmem_shared>>
    tpu.enqueue_indirect_dma source(%dma_start3A_224 : memref<10240x32xf32, #tpu.memory_space<vmem_shared>>) target(%dma_start3A_218 : memref<125x32xf32, #tpu.memory_space<vmem>>) offsets(%dma_start3A_221 : memref<125xi32, #tpu.memory_space<vmem>>) semaphore(%arg16 : memref<!tpu.dma_semaphore, #tpu.memory_space<semaphore_mem>>)
    %dma_start3A_225 = arith.constant 1 : i32
    %dma_start3A_226 = arith.constant 0 : i32
    %dma_start3A_227 = arith.constant 0 : i32
    %dma_start3A_228 = tpu.memref_slice %arg9[%dma_start3A_226, %dma_start3A_227] : memref<128x32xf32, #tpu.memory_space<vmem>> -> memref<125x32xf32, #tpu.memory_space<vmem>>
    %dma_start3A_229 = arith.constant 0 : i32
    %dma_start3A_230 = tpu.memref_slice %arg6[%dma_start3A_225, %dma_start3A_229] : memref<80x125xi32, #tpu.memory_space<vmem>> -> memref<1x125xi32, #tpu.memory_space<vmem>>
    %dma_start3A_231 = tpu.memref_squeeze %dma_start3A_230 : memref<1x125xi32, #tpu.memory_space<vmem>> -> memref<125xi32, #tpu.memory_space<vmem>>
    %dma_start3A_232 = arith.constant 0 : i32
    %dma_start3A_233 = arith.constant 0 : i32
    %dma_start3A_234 = tpu.memref_slice %arg15[%dma_start3A_232, %dma_start3A_233] : memref<10240x32xf32, #tpu.memory_space<vmem_shared>> -> memref<10240x32xf32, #tpu.memory_space<vmem_shared>>
    tpu.enqueue_indirect_dma source(%dma_start3A_234 : memref<10240x32xf32, #tpu.memory_space<vmem_shared>>) target(%dma_start3A_228 : memref<125x32xf32, #tpu.memory_space<vmem>>) offsets(%dma_start3A_231 : memref<125xi32, #tpu.memory_space<vmem>>) semaphore(%arg17 : memref<!tpu.dma_semaphore, #tpu.memory_space<semaphore_mem>>)
    %dma_start3A_235 = arith.constant 2 : i32
    %dma_start3A_236 = arith.constant 0 : i32
    %dma_start3A_237 = arith.constant 0 : i32
    %dma_start3A_238 = tpu.memref_slice %arg10[%dma_start3A_236, %dma_start3A_237] : memref<128x32xf32, #tpu.memory_space<vmem>> -> memref<125x32xf32, #tpu.memory_space<vmem>>
    %dma_start3A_239 = arith.constant 0 : i32
    %dma_start3A_240 = tpu.memref_slice %arg6[%dma_start3A_235, %dma_start3A_239] : memref<80x125xi32, #tpu.memory_space<vmem>> -> memref<1x125xi32, #tpu.memory_space<vmem>>
    %dma_start3A_241 = tpu.memref_squeeze %dma_start3A_240 : memref<1x125xi32, #tpu.memory_space<vmem>> -> memref<125xi32, #tpu.memory_space<vmem>>
    %dma_start3A_242 = arith.constant 0 : i32
    %dma_start3A_243 = arith.constant 0 : i32
    %dma_start3A_244 = tpu.memref_slice %arg15[%dma_start3A_242, %dma_start3A_243] : memref<10240x32xf32, #tpu.memory_space<vmem_shared>> -> memref<10240x32xf32, #tpu.memory_space<vmem_shared>>
    tpu.enqueue_indirect_dma source(%dma_start3A_244 : memref<10240x32xf32, #tpu.memory_space<vmem_shared>>) target(%dma_start3A_238 : memref<125x32xf32, #tpu.memory_space<vmem>>) offsets(%dma_start3A_241 : memref<125xi32, #tpu.memory_space<vmem>>) semaphore(%arg18 : memref<!tpu.dma_semaphore, #tpu.memory_space<semaphore_mem>>)
    %dma_start3A_245 = arith.constant 3 : i32
    %dma_start3A_246 = arith.constant 0 : i32
    %dma_start3A_247 = arith.constant 0 : i32
    %dma_start3A_248 = tpu.memref_slice %arg11[%dma_start3A_246, %dma_start3A_247] : memref<128x32xf32, #tpu.memory_space<vmem>> -> memref<125x32xf32, #tpu.memory_space<vmem>>
    %dma_start3A_249 = arith.constant 0 : i32
    %dma_start3A_250 = tpu.memref_slice %arg6[%dma_start3A_245, %dma_start3A_249] : memref<80x125xi32, #tpu.memory_space<vmem>> -> memref<1x125xi32, #tpu.memory_space<vmem>>
    %dma_start3A_251 = tpu.memref_squeeze %dma_start3A_250 : memref<1x125xi32, #tpu.memory_space<vmem>> -> memref<125xi32, #tpu.memory_space<vmem>>
    %dma_start3A_252 = arith.constant 0 : i32
    %dma_start3A_253 = arith.constant 0 : i32
    %dma_start3A_254 = tpu.memref_slice %arg15[%dma_start3A_252, %dma_start3A_253] : memref<10240x32xf32, #tpu.memory_space<vmem_shared>> -> memref<10240x32xf32, #tpu.memory_space<vmem_shared>>
    tpu.enqueue_indirect_dma source(%dma_start3A_254 : memref<10240x32xf32, #tpu.memory_space<vmem_shared>>) target(%dma_start3A_248 : memref<125x32xf32, #tpu.memory_space<vmem>>) offsets(%dma_start3A_251 : memref<125xi32, #tpu.memory_space<vmem>>) semaphore(%arg19 : memref<!tpu.dma_semaphore, #tpu.memory_space<semaphore_mem>>)
    %scan3A = arith.constant 0 : i32
    %scan3A_255 = arith.constant 0 : i32
    %scan3A_256 = arith.constant 20 : i32
    %scan3A_257 = arith.addi %scan3A_255, %scan3A_256 : i32
    %scan3A_258 = arith.constant 1 : i32
    scf.for %scan3A_521 = %scan3A_255 to %scan3A_257 step %scan3A_258  : i32 {
      %mul3A_522 = arith.constant 4 : i32
      %mul3A_523 = arith.muli %mul3A_522, %scan3A_521 : i32
      %add3A_524 = arith.constant 0 : i32
      %add3A_525 = arith.addi %mul3A_523, %add3A_524 : i32
      %dma_wait3A_526 = arith.constant 0 : i32
      %dma_wait3A_527 = arith.constant 0 : i32
      %dma_wait3A_528 = tpu.memref_slice %arg8[%dma_wait3A_526, %dma_wait3A_527] : memref<128x32xf32, #tpu.memory_space<vmem>> -> memref<125x32xf32, #tpu.memory_space<vmem>>
      %dma_wait3A_529 = arith.constant 0 : i32
      %dma_wait3A_530 = tpu.memref_slice %arg6[%add3A_525, %dma_wait3A_529] : memref<80x125xi32, #tpu.memory_space<vmem>> -> memref<1x125xi32, #tpu.memory_space<vmem>>
      %dma_wait3A_531 = tpu.memref_squeeze %dma_wait3A_530 : memref<1x125xi32, #tpu.memory_space<vmem>> -> memref<125xi32, #tpu.memory_space<vmem>>
      %dma_wait3A_532 = arith.constant 0 : i32
      %dma_wait3A_533 = arith.constant 0 : i32
      %dma_wait3A_534 = tpu.memref_slice %arg15[%dma_wait3A_532, %dma_wait3A_533] : memref<10240x32xf32, #tpu.memory_space<vmem_shared>> -> memref<10240x32xf32, #tpu.memory_space<vmem_shared>>
      tpu.wait_indirect_dma semaphore(%arg16 : memref<!tpu.dma_semaphore, #tpu.memory_space<semaphore_mem>>) src(%dma_wait3A_534 : memref<10240x32xf32, #tpu.memory_space<vmem_shared>>) dst(%dma_wait3A_528 : memref<125x32xf32, #tpu.memory_space<vmem>>)
      %dma_start3A_535 = arith.constant 0 : i32
      %dma_start3A_536 = arith.constant 0 : i32
      %dma_start3A_537 = tpu.memref_slice %arg8[%dma_start3A_535, %dma_start3A_536] : memref<128x32xf32, #tpu.memory_space<vmem>> -> memref<125x32xf32, #tpu.memory_space<vmem>>
      %dma_start3A_538 = arith.constant 0 : i32
      %dma_start3A_539 = tpu.memref_slice %arg7[%add3A_525, %dma_start3A_538] : memref<80x125xi32, #tpu.memory_space<vmem>> -> memref<1x125xi32, #tpu.memory_space<vmem>>
      %dma_start3A_540 = tpu.memref_squeeze %dma_start3A_539 : memref<1x125xi32, #tpu.memory_space<vmem>> -> memref<125xi32, #tpu.memory_space<vmem>>
      %dma_start3A_541 = arith.constant 0 : i32
      %dma_start3A_542 = arith.constant 0 : i32
      %dma_start3A_543 = tpu.memref_slice %arg14[%dma_start3A_541, %dma_start3A_542] : memref<10240x32xf32, #tpu.memory_space<vmem_shared>> -> memref<10240x32xf32, #tpu.memory_space<vmem_shared>>
      tpu.enqueue_indirect_dma source(%dma_start3A_537 : memref<125x32xf32, #tpu.memory_space<vmem>>) target(%dma_start3A_543 : memref<10240x32xf32, #tpu.memory_space<vmem_shared>>) offsets(%dma_start3A_540 : memref<125xi32, #tpu.memory_space<vmem>>) semaphore(%arg20 : memref<!tpu.dma_semaphore, #tpu.memory_space<semaphore_mem>>) {add = true}
      %add3A_544 = arith.constant 2 : i32
      %add3A_545 = arith.addi %add3A_525, %add3A_544 : i32
      %ge3A = arith.constant 4 : i32
      %ge3A_546 = arith.cmpi sge, %add3A_545, %ge3A : i32
      %lt3A = arith.constant 80 : i32
      %lt3A_547 = arith.cmpi slt, %add3A_545, %lt3A : i32
      %and3A = arith.andi %ge3A_546, %lt3A_547 : i1
      %convert_element_type3A = arith.extui %and3A : i1 to i32
      %cond3A = arith.constant 0 : i32
      %cond3A_548 = arith.cmpi ne, %convert_element_type3A, %cond3A : i32
      scf.if %cond3A_548 {
        %sub3A = arith.constant 4 : i32
        %sub3A_645 = arith.subi %add3A_545, %sub3A : i32
        %dma_wait3A_646 = arith.constant 0 : i32
        %dma_wait3A_647 = arith.constant 0 : i32
        %dma_wait3A_648 = tpu.memref_slice %arg10[%dma_wait3A_646, %dma_wait3A_647] : memref<128x32xf32, #tpu.memory_space<vmem>> -> memref<125x32xf32, #tpu.memory_space<vmem>>
        %dma_wait3A_649 = arith.constant 0 : i32
        %dma_wait3A_650 = tpu.memref_slice %arg7[%sub3A_645, %dma_wait3A_649] : memref<80x125xi32, #tpu.memory_space<vmem>> -> memref<1x125xi32, #tpu.memory_space<vmem>>
        %dma_wait3A_651 = tpu.memref_squeeze %dma_wait3A_650 : memref<1x125xi32, #tpu.memory_space<vmem>> -> memref<125xi32, #tpu.memory_space<vmem>>
        %dma_wait3A_652 = arith.constant 0 : i32
        %dma_wait3A_653 = arith.constant 0 : i32
        %dma_wait3A_654 = tpu.memref_slice %arg14[%dma_wait3A_652, %dma_wait3A_653] : memref<10240x32xf32, #tpu.memory_space<vmem_shared>> -> memref<10240x32xf32, #tpu.memory_space<vmem_shared>>
        tpu.wait_indirect_dma semaphore(%arg22 : memref<!tpu.dma_semaphore, #tpu.memory_space<semaphore_mem>>) src(%dma_wait3A_648 : memref<125x32xf32, #tpu.memory_space<vmem>>) dst(%dma_wait3A_654 : memref<10240x32xf32, #tpu.memory_space<vmem_shared>>)
        %dma_start3A_655 = arith.constant 0 : i32
        %dma_start3A_656 = arith.constant 0 : i32
        %dma_start3A_657 = tpu.memref_slice %arg10[%dma_start3A_655, %dma_start3A_656] : memref<128x32xf32, #tpu.memory_space<vmem>> -> memref<125x32xf32, #tpu.memory_space<vmem>>
        %dma_start3A_658 = arith.constant 0 : i32
        %dma_start3A_659 = tpu.memref_slice %arg6[%add3A_545, %dma_start3A_658] : memref<80x125xi32, #tpu.memory_space<vmem>> -> memref<1x125xi32, #tpu.memory_space<vmem>>
        %dma_start3A_660 = tpu.memref_squeeze %dma_start3A_659 : memref<1x125xi32, #tpu.memory_space<vmem>> -> memref<125xi32, #tpu.memory_space<vmem>>
        %dma_start3A_661 = arith.constant 0 : i32
        %dma_start3A_662 = arith.constant 0 : i32
        %dma_start3A_663 = tpu.memref_slice %arg15[%dma_start3A_661, %dma_start3A_662] : memref<10240x32xf32, #tpu.memory_space<vmem_shared>> -> memref<10240x32xf32, #tpu.memory_space<vmem_shared>>
        tpu.enqueue_indirect_dma source(%dma_start3A_663 : memref<10240x32xf32, #tpu.memory_space<vmem_shared>>) target(%dma_start3A_657 : memref<125x32xf32, #tpu.memory_space<vmem>>) offsets(%dma_start3A_660 : memref<125xi32, #tpu.memory_space<vmem>>) semaphore(%arg18 : memref<!tpu.dma_semaphore, #tpu.memory_space<semaphore_mem>>)
      } else {
      }
      %mul3A_549 = arith.constant 4 : i32
      %mul3A_550 = arith.muli %mul3A_549, %scan3A_521 : i32
      %add3A_551 = arith.constant 1 : i32
      %add3A_552 = arith.addi %mul3A_550, %add3A_551 : i32
      %dma_wait3A_553 = arith.constant 0 : i32
      %dma_wait3A_554 = arith.constant 0 : i32
      %dma_wait3A_555 = tpu.memref_slice %arg9[%dma_wait3A_553, %dma_wait3A_554] : memref<128x32xf32, #tpu.memory_space<vmem>> -> memref<125x32xf32, #tpu.memory_space<vmem>>
      %dma_wait3A_556 = arith.constant 0 : i32
      %dma_wait3A_557 = tpu.memref_slice %arg6[%add3A_552, %dma_wait3A_556] : memref<80x125xi32, #tpu.memory_space<vmem>> -> memref<1x125xi32, #tpu.memory_space<vmem>>
      %dma_wait3A_558 = tpu.memref_squeeze %dma_wait3A_557 : memref<1x125xi32, #tpu.memory_space<vmem>> -> memref<125xi32, #tpu.memory_space<vmem>>
      %dma_wait3A_559 = arith.constant 0 : i32
      %dma_wait3A_560 = arith.constant 0 : i32
      %dma_wait3A_561 = tpu.memref_slice %arg15[%dma_wait3A_559, %dma_wait3A_560] : memref<10240x32xf32, #tpu.memory_space<vmem_shared>> -> memref<10240x32xf32, #tpu.memory_space<vmem_shared>>
      tpu.wait_indirect_dma semaphore(%arg17 : memref<!tpu.dma_semaphore, #tpu.memory_space<semaphore_mem>>) src(%dma_wait3A_561 : memref<10240x32xf32, #tpu.memory_space<vmem_shared>>) dst(%dma_wait3A_555 : memref<125x32xf32, #tpu.memory_space<vmem>>)
      %dma_start3A_562 = arith.constant 0 : i32
      %dma_start3A_563 = arith.constant 0 : i32
      %dma_start3A_564 = tpu.memref_slice %arg9[%dma_start3A_562, %dma_start3A_563] : memref<128x32xf32, #tpu.memory_space<vmem>> -> memref<125x32xf32, #tpu.memory_space<vmem>>
      %dma_start3A_565 = arith.constant 0 : i32
      %dma_start3A_566 = tpu.memref_slice %arg7[%add3A_552, %dma_start3A_565] : memref<80x125xi32, #tpu.memory_space<vmem>> -> memref<1x125xi32, #tpu.memory_space<vmem>>
      %dma_start3A_567 = tpu.memref_squeeze %dma_start3A_566 : memref<1x125xi32, #tpu.memory_space<vmem>> -> memref<125xi32, #tpu.memory_space<vmem>>
      %dma_start3A_568 = arith.constant 0 : i32
      %dma_start3A_569 = arith.constant 0 : i32
      %dma_start3A_570 = tpu.memref_slice %arg14[%dma_start3A_568, %dma_start3A_569] : memref<10240x32xf32, #tpu.memory_space<vmem_shared>> -> memref<10240x32xf32, #tpu.memory_space<vmem_shared>>
      tpu.enqueue_indirect_dma source(%dma_start3A_564 : memref<125x32xf32, #tpu.memory_space<vmem>>) target(%dma_start3A_570 : memref<10240x32xf32, #tpu.memory_space<vmem_shared>>) offsets(%dma_start3A_567 : memref<125xi32, #tpu.memory_space<vmem>>) semaphore(%arg21 : memref<!tpu.dma_semaphore, #tpu.memory_space<semaphore_mem>>) {add = true}
      %add3A_571 = arith.constant 2 : i32
      %add3A_572 = arith.addi %add3A_552, %add3A_571 : i32
      %ge3A_573 = arith.constant 4 : i32
      %ge3A_574 = arith.cmpi sge, %add3A_572, %ge3A_573 : i32
      %lt3A_575 = arith.constant 80 : i32
      %lt3A_576 = arith.cmpi slt, %add3A_572, %lt3A_575 : i32
      %and3A_577 = arith.andi %ge3A_574, %lt3A_576 : i1
      %convert_element_type3A_578 = arith.extui %and3A_577 : i1 to i32
      %cond3A_579 = arith.constant 0 : i32
      %cond3A_580 = arith.cmpi ne, %convert_element_type3A_578, %cond3A_579 : i32
      scf.if %cond3A_580 {
        %sub3A = arith.constant 4 : i32
        %sub3A_645 = arith.subi %add3A_572, %sub3A : i32
        %dma_wait3A_646 = arith.constant 0 : i32
        %dma_wait3A_647 = arith.constant 0 : i32
        %dma_wait3A_648 = tpu.memref_slice %arg11[%dma_wait3A_646, %dma_wait3A_647] : memref<128x32xf32, #tpu.memory_space<vmem>> -> memref<125x32xf32, #tpu.memory_space<vmem>>
        %dma_wait3A_649 = arith.constant 0 : i32
        %dma_wait3A_650 = tpu.memref_slice %arg7[%sub3A_645, %dma_wait3A_649] : memref<80x125xi32, #tpu.memory_space<vmem>> -> memref<1x125xi32, #tpu.memory_space<vmem>>
        %dma_wait3A_651 = tpu.memref_squeeze %dma_wait3A_650 : memref<1x125xi32, #tpu.memory_space<vmem>> -> memref<125xi32, #tpu.memory_space<vmem>>
        %dma_wait3A_652 = arith.constant 0 : i32
        %dma_wait3A_653 = arith.constant 0 : i32
        %dma_wait3A_654 = tpu.memref_slice %arg14[%dma_wait3A_652, %dma_wait3A_653] : memref<10240x32xf32, #tpu.memory_space<vmem_shared>> -> memref<10240x32xf32, #tpu.memory_space<vmem_shared>>
        tpu.wait_indirect_dma semaphore(%arg23 : memref<!tpu.dma_semaphore, #tpu.memory_space<semaphore_mem>>) src(%dma_wait3A_648 : memref<125x32xf32, #tpu.memory_space<vmem>>) dst(%dma_wait3A_654 : memref<10240x32xf32, #tpu.memory_space<vmem_shared>>)
        %dma_start3A_655 = arith.constant 0 : i32
        %dma_start3A_656 = arith.constant 0 : i32
        %dma_start3A_657 = tpu.memref_slice %arg11[%dma_start3A_655, %dma_start3A_656] : memref<128x32xf32, #tpu.memory_space<vmem>> -> memref<125x32xf32, #tpu.memory_space<vmem>>
        %dma_start3A_658 = arith.constant 0 : i32
        %dma_start3A_659 = tpu.memref_slice %arg6[%add3A_572, %dma_start3A_658] : memref<80x125xi32, #tpu.memory_space<vmem>> -> memref<1x125xi32, #tpu.memory_space<vmem>>
        %dma_start3A_660 = tpu.memref_squeeze %dma_start3A_659 : memref<1x125xi32, #tpu.memory_space<vmem>> -> memref<125xi32, #tpu.memory_space<vmem>>
        %dma_start3A_661 = arith.constant 0 : i32
        %dma_start3A_662 = arith.constant 0 : i32
        %dma_start3A_663 = tpu.memref_slice %arg15[%dma_start3A_661, %dma_start3A_662] : memref<10240x32xf32, #tpu.memory_space<vmem_shared>> -> memref<10240x32xf32, #tpu.memory_space<vmem_shared>>
        tpu.enqueue_indirect_dma source(%dma_start3A_663 : memref<10240x32xf32, #tpu.memory_space<vmem_shared>>) target(%dma_start3A_657 : memref<125x32xf32, #tpu.memory_space<vmem>>) offsets(%dma_start3A_660 : memref<125xi32, #tpu.memory_space<vmem>>) semaphore(%arg19 : memref<!tpu.dma_semaphore, #tpu.memory_space<semaphore_mem>>)
      } else {
      }
      %mul3A_581 = arith.constant 4 : i32
      %mul3A_582 = arith.muli %mul3A_581, %scan3A_521 : i32
      %add3A_583 = arith.constant 2 : i32
      %add3A_584 = arith.addi %mul3A_582, %add3A_583 : i32
      %dma_wait3A_585 = arith.constant 0 : i32
      %dma_wait3A_586 = arith.constant 0 : i32
      %dma_wait3A_587 = tpu.memref_slice %arg10[%dma_wait3A_585, %dma_wait3A_586] : memref<128x32xf32, #tpu.memory_space<vmem>> -> memref<125x32xf32, #tpu.memory_space<vmem>>
      %dma_wait3A_588 = arith.constant 0 : i32
      %dma_wait3A_589 = tpu.memref_slice %arg6[%add3A_584, %dma_wait3A_588] : memref<80x125xi32, #tpu.memory_space<vmem>> -> memref<1x125xi32, #tpu.memory_space<vmem>>
      %dma_wait3A_590 = tpu.memref_squeeze %dma_wait3A_589 : memref<1x125xi32, #tpu.memory_space<vmem>> -> memref<125xi32, #tpu.memory_space<vmem>>
      %dma_wait3A_591 = arith.constant 0 : i32
      %dma_wait3A_592 = arith.constant 0 : i32
      %dma_wait3A_593 = tpu.memref_slice %arg15[%dma_wait3A_591, %dma_wait3A_592] : memref<10240x32xf32, #tpu.memory_space<vmem_shared>> -> memref<10240x32xf32, #tpu.memory_space<vmem_shared>>
      tpu.wait_indirect_dma semaphore(%arg18 : memref<!tpu.dma_semaphore, #tpu.memory_space<semaphore_mem>>) src(%dma_wait3A_593 : memref<10240x32xf32, #tpu.memory_space<vmem_shared>>) dst(%dma_wait3A_587 : memref<125x32xf32, #tpu.memory_space<vmem>>)
      %dma_start3A_594 = arith.constant 0 : i32
      %dma_start3A_595 = arith.constant 0 : i32
      %dma_start3A_596 = tpu.memref_slice %arg10[%dma_start3A_594, %dma_start3A_595] : memref<128x32xf32, #tpu.memory_space<vmem>> -> memref<125x32xf32, #tpu.memory_space<vmem>>
      %dma_start3A_597 = arith.constant 0 : i32
      %dma_start3A_598 = tpu.memref_slice %arg7[%add3A_584, %dma_start3A_597] : memref<80x125xi32, #tpu.memory_space<vmem>> -> memref<1x125xi32, #tpu.memory_space<vmem>>
      %dma_start3A_599 = tpu.memref_squeeze %dma_start3A_598 : memref<1x125xi32, #tpu.memory_space<vmem>> -> memref<125xi32, #tpu.memory_space<vmem>>
      %dma_start3A_600 = arith.constant 0 : i32
      %dma_start3A_601 = arith.constant 0 : i32
      %dma_start3A_602 = tpu.memref_slice %arg14[%dma_start3A_600, %dma_start3A_601] : memref<10240x32xf32, #tpu.memory_space<vmem_shared>> -> memref<10240x32xf32, #tpu.memory_space<vmem_shared>>
      tpu.enqueue_indirect_dma source(%dma_start3A_596 : memref<125x32xf32, #tpu.memory_space<vmem>>) target(%dma_start3A_602 : memref<10240x32xf32, #tpu.memory_space<vmem_shared>>) offsets(%dma_start3A_599 : memref<125xi32, #tpu.memory_space<vmem>>) semaphore(%arg22 : memref<!tpu.dma_semaphore, #tpu.memory_space<semaphore_mem>>) {add = true}
      %add3A_603 = arith.constant 2 : i32
      %add3A_604 = arith.addi %add3A_584, %add3A_603 : i32
      %ge3A_605 = arith.constant 4 : i32
      %ge3A_606 = arith.cmpi sge, %add3A_604, %ge3A_605 : i32
      %lt3A_607 = arith.constant 80 : i32
      %lt3A_608 = arith.cmpi slt, %add3A_604, %lt3A_607 : i32
      %and3A_609 = arith.andi %ge3A_606, %lt3A_608 : i1
      %convert_element_type3A_610 = arith.extui %and3A_609 : i1 to i32
      %cond3A_611 = arith.constant 0 : i32
      %cond3A_612 = arith.cmpi ne, %convert_element_type3A_610, %cond3A_611 : i32
      scf.if %cond3A_612 {
        %sub3A = arith.constant 4 : i32
        %sub3A_645 = arith.subi %add3A_604, %sub3A : i32
        %dma_wait3A_646 = arith.constant 0 : i32
        %dma_wait3A_647 = arith.constant 0 : i32
        %dma_wait3A_648 = tpu.memref_slice %arg8[%dma_wait3A_646, %dma_wait3A_647] : memref<128x32xf32, #tpu.memory_space<vmem>> -> memref<125x32xf32, #tpu.memory_space<vmem>>
        %dma_wait3A_649 = arith.constant 0 : i32
        %dma_wait3A_650 = tpu.memref_slice %arg7[%sub3A_645, %dma_wait3A_649] : memref<80x125xi32, #tpu.memory_space<vmem>> -> memref<1x125xi32, #tpu.memory_space<vmem>>
        %dma_wait3A_651 = tpu.memref_squeeze %dma_wait3A_650 : memref<1x125xi32, #tpu.memory_space<vmem>> -> memref<125xi32, #tpu.memory_space<vmem>>
        %dma_wait3A_652 = arith.constant 0 : i32
        %dma_wait3A_653 = arith.constant 0 : i32
        %dma_wait3A_654 = tpu.memref_slice %arg14[%dma_wait3A_652, %dma_wait3A_653] : memref<10240x32xf32, #tpu.memory_space<vmem_shared>> -> memref<10240x32xf32, #tpu.memory_space<vmem_shared>>
        tpu.wait_indirect_dma semaphore(%arg20 : memref<!tpu.dma_semaphore, #tpu.memory_space<semaphore_mem>>) src(%dma_wait3A_648 : memref<125x32xf32, #tpu.memory_space<vmem>>) dst(%dma_wait3A_654 : memref<10240x32xf32, #tpu.memory_space<vmem_shared>>)
        %dma_start3A_655 = arith.constant 0 : i32
        %dma_start3A_656 = arith.constant 0 : i32
        %dma_start3A_657 = tpu.memref_slice %arg8[%dma_start3A_655, %dma_start3A_656] : memref<128x32xf32, #tpu.memory_space<vmem>> -> memref<125x32xf32, #tpu.memory_space<vmem>>
        %dma_start3A_658 = arith.constant 0 : i32
        %dma_start3A_659 = tpu.memref_slice %arg6[%add3A_604, %dma_start3A_658] : memref<80x125xi32, #tpu.memory_space<vmem>> -> memref<1x125xi32, #tpu.memory_space<vmem>>
        %dma_start3A_660 = tpu.memref_squeeze %dma_start3A_659 : memref<1x125xi32, #tpu.memory_space<vmem>> -> memref<125xi32, #tpu.memory_space<vmem>>
        %dma_start3A_661 = arith.constant 0 : i32
        %dma_start3A_662 = arith.constant 0 : i32
        %dma_start3A_663 = tpu.memref_slice %arg15[%dma_start3A_661, %dma_start3A_662] : memref<10240x32xf32, #tpu.memory_space<vmem_shared>> -> memref<10240x32xf32, #tpu.memory_space<vmem_shared>>
        tpu.enqueue_indirect_dma source(%dma_start3A_663 : memref<10240x32xf32, #tpu.memory_space<vmem_shared>>) target(%dma_start3A_657 : memref<125x32xf32, #tpu.memory_space<vmem>>) offsets(%dma_start3A_660 : memref<125xi32, #tpu.memory_space<vmem>>) semaphore(%arg16 : memref<!tpu.dma_semaphore, #tpu.memory_space<semaphore_mem>>)
      } else {
      }
      %mul3A_613 = arith.constant 4 : i32
      %mul3A_614 = arith.muli %mul3A_613, %scan3A_521 : i32
      %add3A_615 = arith.constant 3 : i32
      %add3A_616 = arith.addi %mul3A_614, %add3A_615 : i32
      %dma_wait3A_617 = arith.constant 0 : i32
      %dma_wait3A_618 = arith.constant 0 : i32
      %dma_wait3A_619 = tpu.memref_slice %arg11[%dma_wait3A_617, %dma_wait3A_618] : memref<128x32xf32, #tpu.memory_space<vmem>> -> memref<125x32xf32, #tpu.memory_space<vmem>>
      %dma_wait3A_620 = arith.constant 0 : i32
      %dma_wait3A_621 = tpu.memref_slice %arg6[%add3A_616, %dma_wait3A_620] : memref<80x125xi32, #tpu.memory_space<vmem>> -> memref<1x125xi32, #tpu.memory_space<vmem>>
      %dma_wait3A_622 = tpu.memref_squeeze %dma_wait3A_621 : memref<1x125xi32, #tpu.memory_space<vmem>> -> memref<125xi32, #tpu.memory_space<vmem>>
      %dma_wait3A_623 = arith.constant 0 : i32
      %dma_wait3A_624 = arith.constant 0 : i32
      %dma_wait3A_625 = tpu.memref_slice %arg15[%dma_wait3A_623, %dma_wait3A_624] : memref<10240x32xf32, #tpu.memory_space<vmem_shared>> -> memref<10240x32xf32, #tpu.memory_space<vmem_shared>>
      tpu.wait_indirect_dma semaphore(%arg19 : memref<!tpu.dma_semaphore, #tpu.memory_space<semaphore_mem>>) src(%dma_wait3A_625 : memref<10240x32xf32, #tpu.memory_space<vmem_shared>>) dst(%dma_wait3A_619 : memref<125x32xf32, #tpu.memory_space<vmem>>)
      %dma_start3A_626 = arith.constant 0 : i32
      %dma_start3A_627 = arith.constant 0 : i32
      %dma_start3A_628 = tpu.memref_slice %arg11[%dma_start3A_626, %dma_start3A_627] : memref<128x32xf32, #tpu.memory_space<vmem>> -> memref<125x32xf32, #tpu.memory_space<vmem>>
      %dma_start3A_629 = arith.constant 0 : i32
      %dma_start3A_630 = tpu.memref_slice %arg7[%add3A_616, %dma_start3A_629] : memref<80x125xi32, #tpu.memory_space<vmem>> -> memref<1x125xi32, #tpu.memory_space<vmem>>
      %dma_start3A_631 = tpu.memref_squeeze %dma_start3A_630 : memref<1x125xi32, #tpu.memory_space<vmem>> -> memref<125xi32, #tpu.memory_space<vmem>>
      %dma_start3A_632 = arith.constant 0 : i32
      %dma_start3A_633 = arith.constant 0 : i32
      %dma_start3A_634 = tpu.memref_slice %arg14[%dma_start3A_632, %dma_start3A_633] : memref<10240x32xf32, #tpu.memory_space<vmem_shared>> -> memref<10240x32xf32, #tpu.memory_space<vmem_shared>>
      tpu.enqueue_indirect_dma source(%dma_start3A_628 : memref<125x32xf32, #tpu.memory_space<vmem>>) target(%dma_start3A_634 : memref<10240x32xf32, #tpu.memory_space<vmem_shared>>) offsets(%dma_start3A_631 : memref<125xi32, #tpu.memory_space<vmem>>) semaphore(%arg23 : memref<!tpu.dma_semaphore, #tpu.memory_space<semaphore_mem>>) {add = true}
      %add3A_635 = arith.constant 2 : i32
      %add3A_636 = arith.addi %add3A_616, %add3A_635 : i32
      %ge3A_637 = arith.constant 4 : i32
      %ge3A_638 = arith.cmpi sge, %add3A_636, %ge3A_637 : i32
      %lt3A_639 = arith.constant 80 : i32
      %lt3A_640 = arith.cmpi slt, %add3A_636, %lt3A_639 : i32
      %and3A_641 = arith.andi %ge3A_638, %lt3A_640 : i1
      %convert_element_type3A_642 = arith.extui %and3A_641 : i1 to i32
      %cond3A_643 = arith.constant 0 : i32
      %cond3A_644 = arith.cmpi ne, %convert_element_type3A_642, %cond3A_643 : i32
      scf.if %cond3A_644 {
        %sub3A = arith.constant 4 : i32
        %sub3A_645 = arith.subi %add3A_636, %sub3A : i32
        %dma_wait3A_646 = arith.constant 0 : i32
        %dma_wait3A_647 = arith.constant 0 : i32
        %dma_wait3A_648 = tpu.memref_slice %arg9[%dma_wait3A_646, %dma_wait3A_647] : memref<128x32xf32, #tpu.memory_space<vmem>> -> memref<125x32xf32, #tpu.memory_space<vmem>>
        %dma_wait3A_649 = arith.constant 0 : i32
        %dma_wait3A_650 = tpu.memref_slice %arg7[%sub3A_645, %dma_wait3A_649] : memref<80x125xi32, #tpu.memory_space<vmem>> -> memref<1x125xi32, #tpu.memory_space<vmem>>
        %dma_wait3A_651 = tpu.memref_squeeze %dma_wait3A_650 : memref<1x125xi32, #tpu.memory_space<vmem>> -> memref<125xi32, #tpu.memory_space<vmem>>
        %dma_wait3A_652 = arith.constant 0 : i32
        %dma_wait3A_653 = arith.constant 0 : i32
        %dma_wait3A_654 = tpu.memref_slice %arg14[%dma_wait3A_652, %dma_wait3A_653] : memref<10240x32xf32, #tpu.memory_space<vmem_shared>> -> memref<10240x32xf32, #tpu.memory_space<vmem_shared>>
        tpu.wait_indirect_dma semaphore(%arg21 : memref<!tpu.dma_semaphore, #tpu.memory_space<semaphore_mem>>) src(%dma_wait3A_648 : memref<125x32xf32, #tpu.memory_space<vmem>>) dst(%dma_wait3A_654 : memref<10240x32xf32, #tpu.memory_space<vmem_shared>>)
        %dma_start3A_655 = arith.constant 0 : i32
        %dma_start3A_656 = arith.constant 0 : i32
        %dma_start3A_657 = tpu.memref_slice %arg9[%dma_start3A_655, %dma_start3A_656] : memref<128x32xf32, #tpu.memory_space<vmem>> -> memref<125x32xf32, #tpu.memory_space<vmem>>
        %dma_start3A_658 = arith.constant 0 : i32
        %dma_start3A_659 = tpu.memref_slice %arg6[%add3A_636, %dma_start3A_658] : memref<80x125xi32, #tpu.memory_space<vmem>> -> memref<1x125xi32, #tpu.memory_space<vmem>>
        %dma_start3A_660 = tpu.memref_squeeze %dma_start3A_659 : memref<1x125xi32, #tpu.memory_space<vmem>> -> memref<125xi32, #tpu.memory_space<vmem>>
        %dma_start3A_661 = arith.constant 0 : i32
        %dma_start3A_662 = arith.constant 0 : i32
        %dma_start3A_663 = tpu.memref_slice %arg15[%dma_start3A_661, %dma_start3A_662] : memref<10240x32xf32, #tpu.memory_space<vmem_shared>> -> memref<10240x32xf32, #tpu.memory_space<vmem_shared>>
        tpu.enqueue_indirect_dma source(%dma_start3A_663 : memref<10240x32xf32, #tpu.memory_space<vmem_shared>>) target(%dma_start3A_657 : memref<125x32xf32, #tpu.memory_space<vmem>>) offsets(%dma_start3A_660 : memref<125xi32, #tpu.memory_space<vmem>>) semaphore(%arg17 : memref<!tpu.dma_semaphore, #tpu.memory_space<semaphore_mem>>)
      } else {
      }
    }
    %scan3A_259 = arith.constant 20 : i32
    %dma_wait3A_260 = arith.constant 76 : i32
    %dma_wait3A_261 = arith.constant 0 : i32
    %dma_wait3A_262 = arith.constant 0 : i32
    %dma_wait3A_263 = tpu.memref_slice %arg8[%dma_wait3A_261, %dma_wait3A_262] : memref<128x32xf32, #tpu.memory_space<vmem>> -> memref<125x32xf32, #tpu.memory_space<vmem>>
    %dma_wait3A_264 = arith.constant 0 : i32
    %dma_wait3A_265 = tpu.memref_slice %arg7[%dma_wait3A_260, %dma_wait3A_264] : memref<80x125xi32, #tpu.memory_space<vmem>> -> memref<1x125xi32, #tpu.memory_space<vmem>>
    %dma_wait3A_266 = tpu.memref_squeeze %dma_wait3A_265 : memref<1x125xi32, #tpu.memory_space<vmem>> -> memref<125xi32, #tpu.memory_space<vmem>>
    %dma_wait3A_267 = arith.constant 0 : i32
    %dma_wait3A_268 = arith.constant 0 : i32
    %dma_wait3A_269 = tpu.memref_slice %arg14[%dma_wait3A_267, %dma_wait3A_268] : memref<10240x32xf32, #tpu.memory_space<vmem_shared>> -> memref<10240x32xf32, #tpu.memory_space<vmem_shared>>
    tpu.wait_indirect_dma semaphore(%arg20 : memref<!tpu.dma_semaphore, #tpu.memory_space<semaphore_mem>>) src(%dma_wait3A_263 : memref<125x32xf32, #tpu.memory_space<vmem>>) dst(%dma_wait3A_269 : memref<10240x32xf32, #tpu.memory_space<vmem_shared>>)
    %dma_wait3A_270 = arith.constant 77 : i32
    %dma_wait3A_271 = arith.constant 0 : i32
    %dma_wait3A_272 = arith.constant 0 : i32
    %dma_wait3A_273 = tpu.memref_slice %arg9[%dma_wait3A_271, %dma_wait3A_272] : memref<128x32xf32, #tpu.memory_space<vmem>> -> memref<125x32xf32, #tpu.memory_space<vmem>>
    %dma_wait3A_274 = arith.constant 0 : i32
    %dma_wait3A_275 = tpu.memref_slice %arg7[%dma_wait3A_270, %dma_wait3A_274] : memref<80x125xi32, #tpu.memory_space<vmem>> -> memref<1x125xi32, #tpu.memory_space<vmem>>
    %dma_wait3A_276 = tpu.memref_squeeze %dma_wait3A_275 : memref<1x125xi32, #tpu.memory_space<vmem>> -> memref<125xi32, #tpu.memory_space<vmem>>
    %dma_wait3A_277 = arith.constant 0 : i32
    %dma_wait3A_278 = arith.constant 0 : i32
    %dma_wait3A_279 = tpu.memref_slice %arg14[%dma_wait3A_277, %dma_wait3A_278] : memref<10240x32xf32, #tpu.memory_space<vmem_shared>> -> memref<10240x32xf32, #tpu.memory_space<vmem_shared>>
    tpu.wait_indirect_dma semaphore(%arg21 : memref<!tpu.dma_semaphore, #tpu.memory_space<semaphore_mem>>) src(%dma_wait3A_273 : memref<125x32xf32, #tpu.memory_space<vmem>>) dst(%dma_wait3A_279 : memref<10240x32xf32, #tpu.memory_space<vmem_shared>>)
    %dma_wait3A_280 = arith.constant 78 : i32
    %dma_wait3A_281 = arith.constant 0 : i32
    %dma_wait3A_282 = arith.constant 0 : i32
    %dma_wait3A_283 = tpu.memref_slice %arg10[%dma_wait3A_281, %dma_wait3A_282] : memref<128x32xf32, #tpu.memory_space<vmem>> -> memref<125x32xf32, #tpu.memory_space<vmem>>
    %dma_wait3A_284 = arith.constant 0 : i32
    %dma_wait3A_285 = tpu.memref_slice %arg7[%dma_wait3A_280, %dma_wait3A_284] : memref<80x125xi32, #tpu.memory_space<vmem>> -> memref<1x125xi32, #tpu.memory_space<vmem>>
    %dma_wait3A_286 = tpu.memref_squeeze %dma_wait3A_285 : memref<1x125xi32, #tpu.memory_space<vmem>> -> memref<125xi32, #tpu.memory_space<vmem>>
    %dma_wait3A_287 = arith.constant 0 : i32
    %dma_wait3A_288 = arith.constant 0 : i32
    %dma_wait3A_289 = tpu.memref_slice %arg14[%dma_wait3A_287, %dma_wait3A_288] : memref<10240x32xf32, #tpu.memory_space<vmem_shared>> -> memref<10240x32xf32, #tpu.memory_space<vmem_shared>>
    tpu.wait_indirect_dma semaphore(%arg22 : memref<!tpu.dma_semaphore, #tpu.memory_space<semaphore_mem>>) src(%dma_wait3A_283 : memref<125x32xf32, #tpu.memory_space<vmem>>) dst(%dma_wait3A_289 : memref<10240x32xf32, #tpu.memory_space<vmem_shared>>)
    %dma_wait3A_290 = arith.constant 79 : i32
    %dma_wait3A_291 = arith.constant 0 : i32
    %dma_wait3A_292 = arith.constant 0 : i32
    %dma_wait3A_293 = tpu.memref_slice %arg11[%dma_wait3A_291, %dma_wait3A_292] : memref<128x32xf32, #tpu.memory_space<vmem>> -> memref<125x32xf32, #tpu.memory_space<vmem>>
    %dma_wait3A_294 = arith.constant 0 : i32
    %dma_wait3A_295 = tpu.memref_slice %arg7[%dma_wait3A_290, %dma_wait3A_294] : memref<80x125xi32, #tpu.memory_space<vmem>> -> memref<1x125xi32, #tpu.memory_space<vmem>>
    %dma_wait3A_296 = tpu.memref_squeeze %dma_wait3A_295 : memref<1x125xi32, #tpu.memory_space<vmem>> -> memref<125xi32, #tpu.memory_space<vmem>>
    %dma_wait3A_297 = arith.constant 0 : i32
    %dma_wait3A_298 = arith.constant 0 : i32
    %dma_wait3A_299 = tpu.memref_slice %arg14[%dma_wait3A_297, %dma_wait3A_298] : memref<10240x32xf32, #tpu.memory_space<vmem_shared>> -> memref<10240x32xf32, #tpu.memory_space<vmem_shared>>
    tpu.wait_indirect_dma semaphore(%arg23 : memref<!tpu.dma_semaphore, #tpu.memory_space<semaphore_mem>>) src(%dma_wait3A_293 : memref<125x32xf32, #tpu.memory_space<vmem>>) dst(%dma_wait3A_299 : memref<10240x32xf32, #tpu.memory_space<vmem_shared>>)
    %barrier3A_300 = arith.constant 0 : index
    tpu.barrier barrier_id(%barrier3A_300)
    %mul3A_301 = arith.constant 640 : i32
    %mul3A_302 = arith.muli %arg1, %mul3A_301 : i32
    %add3A_303 = arith.constant 0 : i32
    %add3A_304 = arith.addi %mul3A_302, %add3A_303 : i32
    %dma_start3A_305 = arith.constant 0 : i32
    %dma_start3A_306 = tpu.memref_slice %arg14[%add3A_304, %dma_start3A_305] : memref<10240x32xf32, #tpu.memory_space<vmem_shared>> -> memref<128x32xf32, #tpu.memory_space<vmem_shared>>
    %dma_start3A_307 = arith.constant 0 : i32
    %dma_start3A_308 = tpu.memref_slice %arg14[%add3A_304, %dma_start3A_307] : memref<10240x32xf32, #tpu.memory_space<vmem_shared>> -> memref<128x32xf32, #tpu.memory_space<vmem_shared>>
    tpu.enqueue_dma source(%dma_start3A_308 : memref<128x32xf32, #tpu.memory_space<vmem_shared>>) target(%arg8 : memref<128x32xf32, #tpu.memory_space<vmem>>) target_semaphore(%arg20 : memref<!tpu.dma_semaphore, #tpu.memory_space<semaphore_mem>>)
    %mul3A_309 = arith.constant 640 : i32
    %mul3A_310 = arith.muli %arg1, %mul3A_309 : i32
    %add3A_311 = arith.constant 128 : i32
    %add3A_312 = arith.addi %mul3A_310, %add3A_311 : i32
    %dma_start3A_313 = arith.constant 0 : i32
    %dma_start3A_314 = tpu.memref_slice %arg14[%add3A_312, %dma_start3A_313] : memref<10240x32xf32, #tpu.memory_space<vmem_shared>> -> memref<128x32xf32, #tpu.memory_space<vmem_shared>>
    %dma_start3A_315 = arith.constant 0 : i32
    %dma_start3A_316 = tpu.memref_slice %arg14[%add3A_312, %dma_start3A_315] : memref<10240x32xf32, #tpu.memory_space<vmem_shared>> -> memref<128x32xf32, #tpu.memory_space<vmem_shared>>
    tpu.enqueue_dma source(%dma_start3A_316 : memref<128x32xf32, #tpu.memory_space<vmem_shared>>) target(%arg9 : memref<128x32xf32, #tpu.memory_space<vmem>>) target_semaphore(%arg21 : memref<!tpu.dma_semaphore, #tpu.memory_space<semaphore_mem>>)
    %mul3A_317 = arith.constant 640 : i32
    %mul3A_318 = arith.muli %arg1, %mul3A_317 : i32
    %add3A_319 = arith.constant 256 : i32
    %add3A_320 = arith.addi %mul3A_318, %add3A_319 : i32
    %dma_start3A_321 = arith.constant 0 : i32
    %dma_start3A_322 = tpu.memref_slice %arg14[%add3A_320, %dma_start3A_321] : memref<10240x32xf32, #tpu.memory_space<vmem_shared>> -> memref<128x32xf32, #tpu.memory_space<vmem_shared>>
    %dma_start3A_323 = arith.constant 0 : i32
    %dma_start3A_324 = tpu.memref_slice %arg14[%add3A_320, %dma_start3A_323] : memref<10240x32xf32, #tpu.memory_space<vmem_shared>> -> memref<128x32xf32, #tpu.memory_space<vmem_shared>>
    tpu.enqueue_dma source(%dma_start3A_324 : memref<128x32xf32, #tpu.memory_space<vmem_shared>>) target(%arg10 : memref<128x32xf32, #tpu.memory_space<vmem>>) target_semaphore(%arg22 : memref<!tpu.dma_semaphore, #tpu.memory_space<semaphore_mem>>)
    %mul3A_325 = arith.constant 640 : i32
    %mul3A_326 = arith.muli %arg1, %mul3A_325 : i32
    %add3A_327 = arith.constant 384 : i32
    %add3A_328 = arith.addi %mul3A_326, %add3A_327 : i32
    %dma_start3A_329 = arith.constant 0 : i32
    %dma_start3A_330 = tpu.memref_slice %arg14[%add3A_328, %dma_start3A_329] : memref<10240x32xf32, #tpu.memory_space<vmem_shared>> -> memref<128x32xf32, #tpu.memory_space<vmem_shared>>
    %dma_start3A_331 = arith.constant 0 : i32
    %dma_start3A_332 = tpu.memref_slice %arg14[%add3A_328, %dma_start3A_331] : memref<10240x32xf32, #tpu.memory_space<vmem_shared>> -> memref<128x32xf32, #tpu.memory_space<vmem_shared>>
    tpu.enqueue_dma source(%dma_start3A_332 : memref<128x32xf32, #tpu.memory_space<vmem_shared>>) target(%arg11 : memref<128x32xf32, #tpu.memory_space<vmem>>) target_semaphore(%arg23 : memref<!tpu.dma_semaphore, #tpu.memory_space<semaphore_mem>>)
    %mul3A_333 = arith.constant 640 : i32
    %mul3A_334 = arith.muli %arg1, %mul3A_333 : i32
    %add3A_335 = arith.constant 512 : i32
    %add3A_336 = arith.addi %mul3A_334, %add3A_335 : i32
    %dma_start3A_337 = arith.constant 0 : i32
    %dma_start3A_338 = tpu.memref_slice %arg14[%add3A_336, %dma_start3A_337] : memref<10240x32xf32, #tpu.memory_space<vmem_shared>> -> memref<128x32xf32, #tpu.memory_space<vmem_shared>>
    %dma_start3A_339 = arith.constant 0 : i32
    %dma_start3A_340 = tpu.memref_slice %arg14[%add3A_336, %dma_start3A_339] : memref<10240x32xf32, #tpu.memory_space<vmem_shared>> -> memref<128x32xf32, #tpu.memory_space<vmem_shared>>
    tpu.enqueue_dma source(%dma_start3A_340 : memref<128x32xf32, #tpu.memory_space<vmem_shared>>) target(%arg12 : memref<128x32xf32, #tpu.memory_space<vmem>>) target_semaphore(%arg16 : memref<!tpu.dma_semaphore, #tpu.memory_space<semaphore_mem>>)
    %mul3A_341 = arith.constant 640 : i32
    %mul3A_342 = arith.muli %arg1, %mul3A_341 : i32
    %add3A_343 = arith.constant 0 : i32
    %add3A_344 = arith.addi %mul3A_342, %add3A_343 : i32
    %dma_wait3A_345 = arith.constant 0 : i32
    %dma_wait3A_346 = tpu.memref_slice %arg14[%add3A_344, %dma_wait3A_345] : memref<10240x32xf32, #tpu.memory_space<vmem_shared>> -> memref<128x32xf32, #tpu.memory_space<vmem_shared>>
    %dma_wait3A_347 = arith.constant 0 : i32
    %dma_wait3A_348 = tpu.memref_slice %arg14[%add3A_344, %dma_wait3A_347] : memref<10240x32xf32, #tpu.memory_space<vmem_shared>> -> memref<128x32xf32, #tpu.memory_space<vmem_shared>>
    tpu.wait_dma2 semaphore(%arg20 : memref<!tpu.dma_semaphore, #tpu.memory_space<semaphore_mem>>) src(%dma_wait3A_348 : memref<128x32xf32, #tpu.memory_space<vmem_shared>>) dst(%arg8 : memref<128x32xf32, #tpu.memory_space<vmem>>)
    %dma_start3A_349 = arith.constant 0 : i32
    %dma_start3A_350 = arith.constant 0 : i32
    %dma_start3A_351 = tpu.memref_slice %arg5[%arg0, %dma_start3A_349, %dma_start3A_350] : memref<2x10240x32xf32, #tpu.memory_space<hbm>> -> memref<1x10240x32xf32, #tpu.memory_space<hbm>>
    %dma_start3A_352 = tpu.memref_squeeze %dma_start3A_351 : memref<1x10240x32xf32, #tpu.memory_space<hbm>> -> memref<10240x32xf32, #tpu.memory_space<hbm>>
    %dma_start3A_353 = arith.constant 0 : i32
    %dma_start3A_354 = tpu.memref_slice %dma_start3A_352[%add3A_344, %dma_start3A_353] : memref<10240x32xf32, #tpu.memory_space<hbm>> -> memref<128x32xf32, #tpu.memory_space<hbm>>
    %dma_start3A_355 = arith.constant 0 : i32
    %dma_start3A_356 = arith.constant 0 : i32
    %dma_start3A_357 = tpu.memref_slice %arg5[%arg0, %dma_start3A_355, %dma_start3A_356] : memref<2x10240x32xf32, #tpu.memory_space<hbm>> -> memref<1x10240x32xf32, #tpu.memory_space<hbm>>
    %dma_start3A_358 = tpu.memref_squeeze %dma_start3A_357 : memref<1x10240x32xf32, #tpu.memory_space<hbm>> -> memref<10240x32xf32, #tpu.memory_space<hbm>>
    %dma_start3A_359 = arith.constant 0 : i32
    %dma_start3A_360 = tpu.memref_slice %dma_start3A_358[%add3A_344, %dma_start3A_359] : memref<10240x32xf32, #tpu.memory_space<hbm>> -> memref<128x32xf32, #tpu.memory_space<hbm>>
    tpu.enqueue_dma source(%arg8 : memref<128x32xf32, #tpu.memory_space<vmem>>) target(%dma_start3A_360 : memref<128x32xf32, #tpu.memory_space<hbm>>) target_semaphore(%arg20 : memref<!tpu.dma_semaphore, #tpu.memory_space<semaphore_mem>>)
    %mul3A_361 = arith.constant 640 : i32
    %mul3A_362 = arith.muli %arg1, %mul3A_361 : i32
    %add3A_363 = arith.constant 128 : i32
    %add3A_364 = arith.addi %mul3A_362, %add3A_363 : i32
    %dma_wait3A_365 = arith.constant 0 : i32
    %dma_wait3A_366 = tpu.memref_slice %arg14[%add3A_364, %dma_wait3A_365] : memref<10240x32xf32, #tpu.memory_space<vmem_shared>> -> memref<128x32xf32, #tpu.memory_space<vmem_shared>>
    %dma_wait3A_367 = arith.constant 0 : i32
    %dma_wait3A_368 = tpu.memref_slice %arg14[%add3A_364, %dma_wait3A_367] : memref<10240x32xf32, #tpu.memory_space<vmem_shared>> -> memref<128x32xf32, #tpu.memory_space<vmem_shared>>
    tpu.wait_dma2 semaphore(%arg21 : memref<!tpu.dma_semaphore, #tpu.memory_space<semaphore_mem>>) src(%dma_wait3A_368 : memref<128x32xf32, #tpu.memory_space<vmem_shared>>) dst(%arg9 : memref<128x32xf32, #tpu.memory_space<vmem>>)
    %dma_start3A_369 = arith.constant 0 : i32
    %dma_start3A_370 = arith.constant 0 : i32
    %dma_start3A_371 = tpu.memref_slice %arg5[%arg0, %dma_start3A_369, %dma_start3A_370] : memref<2x10240x32xf32, #tpu.memory_space<hbm>> -> memref<1x10240x32xf32, #tpu.memory_space<hbm>>
    %dma_start3A_372 = tpu.memref_squeeze %dma_start3A_371 : memref<1x10240x32xf32, #tpu.memory_space<hbm>> -> memref<10240x32xf32, #tpu.memory_space<hbm>>
    %dma_start3A_373 = arith.constant 0 : i32
    %dma_start3A_374 = tpu.memref_slice %dma_start3A_372[%add3A_364, %dma_start3A_373] : memref<10240x32xf32, #tpu.memory_space<hbm>> -> memref<128x32xf32, #tpu.memory_space<hbm>>
    %dma_start3A_375 = arith.constant 0 : i32
    %dma_start3A_376 = arith.constant 0 : i32
    %dma_start3A_377 = tpu.memref_slice %arg5[%arg0, %dma_start3A_375, %dma_start3A_376] : memref<2x10240x32xf32, #tpu.memory_space<hbm>> -> memref<1x10240x32xf32, #tpu.memory_space<hbm>>
    %dma_start3A_378 = tpu.memref_squeeze %dma_start3A_377 : memref<1x10240x32xf32, #tpu.memory_space<hbm>> -> memref<10240x32xf32, #tpu.memory_space<hbm>>
    %dma_start3A_379 = arith.constant 0 : i32
    %dma_start3A_380 = tpu.memref_slice %dma_start3A_378[%add3A_364, %dma_start3A_379] : memref<10240x32xf32, #tpu.memory_space<hbm>> -> memref<128x32xf32, #tpu.memory_space<hbm>>
    tpu.enqueue_dma source(%arg9 : memref<128x32xf32, #tpu.memory_space<vmem>>) target(%dma_start3A_380 : memref<128x32xf32, #tpu.memory_space<hbm>>) target_semaphore(%arg21 : memref<!tpu.dma_semaphore, #tpu.memory_space<semaphore_mem>>)
    %mul3A_381 = arith.constant 640 : i32
    %mul3A_382 = arith.muli %arg1, %mul3A_381 : i32
    %add3A_383 = arith.constant 256 : i32
    %add3A_384 = arith.addi %mul3A_382, %add3A_383 : i32
    %dma_wait3A_385 = arith.constant 0 : i32
    %dma_wait3A_386 = tpu.memref_slice %arg14[%add3A_384, %dma_wait3A_385] : memref<10240x32xf32, #tpu.memory_space<vmem_shared>> -> memref<128x32xf32, #tpu.memory_space<vmem_shared>>
    %dma_wait3A_387 = arith.constant 0 : i32
    %dma_wait3A_388 = tpu.memref_slice %arg14[%add3A_384, %dma_wait3A_387] : memref<10240x32xf32, #tpu.memory_space<vmem_shared>> -> memref<128x32xf32, #tpu.memory_space<vmem_shared>>
    tpu.wait_dma2 semaphore(%arg22 : memref<!tpu.dma_semaphore, #tpu.memory_space<semaphore_mem>>) src(%dma_wait3A_388 : memref<128x32xf32, #tpu.memory_space<vmem_shared>>) dst(%arg10 : memref<128x32xf32, #tpu.memory_space<vmem>>)
    %dma_start3A_389 = arith.constant 0 : i32
    %dma_start3A_390 = arith.constant 0 : i32
    %dma_start3A_391 = tpu.memref_slice %arg5[%arg0, %dma_start3A_389, %dma_start3A_390] : memref<2x10240x32xf32, #tpu.memory_space<hbm>> -> memref<1x10240x32xf32, #tpu.memory_space<hbm>>
    %dma_start3A_392 = tpu.memref_squeeze %dma_start3A_391 : memref<1x10240x32xf32, #tpu.memory_space<hbm>> -> memref<10240x32xf32, #tpu.memory_space<hbm>>
    %dma_start3A_393 = arith.constant 0 : i32
    %dma_start3A_394 = tpu.memref_slice %dma_start3A_392[%add3A_384, %dma_start3A_393] : memref<10240x32xf32, #tpu.memory_space<hbm>> -> memref<128x32xf32, #tpu.memory_space<hbm>>
    %dma_start3A_395 = arith.constant 0 : i32
    %dma_start3A_396 = arith.constant 0 : i32
    %dma_start3A_397 = tpu.memref_slice %arg5[%arg0, %dma_start3A_395, %dma_start3A_396] : memref<2x10240x32xf32, #tpu.memory_space<hbm>> -> memref<1x10240x32xf32, #tpu.memory_space<hbm>>
    %dma_start3A_398 = tpu.memref_squeeze %dma_start3A_397 : memref<1x10240x32xf32, #tpu.memory_space<hbm>> -> memref<10240x32xf32, #tpu.memory_space<hbm>>
    %dma_start3A_399 = arith.constant 0 : i32
    %dma_start3A_400 = tpu.memref_slice %dma_start3A_398[%add3A_384, %dma_start3A_399] : memref<10240x32xf32, #tpu.memory_space<hbm>> -> memref<128x32xf32, #tpu.memory_space<hbm>>
    tpu.enqueue_dma source(%arg10 : memref<128x32xf32, #tpu.memory_space<vmem>>) target(%dma_start3A_400 : memref<128x32xf32, #tpu.memory_space<hbm>>) target_semaphore(%arg22 : memref<!tpu.dma_semaphore, #tpu.memory_space<semaphore_mem>>)
    %mul3A_401 = arith.constant 640 : i32
    %mul3A_402 = arith.muli %arg1, %mul3A_401 : i32
    %add3A_403 = arith.constant 384 : i32
    %add3A_404 = arith.addi %mul3A_402, %add3A_403 : i32
    %dma_wait3A_405 = arith.constant 0 : i32
    %dma_wait3A_406 = tpu.memref_slice %arg14[%add3A_404, %dma_wait3A_405] : memref<10240x32xf32, #tpu.memory_space<vmem_shared>> -> memref<128x32xf32, #tpu.memory_space<vmem_shared>>
    %dma_wait3A_407 = arith.constant 0 : i32
    %dma_wait3A_408 = tpu.memref_slice %arg14[%add3A_404, %dma_wait3A_407] : memref<10240x32xf32, #tpu.memory_space<vmem_shared>> -> memref<128x32xf32, #tpu.memory_space<vmem_shared>>
    tpu.wait_dma2 semaphore(%arg23 : memref<!tpu.dma_semaphore, #tpu.memory_space<semaphore_mem>>) src(%dma_wait3A_408 : memref<128x32xf32, #tpu.memory_space<vmem_shared>>) dst(%arg11 : memref<128x32xf32, #tpu.memory_space<vmem>>)
    %dma_start3A_409 = arith.constant 0 : i32
    %dma_start3A_410 = arith.constant 0 : i32
    %dma_start3A_411 = tpu.memref_slice %arg5[%arg0, %dma_start3A_409, %dma_start3A_410] : memref<2x10240x32xf32, #tpu.memory_space<hbm>> -> memref<1x10240x32xf32, #tpu.memory_space<hbm>>
    %dma_start3A_412 = tpu.memref_squeeze %dma_start3A_411 : memref<1x10240x32xf32, #tpu.memory_space<hbm>> -> memref<10240x32xf32, #tpu.memory_space<hbm>>
    %dma_start3A_413 = arith.constant 0 : i32
    %dma_start3A_414 = tpu.memref_slice %dma_start3A_412[%add3A_404, %dma_start3A_413] : memref<10240x32xf32, #tpu.memory_space<hbm>> -> memref<128x32xf32, #tpu.memory_space<hbm>>
    %dma_start3A_415 = arith.constant 0 : i32
    %dma_start3A_416 = arith.constant 0 : i32
    %dma_start3A_417 = tpu.memref_slice %arg5[%arg0, %dma_start3A_415, %dma_start3A_416] : memref<2x10240x32xf32, #tpu.memory_space<hbm>> -> memref<1x10240x32xf32, #tpu.memory_space<hbm>>
    %dma_start3A_418 = tpu.memref_squeeze %dma_start3A_417 : memref<1x10240x32xf32, #tpu.memory_space<hbm>> -> memref<10240x32xf32, #tpu.memory_space<hbm>>
    %dma_start3A_419 = arith.constant 0 : i32
    %dma_start3A_420 = tpu.memref_slice %dma_start3A_418[%add3A_404, %dma_start3A_419] : memref<10240x32xf32, #tpu.memory_space<hbm>> -> memref<128x32xf32, #tpu.memory_space<hbm>>
    tpu.enqueue_dma source(%arg11 : memref<128x32xf32, #tpu.memory_space<vmem>>) target(%dma_start3A_420 : memref<128x32xf32, #tpu.memory_space<hbm>>) target_semaphore(%arg23 : memref<!tpu.dma_semaphore, #tpu.memory_space<semaphore_mem>>)
    %mul3A_421 = arith.constant 640 : i32
    %mul3A_422 = arith.muli %arg1, %mul3A_421 : i32
    %add3A_423 = arith.constant 512 : i32
    %add3A_424 = arith.addi %mul3A_422, %add3A_423 : i32
    %dma_wait3A_425 = arith.constant 0 : i32
    %dma_wait3A_426 = tpu.memref_slice %arg14[%add3A_424, %dma_wait3A_425] : memref<10240x32xf32, #tpu.memory_space<vmem_shared>> -> memref<128x32xf32, #tpu.memory_space<vmem_shared>>
    %dma_wait3A_427 = arith.constant 0 : i32
    %dma_wait3A_428 = tpu.memref_slice %arg14[%add3A_424, %dma_wait3A_427] : memref<10240x32xf32, #tpu.memory_space<vmem_shared>> -> memref<128x32xf32, #tpu.memory_space<vmem_shared>>
    tpu.wait_dma2 semaphore(%arg16 : memref<!tpu.dma_semaphore, #tpu.memory_space<semaphore_mem>>) src(%dma_wait3A_428 : memref<128x32xf32, #tpu.memory_space<vmem_shared>>) dst(%arg12 : memref<128x32xf32, #tpu.memory_space<vmem>>)
    %dma_start3A_429 = arith.constant 0 : i32
    %dma_start3A_430 = arith.constant 0 : i32
    %dma_start3A_431 = tpu.memref_slice %arg5[%arg0, %dma_start3A_429, %dma_start3A_430] : memref<2x10240x32xf32, #tpu.memory_space<hbm>> -> memref<1x10240x32xf32, #tpu.memory_space<hbm>>
    %dma_start3A_432 = tpu.memref_squeeze %dma_start3A_431 : memref<1x10240x32xf32, #tpu.memory_space<hbm>> -> memref<10240x32xf32, #tpu.memory_space<hbm>>
    %dma_start3A_433 = arith.constant 0 : i32
    %dma_start3A_434 = tpu.memref_slice %dma_start3A_432[%add3A_424, %dma_start3A_433] : memref<10240x32xf32, #tpu.memory_space<hbm>> -> memref<128x32xf32, #tpu.memory_space<hbm>>
    %dma_start3A_435 = arith.constant 0 : i32
    %dma_start3A_436 = arith.constant 0 : i32
    %dma_start3A_437 = tpu.memref_slice %arg5[%arg0, %dma_start3A_435, %dma_start3A_436] : memref<2x10240x32xf32, #tpu.memory_space<hbm>> -> memref<1x10240x32xf32, #tpu.memory_space<hbm>>
    %dma_start3A_438 = tpu.memref_squeeze %dma_start3A_437 : memref<1x10240x32xf32, #tpu.memory_space<hbm>> -> memref<10240x32xf32, #tpu.memory_space<hbm>>
    %dma_start3A_439 = arith.constant 0 : i32
    %dma_start3A_440 = tpu.memref_slice %dma_start3A_438[%add3A_424, %dma_start3A_439] : memref<10240x32xf32, #tpu.memory_space<hbm>> -> memref<128x32xf32, #tpu.memory_space<hbm>>
    tpu.enqueue_dma source(%arg12 : memref<128x32xf32, #tpu.memory_space<vmem>>) target(%dma_start3A_440 : memref<128x32xf32, #tpu.memory_space<hbm>>) target_semaphore(%arg16 : memref<!tpu.dma_semaphore, #tpu.memory_space<semaphore_mem>>)
    %mul3A_441 = arith.constant 640 : i32
    %mul3A_442 = arith.muli %arg1, %mul3A_441 : i32
    %add3A_443 = arith.constant 0 : i32
    %add3A_444 = arith.addi %mul3A_442, %add3A_443 : i32
    %dma_wait3A_445 = arith.constant 0 : i32
    %dma_wait3A_446 = arith.constant 0 : i32
    %dma_wait3A_447 = tpu.memref_slice %arg5[%arg0, %dma_wait3A_445, %dma_wait3A_446] : memref<2x10240x32xf32, #tpu.memory_space<hbm>> -> memref<1x10240x32xf32, #tpu.memory_space<hbm>>
    %dma_wait3A_448 = tpu.memref_squeeze %dma_wait3A_447 : memref<1x10240x32xf32, #tpu.memory_space<hbm>> -> memref<10240x32xf32, #tpu.memory_space<hbm>>
    %dma_wait3A_449 = arith.constant 0 : i32
    %dma_wait3A_450 = tpu.memref_slice %dma_wait3A_448[%add3A_444, %dma_wait3A_449] : memref<10240x32xf32, #tpu.memory_space<hbm>> -> memref<128x32xf32, #tpu.memory_space<hbm>>
    %dma_wait3A_451 = arith.constant 0 : i32
    %dma_wait3A_452 = arith.constant 0 : i32
    %dma_wait3A_453 = tpu.memref_slice %arg5[%arg0, %dma_wait3A_451, %dma_wait3A_452] : memref<2x10240x32xf32, #tpu.memory_space<hbm>> -> memref<1x10240x32xf32, #tpu.memory_space<hbm>>
    %dma_wait3A_454 = tpu.memref_squeeze %dma_wait3A_453 : memref<1x10240x32xf32, #tpu.memory_space<hbm>> -> memref<10240x32xf32, #tpu.memory_space<hbm>>
    %dma_wait3A_455 = arith.constant 0 : i32
    %dma_wait3A_456 = tpu.memref_slice %dma_wait3A_454[%add3A_444, %dma_wait3A_455] : memref<10240x32xf32, #tpu.memory_space<hbm>> -> memref<128x32xf32, #tpu.memory_space<hbm>>
    tpu.wait_dma2 semaphore(%arg20 : memref<!tpu.dma_semaphore, #tpu.memory_space<semaphore_mem>>) src(%arg8 : memref<128x32xf32, #tpu.memory_space<vmem>>) dst(%dma_wait3A_456 : memref<128x32xf32, #tpu.memory_space<hbm>>)
    %mul3A_457 = arith.constant 640 : i32
    %mul3A_458 = arith.muli %arg1, %mul3A_457 : i32
    %add3A_459 = arith.constant 128 : i32
    %add3A_460 = arith.addi %mul3A_458, %add3A_459 : i32
    %dma_wait3A_461 = arith.constant 0 : i32
    %dma_wait3A_462 = arith.constant 0 : i32
    %dma_wait3A_463 = tpu.memref_slice %arg5[%arg0, %dma_wait3A_461, %dma_wait3A_462] : memref<2x10240x32xf32, #tpu.memory_space<hbm>> -> memref<1x10240x32xf32, #tpu.memory_space<hbm>>
    %dma_wait3A_464 = tpu.memref_squeeze %dma_wait3A_463 : memref<1x10240x32xf32, #tpu.memory_space<hbm>> -> memref<10240x32xf32, #tpu.memory_space<hbm>>
    %dma_wait3A_465 = arith.constant 0 : i32
    %dma_wait3A_466 = tpu.memref_slice %dma_wait3A_464[%add3A_460, %dma_wait3A_465] : memref<10240x32xf32, #tpu.memory_space<hbm>> -> memref<128x32xf32, #tpu.memory_space<hbm>>
    %dma_wait3A_467 = arith.constant 0 : i32
    %dma_wait3A_468 = arith.constant 0 : i32
    %dma_wait3A_469 = tpu.memref_slice %arg5[%arg0, %dma_wait3A_467, %dma_wait3A_468] : memref<2x10240x32xf32, #tpu.memory_space<hbm>> -> memref<1x10240x32xf32, #tpu.memory_space<hbm>>
    %dma_wait3A_470 = tpu.memref_squeeze %dma_wait3A_469 : memref<1x10240x32xf32, #tpu.memory_space<hbm>> -> memref<10240x32xf32, #tpu.memory_space<hbm>>
    %dma_wait3A_471 = arith.constant 0 : i32
    %dma_wait3A_472 = tpu.memref_slice %dma_wait3A_470[%add3A_460, %dma_wait3A_471] : memref<10240x32xf32, #tpu.memory_space<hbm>> -> memref<128x32xf32, #tpu.memory_space<hbm>>
    tpu.wait_dma2 semaphore(%arg21 : memref<!tpu.dma_semaphore, #tpu.memory_space<semaphore_mem>>) src(%arg9 : memref<128x32xf32, #tpu.memory_space<vmem>>) dst(%dma_wait3A_472 : memref<128x32xf32, #tpu.memory_space<hbm>>)
    %mul3A_473 = arith.constant 640 : i32
    %mul3A_474 = arith.muli %arg1, %mul3A_473 : i32
    %add3A_475 = arith.constant 256 : i32
    %add3A_476 = arith.addi %mul3A_474, %add3A_475 : i32
    %dma_wait3A_477 = arith.constant 0 : i32
    %dma_wait3A_478 = arith.constant 0 : i32
    %dma_wait3A_479 = tpu.memref_slice %arg5[%arg0, %dma_wait3A_477, %dma_wait3A_478] : memref<2x10240x32xf32, #tpu.memory_space<hbm>> -> memref<1x10240x32xf32, #tpu.memory_space<hbm>>
    %dma_wait3A_480 = tpu.memref_squeeze %dma_wait3A_479 : memref<1x10240x32xf32, #tpu.memory_space<hbm>> -> memref<10240x32xf32, #tpu.memory_space<hbm>>
    %dma_wait3A_481 = arith.constant 0 : i32
    %dma_wait3A_482 = tpu.memref_slice %dma_wait3A_480[%add3A_476, %dma_wait3A_481] : memref<10240x32xf32, #tpu.memory_space<hbm>> -> memref<128x32xf32, #tpu.memory_space<hbm>>
    %dma_wait3A_483 = arith.constant 0 : i32
    %dma_wait3A_484 = arith.constant 0 : i32
    %dma_wait3A_485 = tpu.memref_slice %arg5[%arg0, %dma_wait3A_483, %dma_wait3A_484] : memref<2x10240x32xf32, #tpu.memory_space<hbm>> -> memref<1x10240x32xf32, #tpu.memory_space<hbm>>
    %dma_wait3A_486 = tpu.memref_squeeze %dma_wait3A_485 : memref<1x10240x32xf32, #tpu.memory_space<hbm>> -> memref<10240x32xf32, #tpu.memory_space<hbm>>
    %dma_wait3A_487 = arith.constant 0 : i32
    %dma_wait3A_488 = tpu.memref_slice %dma_wait3A_486[%add3A_476, %dma_wait3A_487] : memref<10240x32xf32, #tpu.memory_space<hbm>> -> memref<128x32xf32, #tpu.memory_space<hbm>>
    tpu.wait_dma2 semaphore(%arg22 : memref<!tpu.dma_semaphore, #tpu.memory_space<semaphore_mem>>) src(%arg10 : memref<128x32xf32, #tpu.memory_space<vmem>>) dst(%dma_wait3A_488 : memref<128x32xf32, #tpu.memory_space<hbm>>)
    %mul3A_489 = arith.constant 640 : i32
    %mul3A_490 = arith.muli %arg1, %mul3A_489 : i32
    %add3A_491 = arith.constant 384 : i32
    %add3A_492 = arith.addi %mul3A_490, %add3A_491 : i32
    %dma_wait3A_493 = arith.constant 0 : i32
    %dma_wait3A_494 = arith.constant 0 : i32
    %dma_wait3A_495 = tpu.memref_slice %arg5[%arg0, %dma_wait3A_493, %dma_wait3A_494] : memref<2x10240x32xf32, #tpu.memory_space<hbm>> -> memref<1x10240x32xf32, #tpu.memory_space<hbm>>
    %dma_wait3A_496 = tpu.memref_squeeze %dma_wait3A_495 : memref<1x10240x32xf32, #tpu.memory_space<hbm>> -> memref<10240x32xf32, #tpu.memory_space<hbm>>
    %dma_wait3A_497 = arith.constant 0 : i32
    %dma_wait3A_498 = tpu.memref_slice %dma_wait3A_496[%add3A_492, %dma_wait3A_497] : memref<10240x32xf32, #tpu.memory_space<hbm>> -> memref<128x32xf32, #tpu.memory_space<hbm>>
    %dma_wait3A_499 = arith.constant 0 : i32
    %dma_wait3A_500 = arith.constant 0 : i32
    %dma_wait3A_501 = tpu.memref_slice %arg5[%arg0, %dma_wait3A_499, %dma_wait3A_500] : memref<2x10240x32xf32, #tpu.memory_space<hbm>> -> memref<1x10240x32xf32, #tpu.memory_space<hbm>>
    %dma_wait3A_502 = tpu.memref_squeeze %dma_wait3A_501 : memref<1x10240x32xf32, #tpu.memory_space<hbm>> -> memref<10240x32xf32, #tpu.memory_space<hbm>>
    %dma_wait3A_503 = arith.constant 0 : i32
    %dma_wait3A_504 = tpu.memref_slice %dma_wait3A_502[%add3A_492, %dma_wait3A_503] : memref<10240x32xf32, #tpu.memory_space<hbm>> -> memref<128x32xf32, #tpu.memory_space<hbm>>
    tpu.wait_dma2 semaphore(%arg23 : memref<!tpu.dma_semaphore, #tpu.memory_space<semaphore_mem>>) src(%arg11 : memref<128x32xf32, #tpu.memory_space<vmem>>) dst(%dma_wait3A_504 : memref<128x32xf32, #tpu.memory_space<hbm>>)
    %mul3A_505 = arith.constant 640 : i32
    %mul3A_506 = arith.muli %arg1, %mul3A_505 : i32
    %add3A_507 = arith.constant 512 : i32
    %add3A_508 = arith.addi %mul3A_506, %add3A_507 : i32
    %dma_wait3A_509 = arith.constant 0 : i32
    %dma_wait3A_510 = arith.constant 0 : i32
    %dma_wait3A_511 = tpu.memref_slice %arg5[%arg0, %dma_wait3A_509, %dma_wait3A_510] : memref<2x10240x32xf32, #tpu.memory_space<hbm>> -> memref<1x10240x32xf32, #tpu.memory_space<hbm>>
    %dma_wait3A_512 = tpu.memref_squeeze %dma_wait3A_511 : memref<1x10240x32xf32, #tpu.memory_space<hbm>> -> memref<10240x32xf32, #tpu.memory_space<hbm>>
    %dma_wait3A_513 = arith.constant 0 : i32
    %dma_wait3A_514 = tpu.memref_slice %dma_wait3A_512[%add3A_508, %dma_wait3A_513] : memref<10240x32xf32, #tpu.memory_space<hbm>> -> memref<128x32xf32, #tpu.memory_space<hbm>>
    %dma_wait3A_515 = arith.constant 0 : i32
    %dma_wait3A_516 = arith.constant 0 : i32
    %dma_wait3A_517 = tpu.memref_slice %arg5[%arg0, %dma_wait3A_515, %dma_wait3A_516] : memref<2x10240x32xf32, #tpu.memory_space<hbm>> -> memref<1x10240x32xf32, #tpu.memory_space<hbm>>
    %dma_wait3A_518 = tpu.memref_squeeze %dma_wait3A_517 : memref<1x10240x32xf32, #tpu.memory_space<hbm>> -> memref<10240x32xf32, #tpu.memory_space<hbm>>
    %dma_wait3A_519 = arith.constant 0 : i32
    %dma_wait3A_520 = tpu.memref_slice %dma_wait3A_518[%add3A_508, %dma_wait3A_519] : memref<10240x32xf32, #tpu.memory_space<hbm>> -> memref<128x32xf32, #tpu.memory_space<hbm>>
    tpu.wait_dma2 semaphore(%arg16 : memref<!tpu.dma_semaphore, #tpu.memory_space<semaphore_mem>>) src(%arg12 : memref<128x32xf32, #tpu.memory_space<vmem>>) dst(%dma_wait3A_520 : memref<128x32xf32, #tpu.memory_space<hbm>>)
    return
  }
}

#map = affine_map<(d0, d1) -> (0, 0, 0, 0)>
#map1 = affine_map<(d0, d1) -> (0, 0)>
#map2 = affine_map<(d0, d1) -> (0, 0, 0)>
module attributes {stable_mosaic.version = 14 : i64} {
  func.func @prop(%arg0: i32, %arg1: i32, %arg2: memref<2x32x80x125xi32, #tpu.memory_space<hbm>>, %arg3: memref<128x8xf32, #tpu.memory_space<hbm>>, %arg4: memref<128x8xf32, #tpu.memory_space<hbm>>, %arg5: memref<2x10240x8xf32, #tpu.memory_space<hbm>>, %arg6: memref<80x125xi32, #tpu.memory_space<vmem>>, %arg7: memref<80x125xi32, #tpu.memory_space<vmem>>, %arg8: memref<128x8xf32, #tpu.memory_space<vmem>>, %arg9: memref<128x8xf32, #tpu.memory_space<vmem>>, %arg10: memref<128x8xf32, #tpu.memory_space<vmem>>, %arg11: memref<128x8xf32, #tpu.memory_space<vmem>>, %arg12: memref<128x8xf32, #tpu.memory_space<vmem>>, %arg13: memref<128x128xf32, #tpu.memory_space<vmem>>, %arg14: memref<10240x8xf32, #tpu.memory_space<vmem_shared>>, %arg15: memref<10240x8xf32, #tpu.memory_space<vmem_shared>>, %arg16: memref<!tpu.dma_semaphore, #tpu.memory_space<semaphore_mem>>, %arg17: memref<!tpu.dma_semaphore, #tpu.memory_space<semaphore_mem>>, %arg18: memref<!tpu.dma_semaphore, #tpu.memory_space<semaphore_mem>>, %arg19: memref<!tpu.dma_semaphore, #tpu.memory_space<semaphore_mem>>, %arg20: memref<!tpu.dma_semaphore, #tpu.memory_space<semaphore_mem>>, %arg21: memref<!tpu.dma_semaphore, #tpu.memory_space<semaphore_mem>>, %arg22: memref<!tpu.dma_semaphore, #tpu.memory_space<semaphore_mem>>, %arg23: memref<!tpu.dma_semaphore, #tpu.memory_space<semaphore_mem>>) attributes {dimension_semantics = [#tpu.dimension_semantics<core_parallel>, #tpu.dimension_semantics<subcore_parallel>], iteration_bounds = array<i64: 2, 16>, scalar_prefetch = 0 : i64, scratch_operands = 18 : i64, tpu.core_type = #tpu.core_type<sc_vector_subcore>, window_params = [{transform_indices = #map}, {transform_indices = #map1}, {transform_indices = #map1}, {transform_indices = #map2}]} {
    %mul3A = arith.constant 16 : i32
    %mul3A_0 = arith.muli %arg0, %mul3A : i32
    %add3A = arith.addi %mul3A_0, %arg1 : i32
    %dma_start3A = arith.constant 0 : i32
    %dma_start3A_1 = arith.constant 0 : i32
    %dma_start3A_2 = arith.constant 0 : i32
    %dma_start3A_3 = arith.constant 0 : i32
    %dma_start3A_4 = tpu.memref_slice %arg2[%dma_start3A, %dma_start3A_1, %dma_start3A_2, %dma_start3A_3] : memref<2x32x80x125xi32, #tpu.memory_space<hbm>> -> memref<1x32x80x125xi32, #tpu.memory_space<hbm>>
    %dma_start3A_5 = tpu.memref_squeeze %dma_start3A_4 : memref<1x32x80x125xi32, #tpu.memory_space<hbm>> -> memref<32x80x125xi32, #tpu.memory_space<hbm>>
    %dma_start3A_6 = arith.constant 0 : i32
    %dma_start3A_7 = arith.constant 0 : i32
    %dma_start3A_8 = tpu.memref_slice %dma_start3A_5[%add3A, %dma_start3A_6, %dma_start3A_7] : memref<32x80x125xi32, #tpu.memory_space<hbm>> -> memref<1x80x125xi32, #tpu.memory_space<hbm>>
    %dma_start3A_9 = tpu.memref_squeeze %dma_start3A_8 : memref<1x80x125xi32, #tpu.memory_space<hbm>> -> memref<80x125xi32, #tpu.memory_space<hbm>>
    %dma_start3A_10 = arith.constant 0 : i32
    %dma_start3A_11 = arith.constant 0 : i32
    %dma_start3A_12 = arith.constant 0 : i32
    %dma_start3A_13 = tpu.memref_slice %arg2[%dma_start3A, %dma_start3A_10, %dma_start3A_11, %dma_start3A_12] : memref<2x32x80x125xi32, #tpu.memory_space<hbm>> -> memref<1x32x80x125xi32, #tpu.memory_space<hbm>>
    %dma_start3A_14 = tpu.memref_squeeze %dma_start3A_13 : memref<1x32x80x125xi32, #tpu.memory_space<hbm>> -> memref<32x80x125xi32, #tpu.memory_space<hbm>>
    %dma_start3A_15 = arith.constant 0 : i32
    %dma_start3A_16 = arith.constant 0 : i32
    %dma_start3A_17 = tpu.memref_slice %dma_start3A_14[%add3A, %dma_start3A_15, %dma_start3A_16] : memref<32x80x125xi32, #tpu.memory_space<hbm>> -> memref<1x80x125xi32, #tpu.memory_space<hbm>>
    %dma_start3A_18 = tpu.memref_squeeze %dma_start3A_17 : memref<1x80x125xi32, #tpu.memory_space<hbm>> -> memref<80x125xi32, #tpu.memory_space<hbm>>
    tpu.enqueue_dma source(%dma_start3A_18 : memref<80x125xi32, #tpu.memory_space<hbm>>) target(%arg6 : memref<80x125xi32, #tpu.memory_space<vmem>>) target_semaphore(%arg20 : memref<!tpu.dma_semaphore, #tpu.memory_space<semaphore_mem>>)
    %dma_start3A_19 = arith.constant 1 : i32
    %dma_start3A_20 = arith.constant 0 : i32
    %dma_start3A_21 = arith.constant 0 : i32
    %dma_start3A_22 = arith.constant 0 : i32
    %dma_start3A_23 = tpu.memref_slice %arg2[%dma_start3A_19, %dma_start3A_20, %dma_start3A_21, %dma_start3A_22] : memref<2x32x80x125xi32, #tpu.memory_space<hbm>> -> memref<1x32x80x125xi32, #tpu.memory_space<hbm>>
    %dma_start3A_24 = tpu.memref_squeeze %dma_start3A_23 : memref<1x32x80x125xi32, #tpu.memory_space<hbm>> -> memref<32x80x125xi32, #tpu.memory_space<hbm>>
    %dma_start3A_25 = arith.constant 0 : i32
    %dma_start3A_26 = arith.constant 0 : i32
    %dma_start3A_27 = tpu.memref_slice %dma_start3A_24[%add3A, %dma_start3A_25, %dma_start3A_26] : memref<32x80x125xi32, #tpu.memory_space<hbm>> -> memref<1x80x125xi32, #tpu.memory_space<hbm>>
    %dma_start3A_28 = tpu.memref_squeeze %dma_start3A_27 : memref<1x80x125xi32, #tpu.memory_space<hbm>> -> memref<80x125xi32, #tpu.memory_space<hbm>>
    %dma_start3A_29 = arith.constant 0 : i32
    %dma_start3A_30 = arith.constant 0 : i32
    %dma_start3A_31 = arith.constant 0 : i32
    %dma_start3A_32 = tpu.memref_slice %arg2[%dma_start3A_19, %dma_start3A_29, %dma_start3A_30, %dma_start3A_31] : memref<2x32x80x125xi32, #tpu.memory_space<hbm>> -> memref<1x32x80x125xi32, #tpu.memory_space<hbm>>
    %dma_start3A_33 = tpu.memref_squeeze %dma_start3A_32 : memref<1x32x80x125xi32, #tpu.memory_space<hbm>> -> memref<32x80x125xi32, #tpu.memory_space<hbm>>
    %dma_start3A_34 = arith.constant 0 : i32
    %dma_start3A_35 = arith.constant 0 : i32
    %dma_start3A_36 = tpu.memref_slice %dma_start3A_33[%add3A, %dma_start3A_34, %dma_start3A_35] : memref<32x80x125xi32, #tpu.memory_space<hbm>> -> memref<1x80x125xi32, #tpu.memory_space<hbm>>
    %dma_start3A_37 = tpu.memref_squeeze %dma_start3A_36 : memref<1x80x125xi32, #tpu.memory_space<hbm>> -> memref<80x125xi32, #tpu.memory_space<hbm>>
    tpu.enqueue_dma source(%dma_start3A_37 : memref<80x125xi32, #tpu.memory_space<hbm>>) target(%arg7 : memref<80x125xi32, #tpu.memory_space<vmem>>) target_semaphore(%arg21 : memref<!tpu.dma_semaphore, #tpu.memory_space<semaphore_mem>>)
    "tpu.region"() ({
      %run_scoped3A = tpu.sem_alloc : memref<!tpu.dma_semaphore, #tpu.memory_space<semaphore_mem>>
      tpu.enqueue_dma source(%arg3 : memref<128x8xf32, #tpu.memory_space<hbm>>) target(%arg12 : memref<128x8xf32, #tpu.memory_space<vmem>>) target_semaphore(%run_scoped3A : memref<!tpu.dma_semaphore, #tpu.memory_space<semaphore_mem>>)
      tpu.wait_dma2 semaphore(%run_scoped3A : memref<!tpu.dma_semaphore, #tpu.memory_space<semaphore_mem>>) src(%arg3 : memref<128x8xf32, #tpu.memory_space<hbm>>) dst(%arg12 : memref<128x8xf32, #tpu.memory_space<vmem>>)
      tpu.yield
    }) : () -> ()
    "tpu.region"() ({
      %run_scoped3A = tpu.sem_alloc : memref<!tpu.dma_semaphore, #tpu.memory_space<semaphore_mem>>
      tpu.enqueue_dma source(%arg4 : memref<128x8xf32, #tpu.memory_space<hbm>>) target(%arg8 : memref<128x8xf32, #tpu.memory_space<vmem>>) target_semaphore(%run_scoped3A : memref<!tpu.dma_semaphore, #tpu.memory_space<semaphore_mem>>)
      tpu.wait_dma2 semaphore(%run_scoped3A : memref<!tpu.dma_semaphore, #tpu.memory_space<semaphore_mem>>) src(%arg4 : memref<128x8xf32, #tpu.memory_space<hbm>>) dst(%arg8 : memref<128x8xf32, #tpu.memory_space<vmem>>)
      tpu.yield
    }) : () -> ()
    %mul3A_38 = arith.constant 640 : i32
    %mul3A_39 = arith.muli %arg1, %mul3A_38 : i32
    %add3A_40 = arith.constant 0 : i32
    %add3A_41 = arith.addi %mul3A_39, %add3A_40 : i32
    %dma_start3A_42 = arith.constant 0 : i32
    %dma_start3A_43 = tpu.memref_slice %arg14[%add3A_41, %dma_start3A_42] : memref<10240x8xf32, #tpu.memory_space<vmem_shared>> -> memref<128x8xf32, #tpu.memory_space<vmem_shared>>
    %dma_start3A_44 = arith.constant 0 : i32
    %dma_start3A_45 = tpu.memref_slice %arg14[%add3A_41, %dma_start3A_44] : memref<10240x8xf32, #tpu.memory_space<vmem_shared>> -> memref<128x8xf32, #tpu.memory_space<vmem_shared>>
    tpu.enqueue_dma source(%arg12 : memref<128x8xf32, #tpu.memory_space<vmem>>) target(%dma_start3A_45 : memref<128x8xf32, #tpu.memory_space<vmem_shared>>) target_semaphore(%arg22 : memref<!tpu.dma_semaphore, #tpu.memory_space<semaphore_mem>>)
    %mul3A_46 = arith.constant 640 : i32
    %mul3A_47 = arith.muli %arg1, %mul3A_46 : i32
    %add3A_48 = arith.constant 128 : i32
    %add3A_49 = arith.addi %mul3A_47, %add3A_48 : i32
    %dma_start3A_50 = arith.constant 0 : i32
    %dma_start3A_51 = tpu.memref_slice %arg14[%add3A_49, %dma_start3A_50] : memref<10240x8xf32, #tpu.memory_space<vmem_shared>> -> memref<128x8xf32, #tpu.memory_space<vmem_shared>>
    %dma_start3A_52 = arith.constant 0 : i32
    %dma_start3A_53 = tpu.memref_slice %arg14[%add3A_49, %dma_start3A_52] : memref<10240x8xf32, #tpu.memory_space<vmem_shared>> -> memref<128x8xf32, #tpu.memory_space<vmem_shared>>
    tpu.enqueue_dma source(%arg12 : memref<128x8xf32, #tpu.memory_space<vmem>>) target(%dma_start3A_53 : memref<128x8xf32, #tpu.memory_space<vmem_shared>>) target_semaphore(%arg22 : memref<!tpu.dma_semaphore, #tpu.memory_space<semaphore_mem>>)
    %mul3A_54 = arith.constant 640 : i32
    %mul3A_55 = arith.muli %arg1, %mul3A_54 : i32
    %add3A_56 = arith.constant 256 : i32
    %add3A_57 = arith.addi %mul3A_55, %add3A_56 : i32
    %dma_start3A_58 = arith.constant 0 : i32
    %dma_start3A_59 = tpu.memref_slice %arg14[%add3A_57, %dma_start3A_58] : memref<10240x8xf32, #tpu.memory_space<vmem_shared>> -> memref<128x8xf32, #tpu.memory_space<vmem_shared>>
    %dma_start3A_60 = arith.constant 0 : i32
    %dma_start3A_61 = tpu.memref_slice %arg14[%add3A_57, %dma_start3A_60] : memref<10240x8xf32, #tpu.memory_space<vmem_shared>> -> memref<128x8xf32, #tpu.memory_space<vmem_shared>>
    tpu.enqueue_dma source(%arg12 : memref<128x8xf32, #tpu.memory_space<vmem>>) target(%dma_start3A_61 : memref<128x8xf32, #tpu.memory_space<vmem_shared>>) target_semaphore(%arg22 : memref<!tpu.dma_semaphore, #tpu.memory_space<semaphore_mem>>)
    %mul3A_62 = arith.constant 640 : i32
    %mul3A_63 = arith.muli %arg1, %mul3A_62 : i32
    %add3A_64 = arith.constant 384 : i32
    %add3A_65 = arith.addi %mul3A_63, %add3A_64 : i32
    %dma_start3A_66 = arith.constant 0 : i32
    %dma_start3A_67 = tpu.memref_slice %arg14[%add3A_65, %dma_start3A_66] : memref<10240x8xf32, #tpu.memory_space<vmem_shared>> -> memref<128x8xf32, #tpu.memory_space<vmem_shared>>
    %dma_start3A_68 = arith.constant 0 : i32
    %dma_start3A_69 = tpu.memref_slice %arg14[%add3A_65, %dma_start3A_68] : memref<10240x8xf32, #tpu.memory_space<vmem_shared>> -> memref<128x8xf32, #tpu.memory_space<vmem_shared>>
    tpu.enqueue_dma source(%arg12 : memref<128x8xf32, #tpu.memory_space<vmem>>) target(%dma_start3A_69 : memref<128x8xf32, #tpu.memory_space<vmem_shared>>) target_semaphore(%arg22 : memref<!tpu.dma_semaphore, #tpu.memory_space<semaphore_mem>>)
    %mul3A_70 = arith.constant 640 : i32
    %mul3A_71 = arith.muli %arg1, %mul3A_70 : i32
    %add3A_72 = arith.constant 512 : i32
    %add3A_73 = arith.addi %mul3A_71, %add3A_72 : i32
    %dma_start3A_74 = arith.constant 0 : i32
    %dma_start3A_75 = tpu.memref_slice %arg14[%add3A_73, %dma_start3A_74] : memref<10240x8xf32, #tpu.memory_space<vmem_shared>> -> memref<128x8xf32, #tpu.memory_space<vmem_shared>>
    %dma_start3A_76 = arith.constant 0 : i32
    %dma_start3A_77 = tpu.memref_slice %arg14[%add3A_73, %dma_start3A_76] : memref<10240x8xf32, #tpu.memory_space<vmem_shared>> -> memref<128x8xf32, #tpu.memory_space<vmem_shared>>
    tpu.enqueue_dma source(%arg12 : memref<128x8xf32, #tpu.memory_space<vmem>>) target(%dma_start3A_77 : memref<128x8xf32, #tpu.memory_space<vmem_shared>>) target_semaphore(%arg22 : memref<!tpu.dma_semaphore, #tpu.memory_space<semaphore_mem>>)
    %dma_wait3A = arith.constant 0 : i32
    %dma_wait3A_78 = arith.constant 0 : i32
    %dma_wait3A_79 = arith.constant 0 : i32
    %dma_wait3A_80 = arith.constant 0 : i32
    %dma_wait3A_81 = tpu.memref_slice %arg2[%dma_wait3A, %dma_wait3A_78, %dma_wait3A_79, %dma_wait3A_80] : memref<2x32x80x125xi32, #tpu.memory_space<hbm>> -> memref<1x32x80x125xi32, #tpu.memory_space<hbm>>
    %dma_wait3A_82 = tpu.memref_squeeze %dma_wait3A_81 : memref<1x32x80x125xi32, #tpu.memory_space<hbm>> -> memref<32x80x125xi32, #tpu.memory_space<hbm>>
    %dma_wait3A_83 = arith.constant 0 : i32
    %dma_wait3A_84 = arith.constant 0 : i32
    %dma_wait3A_85 = tpu.memref_slice %dma_wait3A_82[%add3A, %dma_wait3A_83, %dma_wait3A_84] : memref<32x80x125xi32, #tpu.memory_space<hbm>> -> memref<1x80x125xi32, #tpu.memory_space<hbm>>
    %dma_wait3A_86 = tpu.memref_squeeze %dma_wait3A_85 : memref<1x80x125xi32, #tpu.memory_space<hbm>> -> memref<80x125xi32, #tpu.memory_space<hbm>>
    %dma_wait3A_87 = arith.constant 0 : i32
    %dma_wait3A_88 = arith.constant 0 : i32
    %dma_wait3A_89 = arith.constant 0 : i32
    %dma_wait3A_90 = tpu.memref_slice %arg2[%dma_wait3A, %dma_wait3A_87, %dma_wait3A_88, %dma_wait3A_89] : memref<2x32x80x125xi32, #tpu.memory_space<hbm>> -> memref<1x32x80x125xi32, #tpu.memory_space<hbm>>
    %dma_wait3A_91 = tpu.memref_squeeze %dma_wait3A_90 : memref<1x32x80x125xi32, #tpu.memory_space<hbm>> -> memref<32x80x125xi32, #tpu.memory_space<hbm>>
    %dma_wait3A_92 = arith.constant 0 : i32
    %dma_wait3A_93 = arith.constant 0 : i32
    %dma_wait3A_94 = tpu.memref_slice %dma_wait3A_91[%add3A, %dma_wait3A_92, %dma_wait3A_93] : memref<32x80x125xi32, #tpu.memory_space<hbm>> -> memref<1x80x125xi32, #tpu.memory_space<hbm>>
    %dma_wait3A_95 = tpu.memref_squeeze %dma_wait3A_94 : memref<1x80x125xi32, #tpu.memory_space<hbm>> -> memref<80x125xi32, #tpu.memory_space<hbm>>
    tpu.wait_dma2 semaphore(%arg20 : memref<!tpu.dma_semaphore, #tpu.memory_space<semaphore_mem>>) src(%dma_wait3A_95 : memref<80x125xi32, #tpu.memory_space<hbm>>) dst(%arg6 : memref<80x125xi32, #tpu.memory_space<vmem>>)
    %dma_wait3A_96 = arith.constant 1 : i32
    %dma_wait3A_97 = arith.constant 0 : i32
    %dma_wait3A_98 = arith.constant 0 : i32
    %dma_wait3A_99 = arith.constant 0 : i32
    %dma_wait3A_100 = tpu.memref_slice %arg2[%dma_wait3A_96, %dma_wait3A_97, %dma_wait3A_98, %dma_wait3A_99] : memref<2x32x80x125xi32, #tpu.memory_space<hbm>> -> memref<1x32x80x125xi32, #tpu.memory_space<hbm>>
    %dma_wait3A_101 = tpu.memref_squeeze %dma_wait3A_100 : memref<1x32x80x125xi32, #tpu.memory_space<hbm>> -> memref<32x80x125xi32, #tpu.memory_space<hbm>>
    %dma_wait3A_102 = arith.constant 0 : i32
    %dma_wait3A_103 = arith.constant 0 : i32
    %dma_wait3A_104 = tpu.memref_slice %dma_wait3A_101[%add3A, %dma_wait3A_102, %dma_wait3A_103] : memref<32x80x125xi32, #tpu.memory_space<hbm>> -> memref<1x80x125xi32, #tpu.memory_space<hbm>>
    %dma_wait3A_105 = tpu.memref_squeeze %dma_wait3A_104 : memref<1x80x125xi32, #tpu.memory_space<hbm>> -> memref<80x125xi32, #tpu.memory_space<hbm>>
    %dma_wait3A_106 = arith.constant 0 : i32
    %dma_wait3A_107 = arith.constant 0 : i32
    %dma_wait3A_108 = arith.constant 0 : i32
    %dma_wait3A_109 = tpu.memref_slice %arg2[%dma_wait3A_96, %dma_wait3A_106, %dma_wait3A_107, %dma_wait3A_108] : memref<2x32x80x125xi32, #tpu.memory_space<hbm>> -> memref<1x32x80x125xi32, #tpu.memory_space<hbm>>
    %dma_wait3A_110 = tpu.memref_squeeze %dma_wait3A_109 : memref<1x32x80x125xi32, #tpu.memory_space<hbm>> -> memref<32x80x125xi32, #tpu.memory_space<hbm>>
    %dma_wait3A_111 = arith.constant 0 : i32
    %dma_wait3A_112 = arith.constant 0 : i32
    %dma_wait3A_113 = tpu.memref_slice %dma_wait3A_110[%add3A, %dma_wait3A_111, %dma_wait3A_112] : memref<32x80x125xi32, #tpu.memory_space<hbm>> -> memref<1x80x125xi32, #tpu.memory_space<hbm>>
    %dma_wait3A_114 = tpu.memref_squeeze %dma_wait3A_113 : memref<1x80x125xi32, #tpu.memory_space<hbm>> -> memref<80x125xi32, #tpu.memory_space<hbm>>
    tpu.wait_dma2 semaphore(%arg21 : memref<!tpu.dma_semaphore, #tpu.memory_space<semaphore_mem>>) src(%dma_wait3A_114 : memref<80x125xi32, #tpu.memory_space<hbm>>) dst(%arg7 : memref<80x125xi32, #tpu.memory_space<vmem>>)
    %mul3A_115 = arith.constant 640 : i32
    %mul3A_116 = arith.muli %arg1, %mul3A_115 : i32
    %add3A_117 = arith.constant 0 : i32
    %add3A_118 = arith.addi %mul3A_116, %add3A_117 : i32
    %dma_wait3A_119 = arith.constant 0 : i32
    %dma_wait3A_120 = tpu.memref_slice %arg14[%add3A_118, %dma_wait3A_119] : memref<10240x8xf32, #tpu.memory_space<vmem_shared>> -> memref<128x8xf32, #tpu.memory_space<vmem_shared>>
    %dma_wait3A_121 = arith.constant 0 : i32
    %dma_wait3A_122 = tpu.memref_slice %arg14[%add3A_118, %dma_wait3A_121] : memref<10240x8xf32, #tpu.memory_space<vmem_shared>> -> memref<128x8xf32, #tpu.memory_space<vmem_shared>>
    tpu.wait_dma2 semaphore(%arg22 : memref<!tpu.dma_semaphore, #tpu.memory_space<semaphore_mem>>) src(%arg12 : memref<128x8xf32, #tpu.memory_space<vmem>>) dst(%dma_wait3A_122 : memref<128x8xf32, #tpu.memory_space<vmem_shared>>)
    %mul3A_123 = arith.constant 640 : i32
    %mul3A_124 = arith.muli %arg1, %mul3A_123 : i32
    %add3A_125 = arith.constant 128 : i32
    %add3A_126 = arith.addi %mul3A_124, %add3A_125 : i32
    %dma_wait3A_127 = arith.constant 0 : i32
    %dma_wait3A_128 = tpu.memref_slice %arg14[%add3A_126, %dma_wait3A_127] : memref<10240x8xf32, #tpu.memory_space<vmem_shared>> -> memref<128x8xf32, #tpu.memory_space<vmem_shared>>
    %dma_wait3A_129 = arith.constant 0 : i32
    %dma_wait3A_130 = tpu.memref_slice %arg14[%add3A_126, %dma_wait3A_129] : memref<10240x8xf32, #tpu.memory_space<vmem_shared>> -> memref<128x8xf32, #tpu.memory_space<vmem_shared>>
    tpu.wait_dma2 semaphore(%arg22 : memref<!tpu.dma_semaphore, #tpu.memory_space<semaphore_mem>>) src(%arg12 : memref<128x8xf32, #tpu.memory_space<vmem>>) dst(%dma_wait3A_130 : memref<128x8xf32, #tpu.memory_space<vmem_shared>>)
    %mul3A_131 = arith.constant 640 : i32
    %mul3A_132 = arith.muli %arg1, %mul3A_131 : i32
    %add3A_133 = arith.constant 256 : i32
    %add3A_134 = arith.addi %mul3A_132, %add3A_133 : i32
    %dma_wait3A_135 = arith.constant 0 : i32
    %dma_wait3A_136 = tpu.memref_slice %arg14[%add3A_134, %dma_wait3A_135] : memref<10240x8xf32, #tpu.memory_space<vmem_shared>> -> memref<128x8xf32, #tpu.memory_space<vmem_shared>>
    %dma_wait3A_137 = arith.constant 0 : i32
    %dma_wait3A_138 = tpu.memref_slice %arg14[%add3A_134, %dma_wait3A_137] : memref<10240x8xf32, #tpu.memory_space<vmem_shared>> -> memref<128x8xf32, #tpu.memory_space<vmem_shared>>
    tpu.wait_dma2 semaphore(%arg22 : memref<!tpu.dma_semaphore, #tpu.memory_space<semaphore_mem>>) src(%arg12 : memref<128x8xf32, #tpu.memory_space<vmem>>) dst(%dma_wait3A_138 : memref<128x8xf32, #tpu.memory_space<vmem_shared>>)
    %mul3A_139 = arith.constant 640 : i32
    %mul3A_140 = arith.muli %arg1, %mul3A_139 : i32
    %add3A_141 = arith.constant 384 : i32
    %add3A_142 = arith.addi %mul3A_140, %add3A_141 : i32
    %dma_wait3A_143 = arith.constant 0 : i32
    %dma_wait3A_144 = tpu.memref_slice %arg14[%add3A_142, %dma_wait3A_143] : memref<10240x8xf32, #tpu.memory_space<vmem_shared>> -> memref<128x8xf32, #tpu.memory_space<vmem_shared>>
    %dma_wait3A_145 = arith.constant 0 : i32
    %dma_wait3A_146 = tpu.memref_slice %arg14[%add3A_142, %dma_wait3A_145] : memref<10240x8xf32, #tpu.memory_space<vmem_shared>> -> memref<128x8xf32, #tpu.memory_space<vmem_shared>>
    tpu.wait_dma2 semaphore(%arg22 : memref<!tpu.dma_semaphore, #tpu.memory_space<semaphore_mem>>) src(%arg12 : memref<128x8xf32, #tpu.memory_space<vmem>>) dst(%dma_wait3A_146 : memref<128x8xf32, #tpu.memory_space<vmem_shared>>)
    %mul3A_147 = arith.constant 640 : i32
    %mul3A_148 = arith.muli %arg1, %mul3A_147 : i32
    %add3A_149 = arith.constant 512 : i32
    %add3A_150 = arith.addi %mul3A_148, %add3A_149 : i32
    %dma_wait3A_151 = arith.constant 0 : i32
    %dma_wait3A_152 = tpu.memref_slice %arg14[%add3A_150, %dma_wait3A_151] : memref<10240x8xf32, #tpu.memory_space<vmem_shared>> -> memref<128x8xf32, #tpu.memory_space<vmem_shared>>
    %dma_wait3A_153 = arith.constant 0 : i32
    %dma_wait3A_154 = tpu.memref_slice %arg14[%add3A_150, %dma_wait3A_153] : memref<10240x8xf32, #tpu.memory_space<vmem_shared>> -> memref<128x8xf32, #tpu.memory_space<vmem_shared>>
    tpu.wait_dma2 semaphore(%arg22 : memref<!tpu.dma_semaphore, #tpu.memory_space<semaphore_mem>>) src(%arg12 : memref<128x8xf32, #tpu.memory_space<vmem>>) dst(%dma_wait3A_154 : memref<128x8xf32, #tpu.memory_space<vmem_shared>>)
    %barrier3A = arith.constant 0 : index
    tpu.barrier barrier_id(%barrier3A)
    %scan3A = arith.constant 0 : i32
    %scan3A_155 = arith.constant 0 : i32
    %scan3A_156 = arith.constant 40 : i32
    %scan3A_157 = arith.addi %scan3A_155, %scan3A_156 : i32
    %scan3A_158 = arith.constant 1 : i32
    scf.for %scan3A_401 = %scan3A_155 to %scan3A_157 step %scan3A_158  : i32 {
      %mul3A_402 = arith.constant 2 : i32
      %mul3A_403 = arith.muli %mul3A_402, %scan3A_401 : i32
      %add3A_404 = arith.constant 0 : i32
      %add3A_405 = arith.addi %mul3A_403, %add3A_404 : i32
      %ge3A = arith.constant 2 : i32
      %ge3A_406 = arith.cmpi sge, %add3A_405, %ge3A : i32
      %convert_element_type3A = arith.extui %ge3A_406 : i1 to i32
      %cond3A = arith.constant 0 : i32
      %cond3A_407 = arith.cmpi ne, %convert_element_type3A, %cond3A : i32
      scf.if %cond3A_407 {
        %sub3A = arith.constant 2 : i32
        %sub3A_435 = arith.subi %add3A_405, %sub3A : i32
        %dma_wait3A_436 = arith.constant 0 : i32
        %dma_wait3A_437 = arith.constant 0 : i32
        %dma_wait3A_438 = tpu.memref_slice %arg8[%dma_wait3A_436, %dma_wait3A_437] : memref<128x8xf32, #tpu.memory_space<vmem>> -> memref<125x8xf32, #tpu.memory_space<vmem>>
        %dma_wait3A_439 = arith.constant 0 : i32
        %dma_wait3A_440 = tpu.memref_slice %arg7[%sub3A_435, %dma_wait3A_439] : memref<80x125xi32, #tpu.memory_space<vmem>> -> memref<1x125xi32, #tpu.memory_space<vmem>>
        %dma_wait3A_441 = tpu.memref_squeeze %dma_wait3A_440 : memref<1x125xi32, #tpu.memory_space<vmem>> -> memref<125xi32, #tpu.memory_space<vmem>>
        %dma_wait3A_442 = arith.constant 0 : i32
        %dma_wait3A_443 = arith.constant 0 : i32
        %dma_wait3A_444 = tpu.memref_slice %arg14[%dma_wait3A_442, %dma_wait3A_443] : memref<10240x8xf32, #tpu.memory_space<vmem_shared>> -> memref<10240x8xf32, #tpu.memory_space<vmem_shared>>
        tpu.wait_indirect_dma semaphore(%arg20 : memref<!tpu.dma_semaphore, #tpu.memory_space<semaphore_mem>>) src(%dma_wait3A_438 : memref<125x8xf32, #tpu.memory_space<vmem>>) dst(%dma_wait3A_444 : memref<10240x8xf32, #tpu.memory_space<vmem_shared>>)
      } else {
      }
      %dma_start3A_408 = arith.constant 0 : i32
      %dma_start3A_409 = arith.constant 0 : i32
      %dma_start3A_410 = tpu.memref_slice %arg8[%dma_start3A_408, %dma_start3A_409] : memref<128x8xf32, #tpu.memory_space<vmem>> -> memref<125x8xf32, #tpu.memory_space<vmem>>
      %dma_start3A_411 = arith.constant 0 : i32
      %dma_start3A_412 = tpu.memref_slice %arg7[%add3A_405, %dma_start3A_411] : memref<80x125xi32, #tpu.memory_space<vmem>> -> memref<1x125xi32, #tpu.memory_space<vmem>>
      %dma_start3A_413 = tpu.memref_squeeze %dma_start3A_412 : memref<1x125xi32, #tpu.memory_space<vmem>> -> memref<125xi32, #tpu.memory_space<vmem>>
      %dma_start3A_414 = arith.constant 0 : i32
      %dma_start3A_415 = arith.constant 0 : i32
      %dma_start3A_416 = tpu.memref_slice %arg14[%dma_start3A_414, %dma_start3A_415] : memref<10240x8xf32, #tpu.memory_space<vmem_shared>> -> memref<10240x8xf32, #tpu.memory_space<vmem_shared>>
      tpu.enqueue_indirect_dma source(%dma_start3A_410 : memref<125x8xf32, #tpu.memory_space<vmem>>) target(%dma_start3A_416 : memref<10240x8xf32, #tpu.memory_space<vmem_shared>>) offsets(%dma_start3A_413 : memref<125xi32, #tpu.memory_space<vmem>>) semaphore(%arg20 : memref<!tpu.dma_semaphore, #tpu.memory_space<semaphore_mem>>) {add = true}
      %mul3A_417 = arith.constant 2 : i32
      %mul3A_418 = arith.muli %mul3A_417, %scan3A_401 : i32
      %add3A_419 = arith.constant 1 : i32
      %add3A_420 = arith.addi %mul3A_418, %add3A_419 : i32
      %ge3A_421 = arith.constant 2 : i32
      %ge3A_422 = arith.cmpi sge, %add3A_420, %ge3A_421 : i32
      %convert_element_type3A_423 = arith.extui %ge3A_422 : i1 to i32
      %cond3A_424 = arith.constant 0 : i32
      %cond3A_425 = arith.cmpi ne, %convert_element_type3A_423, %cond3A_424 : i32
      scf.if %cond3A_425 {
        %sub3A = arith.constant 2 : i32
        %sub3A_435 = arith.subi %add3A_420, %sub3A : i32
        %dma_wait3A_436 = arith.constant 0 : i32
        %dma_wait3A_437 = arith.constant 0 : i32
        %dma_wait3A_438 = tpu.memref_slice %arg8[%dma_wait3A_436, %dma_wait3A_437] : memref<128x8xf32, #tpu.memory_space<vmem>> -> memref<125x8xf32, #tpu.memory_space<vmem>>
        %dma_wait3A_439 = arith.constant 0 : i32
        %dma_wait3A_440 = tpu.memref_slice %arg7[%sub3A_435, %dma_wait3A_439] : memref<80x125xi32, #tpu.memory_space<vmem>> -> memref<1x125xi32, #tpu.memory_space<vmem>>
        %dma_wait3A_441 = tpu.memref_squeeze %dma_wait3A_440 : memref<1x125xi32, #tpu.memory_space<vmem>> -> memref<125xi32, #tpu.memory_space<vmem>>
        %dma_wait3A_442 = arith.constant 0 : i32
        %dma_wait3A_443 = arith.constant 0 : i32
        %dma_wait3A_444 = tpu.memref_slice %arg14[%dma_wait3A_442, %dma_wait3A_443] : memref<10240x8xf32, #tpu.memory_space<vmem_shared>> -> memref<10240x8xf32, #tpu.memory_space<vmem_shared>>
        tpu.wait_indirect_dma semaphore(%arg21 : memref<!tpu.dma_semaphore, #tpu.memory_space<semaphore_mem>>) src(%dma_wait3A_438 : memref<125x8xf32, #tpu.memory_space<vmem>>) dst(%dma_wait3A_444 : memref<10240x8xf32, #tpu.memory_space<vmem_shared>>)
      } else {
      }
      %dma_start3A_426 = arith.constant 0 : i32
      %dma_start3A_427 = arith.constant 0 : i32
      %dma_start3A_428 = tpu.memref_slice %arg8[%dma_start3A_426, %dma_start3A_427] : memref<128x8xf32, #tpu.memory_space<vmem>> -> memref<125x8xf32, #tpu.memory_space<vmem>>
      %dma_start3A_429 = arith.constant 0 : i32
      %dma_start3A_430 = tpu.memref_slice %arg7[%add3A_420, %dma_start3A_429] : memref<80x125xi32, #tpu.memory_space<vmem>> -> memref<1x125xi32, #tpu.memory_space<vmem>>
      %dma_start3A_431 = tpu.memref_squeeze %dma_start3A_430 : memref<1x125xi32, #tpu.memory_space<vmem>> -> memref<125xi32, #tpu.memory_space<vmem>>
      %dma_start3A_432 = arith.constant 0 : i32
      %dma_start3A_433 = arith.constant 0 : i32
      %dma_start3A_434 = tpu.memref_slice %arg14[%dma_start3A_432, %dma_start3A_433] : memref<10240x8xf32, #tpu.memory_space<vmem_shared>> -> memref<10240x8xf32, #tpu.memory_space<vmem_shared>>
      tpu.enqueue_indirect_dma source(%dma_start3A_428 : memref<125x8xf32, #tpu.memory_space<vmem>>) target(%dma_start3A_434 : memref<10240x8xf32, #tpu.memory_space<vmem_shared>>) offsets(%dma_start3A_431 : memref<125xi32, #tpu.memory_space<vmem>>) semaphore(%arg21 : memref<!tpu.dma_semaphore, #tpu.memory_space<semaphore_mem>>) {add = true}
    }
    %scan3A_159 = arith.constant 40 : i32
    %dma_wait3A_160 = arith.constant 78 : i32
    %dma_wait3A_161 = arith.constant 0 : i32
    %dma_wait3A_162 = arith.constant 0 : i32
    %dma_wait3A_163 = tpu.memref_slice %arg8[%dma_wait3A_161, %dma_wait3A_162] : memref<128x8xf32, #tpu.memory_space<vmem>> -> memref<125x8xf32, #tpu.memory_space<vmem>>
    %dma_wait3A_164 = arith.constant 0 : i32
    %dma_wait3A_165 = tpu.memref_slice %arg7[%dma_wait3A_160, %dma_wait3A_164] : memref<80x125xi32, #tpu.memory_space<vmem>> -> memref<1x125xi32, #tpu.memory_space<vmem>>
    %dma_wait3A_166 = tpu.memref_squeeze %dma_wait3A_165 : memref<1x125xi32, #tpu.memory_space<vmem>> -> memref<125xi32, #tpu.memory_space<vmem>>
    %dma_wait3A_167 = arith.constant 0 : i32
    %dma_wait3A_168 = arith.constant 0 : i32
    %dma_wait3A_169 = tpu.memref_slice %arg14[%dma_wait3A_167, %dma_wait3A_168] : memref<10240x8xf32, #tpu.memory_space<vmem_shared>> -> memref<10240x8xf32, #tpu.memory_space<vmem_shared>>
    tpu.wait_indirect_dma semaphore(%arg20 : memref<!tpu.dma_semaphore, #tpu.memory_space<semaphore_mem>>) src(%dma_wait3A_163 : memref<125x8xf32, #tpu.memory_space<vmem>>) dst(%dma_wait3A_169 : memref<10240x8xf32, #tpu.memory_space<vmem_shared>>)
    %dma_wait3A_170 = arith.constant 79 : i32
    %dma_wait3A_171 = arith.constant 0 : i32
    %dma_wait3A_172 = arith.constant 0 : i32
    %dma_wait3A_173 = tpu.memref_slice %arg8[%dma_wait3A_171, %dma_wait3A_172] : memref<128x8xf32, #tpu.memory_space<vmem>> -> memref<125x8xf32, #tpu.memory_space<vmem>>
    %dma_wait3A_174 = arith.constant 0 : i32
    %dma_wait3A_175 = tpu.memref_slice %arg7[%dma_wait3A_170, %dma_wait3A_174] : memref<80x125xi32, #tpu.memory_space<vmem>> -> memref<1x125xi32, #tpu.memory_space<vmem>>
    %dma_wait3A_176 = tpu.memref_squeeze %dma_wait3A_175 : memref<1x125xi32, #tpu.memory_space<vmem>> -> memref<125xi32, #tpu.memory_space<vmem>>
    %dma_wait3A_177 = arith.constant 0 : i32
    %dma_wait3A_178 = arith.constant 0 : i32
    %dma_wait3A_179 = tpu.memref_slice %arg14[%dma_wait3A_177, %dma_wait3A_178] : memref<10240x8xf32, #tpu.memory_space<vmem_shared>> -> memref<10240x8xf32, #tpu.memory_space<vmem_shared>>
    tpu.wait_indirect_dma semaphore(%arg21 : memref<!tpu.dma_semaphore, #tpu.memory_space<semaphore_mem>>) src(%dma_wait3A_173 : memref<125x8xf32, #tpu.memory_space<vmem>>) dst(%dma_wait3A_179 : memref<10240x8xf32, #tpu.memory_space<vmem_shared>>)
    %barrier3A_180 = arith.constant 0 : index
    tpu.barrier barrier_id(%barrier3A_180)
    %mul3A_181 = arith.constant 640 : i32
    %mul3A_182 = arith.muli %arg1, %mul3A_181 : i32
    %add3A_183 = arith.constant 0 : i32
    %add3A_184 = arith.addi %mul3A_182, %add3A_183 : i32
    %dma_start3A_185 = arith.constant 0 : i32
    %dma_start3A_186 = tpu.memref_slice %arg14[%add3A_184, %dma_start3A_185] : memref<10240x8xf32, #tpu.memory_space<vmem_shared>> -> memref<128x8xf32, #tpu.memory_space<vmem_shared>>
    %dma_start3A_187 = arith.constant 0 : i32
    %dma_start3A_188 = tpu.memref_slice %arg14[%add3A_184, %dma_start3A_187] : memref<10240x8xf32, #tpu.memory_space<vmem_shared>> -> memref<128x8xf32, #tpu.memory_space<vmem_shared>>
    tpu.enqueue_dma source(%dma_start3A_188 : memref<128x8xf32, #tpu.memory_space<vmem_shared>>) target(%arg8 : memref<128x8xf32, #tpu.memory_space<vmem>>) target_semaphore(%arg20 : memref<!tpu.dma_semaphore, #tpu.memory_space<semaphore_mem>>)
    %mul3A_189 = arith.constant 640 : i32
    %mul3A_190 = arith.muli %arg1, %mul3A_189 : i32
    %add3A_191 = arith.constant 128 : i32
    %add3A_192 = arith.addi %mul3A_190, %add3A_191 : i32
    %dma_start3A_193 = arith.constant 0 : i32
    %dma_start3A_194 = tpu.memref_slice %arg14[%add3A_192, %dma_start3A_193] : memref<10240x8xf32, #tpu.memory_space<vmem_shared>> -> memref<128x8xf32, #tpu.memory_space<vmem_shared>>
    %dma_start3A_195 = arith.constant 0 : i32
    %dma_start3A_196 = tpu.memref_slice %arg14[%add3A_192, %dma_start3A_195] : memref<10240x8xf32, #tpu.memory_space<vmem_shared>> -> memref<128x8xf32, #tpu.memory_space<vmem_shared>>
    tpu.enqueue_dma source(%dma_start3A_196 : memref<128x8xf32, #tpu.memory_space<vmem_shared>>) target(%arg9 : memref<128x8xf32, #tpu.memory_space<vmem>>) target_semaphore(%arg21 : memref<!tpu.dma_semaphore, #tpu.memory_space<semaphore_mem>>)
    %mul3A_197 = arith.constant 640 : i32
    %mul3A_198 = arith.muli %arg1, %mul3A_197 : i32
    %add3A_199 = arith.constant 256 : i32
    %add3A_200 = arith.addi %mul3A_198, %add3A_199 : i32
    %dma_start3A_201 = arith.constant 0 : i32
    %dma_start3A_202 = tpu.memref_slice %arg14[%add3A_200, %dma_start3A_201] : memref<10240x8xf32, #tpu.memory_space<vmem_shared>> -> memref<128x8xf32, #tpu.memory_space<vmem_shared>>
    %dma_start3A_203 = arith.constant 0 : i32
    %dma_start3A_204 = tpu.memref_slice %arg14[%add3A_200, %dma_start3A_203] : memref<10240x8xf32, #tpu.memory_space<vmem_shared>> -> memref<128x8xf32, #tpu.memory_space<vmem_shared>>
    tpu.enqueue_dma source(%dma_start3A_204 : memref<128x8xf32, #tpu.memory_space<vmem_shared>>) target(%arg10 : memref<128x8xf32, #tpu.memory_space<vmem>>) target_semaphore(%arg22 : memref<!tpu.dma_semaphore, #tpu.memory_space<semaphore_mem>>)
    %mul3A_205 = arith.constant 640 : i32
    %mul3A_206 = arith.muli %arg1, %mul3A_205 : i32
    %add3A_207 = arith.constant 384 : i32
    %add3A_208 = arith.addi %mul3A_206, %add3A_207 : i32
    %dma_start3A_209 = arith.constant 0 : i32
    %dma_start3A_210 = tpu.memref_slice %arg14[%add3A_208, %dma_start3A_209] : memref<10240x8xf32, #tpu.memory_space<vmem_shared>> -> memref<128x8xf32, #tpu.memory_space<vmem_shared>>
    %dma_start3A_211 = arith.constant 0 : i32
    %dma_start3A_212 = tpu.memref_slice %arg14[%add3A_208, %dma_start3A_211] : memref<10240x8xf32, #tpu.memory_space<vmem_shared>> -> memref<128x8xf32, #tpu.memory_space<vmem_shared>>
    tpu.enqueue_dma source(%dma_start3A_212 : memref<128x8xf32, #tpu.memory_space<vmem_shared>>) target(%arg11 : memref<128x8xf32, #tpu.memory_space<vmem>>) target_semaphore(%arg23 : memref<!tpu.dma_semaphore, #tpu.memory_space<semaphore_mem>>)
    %mul3A_213 = arith.constant 640 : i32
    %mul3A_214 = arith.muli %arg1, %mul3A_213 : i32
    %add3A_215 = arith.constant 512 : i32
    %add3A_216 = arith.addi %mul3A_214, %add3A_215 : i32
    %dma_start3A_217 = arith.constant 0 : i32
    %dma_start3A_218 = tpu.memref_slice %arg14[%add3A_216, %dma_start3A_217] : memref<10240x8xf32, #tpu.memory_space<vmem_shared>> -> memref<128x8xf32, #tpu.memory_space<vmem_shared>>
    %dma_start3A_219 = arith.constant 0 : i32
    %dma_start3A_220 = tpu.memref_slice %arg14[%add3A_216, %dma_start3A_219] : memref<10240x8xf32, #tpu.memory_space<vmem_shared>> -> memref<128x8xf32, #tpu.memory_space<vmem_shared>>
    tpu.enqueue_dma source(%dma_start3A_220 : memref<128x8xf32, #tpu.memory_space<vmem_shared>>) target(%arg12 : memref<128x8xf32, #tpu.memory_space<vmem>>) target_semaphore(%arg16 : memref<!tpu.dma_semaphore, #tpu.memory_space<semaphore_mem>>)
    %mul3A_221 = arith.constant 640 : i32
    %mul3A_222 = arith.muli %arg1, %mul3A_221 : i32
    %add3A_223 = arith.constant 0 : i32
    %add3A_224 = arith.addi %mul3A_222, %add3A_223 : i32
    %dma_wait3A_225 = arith.constant 0 : i32
    %dma_wait3A_226 = tpu.memref_slice %arg14[%add3A_224, %dma_wait3A_225] : memref<10240x8xf32, #tpu.memory_space<vmem_shared>> -> memref<128x8xf32, #tpu.memory_space<vmem_shared>>
    %dma_wait3A_227 = arith.constant 0 : i32
    %dma_wait3A_228 = tpu.memref_slice %arg14[%add3A_224, %dma_wait3A_227] : memref<10240x8xf32, #tpu.memory_space<vmem_shared>> -> memref<128x8xf32, #tpu.memory_space<vmem_shared>>
    tpu.wait_dma2 semaphore(%arg20 : memref<!tpu.dma_semaphore, #tpu.memory_space<semaphore_mem>>) src(%dma_wait3A_228 : memref<128x8xf32, #tpu.memory_space<vmem_shared>>) dst(%arg8 : memref<128x8xf32, #tpu.memory_space<vmem>>)
    %dma_start3A_229 = arith.constant 0 : i32
    %dma_start3A_230 = arith.constant 0 : i32
    %dma_start3A_231 = tpu.memref_slice %arg5[%arg0, %dma_start3A_229, %dma_start3A_230] : memref<2x10240x8xf32, #tpu.memory_space<hbm>> -> memref<1x10240x8xf32, #tpu.memory_space<hbm>>
    %dma_start3A_232 = tpu.memref_squeeze %dma_start3A_231 : memref<1x10240x8xf32, #tpu.memory_space<hbm>> -> memref<10240x8xf32, #tpu.memory_space<hbm>>
    %dma_start3A_233 = arith.constant 0 : i32
    %dma_start3A_234 = tpu.memref_slice %dma_start3A_232[%add3A_224, %dma_start3A_233] : memref<10240x8xf32, #tpu.memory_space<hbm>> -> memref<128x8xf32, #tpu.memory_space<hbm>>
    %dma_start3A_235 = arith.constant 0 : i32
    %dma_start3A_236 = arith.constant 0 : i32
    %dma_start3A_237 = tpu.memref_slice %arg5[%arg0, %dma_start3A_235, %dma_start3A_236] : memref<2x10240x8xf32, #tpu.memory_space<hbm>> -> memref<1x10240x8xf32, #tpu.memory_space<hbm>>
    %dma_start3A_238 = tpu.memref_squeeze %dma_start3A_237 : memref<1x10240x8xf32, #tpu.memory_space<hbm>> -> memref<10240x8xf32, #tpu.memory_space<hbm>>
    %dma_start3A_239 = arith.constant 0 : i32
    %dma_start3A_240 = tpu.memref_slice %dma_start3A_238[%add3A_224, %dma_start3A_239] : memref<10240x8xf32, #tpu.memory_space<hbm>> -> memref<128x8xf32, #tpu.memory_space<hbm>>
    tpu.enqueue_dma source(%arg8 : memref<128x8xf32, #tpu.memory_space<vmem>>) target(%dma_start3A_240 : memref<128x8xf32, #tpu.memory_space<hbm>>) target_semaphore(%arg20 : memref<!tpu.dma_semaphore, #tpu.memory_space<semaphore_mem>>)
    %mul3A_241 = arith.constant 640 : i32
    %mul3A_242 = arith.muli %arg1, %mul3A_241 : i32
    %add3A_243 = arith.constant 128 : i32
    %add3A_244 = arith.addi %mul3A_242, %add3A_243 : i32
    %dma_wait3A_245 = arith.constant 0 : i32
    %dma_wait3A_246 = tpu.memref_slice %arg14[%add3A_244, %dma_wait3A_245] : memref<10240x8xf32, #tpu.memory_space<vmem_shared>> -> memref<128x8xf32, #tpu.memory_space<vmem_shared>>
    %dma_wait3A_247 = arith.constant 0 : i32
    %dma_wait3A_248 = tpu.memref_slice %arg14[%add3A_244, %dma_wait3A_247] : memref<10240x8xf32, #tpu.memory_space<vmem_shared>> -> memref<128x8xf32, #tpu.memory_space<vmem_shared>>
    tpu.wait_dma2 semaphore(%arg21 : memref<!tpu.dma_semaphore, #tpu.memory_space<semaphore_mem>>) src(%dma_wait3A_248 : memref<128x8xf32, #tpu.memory_space<vmem_shared>>) dst(%arg9 : memref<128x8xf32, #tpu.memory_space<vmem>>)
    %dma_start3A_249 = arith.constant 0 : i32
    %dma_start3A_250 = arith.constant 0 : i32
    %dma_start3A_251 = tpu.memref_slice %arg5[%arg0, %dma_start3A_249, %dma_start3A_250] : memref<2x10240x8xf32, #tpu.memory_space<hbm>> -> memref<1x10240x8xf32, #tpu.memory_space<hbm>>
    %dma_start3A_252 = tpu.memref_squeeze %dma_start3A_251 : memref<1x10240x8xf32, #tpu.memory_space<hbm>> -> memref<10240x8xf32, #tpu.memory_space<hbm>>
    %dma_start3A_253 = arith.constant 0 : i32
    %dma_start3A_254 = tpu.memref_slice %dma_start3A_252[%add3A_244, %dma_start3A_253] : memref<10240x8xf32, #tpu.memory_space<hbm>> -> memref<128x8xf32, #tpu.memory_space<hbm>>
    %dma_start3A_255 = arith.constant 0 : i32
    %dma_start3A_256 = arith.constant 0 : i32
    %dma_start3A_257 = tpu.memref_slice %arg5[%arg0, %dma_start3A_255, %dma_start3A_256] : memref<2x10240x8xf32, #tpu.memory_space<hbm>> -> memref<1x10240x8xf32, #tpu.memory_space<hbm>>
    %dma_start3A_258 = tpu.memref_squeeze %dma_start3A_257 : memref<1x10240x8xf32, #tpu.memory_space<hbm>> -> memref<10240x8xf32, #tpu.memory_space<hbm>>
    %dma_start3A_259 = arith.constant 0 : i32
    %dma_start3A_260 = tpu.memref_slice %dma_start3A_258[%add3A_244, %dma_start3A_259] : memref<10240x8xf32, #tpu.memory_space<hbm>> -> memref<128x8xf32, #tpu.memory_space<hbm>>
    tpu.enqueue_dma source(%arg9 : memref<128x8xf32, #tpu.memory_space<vmem>>) target(%dma_start3A_260 : memref<128x8xf32, #tpu.memory_space<hbm>>) target_semaphore(%arg21 : memref<!tpu.dma_semaphore, #tpu.memory_space<semaphore_mem>>)
    %mul3A_261 = arith.constant 640 : i32
    %mul3A_262 = arith.muli %arg1, %mul3A_261 : i32
    %add3A_263 = arith.constant 256 : i32
    %add3A_264 = arith.addi %mul3A_262, %add3A_263 : i32
    %dma_wait3A_265 = arith.constant 0 : i32
    %dma_wait3A_266 = tpu.memref_slice %arg14[%add3A_264, %dma_wait3A_265] : memref<10240x8xf32, #tpu.memory_space<vmem_shared>> -> memref<128x8xf32, #tpu.memory_space<vmem_shared>>
    %dma_wait3A_267 = arith.constant 0 : i32
    %dma_wait3A_268 = tpu.memref_slice %arg14[%add3A_264, %dma_wait3A_267] : memref<10240x8xf32, #tpu.memory_space<vmem_shared>> -> memref<128x8xf32, #tpu.memory_space<vmem_shared>>
    tpu.wait_dma2 semaphore(%arg22 : memref<!tpu.dma_semaphore, #tpu.memory_space<semaphore_mem>>) src(%dma_wait3A_268 : memref<128x8xf32, #tpu.memory_space<vmem_shared>>) dst(%arg10 : memref<128x8xf32, #tpu.memory_space<vmem>>)
    %dma_start3A_269 = arith.constant 0 : i32
    %dma_start3A_270 = arith.constant 0 : i32
    %dma_start3A_271 = tpu.memref_slice %arg5[%arg0, %dma_start3A_269, %dma_start3A_270] : memref<2x10240x8xf32, #tpu.memory_space<hbm>> -> memref<1x10240x8xf32, #tpu.memory_space<hbm>>
    %dma_start3A_272 = tpu.memref_squeeze %dma_start3A_271 : memref<1x10240x8xf32, #tpu.memory_space<hbm>> -> memref<10240x8xf32, #tpu.memory_space<hbm>>
    %dma_start3A_273 = arith.constant 0 : i32
    %dma_start3A_274 = tpu.memref_slice %dma_start3A_272[%add3A_264, %dma_start3A_273] : memref<10240x8xf32, #tpu.memory_space<hbm>> -> memref<128x8xf32, #tpu.memory_space<hbm>>
    %dma_start3A_275 = arith.constant 0 : i32
    %dma_start3A_276 = arith.constant 0 : i32
    %dma_start3A_277 = tpu.memref_slice %arg5[%arg0, %dma_start3A_275, %dma_start3A_276] : memref<2x10240x8xf32, #tpu.memory_space<hbm>> -> memref<1x10240x8xf32, #tpu.memory_space<hbm>>
    %dma_start3A_278 = tpu.memref_squeeze %dma_start3A_277 : memref<1x10240x8xf32, #tpu.memory_space<hbm>> -> memref<10240x8xf32, #tpu.memory_space<hbm>>
    %dma_start3A_279 = arith.constant 0 : i32
    %dma_start3A_280 = tpu.memref_slice %dma_start3A_278[%add3A_264, %dma_start3A_279] : memref<10240x8xf32, #tpu.memory_space<hbm>> -> memref<128x8xf32, #tpu.memory_space<hbm>>
    tpu.enqueue_dma source(%arg10 : memref<128x8xf32, #tpu.memory_space<vmem>>) target(%dma_start3A_280 : memref<128x8xf32, #tpu.memory_space<hbm>>) target_semaphore(%arg22 : memref<!tpu.dma_semaphore, #tpu.memory_space<semaphore_mem>>)
    %mul3A_281 = arith.constant 640 : i32
    %mul3A_282 = arith.muli %arg1, %mul3A_281 : i32
    %add3A_283 = arith.constant 384 : i32
    %add3A_284 = arith.addi %mul3A_282, %add3A_283 : i32
    %dma_wait3A_285 = arith.constant 0 : i32
    %dma_wait3A_286 = tpu.memref_slice %arg14[%add3A_284, %dma_wait3A_285] : memref<10240x8xf32, #tpu.memory_space<vmem_shared>> -> memref<128x8xf32, #tpu.memory_space<vmem_shared>>
    %dma_wait3A_287 = arith.constant 0 : i32
    %dma_wait3A_288 = tpu.memref_slice %arg14[%add3A_284, %dma_wait3A_287] : memref<10240x8xf32, #tpu.memory_space<vmem_shared>> -> memref<128x8xf32, #tpu.memory_space<vmem_shared>>
    tpu.wait_dma2 semaphore(%arg23 : memref<!tpu.dma_semaphore, #tpu.memory_space<semaphore_mem>>) src(%dma_wait3A_288 : memref<128x8xf32, #tpu.memory_space<vmem_shared>>) dst(%arg11 : memref<128x8xf32, #tpu.memory_space<vmem>>)
    %dma_start3A_289 = arith.constant 0 : i32
    %dma_start3A_290 = arith.constant 0 : i32
    %dma_start3A_291 = tpu.memref_slice %arg5[%arg0, %dma_start3A_289, %dma_start3A_290] : memref<2x10240x8xf32, #tpu.memory_space<hbm>> -> memref<1x10240x8xf32, #tpu.memory_space<hbm>>
    %dma_start3A_292 = tpu.memref_squeeze %dma_start3A_291 : memref<1x10240x8xf32, #tpu.memory_space<hbm>> -> memref<10240x8xf32, #tpu.memory_space<hbm>>
    %dma_start3A_293 = arith.constant 0 : i32
    %dma_start3A_294 = tpu.memref_slice %dma_start3A_292[%add3A_284, %dma_start3A_293] : memref<10240x8xf32, #tpu.memory_space<hbm>> -> memref<128x8xf32, #tpu.memory_space<hbm>>
    %dma_start3A_295 = arith.constant 0 : i32
    %dma_start3A_296 = arith.constant 0 : i32
    %dma_start3A_297 = tpu.memref_slice %arg5[%arg0, %dma_start3A_295, %dma_start3A_296] : memref<2x10240x8xf32, #tpu.memory_space<hbm>> -> memref<1x10240x8xf32, #tpu.memory_space<hbm>>
    %dma_start3A_298 = tpu.memref_squeeze %dma_start3A_297 : memref<1x10240x8xf32, #tpu.memory_space<hbm>> -> memref<10240x8xf32, #tpu.memory_space<hbm>>
    %dma_start3A_299 = arith.constant 0 : i32
    %dma_start3A_300 = tpu.memref_slice %dma_start3A_298[%add3A_284, %dma_start3A_299] : memref<10240x8xf32, #tpu.memory_space<hbm>> -> memref<128x8xf32, #tpu.memory_space<hbm>>
    tpu.enqueue_dma source(%arg11 : memref<128x8xf32, #tpu.memory_space<vmem>>) target(%dma_start3A_300 : memref<128x8xf32, #tpu.memory_space<hbm>>) target_semaphore(%arg23 : memref<!tpu.dma_semaphore, #tpu.memory_space<semaphore_mem>>)
    %mul3A_301 = arith.constant 640 : i32
    %mul3A_302 = arith.muli %arg1, %mul3A_301 : i32
    %add3A_303 = arith.constant 512 : i32
    %add3A_304 = arith.addi %mul3A_302, %add3A_303 : i32
    %dma_wait3A_305 = arith.constant 0 : i32
    %dma_wait3A_306 = tpu.memref_slice %arg14[%add3A_304, %dma_wait3A_305] : memref<10240x8xf32, #tpu.memory_space<vmem_shared>> -> memref<128x8xf32, #tpu.memory_space<vmem_shared>>
    %dma_wait3A_307 = arith.constant 0 : i32
    %dma_wait3A_308 = tpu.memref_slice %arg14[%add3A_304, %dma_wait3A_307] : memref<10240x8xf32, #tpu.memory_space<vmem_shared>> -> memref<128x8xf32, #tpu.memory_space<vmem_shared>>
    tpu.wait_dma2 semaphore(%arg16 : memref<!tpu.dma_semaphore, #tpu.memory_space<semaphore_mem>>) src(%dma_wait3A_308 : memref<128x8xf32, #tpu.memory_space<vmem_shared>>) dst(%arg12 : memref<128x8xf32, #tpu.memory_space<vmem>>)
    %dma_start3A_309 = arith.constant 0 : i32
    %dma_start3A_310 = arith.constant 0 : i32
    %dma_start3A_311 = tpu.memref_slice %arg5[%arg0, %dma_start3A_309, %dma_start3A_310] : memref<2x10240x8xf32, #tpu.memory_space<hbm>> -> memref<1x10240x8xf32, #tpu.memory_space<hbm>>
    %dma_start3A_312 = tpu.memref_squeeze %dma_start3A_311 : memref<1x10240x8xf32, #tpu.memory_space<hbm>> -> memref<10240x8xf32, #tpu.memory_space<hbm>>
    %dma_start3A_313 = arith.constant 0 : i32
    %dma_start3A_314 = tpu.memref_slice %dma_start3A_312[%add3A_304, %dma_start3A_313] : memref<10240x8xf32, #tpu.memory_space<hbm>> -> memref<128x8xf32, #tpu.memory_space<hbm>>
    %dma_start3A_315 = arith.constant 0 : i32
    %dma_start3A_316 = arith.constant 0 : i32
    %dma_start3A_317 = tpu.memref_slice %arg5[%arg0, %dma_start3A_315, %dma_start3A_316] : memref<2x10240x8xf32, #tpu.memory_space<hbm>> -> memref<1x10240x8xf32, #tpu.memory_space<hbm>>
    %dma_start3A_318 = tpu.memref_squeeze %dma_start3A_317 : memref<1x10240x8xf32, #tpu.memory_space<hbm>> -> memref<10240x8xf32, #tpu.memory_space<hbm>>
    %dma_start3A_319 = arith.constant 0 : i32
    %dma_start3A_320 = tpu.memref_slice %dma_start3A_318[%add3A_304, %dma_start3A_319] : memref<10240x8xf32, #tpu.memory_space<hbm>> -> memref<128x8xf32, #tpu.memory_space<hbm>>
    tpu.enqueue_dma source(%arg12 : memref<128x8xf32, #tpu.memory_space<vmem>>) target(%dma_start3A_320 : memref<128x8xf32, #tpu.memory_space<hbm>>) target_semaphore(%arg16 : memref<!tpu.dma_semaphore, #tpu.memory_space<semaphore_mem>>)
    %mul3A_321 = arith.constant 640 : i32
    %mul3A_322 = arith.muli %arg1, %mul3A_321 : i32
    %add3A_323 = arith.constant 0 : i32
    %add3A_324 = arith.addi %mul3A_322, %add3A_323 : i32
    %dma_wait3A_325 = arith.constant 0 : i32
    %dma_wait3A_326 = arith.constant 0 : i32
    %dma_wait3A_327 = tpu.memref_slice %arg5[%arg0, %dma_wait3A_325, %dma_wait3A_326] : memref<2x10240x8xf32, #tpu.memory_space<hbm>> -> memref<1x10240x8xf32, #tpu.memory_space<hbm>>
    %dma_wait3A_328 = tpu.memref_squeeze %dma_wait3A_327 : memref<1x10240x8xf32, #tpu.memory_space<hbm>> -> memref<10240x8xf32, #tpu.memory_space<hbm>>
    %dma_wait3A_329 = arith.constant 0 : i32
    %dma_wait3A_330 = tpu.memref_slice %dma_wait3A_328[%add3A_324, %dma_wait3A_329] : memref<10240x8xf32, #tpu.memory_space<hbm>> -> memref<128x8xf32, #tpu.memory_space<hbm>>
    %dma_wait3A_331 = arith.constant 0 : i32
    %dma_wait3A_332 = arith.constant 0 : i32
    %dma_wait3A_333 = tpu.memref_slice %arg5[%arg0, %dma_wait3A_331, %dma_wait3A_332] : memref<2x10240x8xf32, #tpu.memory_space<hbm>> -> memref<1x10240x8xf32, #tpu.memory_space<hbm>>
    %dma_wait3A_334 = tpu.memref_squeeze %dma_wait3A_333 : memref<1x10240x8xf32, #tpu.memory_space<hbm>> -> memref<10240x8xf32, #tpu.memory_space<hbm>>
    %dma_wait3A_335 = arith.constant 0 : i32
    %dma_wait3A_336 = tpu.memref_slice %dma_wait3A_334[%add3A_324, %dma_wait3A_335] : memref<10240x8xf32, #tpu.memory_space<hbm>> -> memref<128x8xf32, #tpu.memory_space<hbm>>
    tpu.wait_dma2 semaphore(%arg20 : memref<!tpu.dma_semaphore, #tpu.memory_space<semaphore_mem>>) src(%arg8 : memref<128x8xf32, #tpu.memory_space<vmem>>) dst(%dma_wait3A_336 : memref<128x8xf32, #tpu.memory_space<hbm>>)
    %mul3A_337 = arith.constant 640 : i32
    %mul3A_338 = arith.muli %arg1, %mul3A_337 : i32
    %add3A_339 = arith.constant 128 : i32
    %add3A_340 = arith.addi %mul3A_338, %add3A_339 : i32
    %dma_wait3A_341 = arith.constant 0 : i32
    %dma_wait3A_342 = arith.constant 0 : i32
    %dma_wait3A_343 = tpu.memref_slice %arg5[%arg0, %dma_wait3A_341, %dma_wait3A_342] : memref<2x10240x8xf32, #tpu.memory_space<hbm>> -> memref<1x10240x8xf32, #tpu.memory_space<hbm>>
    %dma_wait3A_344 = tpu.memref_squeeze %dma_wait3A_343 : memref<1x10240x8xf32, #tpu.memory_space<hbm>> -> memref<10240x8xf32, #tpu.memory_space<hbm>>
    %dma_wait3A_345 = arith.constant 0 : i32
    %dma_wait3A_346 = tpu.memref_slice %dma_wait3A_344[%add3A_340, %dma_wait3A_345] : memref<10240x8xf32, #tpu.memory_space<hbm>> -> memref<128x8xf32, #tpu.memory_space<hbm>>
    %dma_wait3A_347 = arith.constant 0 : i32
    %dma_wait3A_348 = arith.constant 0 : i32
    %dma_wait3A_349 = tpu.memref_slice %arg5[%arg0, %dma_wait3A_347, %dma_wait3A_348] : memref<2x10240x8xf32, #tpu.memory_space<hbm>> -> memref<1x10240x8xf32, #tpu.memory_space<hbm>>
    %dma_wait3A_350 = tpu.memref_squeeze %dma_wait3A_349 : memref<1x10240x8xf32, #tpu.memory_space<hbm>> -> memref<10240x8xf32, #tpu.memory_space<hbm>>
    %dma_wait3A_351 = arith.constant 0 : i32
    %dma_wait3A_352 = tpu.memref_slice %dma_wait3A_350[%add3A_340, %dma_wait3A_351] : memref<10240x8xf32, #tpu.memory_space<hbm>> -> memref<128x8xf32, #tpu.memory_space<hbm>>
    tpu.wait_dma2 semaphore(%arg21 : memref<!tpu.dma_semaphore, #tpu.memory_space<semaphore_mem>>) src(%arg9 : memref<128x8xf32, #tpu.memory_space<vmem>>) dst(%dma_wait3A_352 : memref<128x8xf32, #tpu.memory_space<hbm>>)
    %mul3A_353 = arith.constant 640 : i32
    %mul3A_354 = arith.muli %arg1, %mul3A_353 : i32
    %add3A_355 = arith.constant 256 : i32
    %add3A_356 = arith.addi %mul3A_354, %add3A_355 : i32
    %dma_wait3A_357 = arith.constant 0 : i32
    %dma_wait3A_358 = arith.constant 0 : i32
    %dma_wait3A_359 = tpu.memref_slice %arg5[%arg0, %dma_wait3A_357, %dma_wait3A_358] : memref<2x10240x8xf32, #tpu.memory_space<hbm>> -> memref<1x10240x8xf32, #tpu.memory_space<hbm>>
    %dma_wait3A_360 = tpu.memref_squeeze %dma_wait3A_359 : memref<1x10240x8xf32, #tpu.memory_space<hbm>> -> memref<10240x8xf32, #tpu.memory_space<hbm>>
    %dma_wait3A_361 = arith.constant 0 : i32
    %dma_wait3A_362 = tpu.memref_slice %dma_wait3A_360[%add3A_356, %dma_wait3A_361] : memref<10240x8xf32, #tpu.memory_space<hbm>> -> memref<128x8xf32, #tpu.memory_space<hbm>>
    %dma_wait3A_363 = arith.constant 0 : i32
    %dma_wait3A_364 = arith.constant 0 : i32
    %dma_wait3A_365 = tpu.memref_slice %arg5[%arg0, %dma_wait3A_363, %dma_wait3A_364] : memref<2x10240x8xf32, #tpu.memory_space<hbm>> -> memref<1x10240x8xf32, #tpu.memory_space<hbm>>
    %dma_wait3A_366 = tpu.memref_squeeze %dma_wait3A_365 : memref<1x10240x8xf32, #tpu.memory_space<hbm>> -> memref<10240x8xf32, #tpu.memory_space<hbm>>
    %dma_wait3A_367 = arith.constant 0 : i32
    %dma_wait3A_368 = tpu.memref_slice %dma_wait3A_366[%add3A_356, %dma_wait3A_367] : memref<10240x8xf32, #tpu.memory_space<hbm>> -> memref<128x8xf32, #tpu.memory_space<hbm>>
    tpu.wait_dma2 semaphore(%arg22 : memref<!tpu.dma_semaphore, #tpu.memory_space<semaphore_mem>>) src(%arg10 : memref<128x8xf32, #tpu.memory_space<vmem>>) dst(%dma_wait3A_368 : memref<128x8xf32, #tpu.memory_space<hbm>>)
    %mul3A_369 = arith.constant 640 : i32
    %mul3A_370 = arith.muli %arg1, %mul3A_369 : i32
    %add3A_371 = arith.constant 384 : i32
    %add3A_372 = arith.addi %mul3A_370, %add3A_371 : i32
    %dma_wait3A_373 = arith.constant 0 : i32
    %dma_wait3A_374 = arith.constant 0 : i32
    %dma_wait3A_375 = tpu.memref_slice %arg5[%arg0, %dma_wait3A_373, %dma_wait3A_374] : memref<2x10240x8xf32, #tpu.memory_space<hbm>> -> memref<1x10240x8xf32, #tpu.memory_space<hbm>>
    %dma_wait3A_376 = tpu.memref_squeeze %dma_wait3A_375 : memref<1x10240x8xf32, #tpu.memory_space<hbm>> -> memref<10240x8xf32, #tpu.memory_space<hbm>>
    %dma_wait3A_377 = arith.constant 0 : i32
    %dma_wait3A_378 = tpu.memref_slice %dma_wait3A_376[%add3A_372, %dma_wait3A_377] : memref<10240x8xf32, #tpu.memory_space<hbm>> -> memref<128x8xf32, #tpu.memory_space<hbm>>
    %dma_wait3A_379 = arith.constant 0 : i32
    %dma_wait3A_380 = arith.constant 0 : i32
    %dma_wait3A_381 = tpu.memref_slice %arg5[%arg0, %dma_wait3A_379, %dma_wait3A_380] : memref<2x10240x8xf32, #tpu.memory_space<hbm>> -> memref<1x10240x8xf32, #tpu.memory_space<hbm>>
    %dma_wait3A_382 = tpu.memref_squeeze %dma_wait3A_381 : memref<1x10240x8xf32, #tpu.memory_space<hbm>> -> memref<10240x8xf32, #tpu.memory_space<hbm>>
    %dma_wait3A_383 = arith.constant 0 : i32
    %dma_wait3A_384 = tpu.memref_slice %dma_wait3A_382[%add3A_372, %dma_wait3A_383] : memref<10240x8xf32, #tpu.memory_space<hbm>> -> memref<128x8xf32, #tpu.memory_space<hbm>>
    tpu.wait_dma2 semaphore(%arg23 : memref<!tpu.dma_semaphore, #tpu.memory_space<semaphore_mem>>) src(%arg11 : memref<128x8xf32, #tpu.memory_space<vmem>>) dst(%dma_wait3A_384 : memref<128x8xf32, #tpu.memory_space<hbm>>)
    %mul3A_385 = arith.constant 640 : i32
    %mul3A_386 = arith.muli %arg1, %mul3A_385 : i32
    %add3A_387 = arith.constant 512 : i32
    %add3A_388 = arith.addi %mul3A_386, %add3A_387 : i32
    %dma_wait3A_389 = arith.constant 0 : i32
    %dma_wait3A_390 = arith.constant 0 : i32
    %dma_wait3A_391 = tpu.memref_slice %arg5[%arg0, %dma_wait3A_389, %dma_wait3A_390] : memref<2x10240x8xf32, #tpu.memory_space<hbm>> -> memref<1x10240x8xf32, #tpu.memory_space<hbm>>
    %dma_wait3A_392 = tpu.memref_squeeze %dma_wait3A_391 : memref<1x10240x8xf32, #tpu.memory_space<hbm>> -> memref<10240x8xf32, #tpu.memory_space<hbm>>
    %dma_wait3A_393 = arith.constant 0 : i32
    %dma_wait3A_394 = tpu.memref_slice %dma_wait3A_392[%add3A_388, %dma_wait3A_393] : memref<10240x8xf32, #tpu.memory_space<hbm>> -> memref<128x8xf32, #tpu.memory_space<hbm>>
    %dma_wait3A_395 = arith.constant 0 : i32
    %dma_wait3A_396 = arith.constant 0 : i32
    %dma_wait3A_397 = tpu.memref_slice %arg5[%arg0, %dma_wait3A_395, %dma_wait3A_396] : memref<2x10240x8xf32, #tpu.memory_space<hbm>> -> memref<1x10240x8xf32, #tpu.memory_space<hbm>>
    %dma_wait3A_398 = tpu.memref_squeeze %dma_wait3A_397 : memref<1x10240x8xf32, #tpu.memory_space<hbm>> -> memref<10240x8xf32, #tpu.memory_space<hbm>>
    %dma_wait3A_399 = arith.constant 0 : i32
    %dma_wait3A_400 = tpu.memref_slice %dma_wait3A_398[%add3A_388, %dma_wait3A_399] : memref<10240x8xf32, #tpu.memory_space<hbm>> -> memref<128x8xf32, #tpu.memory_space<hbm>>
    tpu.wait_dma2 semaphore(%arg16 : memref<!tpu.dma_semaphore, #tpu.memory_space<semaphore_mem>>) src(%arg12 : memref<128x8xf32, #tpu.memory_space<vmem>>) dst(%dma_wait3A_400 : memref<128x8xf32, #tpu.memory_space<hbm>>)
    return
  }
}

#map = affine_map<(d0, d1) -> (0, 0, 0, 0)>
#map1 = affine_map<(d0, d1) -> (0, 0)>
#map2 = affine_map<(d0, d1) -> (0, 0, 0)>
module attributes {stable_mosaic.version = 14 : i64} {
  func.func @prop(%arg0: i32, %arg1: i32, %arg2: memref<2x32x80x125xi32, #tpu.memory_space<hbm>>, %arg3: memref<10240x128xf32, #tpu.memory_space<hbm>>, %arg4: memref<128x16xf32, #tpu.memory_space<hbm>>, %arg5: memref<2x10240x16xf32, #tpu.memory_space<hbm>>, %arg6: memref<80x125xi32, #tpu.memory_space<vmem>>, %arg7: memref<80x125xi32, #tpu.memory_space<vmem>>, %arg8: memref<128x16xf32, #tpu.memory_space<vmem>>, %arg9: memref<128x16xf32, #tpu.memory_space<vmem>>, %arg10: memref<128x16xf32, #tpu.memory_space<vmem>>, %arg11: memref<128x16xf32, #tpu.memory_space<vmem>>, %arg12: memref<128x16xf32, #tpu.memory_space<vmem>>, %arg13: memref<128x128xf32, #tpu.memory_space<vmem>>, %arg14: memref<10240x16xf32, #tpu.memory_space<vmem_shared>>, %arg15: memref<10240x16xf32, #tpu.memory_space<vmem_shared>>, %arg16: memref<!tpu.dma_semaphore, #tpu.memory_space<semaphore_mem>>, %arg17: memref<!tpu.dma_semaphore, #tpu.memory_space<semaphore_mem>>, %arg18: memref<!tpu.dma_semaphore, #tpu.memory_space<semaphore_mem>>, %arg19: memref<!tpu.dma_semaphore, #tpu.memory_space<semaphore_mem>>, %arg20: memref<!tpu.dma_semaphore, #tpu.memory_space<semaphore_mem>>, %arg21: memref<!tpu.dma_semaphore, #tpu.memory_space<semaphore_mem>>, %arg22: memref<!tpu.dma_semaphore, #tpu.memory_space<semaphore_mem>>, %arg23: memref<!tpu.dma_semaphore, #tpu.memory_space<semaphore_mem>>) attributes {dimension_semantics = [#tpu.dimension_semantics<core_parallel>, #tpu.dimension_semantics<subcore_parallel>], iteration_bounds = array<i64: 2, 16>, scalar_prefetch = 0 : i64, scratch_operands = 18 : i64, tpu.core_type = #tpu.core_type<sc_vector_subcore>, window_params = [{transform_indices = #map}, {transform_indices = #map1}, {transform_indices = #map1}, {transform_indices = #map2}]} {
    %mul3A = arith.constant 16 : i32
    %mul3A_0 = arith.muli %arg0, %mul3A : i32
    %add3A = arith.addi %mul3A_0, %arg1 : i32
    %dma_start3A = arith.constant 0 : i32
    %dma_start3A_1 = arith.constant 0 : i32
    %dma_start3A_2 = arith.constant 0 : i32
    %dma_start3A_3 = arith.constant 0 : i32
    %dma_start3A_4 = tpu.memref_slice %arg2[%dma_start3A, %dma_start3A_1, %dma_start3A_2, %dma_start3A_3] : memref<2x32x80x125xi32, #tpu.memory_space<hbm>> -> memref<1x32x80x125xi32, #tpu.memory_space<hbm>>
    %dma_start3A_5 = tpu.memref_squeeze %dma_start3A_4 : memref<1x32x80x125xi32, #tpu.memory_space<hbm>> -> memref<32x80x125xi32, #tpu.memory_space<hbm>>
    %dma_start3A_6 = arith.constant 0 : i32
    %dma_start3A_7 = arith.constant 0 : i32
    %dma_start3A_8 = tpu.memref_slice %dma_start3A_5[%add3A, %dma_start3A_6, %dma_start3A_7] : memref<32x80x125xi32, #tpu.memory_space<hbm>> -> memref<1x80x125xi32, #tpu.memory_space<hbm>>
    %dma_start3A_9 = tpu.memref_squeeze %dma_start3A_8 : memref<1x80x125xi32, #tpu.memory_space<hbm>> -> memref<80x125xi32, #tpu.memory_space<hbm>>
    %dma_start3A_10 = arith.constant 0 : i32
    %dma_start3A_11 = arith.constant 0 : i32
    %dma_start3A_12 = arith.constant 0 : i32
    %dma_start3A_13 = tpu.memref_slice %arg2[%dma_start3A, %dma_start3A_10, %dma_start3A_11, %dma_start3A_12] : memref<2x32x80x125xi32, #tpu.memory_space<hbm>> -> memref<1x32x80x125xi32, #tpu.memory_space<hbm>>
    %dma_start3A_14 = tpu.memref_squeeze %dma_start3A_13 : memref<1x32x80x125xi32, #tpu.memory_space<hbm>> -> memref<32x80x125xi32, #tpu.memory_space<hbm>>
    %dma_start3A_15 = arith.constant 0 : i32
    %dma_start3A_16 = arith.constant 0 : i32
    %dma_start3A_17 = tpu.memref_slice %dma_start3A_14[%add3A, %dma_start3A_15, %dma_start3A_16] : memref<32x80x125xi32, #tpu.memory_space<hbm>> -> memref<1x80x125xi32, #tpu.memory_space<hbm>>
    %dma_start3A_18 = tpu.memref_squeeze %dma_start3A_17 : memref<1x80x125xi32, #tpu.memory_space<hbm>> -> memref<80x125xi32, #tpu.memory_space<hbm>>
    tpu.enqueue_dma source(%dma_start3A_18 : memref<80x125xi32, #tpu.memory_space<hbm>>) target(%arg6 : memref<80x125xi32, #tpu.memory_space<vmem>>) target_semaphore(%arg20 : memref<!tpu.dma_semaphore, #tpu.memory_space<semaphore_mem>>)
    %dma_start3A_19 = arith.constant 1 : i32
    %dma_start3A_20 = arith.constant 0 : i32
    %dma_start3A_21 = arith.constant 0 : i32
    %dma_start3A_22 = arith.constant 0 : i32
    %dma_start3A_23 = tpu.memref_slice %arg2[%dma_start3A_19, %dma_start3A_20, %dma_start3A_21, %dma_start3A_22] : memref<2x32x80x125xi32, #tpu.memory_space<hbm>> -> memref<1x32x80x125xi32, #tpu.memory_space<hbm>>
    %dma_start3A_24 = tpu.memref_squeeze %dma_start3A_23 : memref<1x32x80x125xi32, #tpu.memory_space<hbm>> -> memref<32x80x125xi32, #tpu.memory_space<hbm>>
    %dma_start3A_25 = arith.constant 0 : i32
    %dma_start3A_26 = arith.constant 0 : i32
    %dma_start3A_27 = tpu.memref_slice %dma_start3A_24[%add3A, %dma_start3A_25, %dma_start3A_26] : memref<32x80x125xi32, #tpu.memory_space<hbm>> -> memref<1x80x125xi32, #tpu.memory_space<hbm>>
    %dma_start3A_28 = tpu.memref_squeeze %dma_start3A_27 : memref<1x80x125xi32, #tpu.memory_space<hbm>> -> memref<80x125xi32, #tpu.memory_space<hbm>>
    %dma_start3A_29 = arith.constant 0 : i32
    %dma_start3A_30 = arith.constant 0 : i32
    %dma_start3A_31 = arith.constant 0 : i32
    %dma_start3A_32 = tpu.memref_slice %arg2[%dma_start3A_19, %dma_start3A_29, %dma_start3A_30, %dma_start3A_31] : memref<2x32x80x125xi32, #tpu.memory_space<hbm>> -> memref<1x32x80x125xi32, #tpu.memory_space<hbm>>
    %dma_start3A_33 = tpu.memref_squeeze %dma_start3A_32 : memref<1x32x80x125xi32, #tpu.memory_space<hbm>> -> memref<32x80x125xi32, #tpu.memory_space<hbm>>
    %dma_start3A_34 = arith.constant 0 : i32
    %dma_start3A_35 = arith.constant 0 : i32
    %dma_start3A_36 = tpu.memref_slice %dma_start3A_33[%add3A, %dma_start3A_34, %dma_start3A_35] : memref<32x80x125xi32, #tpu.memory_space<hbm>> -> memref<1x80x125xi32, #tpu.memory_space<hbm>>
    %dma_start3A_37 = tpu.memref_squeeze %dma_start3A_36 : memref<1x80x125xi32, #tpu.memory_space<hbm>> -> memref<80x125xi32, #tpu.memory_space<hbm>>
    tpu.enqueue_dma source(%dma_start3A_37 : memref<80x125xi32, #tpu.memory_space<hbm>>) target(%arg7 : memref<80x125xi32, #tpu.memory_space<vmem>>) target_semaphore(%arg21 : memref<!tpu.dma_semaphore, #tpu.memory_space<semaphore_mem>>)
    "tpu.region"() ({
      %run_scoped3A = tpu.sem_alloc : memref<!tpu.dma_semaphore, #tpu.memory_space<semaphore_mem>>
      tpu.enqueue_dma source(%arg4 : memref<128x16xf32, #tpu.memory_space<hbm>>) target(%arg12 : memref<128x16xf32, #tpu.memory_space<vmem>>) target_semaphore(%run_scoped3A : memref<!tpu.dma_semaphore, #tpu.memory_space<semaphore_mem>>)
      tpu.wait_dma2 semaphore(%run_scoped3A : memref<!tpu.dma_semaphore, #tpu.memory_space<semaphore_mem>>) src(%arg4 : memref<128x16xf32, #tpu.memory_space<hbm>>) dst(%arg12 : memref<128x16xf32, #tpu.memory_space<vmem>>)
      tpu.yield
    }) : () -> ()
    %mul3A_38 = arith.constant 640 : i32
    %mul3A_39 = arith.muli %arg1, %mul3A_38 : i32
    %add3A_40 = arith.constant 0 : i32
    %add3A_41 = arith.addi %mul3A_39, %add3A_40 : i32
    %dma_start3A_42 = arith.constant 0 : i32
    %dma_start3A_43 = tpu.memref_slice %arg14[%add3A_41, %dma_start3A_42] : memref<10240x16xf32, #tpu.memory_space<vmem_shared>> -> memref<128x16xf32, #tpu.memory_space<vmem_shared>>
    %dma_start3A_44 = arith.constant 0 : i32
    %dma_start3A_45 = tpu.memref_slice %arg14[%add3A_41, %dma_start3A_44] : memref<10240x16xf32, #tpu.memory_space<vmem_shared>> -> memref<128x16xf32, #tpu.memory_space<vmem_shared>>
    tpu.enqueue_dma source(%arg12 : memref<128x16xf32, #tpu.memory_space<vmem>>) target(%dma_start3A_45 : memref<128x16xf32, #tpu.memory_space<vmem_shared>>) target_semaphore(%arg22 : memref<!tpu.dma_semaphore, #tpu.memory_space<semaphore_mem>>)
    %mul3A_46 = arith.constant 640 : i32
    %mul3A_47 = arith.muli %arg1, %mul3A_46 : i32
    %add3A_48 = arith.constant 128 : i32
    %add3A_49 = arith.addi %mul3A_47, %add3A_48 : i32
    %dma_start3A_50 = arith.constant 0 : i32
    %dma_start3A_51 = tpu.memref_slice %arg14[%add3A_49, %dma_start3A_50] : memref<10240x16xf32, #tpu.memory_space<vmem_shared>> -> memref<128x16xf32, #tpu.memory_space<vmem_shared>>
    %dma_start3A_52 = arith.constant 0 : i32
    %dma_start3A_53 = tpu.memref_slice %arg14[%add3A_49, %dma_start3A_52] : memref<10240x16xf32, #tpu.memory_space<vmem_shared>> -> memref<128x16xf32, #tpu.memory_space<vmem_shared>>
    tpu.enqueue_dma source(%arg12 : memref<128x16xf32, #tpu.memory_space<vmem>>) target(%dma_start3A_53 : memref<128x16xf32, #tpu.memory_space<vmem_shared>>) target_semaphore(%arg22 : memref<!tpu.dma_semaphore, #tpu.memory_space<semaphore_mem>>)
    %mul3A_54 = arith.constant 640 : i32
    %mul3A_55 = arith.muli %arg1, %mul3A_54 : i32
    %add3A_56 = arith.constant 256 : i32
    %add3A_57 = arith.addi %mul3A_55, %add3A_56 : i32
    %dma_start3A_58 = arith.constant 0 : i32
    %dma_start3A_59 = tpu.memref_slice %arg14[%add3A_57, %dma_start3A_58] : memref<10240x16xf32, #tpu.memory_space<vmem_shared>> -> memref<128x16xf32, #tpu.memory_space<vmem_shared>>
    %dma_start3A_60 = arith.constant 0 : i32
    %dma_start3A_61 = tpu.memref_slice %arg14[%add3A_57, %dma_start3A_60] : memref<10240x16xf32, #tpu.memory_space<vmem_shared>> -> memref<128x16xf32, #tpu.memory_space<vmem_shared>>
    tpu.enqueue_dma source(%arg12 : memref<128x16xf32, #tpu.memory_space<vmem>>) target(%dma_start3A_61 : memref<128x16xf32, #tpu.memory_space<vmem_shared>>) target_semaphore(%arg22 : memref<!tpu.dma_semaphore, #tpu.memory_space<semaphore_mem>>)
    %mul3A_62 = arith.constant 640 : i32
    %mul3A_63 = arith.muli %arg1, %mul3A_62 : i32
    %add3A_64 = arith.constant 384 : i32
    %add3A_65 = arith.addi %mul3A_63, %add3A_64 : i32
    %dma_start3A_66 = arith.constant 0 : i32
    %dma_start3A_67 = tpu.memref_slice %arg14[%add3A_65, %dma_start3A_66] : memref<10240x16xf32, #tpu.memory_space<vmem_shared>> -> memref<128x16xf32, #tpu.memory_space<vmem_shared>>
    %dma_start3A_68 = arith.constant 0 : i32
    %dma_start3A_69 = tpu.memref_slice %arg14[%add3A_65, %dma_start3A_68] : memref<10240x16xf32, #tpu.memory_space<vmem_shared>> -> memref<128x16xf32, #tpu.memory_space<vmem_shared>>
    tpu.enqueue_dma source(%arg12 : memref<128x16xf32, #tpu.memory_space<vmem>>) target(%dma_start3A_69 : memref<128x16xf32, #tpu.memory_space<vmem_shared>>) target_semaphore(%arg22 : memref<!tpu.dma_semaphore, #tpu.memory_space<semaphore_mem>>)
    %mul3A_70 = arith.constant 640 : i32
    %mul3A_71 = arith.muli %arg1, %mul3A_70 : i32
    %add3A_72 = arith.constant 512 : i32
    %add3A_73 = arith.addi %mul3A_71, %add3A_72 : i32
    %dma_start3A_74 = arith.constant 0 : i32
    %dma_start3A_75 = tpu.memref_slice %arg14[%add3A_73, %dma_start3A_74] : memref<10240x16xf32, #tpu.memory_space<vmem_shared>> -> memref<128x16xf32, #tpu.memory_space<vmem_shared>>
    %dma_start3A_76 = arith.constant 0 : i32
    %dma_start3A_77 = tpu.memref_slice %arg14[%add3A_73, %dma_start3A_76] : memref<10240x16xf32, #tpu.memory_space<vmem_shared>> -> memref<128x16xf32, #tpu.memory_space<vmem_shared>>
    tpu.enqueue_dma source(%arg12 : memref<128x16xf32, #tpu.memory_space<vmem>>) target(%dma_start3A_77 : memref<128x16xf32, #tpu.memory_space<vmem_shared>>) target_semaphore(%arg22 : memref<!tpu.dma_semaphore, #tpu.memory_space<semaphore_mem>>)
    %mul3A_78 = arith.constant 640 : i32
    %mul3A_79 = arith.muli %arg1, %mul3A_78 : i32
    %add3A_80 = arith.constant 0 : i32
    %add3A_81 = arith.addi %mul3A_79, %add3A_80 : i32
    %dma_start3A_82 = arith.constant 0 : i32
    %dma_start3A_83 = tpu.memref_slice %arg3[%add3A_81, %dma_start3A_82] : memref<10240x128xf32, #tpu.memory_space<hbm>> -> memref<128x128xf32, #tpu.memory_space<hbm>>
    %dma_start3A_84 = arith.constant 0 : i32
    %dma_start3A_85 = tpu.memref_slice %arg3[%add3A_81, %dma_start3A_84] : memref<10240x128xf32, #tpu.memory_space<hbm>> -> memref<128x128xf32, #tpu.memory_space<hbm>>
    tpu.enqueue_dma source(%dma_start3A_85 : memref<128x128xf32, #tpu.memory_space<hbm>>) target(%arg13 : memref<128x128xf32, #tpu.memory_space<vmem>>) target_semaphore(%arg19 : memref<!tpu.dma_semaphore, #tpu.memory_space<semaphore_mem>>)
    %dma_wait3A = arith.constant 0 : i32
    %dma_wait3A_86 = tpu.memref_slice %arg3[%add3A_81, %dma_wait3A] : memref<10240x128xf32, #tpu.memory_space<hbm>> -> memref<128x128xf32, #tpu.memory_space<hbm>>
    %dma_wait3A_87 = arith.constant 0 : i32
    %dma_wait3A_88 = tpu.memref_slice %arg3[%add3A_81, %dma_wait3A_87] : memref<10240x128xf32, #tpu.memory_space<hbm>> -> memref<128x128xf32, #tpu.memory_space<hbm>>
    tpu.wait_dma2 semaphore(%arg19 : memref<!tpu.dma_semaphore, #tpu.memory_space<semaphore_mem>>) src(%dma_wait3A_88 : memref<128x128xf32, #tpu.memory_space<hbm>>) dst(%arg13 : memref<128x128xf32, #tpu.memory_space<vmem>>)
    "tpu.region"() ({
      %run_scoped3A = tpu.sem_alloc : memref<!tpu.dma_semaphore, #tpu.memory_space<semaphore_mem>>
      %dma_start3A_521 = arith.constant 0 : i32
      %dma_start3A_522 = arith.constant 0 : i32
      %dma_start3A_523 = tpu.memref_slice %arg13[%dma_start3A_521, %dma_start3A_522] : memref<128x128xf32, #tpu.memory_space<vmem>> -> memref<128x16xf32, #tpu.memory_space<vmem>>
      %dma_start3A_524 = arith.constant 0 : i32
      %dma_start3A_525 = tpu.memref_slice %arg15[%add3A_81, %dma_start3A_524] : memref<10240x16xf32, #tpu.memory_space<vmem_shared>> -> memref<128x16xf32, #tpu.memory_space<vmem_shared>>
      %dma_start3A_526 = arith.constant 0 : i32
      %dma_start3A_527 = tpu.memref_slice %arg15[%add3A_81, %dma_start3A_526] : memref<10240x16xf32, #tpu.memory_space<vmem_shared>> -> memref<128x16xf32, #tpu.memory_space<vmem_shared>>
      %dma_start3A_528 = arith.constant 0 : i32
      %dma_start3A_529 = arith.constant 0 : i32
      %dma_start3A_530 = tpu.memref_slice %arg13[%dma_start3A_528, %dma_start3A_529] : memref<128x128xf32, #tpu.memory_space<vmem>> -> memref<128x16xf32, #tpu.memory_space<vmem>>
      tpu.enqueue_dma source(%dma_start3A_530 : memref<128x16xf32, #tpu.memory_space<vmem>>) target(%dma_start3A_527 : memref<128x16xf32, #tpu.memory_space<vmem_shared>>) target_semaphore(%run_scoped3A : memref<!tpu.dma_semaphore, #tpu.memory_space<semaphore_mem>>)
      %dma_wait3A_531 = arith.constant 0 : i32
      %dma_wait3A_532 = arith.constant 0 : i32
      %dma_wait3A_533 = tpu.memref_slice %arg13[%dma_wait3A_531, %dma_wait3A_532] : memref<128x128xf32, #tpu.memory_space<vmem>> -> memref<128x16xf32, #tpu.memory_space<vmem>>
      %dma_wait3A_534 = arith.constant 0 : i32
      %dma_wait3A_535 = tpu.memref_slice %arg15[%add3A_81, %dma_wait3A_534] : memref<10240x16xf32, #tpu.memory_space<vmem_shared>> -> memref<128x16xf32, #tpu.memory_space<vmem_shared>>
      %dma_wait3A_536 = arith.constant 0 : i32
      %dma_wait3A_537 = tpu.memref_slice %arg15[%add3A_81, %dma_wait3A_536] : memref<10240x16xf32, #tpu.memory_space<vmem_shared>> -> memref<128x16xf32, #tpu.memory_space<vmem_shared>>
      %dma_wait3A_538 = arith.constant 0 : i32
      %dma_wait3A_539 = arith.constant 0 : i32
      %dma_wait3A_540 = tpu.memref_slice %arg13[%dma_wait3A_538, %dma_wait3A_539] : memref<128x128xf32, #tpu.memory_space<vmem>> -> memref<128x16xf32, #tpu.memory_space<vmem>>
      tpu.wait_dma2 semaphore(%run_scoped3A : memref<!tpu.dma_semaphore, #tpu.memory_space<semaphore_mem>>) src(%dma_wait3A_540 : memref<128x16xf32, #tpu.memory_space<vmem>>) dst(%dma_wait3A_537 : memref<128x16xf32, #tpu.memory_space<vmem_shared>>)
      tpu.yield
    }) : () -> ()
    %mul3A_89 = arith.constant 640 : i32
    %mul3A_90 = arith.muli %arg1, %mul3A_89 : i32
    %add3A_91 = arith.constant 128 : i32
    %add3A_92 = arith.addi %mul3A_90, %add3A_91 : i32
    %dma_start3A_93 = arith.constant 0 : i32
    %dma_start3A_94 = tpu.memref_slice %arg3[%add3A_92, %dma_start3A_93] : memref<10240x128xf32, #tpu.memory_space<hbm>> -> memref<128x128xf32, #tpu.memory_space<hbm>>
    %dma_start3A_95 = arith.constant 0 : i32
    %dma_start3A_96 = tpu.memref_slice %arg3[%add3A_92, %dma_start3A_95] : memref<10240x128xf32, #tpu.memory_space<hbm>> -> memref<128x128xf32, #tpu.memory_space<hbm>>
    tpu.enqueue_dma source(%dma_start3A_96 : memref<128x128xf32, #tpu.memory_space<hbm>>) target(%arg13 : memref<128x128xf32, #tpu.memory_space<vmem>>) target_semaphore(%arg19 : memref<!tpu.dma_semaphore, #tpu.memory_space<semaphore_mem>>)
    %dma_wait3A_97 = arith.constant 0 : i32
    %dma_wait3A_98 = tpu.memref_slice %arg3[%add3A_92, %dma_wait3A_97] : memref<10240x128xf32, #tpu.memory_space<hbm>> -> memref<128x128xf32, #tpu.memory_space<hbm>>
    %dma_wait3A_99 = arith.constant 0 : i32
    %dma_wait3A_100 = tpu.memref_slice %arg3[%add3A_92, %dma_wait3A_99] : memref<10240x128xf32, #tpu.memory_space<hbm>> -> memref<128x128xf32, #tpu.memory_space<hbm>>
    tpu.wait_dma2 semaphore(%arg19 : memref<!tpu.dma_semaphore, #tpu.memory_space<semaphore_mem>>) src(%dma_wait3A_100 : memref<128x128xf32, #tpu.memory_space<hbm>>) dst(%arg13 : memref<128x128xf32, #tpu.memory_space<vmem>>)
    "tpu.region"() ({
      %run_scoped3A = tpu.sem_alloc : memref<!tpu.dma_semaphore, #tpu.memory_space<semaphore_mem>>
      %dma_start3A_521 = arith.constant 0 : i32
      %dma_start3A_522 = arith.constant 0 : i32
      %dma_start3A_523 = tpu.memref_slice %arg13[%dma_start3A_521, %dma_start3A_522] : memref<128x128xf32, #tpu.memory_space<vmem>> -> memref<128x16xf32, #tpu.memory_space<vmem>>
      %dma_start3A_524 = arith.constant 0 : i32
      %dma_start3A_525 = tpu.memref_slice %arg15[%add3A_92, %dma_start3A_524] : memref<10240x16xf32, #tpu.memory_space<vmem_shared>> -> memref<128x16xf32, #tpu.memory_space<vmem_shared>>
      %dma_start3A_526 = arith.constant 0 : i32
      %dma_start3A_527 = tpu.memref_slice %arg15[%add3A_92, %dma_start3A_526] : memref<10240x16xf32, #tpu.memory_space<vmem_shared>> -> memref<128x16xf32, #tpu.memory_space<vmem_shared>>
      %dma_start3A_528 = arith.constant 0 : i32
      %dma_start3A_529 = arith.constant 0 : i32
      %dma_start3A_530 = tpu.memref_slice %arg13[%dma_start3A_528, %dma_start3A_529] : memref<128x128xf32, #tpu.memory_space<vmem>> -> memref<128x16xf32, #tpu.memory_space<vmem>>
      tpu.enqueue_dma source(%dma_start3A_530 : memref<128x16xf32, #tpu.memory_space<vmem>>) target(%dma_start3A_527 : memref<128x16xf32, #tpu.memory_space<vmem_shared>>) target_semaphore(%run_scoped3A : memref<!tpu.dma_semaphore, #tpu.memory_space<semaphore_mem>>)
      %dma_wait3A_531 = arith.constant 0 : i32
      %dma_wait3A_532 = arith.constant 0 : i32
      %dma_wait3A_533 = tpu.memref_slice %arg13[%dma_wait3A_531, %dma_wait3A_532] : memref<128x128xf32, #tpu.memory_space<vmem>> -> memref<128x16xf32, #tpu.memory_space<vmem>>
      %dma_wait3A_534 = arith.constant 0 : i32
      %dma_wait3A_535 = tpu.memref_slice %arg15[%add3A_92, %dma_wait3A_534] : memref<10240x16xf32, #tpu.memory_space<vmem_shared>> -> memref<128x16xf32, #tpu.memory_space<vmem_shared>>
      %dma_wait3A_536 = arith.constant 0 : i32
      %dma_wait3A_537 = tpu.memref_slice %arg15[%add3A_92, %dma_wait3A_536] : memref<10240x16xf32, #tpu.memory_space<vmem_shared>> -> memref<128x16xf32, #tpu.memory_space<vmem_shared>>
      %dma_wait3A_538 = arith.constant 0 : i32
      %dma_wait3A_539 = arith.constant 0 : i32
      %dma_wait3A_540 = tpu.memref_slice %arg13[%dma_wait3A_538, %dma_wait3A_539] : memref<128x128xf32, #tpu.memory_space<vmem>> -> memref<128x16xf32, #tpu.memory_space<vmem>>
      tpu.wait_dma2 semaphore(%run_scoped3A : memref<!tpu.dma_semaphore, #tpu.memory_space<semaphore_mem>>) src(%dma_wait3A_540 : memref<128x16xf32, #tpu.memory_space<vmem>>) dst(%dma_wait3A_537 : memref<128x16xf32, #tpu.memory_space<vmem_shared>>)
      tpu.yield
    }) : () -> ()
    %mul3A_101 = arith.constant 640 : i32
    %mul3A_102 = arith.muli %arg1, %mul3A_101 : i32
    %add3A_103 = arith.constant 256 : i32
    %add3A_104 = arith.addi %mul3A_102, %add3A_103 : i32
    %dma_start3A_105 = arith.constant 0 : i32
    %dma_start3A_106 = tpu.memref_slice %arg3[%add3A_104, %dma_start3A_105] : memref<10240x128xf32, #tpu.memory_space<hbm>> -> memref<128x128xf32, #tpu.memory_space<hbm>>
    %dma_start3A_107 = arith.constant 0 : i32
    %dma_start3A_108 = tpu.memref_slice %arg3[%add3A_104, %dma_start3A_107] : memref<10240x128xf32, #tpu.memory_space<hbm>> -> memref<128x128xf32, #tpu.memory_space<hbm>>
    tpu.enqueue_dma source(%dma_start3A_108 : memref<128x128xf32, #tpu.memory_space<hbm>>) target(%arg13 : memref<128x128xf32, #tpu.memory_space<vmem>>) target_semaphore(%arg19 : memref<!tpu.dma_semaphore, #tpu.memory_space<semaphore_mem>>)
    %dma_wait3A_109 = arith.constant 0 : i32
    %dma_wait3A_110 = tpu.memref_slice %arg3[%add3A_104, %dma_wait3A_109] : memref<10240x128xf32, #tpu.memory_space<hbm>> -> memref<128x128xf32, #tpu.memory_space<hbm>>
    %dma_wait3A_111 = arith.constant 0 : i32
    %dma_wait3A_112 = tpu.memref_slice %arg3[%add3A_104, %dma_wait3A_111] : memref<10240x128xf32, #tpu.memory_space<hbm>> -> memref<128x128xf32, #tpu.memory_space<hbm>>
    tpu.wait_dma2 semaphore(%arg19 : memref<!tpu.dma_semaphore, #tpu.memory_space<semaphore_mem>>) src(%dma_wait3A_112 : memref<128x128xf32, #tpu.memory_space<hbm>>) dst(%arg13 : memref<128x128xf32, #tpu.memory_space<vmem>>)
    "tpu.region"() ({
      %run_scoped3A = tpu.sem_alloc : memref<!tpu.dma_semaphore, #tpu.memory_space<semaphore_mem>>
      %dma_start3A_521 = arith.constant 0 : i32
      %dma_start3A_522 = arith.constant 0 : i32
      %dma_start3A_523 = tpu.memref_slice %arg13[%dma_start3A_521, %dma_start3A_522] : memref<128x128xf32, #tpu.memory_space<vmem>> -> memref<128x16xf32, #tpu.memory_space<vmem>>
      %dma_start3A_524 = arith.constant 0 : i32
      %dma_start3A_525 = tpu.memref_slice %arg15[%add3A_104, %dma_start3A_524] : memref<10240x16xf32, #tpu.memory_space<vmem_shared>> -> memref<128x16xf32, #tpu.memory_space<vmem_shared>>
      %dma_start3A_526 = arith.constant 0 : i32
      %dma_start3A_527 = tpu.memref_slice %arg15[%add3A_104, %dma_start3A_526] : memref<10240x16xf32, #tpu.memory_space<vmem_shared>> -> memref<128x16xf32, #tpu.memory_space<vmem_shared>>
      %dma_start3A_528 = arith.constant 0 : i32
      %dma_start3A_529 = arith.constant 0 : i32
      %dma_start3A_530 = tpu.memref_slice %arg13[%dma_start3A_528, %dma_start3A_529] : memref<128x128xf32, #tpu.memory_space<vmem>> -> memref<128x16xf32, #tpu.memory_space<vmem>>
      tpu.enqueue_dma source(%dma_start3A_530 : memref<128x16xf32, #tpu.memory_space<vmem>>) target(%dma_start3A_527 : memref<128x16xf32, #tpu.memory_space<vmem_shared>>) target_semaphore(%run_scoped3A : memref<!tpu.dma_semaphore, #tpu.memory_space<semaphore_mem>>)
      %dma_wait3A_531 = arith.constant 0 : i32
      %dma_wait3A_532 = arith.constant 0 : i32
      %dma_wait3A_533 = tpu.memref_slice %arg13[%dma_wait3A_531, %dma_wait3A_532] : memref<128x128xf32, #tpu.memory_space<vmem>> -> memref<128x16xf32, #tpu.memory_space<vmem>>
      %dma_wait3A_534 = arith.constant 0 : i32
      %dma_wait3A_535 = tpu.memref_slice %arg15[%add3A_104, %dma_wait3A_534] : memref<10240x16xf32, #tpu.memory_space<vmem_shared>> -> memref<128x16xf32, #tpu.memory_space<vmem_shared>>
      %dma_wait3A_536 = arith.constant 0 : i32
      %dma_wait3A_537 = tpu.memref_slice %arg15[%add3A_104, %dma_wait3A_536] : memref<10240x16xf32, #tpu.memory_space<vmem_shared>> -> memref<128x16xf32, #tpu.memory_space<vmem_shared>>
      %dma_wait3A_538 = arith.constant 0 : i32
      %dma_wait3A_539 = arith.constant 0 : i32
      %dma_wait3A_540 = tpu.memref_slice %arg13[%dma_wait3A_538, %dma_wait3A_539] : memref<128x128xf32, #tpu.memory_space<vmem>> -> memref<128x16xf32, #tpu.memory_space<vmem>>
      tpu.wait_dma2 semaphore(%run_scoped3A : memref<!tpu.dma_semaphore, #tpu.memory_space<semaphore_mem>>) src(%dma_wait3A_540 : memref<128x16xf32, #tpu.memory_space<vmem>>) dst(%dma_wait3A_537 : memref<128x16xf32, #tpu.memory_space<vmem_shared>>)
      tpu.yield
    }) : () -> ()
    %mul3A_113 = arith.constant 640 : i32
    %mul3A_114 = arith.muli %arg1, %mul3A_113 : i32
    %add3A_115 = arith.constant 384 : i32
    %add3A_116 = arith.addi %mul3A_114, %add3A_115 : i32
    %dma_start3A_117 = arith.constant 0 : i32
    %dma_start3A_118 = tpu.memref_slice %arg3[%add3A_116, %dma_start3A_117] : memref<10240x128xf32, #tpu.memory_space<hbm>> -> memref<128x128xf32, #tpu.memory_space<hbm>>
    %dma_start3A_119 = arith.constant 0 : i32
    %dma_start3A_120 = tpu.memref_slice %arg3[%add3A_116, %dma_start3A_119] : memref<10240x128xf32, #tpu.memory_space<hbm>> -> memref<128x128xf32, #tpu.memory_space<hbm>>
    tpu.enqueue_dma source(%dma_start3A_120 : memref<128x128xf32, #tpu.memory_space<hbm>>) target(%arg13 : memref<128x128xf32, #tpu.memory_space<vmem>>) target_semaphore(%arg19 : memref<!tpu.dma_semaphore, #tpu.memory_space<semaphore_mem>>)
    %dma_wait3A_121 = arith.constant 0 : i32
    %dma_wait3A_122 = tpu.memref_slice %arg3[%add3A_116, %dma_wait3A_121] : memref<10240x128xf32, #tpu.memory_space<hbm>> -> memref<128x128xf32, #tpu.memory_space<hbm>>
    %dma_wait3A_123 = arith.constant 0 : i32
    %dma_wait3A_124 = tpu.memref_slice %arg3[%add3A_116, %dma_wait3A_123] : memref<10240x128xf32, #tpu.memory_space<hbm>> -> memref<128x128xf32, #tpu.memory_space<hbm>>
    tpu.wait_dma2 semaphore(%arg19 : memref<!tpu.dma_semaphore, #tpu.memory_space<semaphore_mem>>) src(%dma_wait3A_124 : memref<128x128xf32, #tpu.memory_space<hbm>>) dst(%arg13 : memref<128x128xf32, #tpu.memory_space<vmem>>)
    "tpu.region"() ({
      %run_scoped3A = tpu.sem_alloc : memref<!tpu.dma_semaphore, #tpu.memory_space<semaphore_mem>>
      %dma_start3A_521 = arith.constant 0 : i32
      %dma_start3A_522 = arith.constant 0 : i32
      %dma_start3A_523 = tpu.memref_slice %arg13[%dma_start3A_521, %dma_start3A_522] : memref<128x128xf32, #tpu.memory_space<vmem>> -> memref<128x16xf32, #tpu.memory_space<vmem>>
      %dma_start3A_524 = arith.constant 0 : i32
      %dma_start3A_525 = tpu.memref_slice %arg15[%add3A_116, %dma_start3A_524] : memref<10240x16xf32, #tpu.memory_space<vmem_shared>> -> memref<128x16xf32, #tpu.memory_space<vmem_shared>>
      %dma_start3A_526 = arith.constant 0 : i32
      %dma_start3A_527 = tpu.memref_slice %arg15[%add3A_116, %dma_start3A_526] : memref<10240x16xf32, #tpu.memory_space<vmem_shared>> -> memref<128x16xf32, #tpu.memory_space<vmem_shared>>
      %dma_start3A_528 = arith.constant 0 : i32
      %dma_start3A_529 = arith.constant 0 : i32
      %dma_start3A_530 = tpu.memref_slice %arg13[%dma_start3A_528, %dma_start3A_529] : memref<128x128xf32, #tpu.memory_space<vmem>> -> memref<128x16xf32, #tpu.memory_space<vmem>>
      tpu.enqueue_dma source(%dma_start3A_530 : memref<128x16xf32, #tpu.memory_space<vmem>>) target(%dma_start3A_527 : memref<128x16xf32, #tpu.memory_space<vmem_shared>>) target_semaphore(%run_scoped3A : memref<!tpu.dma_semaphore, #tpu.memory_space<semaphore_mem>>)
      %dma_wait3A_531 = arith.constant 0 : i32
      %dma_wait3A_532 = arith.constant 0 : i32
      %dma_wait3A_533 = tpu.memref_slice %arg13[%dma_wait3A_531, %dma_wait3A_532] : memref<128x128xf32, #tpu.memory_space<vmem>> -> memref<128x16xf32, #tpu.memory_space<vmem>>
      %dma_wait3A_534 = arith.constant 0 : i32
      %dma_wait3A_535 = tpu.memref_slice %arg15[%add3A_116, %dma_wait3A_534] : memref<10240x16xf32, #tpu.memory_space<vmem_shared>> -> memref<128x16xf32, #tpu.memory_space<vmem_shared>>
      %dma_wait3A_536 = arith.constant 0 : i32
      %dma_wait3A_537 = tpu.memref_slice %arg15[%add3A_116, %dma_wait3A_536] : memref<10240x16xf32, #tpu.memory_space<vmem_shared>> -> memref<128x16xf32, #tpu.memory_space<vmem_shared>>
      %dma_wait3A_538 = arith.constant 0 : i32
      %dma_wait3A_539 = arith.constant 0 : i32
      %dma_wait3A_540 = tpu.memref_slice %arg13[%dma_wait3A_538, %dma_wait3A_539] : memref<128x128xf32, #tpu.memory_space<vmem>> -> memref<128x16xf32, #tpu.memory_space<vmem>>
      tpu.wait_dma2 semaphore(%run_scoped3A : memref<!tpu.dma_semaphore, #tpu.memory_space<semaphore_mem>>) src(%dma_wait3A_540 : memref<128x16xf32, #tpu.memory_space<vmem>>) dst(%dma_wait3A_537 : memref<128x16xf32, #tpu.memory_space<vmem_shared>>)
      tpu.yield
    }) : () -> ()
    %mul3A_125 = arith.constant 640 : i32
    %mul3A_126 = arith.muli %arg1, %mul3A_125 : i32
    %add3A_127 = arith.constant 512 : i32
    %add3A_128 = arith.addi %mul3A_126, %add3A_127 : i32
    %dma_start3A_129 = arith.constant 0 : i32
    %dma_start3A_130 = tpu.memref_slice %arg3[%add3A_128, %dma_start3A_129] : memref<10240x128xf32, #tpu.memory_space<hbm>> -> memref<128x128xf32, #tpu.memory_space<hbm>>
    %dma_start3A_131 = arith.constant 0 : i32
    %dma_start3A_132 = tpu.memref_slice %arg3[%add3A_128, %dma_start3A_131] : memref<10240x128xf32, #tpu.memory_space<hbm>> -> memref<128x128xf32, #tpu.memory_space<hbm>>
    tpu.enqueue_dma source(%dma_start3A_132 : memref<128x128xf32, #tpu.memory_space<hbm>>) target(%arg13 : memref<128x128xf32, #tpu.memory_space<vmem>>) target_semaphore(%arg19 : memref<!tpu.dma_semaphore, #tpu.memory_space<semaphore_mem>>)
    %dma_wait3A_133 = arith.constant 0 : i32
    %dma_wait3A_134 = tpu.memref_slice %arg3[%add3A_128, %dma_wait3A_133] : memref<10240x128xf32, #tpu.memory_space<hbm>> -> memref<128x128xf32, #tpu.memory_space<hbm>>
    %dma_wait3A_135 = arith.constant 0 : i32
    %dma_wait3A_136 = tpu.memref_slice %arg3[%add3A_128, %dma_wait3A_135] : memref<10240x128xf32, #tpu.memory_space<hbm>> -> memref<128x128xf32, #tpu.memory_space<hbm>>
    tpu.wait_dma2 semaphore(%arg19 : memref<!tpu.dma_semaphore, #tpu.memory_space<semaphore_mem>>) src(%dma_wait3A_136 : memref<128x128xf32, #tpu.memory_space<hbm>>) dst(%arg13 : memref<128x128xf32, #tpu.memory_space<vmem>>)
    "tpu.region"() ({
      %run_scoped3A = tpu.sem_alloc : memref<!tpu.dma_semaphore, #tpu.memory_space<semaphore_mem>>
      %dma_start3A_521 = arith.constant 0 : i32
      %dma_start3A_522 = arith.constant 0 : i32
      %dma_start3A_523 = tpu.memref_slice %arg13[%dma_start3A_521, %dma_start3A_522] : memref<128x128xf32, #tpu.memory_space<vmem>> -> memref<128x16xf32, #tpu.memory_space<vmem>>
      %dma_start3A_524 = arith.constant 0 : i32
      %dma_start3A_525 = tpu.memref_slice %arg15[%add3A_128, %dma_start3A_524] : memref<10240x16xf32, #tpu.memory_space<vmem_shared>> -> memref<128x16xf32, #tpu.memory_space<vmem_shared>>
      %dma_start3A_526 = arith.constant 0 : i32
      %dma_start3A_527 = tpu.memref_slice %arg15[%add3A_128, %dma_start3A_526] : memref<10240x16xf32, #tpu.memory_space<vmem_shared>> -> memref<128x16xf32, #tpu.memory_space<vmem_shared>>
      %dma_start3A_528 = arith.constant 0 : i32
      %dma_start3A_529 = arith.constant 0 : i32
      %dma_start3A_530 = tpu.memref_slice %arg13[%dma_start3A_528, %dma_start3A_529] : memref<128x128xf32, #tpu.memory_space<vmem>> -> memref<128x16xf32, #tpu.memory_space<vmem>>
      tpu.enqueue_dma source(%dma_start3A_530 : memref<128x16xf32, #tpu.memory_space<vmem>>) target(%dma_start3A_527 : memref<128x16xf32, #tpu.memory_space<vmem_shared>>) target_semaphore(%run_scoped3A : memref<!tpu.dma_semaphore, #tpu.memory_space<semaphore_mem>>)
      %dma_wait3A_531 = arith.constant 0 : i32
      %dma_wait3A_532 = arith.constant 0 : i32
      %dma_wait3A_533 = tpu.memref_slice %arg13[%dma_wait3A_531, %dma_wait3A_532] : memref<128x128xf32, #tpu.memory_space<vmem>> -> memref<128x16xf32, #tpu.memory_space<vmem>>
      %dma_wait3A_534 = arith.constant 0 : i32
      %dma_wait3A_535 = tpu.memref_slice %arg15[%add3A_128, %dma_wait3A_534] : memref<10240x16xf32, #tpu.memory_space<vmem_shared>> -> memref<128x16xf32, #tpu.memory_space<vmem_shared>>
      %dma_wait3A_536 = arith.constant 0 : i32
      %dma_wait3A_537 = tpu.memref_slice %arg15[%add3A_128, %dma_wait3A_536] : memref<10240x16xf32, #tpu.memory_space<vmem_shared>> -> memref<128x16xf32, #tpu.memory_space<vmem_shared>>
      %dma_wait3A_538 = arith.constant 0 : i32
      %dma_wait3A_539 = arith.constant 0 : i32
      %dma_wait3A_540 = tpu.memref_slice %arg13[%dma_wait3A_538, %dma_wait3A_539] : memref<128x128xf32, #tpu.memory_space<vmem>> -> memref<128x16xf32, #tpu.memory_space<vmem>>
      tpu.wait_dma2 semaphore(%run_scoped3A : memref<!tpu.dma_semaphore, #tpu.memory_space<semaphore_mem>>) src(%dma_wait3A_540 : memref<128x16xf32, #tpu.memory_space<vmem>>) dst(%dma_wait3A_537 : memref<128x16xf32, #tpu.memory_space<vmem_shared>>)
      tpu.yield
    }) : () -> ()
    %dma_wait3A_137 = arith.constant 0 : i32
    %dma_wait3A_138 = arith.constant 0 : i32
    %dma_wait3A_139 = arith.constant 0 : i32
    %dma_wait3A_140 = arith.constant 0 : i32
    %dma_wait3A_141 = tpu.memref_slice %arg2[%dma_wait3A_137, %dma_wait3A_138, %dma_wait3A_139, %dma_wait3A_140] : memref<2x32x80x125xi32, #tpu.memory_space<hbm>> -> memref<1x32x80x125xi32, #tpu.memory_space<hbm>>
    %dma_wait3A_142 = tpu.memref_squeeze %dma_wait3A_141 : memref<1x32x80x125xi32, #tpu.memory_space<hbm>> -> memref<32x80x125xi32, #tpu.memory_space<hbm>>
    %dma_wait3A_143 = arith.constant 0 : i32
    %dma_wait3A_144 = arith.constant 0 : i32
    %dma_wait3A_145 = tpu.memref_slice %dma_wait3A_142[%add3A, %dma_wait3A_143, %dma_wait3A_144] : memref<32x80x125xi32, #tpu.memory_space<hbm>> -> memref<1x80x125xi32, #tpu.memory_space<hbm>>
    %dma_wait3A_146 = tpu.memref_squeeze %dma_wait3A_145 : memref<1x80x125xi32, #tpu.memory_space<hbm>> -> memref<80x125xi32, #tpu.memory_space<hbm>>
    %dma_wait3A_147 = arith.constant 0 : i32
    %dma_wait3A_148 = arith.constant 0 : i32
    %dma_wait3A_149 = arith.constant 0 : i32
    %dma_wait3A_150 = tpu.memref_slice %arg2[%dma_wait3A_137, %dma_wait3A_147, %dma_wait3A_148, %dma_wait3A_149] : memref<2x32x80x125xi32, #tpu.memory_space<hbm>> -> memref<1x32x80x125xi32, #tpu.memory_space<hbm>>
    %dma_wait3A_151 = tpu.memref_squeeze %dma_wait3A_150 : memref<1x32x80x125xi32, #tpu.memory_space<hbm>> -> memref<32x80x125xi32, #tpu.memory_space<hbm>>
    %dma_wait3A_152 = arith.constant 0 : i32
    %dma_wait3A_153 = arith.constant 0 : i32
    %dma_wait3A_154 = tpu.memref_slice %dma_wait3A_151[%add3A, %dma_wait3A_152, %dma_wait3A_153] : memref<32x80x125xi32, #tpu.memory_space<hbm>> -> memref<1x80x125xi32, #tpu.memory_space<hbm>>
    %dma_wait3A_155 = tpu.memref_squeeze %dma_wait3A_154 : memref<1x80x125xi32, #tpu.memory_space<hbm>> -> memref<80x125xi32, #tpu.memory_space<hbm>>
    tpu.wait_dma2 semaphore(%arg20 : memref<!tpu.dma_semaphore, #tpu.memory_space<semaphore_mem>>) src(%dma_wait3A_155 : memref<80x125xi32, #tpu.memory_space<hbm>>) dst(%arg6 : memref<80x125xi32, #tpu.memory_space<vmem>>)
    %dma_wait3A_156 = arith.constant 1 : i32
    %dma_wait3A_157 = arith.constant 0 : i32
    %dma_wait3A_158 = arith.constant 0 : i32
    %dma_wait3A_159 = arith.constant 0 : i32
    %dma_wait3A_160 = tpu.memref_slice %arg2[%dma_wait3A_156, %dma_wait3A_157, %dma_wait3A_158, %dma_wait3A_159] : memref<2x32x80x125xi32, #tpu.memory_space<hbm>> -> memref<1x32x80x125xi32, #tpu.memory_space<hbm>>
    %dma_wait3A_161 = tpu.memref_squeeze %dma_wait3A_160 : memref<1x32x80x125xi32, #tpu.memory_space<hbm>> -> memref<32x80x125xi32, #tpu.memory_space<hbm>>
    %dma_wait3A_162 = arith.constant 0 : i32
    %dma_wait3A_163 = arith.constant 0 : i32
    %dma_wait3A_164 = tpu.memref_slice %dma_wait3A_161[%add3A, %dma_wait3A_162, %dma_wait3A_163] : memref<32x80x125xi32, #tpu.memory_space<hbm>> -> memref<1x80x125xi32, #tpu.memory_space<hbm>>
    %dma_wait3A_165 = tpu.memref_squeeze %dma_wait3A_164 : memref<1x80x125xi32, #tpu.memory_space<hbm>> -> memref<80x125xi32, #tpu.memory_space<hbm>>
    %dma_wait3A_166 = arith.constant 0 : i32
    %dma_wait3A_167 = arith.constant 0 : i32
    %dma_wait3A_168 = arith.constant 0 : i32
    %dma_wait3A_169 = tpu.memref_slice %arg2[%dma_wait3A_156, %dma_wait3A_166, %dma_wait3A_167, %dma_wait3A_168] : memref<2x32x80x125xi32, #tpu.memory_space<hbm>> -> memref<1x32x80x125xi32, #tpu.memory_space<hbm>>
    %dma_wait3A_170 = tpu.memref_squeeze %dma_wait3A_169 : memref<1x32x80x125xi32, #tpu.memory_space<hbm>> -> memref<32x80x125xi32, #tpu.memory_space<hbm>>
    %dma_wait3A_171 = arith.constant 0 : i32
    %dma_wait3A_172 = arith.constant 0 : i32
    %dma_wait3A_173 = tpu.memref_slice %dma_wait3A_170[%add3A, %dma_wait3A_171, %dma_wait3A_172] : memref<32x80x125xi32, #tpu.memory_space<hbm>> -> memref<1x80x125xi32, #tpu.memory_space<hbm>>
    %dma_wait3A_174 = tpu.memref_squeeze %dma_wait3A_173 : memref<1x80x125xi32, #tpu.memory_space<hbm>> -> memref<80x125xi32, #tpu.memory_space<hbm>>
    tpu.wait_dma2 semaphore(%arg21 : memref<!tpu.dma_semaphore, #tpu.memory_space<semaphore_mem>>) src(%dma_wait3A_174 : memref<80x125xi32, #tpu.memory_space<hbm>>) dst(%arg7 : memref<80x125xi32, #tpu.memory_space<vmem>>)
    %mul3A_175 = arith.constant 640 : i32
    %mul3A_176 = arith.muli %arg1, %mul3A_175 : i32
    %add3A_177 = arith.constant 0 : i32
    %add3A_178 = arith.addi %mul3A_176, %add3A_177 : i32
    %dma_wait3A_179 = arith.constant 0 : i32
    %dma_wait3A_180 = tpu.memref_slice %arg14[%add3A_178, %dma_wait3A_179] : memref<10240x16xf32, #tpu.memory_space<vmem_shared>> -> memref<128x16xf32, #tpu.memory_space<vmem_shared>>
    %dma_wait3A_181 = arith.constant 0 : i32
    %dma_wait3A_182 = tpu.memref_slice %arg14[%add3A_178, %dma_wait3A_181] : memref<10240x16xf32, #tpu.memory_space<vmem_shared>> -> memref<128x16xf32, #tpu.memory_space<vmem_shared>>
    tpu.wait_dma2 semaphore(%arg22 : memref<!tpu.dma_semaphore, #tpu.memory_space<semaphore_mem>>) src(%arg12 : memref<128x16xf32, #tpu.memory_space<vmem>>) dst(%dma_wait3A_182 : memref<128x16xf32, #tpu.memory_space<vmem_shared>>)
    %mul3A_183 = arith.constant 640 : i32
    %mul3A_184 = arith.muli %arg1, %mul3A_183 : i32
    %add3A_185 = arith.constant 128 : i32
    %add3A_186 = arith.addi %mul3A_184, %add3A_185 : i32
    %dma_wait3A_187 = arith.constant 0 : i32
    %dma_wait3A_188 = tpu.memref_slice %arg14[%add3A_186, %dma_wait3A_187] : memref<10240x16xf32, #tpu.memory_space<vmem_shared>> -> memref<128x16xf32, #tpu.memory_space<vmem_shared>>
    %dma_wait3A_189 = arith.constant 0 : i32
    %dma_wait3A_190 = tpu.memref_slice %arg14[%add3A_186, %dma_wait3A_189] : memref<10240x16xf32, #tpu.memory_space<vmem_shared>> -> memref<128x16xf32, #tpu.memory_space<vmem_shared>>
    tpu.wait_dma2 semaphore(%arg22 : memref<!tpu.dma_semaphore, #tpu.memory_space<semaphore_mem>>) src(%arg12 : memref<128x16xf32, #tpu.memory_space<vmem>>) dst(%dma_wait3A_190 : memref<128x16xf32, #tpu.memory_space<vmem_shared>>)
    %mul3A_191 = arith.constant 640 : i32
    %mul3A_192 = arith.muli %arg1, %mul3A_191 : i32
    %add3A_193 = arith.constant 256 : i32
    %add3A_194 = arith.addi %mul3A_192, %add3A_193 : i32
    %dma_wait3A_195 = arith.constant 0 : i32
    %dma_wait3A_196 = tpu.memref_slice %arg14[%add3A_194, %dma_wait3A_195] : memref<10240x16xf32, #tpu.memory_space<vmem_shared>> -> memref<128x16xf32, #tpu.memory_space<vmem_shared>>
    %dma_wait3A_197 = arith.constant 0 : i32
    %dma_wait3A_198 = tpu.memref_slice %arg14[%add3A_194, %dma_wait3A_197] : memref<10240x16xf32, #tpu.memory_space<vmem_shared>> -> memref<128x16xf32, #tpu.memory_space<vmem_shared>>
    tpu.wait_dma2 semaphore(%arg22 : memref<!tpu.dma_semaphore, #tpu.memory_space<semaphore_mem>>) src(%arg12 : memref<128x16xf32, #tpu.memory_space<vmem>>) dst(%dma_wait3A_198 : memref<128x16xf32, #tpu.memory_space<vmem_shared>>)
    %mul3A_199 = arith.constant 640 : i32
    %mul3A_200 = arith.muli %arg1, %mul3A_199 : i32
    %add3A_201 = arith.constant 384 : i32
    %add3A_202 = arith.addi %mul3A_200, %add3A_201 : i32
    %dma_wait3A_203 = arith.constant 0 : i32
    %dma_wait3A_204 = tpu.memref_slice %arg14[%add3A_202, %dma_wait3A_203] : memref<10240x16xf32, #tpu.memory_space<vmem_shared>> -> memref<128x16xf32, #tpu.memory_space<vmem_shared>>
    %dma_wait3A_205 = arith.constant 0 : i32
    %dma_wait3A_206 = tpu.memref_slice %arg14[%add3A_202, %dma_wait3A_205] : memref<10240x16xf32, #tpu.memory_space<vmem_shared>> -> memref<128x16xf32, #tpu.memory_space<vmem_shared>>
    tpu.wait_dma2 semaphore(%arg22 : memref<!tpu.dma_semaphore, #tpu.memory_space<semaphore_mem>>) src(%arg12 : memref<128x16xf32, #tpu.memory_space<vmem>>) dst(%dma_wait3A_206 : memref<128x16xf32, #tpu.memory_space<vmem_shared>>)
    %mul3A_207 = arith.constant 640 : i32
    %mul3A_208 = arith.muli %arg1, %mul3A_207 : i32
    %add3A_209 = arith.constant 512 : i32
    %add3A_210 = arith.addi %mul3A_208, %add3A_209 : i32
    %dma_wait3A_211 = arith.constant 0 : i32
    %dma_wait3A_212 = tpu.memref_slice %arg14[%add3A_210, %dma_wait3A_211] : memref<10240x16xf32, #tpu.memory_space<vmem_shared>> -> memref<128x16xf32, #tpu.memory_space<vmem_shared>>
    %dma_wait3A_213 = arith.constant 0 : i32
    %dma_wait3A_214 = tpu.memref_slice %arg14[%add3A_210, %dma_wait3A_213] : memref<10240x16xf32, #tpu.memory_space<vmem_shared>> -> memref<128x16xf32, #tpu.memory_space<vmem_shared>>
    tpu.wait_dma2 semaphore(%arg22 : memref<!tpu.dma_semaphore, #tpu.memory_space<semaphore_mem>>) src(%arg12 : memref<128x16xf32, #tpu.memory_space<vmem>>) dst(%dma_wait3A_214 : memref<128x16xf32, #tpu.memory_space<vmem_shared>>)
    %barrier3A = arith.constant 0 : index
    tpu.barrier barrier_id(%barrier3A)
    %dma_start3A_215 = arith.constant 0 : i32
    %dma_start3A_216 = arith.constant 0 : i32
    %dma_start3A_217 = arith.constant 0 : i32
    %dma_start3A_218 = tpu.memref_slice %arg8[%dma_start3A_216, %dma_start3A_217] : memref<128x16xf32, #tpu.memory_space<vmem>> -> memref<125x16xf32, #tpu.memory_space<vmem>>
    %dma_start3A_219 = arith.constant 0 : i32
    %dma_start3A_220 = tpu.memref_slice %arg6[%dma_start3A_215, %dma_start3A_219] : memref<80x125xi32, #tpu.memory_space<vmem>> -> memref<1x125xi32, #tpu.memory_space<vmem>>
    %dma_start3A_221 = tpu.memref_squeeze %dma_start3A_220 : memref<1x125xi32, #tpu.memory_space<vmem>> -> memref<125xi32, #tpu.memory_space<vmem>>
    %dma_start3A_222 = arith.constant 0 : i32
    %dma_start3A_223 = arith.constant 0 : i32
    %dma_start3A_224 = tpu.memref_slice %arg15[%dma_start3A_222, %dma_start3A_223] : memref<10240x16xf32, #tpu.memory_space<vmem_shared>> -> memref<10240x16xf32, #tpu.memory_space<vmem_shared>>
    tpu.enqueue_indirect_dma source(%dma_start3A_224 : memref<10240x16xf32, #tpu.memory_space<vmem_shared>>) target(%dma_start3A_218 : memref<125x16xf32, #tpu.memory_space<vmem>>) offsets(%dma_start3A_221 : memref<125xi32, #tpu.memory_space<vmem>>) semaphore(%arg16 : memref<!tpu.dma_semaphore, #tpu.memory_space<semaphore_mem>>)
    %dma_start3A_225 = arith.constant 1 : i32
    %dma_start3A_226 = arith.constant 0 : i32
    %dma_start3A_227 = arith.constant 0 : i32
    %dma_start3A_228 = tpu.memref_slice %arg9[%dma_start3A_226, %dma_start3A_227] : memref<128x16xf32, #tpu.memory_space<vmem>> -> memref<125x16xf32, #tpu.memory_space<vmem>>
    %dma_start3A_229 = arith.constant 0 : i32
    %dma_start3A_230 = tpu.memref_slice %arg6[%dma_start3A_225, %dma_start3A_229] : memref<80x125xi32, #tpu.memory_space<vmem>> -> memref<1x125xi32, #tpu.memory_space<vmem>>
    %dma_start3A_231 = tpu.memref_squeeze %dma_start3A_230 : memref<1x125xi32, #tpu.memory_space<vmem>> -> memref<125xi32, #tpu.memory_space<vmem>>
    %dma_start3A_232 = arith.constant 0 : i32
    %dma_start3A_233 = arith.constant 0 : i32
    %dma_start3A_234 = tpu.memref_slice %arg15[%dma_start3A_232, %dma_start3A_233] : memref<10240x16xf32, #tpu.memory_space<vmem_shared>> -> memref<10240x16xf32, #tpu.memory_space<vmem_shared>>
    tpu.enqueue_indirect_dma source(%dma_start3A_234 : memref<10240x16xf32, #tpu.memory_space<vmem_shared>>) target(%dma_start3A_228 : memref<125x16xf32, #tpu.memory_space<vmem>>) offsets(%dma_start3A_231 : memref<125xi32, #tpu.memory_space<vmem>>) semaphore(%arg17 : memref<!tpu.dma_semaphore, #tpu.memory_space<semaphore_mem>>)
    %dma_start3A_235 = arith.constant 2 : i32
    %dma_start3A_236 = arith.constant 0 : i32
    %dma_start3A_237 = arith.constant 0 : i32
    %dma_start3A_238 = tpu.memref_slice %arg10[%dma_start3A_236, %dma_start3A_237] : memref<128x16xf32, #tpu.memory_space<vmem>> -> memref<125x16xf32, #tpu.memory_space<vmem>>
    %dma_start3A_239 = arith.constant 0 : i32
    %dma_start3A_240 = tpu.memref_slice %arg6[%dma_start3A_235, %dma_start3A_239] : memref<80x125xi32, #tpu.memory_space<vmem>> -> memref<1x125xi32, #tpu.memory_space<vmem>>
    %dma_start3A_241 = tpu.memref_squeeze %dma_start3A_240 : memref<1x125xi32, #tpu.memory_space<vmem>> -> memref<125xi32, #tpu.memory_space<vmem>>
    %dma_start3A_242 = arith.constant 0 : i32
    %dma_start3A_243 = arith.constant 0 : i32
    %dma_start3A_244 = tpu.memref_slice %arg15[%dma_start3A_242, %dma_start3A_243] : memref<10240x16xf32, #tpu.memory_space<vmem_shared>> -> memref<10240x16xf32, #tpu.memory_space<vmem_shared>>
    tpu.enqueue_indirect_dma source(%dma_start3A_244 : memref<10240x16xf32, #tpu.memory_space<vmem_shared>>) target(%dma_start3A_238 : memref<125x16xf32, #tpu.memory_space<vmem>>) offsets(%dma_start3A_241 : memref<125xi32, #tpu.memory_space<vmem>>) semaphore(%arg18 : memref<!tpu.dma_semaphore, #tpu.memory_space<semaphore_mem>>)
    %dma_start3A_245 = arith.constant 3 : i32
    %dma_start3A_246 = arith.constant 0 : i32
    %dma_start3A_247 = arith.constant 0 : i32
    %dma_start3A_248 = tpu.memref_slice %arg11[%dma_start3A_246, %dma_start3A_247] : memref<128x16xf32, #tpu.memory_space<vmem>> -> memref<125x16xf32, #tpu.memory_space<vmem>>
    %dma_start3A_249 = arith.constant 0 : i32
    %dma_start3A_250 = tpu.memref_slice %arg6[%dma_start3A_245, %dma_start3A_249] : memref<80x125xi32, #tpu.memory_space<vmem>> -> memref<1x125xi32, #tpu.memory_space<vmem>>
    %dma_start3A_251 = tpu.memref_squeeze %dma_start3A_250 : memref<1x125xi32, #tpu.memory_space<vmem>> -> memref<125xi32, #tpu.memory_space<vmem>>
    %dma_start3A_252 = arith.constant 0 : i32
    %dma_start3A_253 = arith.constant 0 : i32
    %dma_start3A_254 = tpu.memref_slice %arg15[%dma_start3A_252, %dma_start3A_253] : memref<10240x16xf32, #tpu.memory_space<vmem_shared>> -> memref<10240x16xf32, #tpu.memory_space<vmem_shared>>
    tpu.enqueue_indirect_dma source(%dma_start3A_254 : memref<10240x16xf32, #tpu.memory_space<vmem_shared>>) target(%dma_start3A_248 : memref<125x16xf32, #tpu.memory_space<vmem>>) offsets(%dma_start3A_251 : memref<125xi32, #tpu.memory_space<vmem>>) semaphore(%arg19 : memref<!tpu.dma_semaphore, #tpu.memory_space<semaphore_mem>>)
    %scan3A = arith.constant 0 : i32
    %scan3A_255 = arith.constant 0 : i32
    %scan3A_256 = arith.constant 20 : i32
    %scan3A_257 = arith.addi %scan3A_255, %scan3A_256 : i32
    %scan3A_258 = arith.constant 1 : i32
    scf.for %scan3A_521 = %scan3A_255 to %scan3A_257 step %scan3A_258  : i32 {
      %mul3A_522 = arith.constant 4 : i32
      %mul3A_523 = arith.muli %mul3A_522, %scan3A_521 : i32
      %add3A_524 = arith.constant 0 : i32
      %add3A_525 = arith.addi %mul3A_523, %add3A_524 : i32
      %dma_wait3A_526 = arith.constant 0 : i32
      %dma_wait3A_527 = arith.constant 0 : i32
      %dma_wait3A_528 = tpu.memref_slice %arg8[%dma_wait3A_526, %dma_wait3A_527] : memref<128x16xf32, #tpu.memory_space<vmem>> -> memref<125x16xf32, #tpu.memory_space<vmem>>
      %dma_wait3A_529 = arith.constant 0 : i32
      %dma_wait3A_530 = tpu.memref_slice %arg6[%add3A_525, %dma_wait3A_529] : memref<80x125xi32, #tpu.memory_space<vmem>> -> memref<1x125xi32, #tpu.memory_space<vmem>>
      %dma_wait3A_531 = tpu.memref_squeeze %dma_wait3A_530 : memref<1x125xi32, #tpu.memory_space<vmem>> -> memref<125xi32, #tpu.memory_space<vmem>>
      %dma_wait3A_532 = arith.constant 0 : i32
      %dma_wait3A_533 = arith.constant 0 : i32
      %dma_wait3A_534 = tpu.memref_slice %arg15[%dma_wait3A_532, %dma_wait3A_533] : memref<10240x16xf32, #tpu.memory_space<vmem_shared>> -> memref<10240x16xf32, #tpu.memory_space<vmem_shared>>
      tpu.wait_indirect_dma semaphore(%arg16 : memref<!tpu.dma_semaphore, #tpu.memory_space<semaphore_mem>>) src(%dma_wait3A_534 : memref<10240x16xf32, #tpu.memory_space<vmem_shared>>) dst(%dma_wait3A_528 : memref<125x16xf32, #tpu.memory_space<vmem>>)
      %dma_start3A_535 = arith.constant 0 : i32
      %dma_start3A_536 = arith.constant 0 : i32
      %dma_start3A_537 = tpu.memref_slice %arg8[%dma_start3A_535, %dma_start3A_536] : memref<128x16xf32, #tpu.memory_space<vmem>> -> memref<125x16xf32, #tpu.memory_space<vmem>>
      %dma_start3A_538 = arith.constant 0 : i32
      %dma_start3A_539 = tpu.memref_slice %arg7[%add3A_525, %dma_start3A_538] : memref<80x125xi32, #tpu.memory_space<vmem>> -> memref<1x125xi32, #tpu.memory_space<vmem>>
      %dma_start3A_540 = tpu.memref_squeeze %dma_start3A_539 : memref<1x125xi32, #tpu.memory_space<vmem>> -> memref<125xi32, #tpu.memory_space<vmem>>
      %dma_start3A_541 = arith.constant 0 : i32
      %dma_start3A_542 = arith.constant 0 : i32
      %dma_start3A_543 = tpu.memref_slice %arg14[%dma_start3A_541, %dma_start3A_542] : memref<10240x16xf32, #tpu.memory_space<vmem_shared>> -> memref<10240x16xf32, #tpu.memory_space<vmem_shared>>
      tpu.enqueue_indirect_dma source(%dma_start3A_537 : memref<125x16xf32, #tpu.memory_space<vmem>>) target(%dma_start3A_543 : memref<10240x16xf32, #tpu.memory_space<vmem_shared>>) offsets(%dma_start3A_540 : memref<125xi32, #tpu.memory_space<vmem>>) semaphore(%arg20 : memref<!tpu.dma_semaphore, #tpu.memory_space<semaphore_mem>>) {add = true}
      %add3A_544 = arith.constant 2 : i32
      %add3A_545 = arith.addi %add3A_525, %add3A_544 : i32
      %ge3A = arith.constant 4 : i32
      %ge3A_546 = arith.cmpi sge, %add3A_545, %ge3A : i32
      %lt3A = arith.constant 80 : i32
      %lt3A_547 = arith.cmpi slt, %add3A_545, %lt3A : i32
      %and3A = arith.andi %ge3A_546, %lt3A_547 : i1
      %convert_element_type3A = arith.extui %and3A : i1 to i32
      %cond3A = arith.constant 0 : i32
      %cond3A_548 = arith.cmpi ne, %convert_element_type3A, %cond3A : i32
      scf.if %cond3A_548 {
        %sub3A = arith.constant 4 : i32
        %sub3A_645 = arith.subi %add3A_545, %sub3A : i32
        %dma_wait3A_646 = arith.constant 0 : i32
        %dma_wait3A_647 = arith.constant 0 : i32
        %dma_wait3A_648 = tpu.memref_slice %arg10[%dma_wait3A_646, %dma_wait3A_647] : memref<128x16xf32, #tpu.memory_space<vmem>> -> memref<125x16xf32, #tpu.memory_space<vmem>>
        %dma_wait3A_649 = arith.constant 0 : i32
        %dma_wait3A_650 = tpu.memref_slice %arg7[%sub3A_645, %dma_wait3A_649] : memref<80x125xi32, #tpu.memory_space<vmem>> -> memref<1x125xi32, #tpu.memory_space<vmem>>
        %dma_wait3A_651 = tpu.memref_squeeze %dma_wait3A_650 : memref<1x125xi32, #tpu.memory_space<vmem>> -> memref<125xi32, #tpu.memory_space<vmem>>
        %dma_wait3A_652 = arith.constant 0 : i32
        %dma_wait3A_653 = arith.constant 0 : i32
        %dma_wait3A_654 = tpu.memref_slice %arg14[%dma_wait3A_652, %dma_wait3A_653] : memref<10240x16xf32, #tpu.memory_space<vmem_shared>> -> memref<10240x16xf32, #tpu.memory_space<vmem_shared>>
        tpu.wait_indirect_dma semaphore(%arg22 : memref<!tpu.dma_semaphore, #tpu.memory_space<semaphore_mem>>) src(%dma_wait3A_648 : memref<125x16xf32, #tpu.memory_space<vmem>>) dst(%dma_wait3A_654 : memref<10240x16xf32, #tpu.memory_space<vmem_shared>>)
        %dma_start3A_655 = arith.constant 0 : i32
        %dma_start3A_656 = arith.constant 0 : i32
        %dma_start3A_657 = tpu.memref_slice %arg10[%dma_start3A_655, %dma_start3A_656] : memref<128x16xf32, #tpu.memory_space<vmem>> -> memref<125x16xf32, #tpu.memory_space<vmem>>
        %dma_start3A_658 = arith.constant 0 : i32
        %dma_start3A_659 = tpu.memref_slice %arg6[%add3A_545, %dma_start3A_658] : memref<80x125xi32, #tpu.memory_space<vmem>> -> memref<1x125xi32, #tpu.memory_space<vmem>>
        %dma_start3A_660 = tpu.memref_squeeze %dma_start3A_659 : memref<1x125xi32, #tpu.memory_space<vmem>> -> memref<125xi32, #tpu.memory_space<vmem>>
        %dma_start3A_661 = arith.constant 0 : i32
        %dma_start3A_662 = arith.constant 0 : i32
        %dma_start3A_663 = tpu.memref_slice %arg15[%dma_start3A_661, %dma_start3A_662] : memref<10240x16xf32, #tpu.memory_space<vmem_shared>> -> memref<10240x16xf32, #tpu.memory_space<vmem_shared>>
        tpu.enqueue_indirect_dma source(%dma_start3A_663 : memref<10240x16xf32, #tpu.memory_space<vmem_shared>>) target(%dma_start3A_657 : memref<125x16xf32, #tpu.memory_space<vmem>>) offsets(%dma_start3A_660 : memref<125xi32, #tpu.memory_space<vmem>>) semaphore(%arg18 : memref<!tpu.dma_semaphore, #tpu.memory_space<semaphore_mem>>)
      } else {
      }
      %mul3A_549 = arith.constant 4 : i32
      %mul3A_550 = arith.muli %mul3A_549, %scan3A_521 : i32
      %add3A_551 = arith.constant 1 : i32
      %add3A_552 = arith.addi %mul3A_550, %add3A_551 : i32
      %dma_wait3A_553 = arith.constant 0 : i32
      %dma_wait3A_554 = arith.constant 0 : i32
      %dma_wait3A_555 = tpu.memref_slice %arg9[%dma_wait3A_553, %dma_wait3A_554] : memref<128x16xf32, #tpu.memory_space<vmem>> -> memref<125x16xf32, #tpu.memory_space<vmem>>
      %dma_wait3A_556 = arith.constant 0 : i32
      %dma_wait3A_557 = tpu.memref_slice %arg6[%add3A_552, %dma_wait3A_556] : memref<80x125xi32, #tpu.memory_space<vmem>> -> memref<1x125xi32, #tpu.memory_space<vmem>>
      %dma_wait3A_558 = tpu.memref_squeeze %dma_wait3A_557 : memref<1x125xi32, #tpu.memory_space<vmem>> -> memref<125xi32, #tpu.memory_space<vmem>>
      %dma_wait3A_559 = arith.constant 0 : i32
      %dma_wait3A_560 = arith.constant 0 : i32
      %dma_wait3A_561 = tpu.memref_slice %arg15[%dma_wait3A_559, %dma_wait3A_560] : memref<10240x16xf32, #tpu.memory_space<vmem_shared>> -> memref<10240x16xf32, #tpu.memory_space<vmem_shared>>
      tpu.wait_indirect_dma semaphore(%arg17 : memref<!tpu.dma_semaphore, #tpu.memory_space<semaphore_mem>>) src(%dma_wait3A_561 : memref<10240x16xf32, #tpu.memory_space<vmem_shared>>) dst(%dma_wait3A_555 : memref<125x16xf32, #tpu.memory_space<vmem>>)
      %dma_start3A_562 = arith.constant 0 : i32
      %dma_start3A_563 = arith.constant 0 : i32
      %dma_start3A_564 = tpu.memref_slice %arg9[%dma_start3A_562, %dma_start3A_563] : memref<128x16xf32, #tpu.memory_space<vmem>> -> memref<125x16xf32, #tpu.memory_space<vmem>>
      %dma_start3A_565 = arith.constant 0 : i32
      %dma_start3A_566 = tpu.memref_slice %arg7[%add3A_552, %dma_start3A_565] : memref<80x125xi32, #tpu.memory_space<vmem>> -> memref<1x125xi32, #tpu.memory_space<vmem>>
      %dma_start3A_567 = tpu.memref_squeeze %dma_start3A_566 : memref<1x125xi32, #tpu.memory_space<vmem>> -> memref<125xi32, #tpu.memory_space<vmem>>
      %dma_start3A_568 = arith.constant 0 : i32
      %dma_start3A_569 = arith.constant 0 : i32
      %dma_start3A_570 = tpu.memref_slice %arg14[%dma_start3A_568, %dma_start3A_569] : memref<10240x16xf32, #tpu.memory_space<vmem_shared>> -> memref<10240x16xf32, #tpu.memory_space<vmem_shared>>
      tpu.enqueue_indirect_dma source(%dma_start3A_564 : memref<125x16xf32, #tpu.memory_space<vmem>>) target(%dma_start3A_570 : memref<10240x16xf32, #tpu.memory_space<vmem_shared>>) offsets(%dma_start3A_567 : memref<125xi32, #tpu.memory_space<vmem>>) semaphore(%arg21 : memref<!tpu.dma_semaphore, #tpu.memory_space<semaphore_mem>>) {add = true}
      %add3A_571 = arith.constant 2 : i32
      %add3A_572 = arith.addi %add3A_552, %add3A_571 : i32
      %ge3A_573 = arith.constant 4 : i32
      %ge3A_574 = arith.cmpi sge, %add3A_572, %ge3A_573 : i32
      %lt3A_575 = arith.constant 80 : i32
      %lt3A_576 = arith.cmpi slt, %add3A_572, %lt3A_575 : i32
      %and3A_577 = arith.andi %ge3A_574, %lt3A_576 : i1
      %convert_element_type3A_578 = arith.extui %and3A_577 : i1 to i32
      %cond3A_579 = arith.constant 0 : i32
      %cond3A_580 = arith.cmpi ne, %convert_element_type3A_578, %cond3A_579 : i32
      scf.if %cond3A_580 {
        %sub3A = arith.constant 4 : i32
        %sub3A_645 = arith.subi %add3A_572, %sub3A : i32
        %dma_wait3A_646 = arith.constant 0 : i32
        %dma_wait3A_647 = arith.constant 0 : i32
        %dma_wait3A_648 = tpu.memref_slice %arg11[%dma_wait3A_646, %dma_wait3A_647] : memref<128x16xf32, #tpu.memory_space<vmem>> -> memref<125x16xf32, #tpu.memory_space<vmem>>
        %dma_wait3A_649 = arith.constant 0 : i32
        %dma_wait3A_650 = tpu.memref_slice %arg7[%sub3A_645, %dma_wait3A_649] : memref<80x125xi32, #tpu.memory_space<vmem>> -> memref<1x125xi32, #tpu.memory_space<vmem>>
        %dma_wait3A_651 = tpu.memref_squeeze %dma_wait3A_650 : memref<1x125xi32, #tpu.memory_space<vmem>> -> memref<125xi32, #tpu.memory_space<vmem>>
        %dma_wait3A_652 = arith.constant 0 : i32
        %dma_wait3A_653 = arith.constant 0 : i32
        %dma_wait3A_654 = tpu.memref_slice %arg14[%dma_wait3A_652, %dma_wait3A_653] : memref<10240x16xf32, #tpu.memory_space<vmem_shared>> -> memref<10240x16xf32, #tpu.memory_space<vmem_shared>>
        tpu.wait_indirect_dma semaphore(%arg23 : memref<!tpu.dma_semaphore, #tpu.memory_space<semaphore_mem>>) src(%dma_wait3A_648 : memref<125x16xf32, #tpu.memory_space<vmem>>) dst(%dma_wait3A_654 : memref<10240x16xf32, #tpu.memory_space<vmem_shared>>)
        %dma_start3A_655 = arith.constant 0 : i32
        %dma_start3A_656 = arith.constant 0 : i32
        %dma_start3A_657 = tpu.memref_slice %arg11[%dma_start3A_655, %dma_start3A_656] : memref<128x16xf32, #tpu.memory_space<vmem>> -> memref<125x16xf32, #tpu.memory_space<vmem>>
        %dma_start3A_658 = arith.constant 0 : i32
        %dma_start3A_659 = tpu.memref_slice %arg6[%add3A_572, %dma_start3A_658] : memref<80x125xi32, #tpu.memory_space<vmem>> -> memref<1x125xi32, #tpu.memory_space<vmem>>
        %dma_start3A_660 = tpu.memref_squeeze %dma_start3A_659 : memref<1x125xi32, #tpu.memory_space<vmem>> -> memref<125xi32, #tpu.memory_space<vmem>>
        %dma_start3A_661 = arith.constant 0 : i32
        %dma_start3A_662 = arith.constant 0 : i32
        %dma_start3A_663 = tpu.memref_slice %arg15[%dma_start3A_661, %dma_start3A_662] : memref<10240x16xf32, #tpu.memory_space<vmem_shared>> -> memref<10240x16xf32, #tpu.memory_space<vmem_shared>>
        tpu.enqueue_indirect_dma source(%dma_start3A_663 : memref<10240x16xf32, #tpu.memory_space<vmem_shared>>) target(%dma_start3A_657 : memref<125x16xf32, #tpu.memory_space<vmem>>) offsets(%dma_start3A_660 : memref<125xi32, #tpu.memory_space<vmem>>) semaphore(%arg19 : memref<!tpu.dma_semaphore, #tpu.memory_space<semaphore_mem>>)
      } else {
      }
      %mul3A_581 = arith.constant 4 : i32
      %mul3A_582 = arith.muli %mul3A_581, %scan3A_521 : i32
      %add3A_583 = arith.constant 2 : i32
      %add3A_584 = arith.addi %mul3A_582, %add3A_583 : i32
      %dma_wait3A_585 = arith.constant 0 : i32
      %dma_wait3A_586 = arith.constant 0 : i32
      %dma_wait3A_587 = tpu.memref_slice %arg10[%dma_wait3A_585, %dma_wait3A_586] : memref<128x16xf32, #tpu.memory_space<vmem>> -> memref<125x16xf32, #tpu.memory_space<vmem>>
      %dma_wait3A_588 = arith.constant 0 : i32
      %dma_wait3A_589 = tpu.memref_slice %arg6[%add3A_584, %dma_wait3A_588] : memref<80x125xi32, #tpu.memory_space<vmem>> -> memref<1x125xi32, #tpu.memory_space<vmem>>
      %dma_wait3A_590 = tpu.memref_squeeze %dma_wait3A_589 : memref<1x125xi32, #tpu.memory_space<vmem>> -> memref<125xi32, #tpu.memory_space<vmem>>
      %dma_wait3A_591 = arith.constant 0 : i32
      %dma_wait3A_592 = arith.constant 0 : i32
      %dma_wait3A_593 = tpu.memref_slice %arg15[%dma_wait3A_591, %dma_wait3A_592] : memref<10240x16xf32, #tpu.memory_space<vmem_shared>> -> memref<10240x16xf32, #tpu.memory_space<vmem_shared>>
      tpu.wait_indirect_dma semaphore(%arg18 : memref<!tpu.dma_semaphore, #tpu.memory_space<semaphore_mem>>) src(%dma_wait3A_593 : memref<10240x16xf32, #tpu.memory_space<vmem_shared>>) dst(%dma_wait3A_587 : memref<125x16xf32, #tpu.memory_space<vmem>>)
      %dma_start3A_594 = arith.constant 0 : i32
      %dma_start3A_595 = arith.constant 0 : i32
      %dma_start3A_596 = tpu.memref_slice %arg10[%dma_start3A_594, %dma_start3A_595] : memref<128x16xf32, #tpu.memory_space<vmem>> -> memref<125x16xf32, #tpu.memory_space<vmem>>
      %dma_start3A_597 = arith.constant 0 : i32
      %dma_start3A_598 = tpu.memref_slice %arg7[%add3A_584, %dma_start3A_597] : memref<80x125xi32, #tpu.memory_space<vmem>> -> memref<1x125xi32, #tpu.memory_space<vmem>>
      %dma_start3A_599 = tpu.memref_squeeze %dma_start3A_598 : memref<1x125xi32, #tpu.memory_space<vmem>> -> memref<125xi32, #tpu.memory_space<vmem>>
      %dma_start3A_600 = arith.constant 0 : i32
      %dma_start3A_601 = arith.constant 0 : i32
      %dma_start3A_602 = tpu.memref_slice %arg14[%dma_start3A_600, %dma_start3A_601] : memref<10240x16xf32, #tpu.memory_space<vmem_shared>> -> memref<10240x16xf32, #tpu.memory_space<vmem_shared>>
      tpu.enqueue_indirect_dma source(%dma_start3A_596 : memref<125x16xf32, #tpu.memory_space<vmem>>) target(%dma_start3A_602 : memref<10240x16xf32, #tpu.memory_space<vmem_shared>>) offsets(%dma_start3A_599 : memref<125xi32, #tpu.memory_space<vmem>>) semaphore(%arg22 : memref<!tpu.dma_semaphore, #tpu.memory_space<semaphore_mem>>) {add = true}
      %add3A_603 = arith.constant 2 : i32
      %add3A_604 = arith.addi %add3A_584, %add3A_603 : i32
      %ge3A_605 = arith.constant 4 : i32
      %ge3A_606 = arith.cmpi sge, %add3A_604, %ge3A_605 : i32
      %lt3A_607 = arith.constant 80 : i32
      %lt3A_608 = arith.cmpi slt, %add3A_604, %lt3A_607 : i32
      %and3A_609 = arith.andi %ge3A_606, %lt3A_608 : i1
      %convert_element_type3A_610 = arith.extui %and3A_609 : i1 to i32
      %cond3A_611 = arith.constant 0 : i32
      %cond3A_612 = arith.cmpi ne, %convert_element_type3A_610, %cond3A_611 : i32
      scf.if %cond3A_612 {
        %sub3A = arith.constant 4 : i32
        %sub3A_645 = arith.subi %add3A_604, %sub3A : i32
        %dma_wait3A_646 = arith.constant 0 : i32
        %dma_wait3A_647 = arith.constant 0 : i32
        %dma_wait3A_648 = tpu.memref_slice %arg8[%dma_wait3A_646, %dma_wait3A_647] : memref<128x16xf32, #tpu.memory_space<vmem>> -> memref<125x16xf32, #tpu.memory_space<vmem>>
        %dma_wait3A_649 = arith.constant 0 : i32
        %dma_wait3A_650 = tpu.memref_slice %arg7[%sub3A_645, %dma_wait3A_649] : memref<80x125xi32, #tpu.memory_space<vmem>> -> memref<1x125xi32, #tpu.memory_space<vmem>>
        %dma_wait3A_651 = tpu.memref_squeeze %dma_wait3A_650 : memref<1x125xi32, #tpu.memory_space<vmem>> -> memref<125xi32, #tpu.memory_space<vmem>>
        %dma_wait3A_652 = arith.constant 0 : i32
        %dma_wait3A_653 = arith.constant 0 : i32
        %dma_wait3A_654 = tpu.memref_slice %arg14[%dma_wait3A_652, %dma_wait3A_653] : memref<10240x16xf32, #tpu.memory_space<vmem_shared>> -> memref<10240x16xf32, #tpu.memory_space<vmem_shared>>
        tpu.wait_indirect_dma semaphore(%arg20 : memref<!tpu.dma_semaphore, #tpu.memory_space<semaphore_mem>>) src(%dma_wait3A_648 : memref<125x16xf32, #tpu.memory_space<vmem>>) dst(%dma_wait3A_654 : memref<10240x16xf32, #tpu.memory_space<vmem_shared>>)
        %dma_start3A_655 = arith.constant 0 : i32
        %dma_start3A_656 = arith.constant 0 : i32
        %dma_start3A_657 = tpu.memref_slice %arg8[%dma_start3A_655, %dma_start3A_656] : memref<128x16xf32, #tpu.memory_space<vmem>> -> memref<125x16xf32, #tpu.memory_space<vmem>>
        %dma_start3A_658 = arith.constant 0 : i32
        %dma_start3A_659 = tpu.memref_slice %arg6[%add3A_604, %dma_start3A_658] : memref<80x125xi32, #tpu.memory_space<vmem>> -> memref<1x125xi32, #tpu.memory_space<vmem>>
        %dma_start3A_660 = tpu.memref_squeeze %dma_start3A_659 : memref<1x125xi32, #tpu.memory_space<vmem>> -> memref<125xi32, #tpu.memory_space<vmem>>
        %dma_start3A_661 = arith.constant 0 : i32
        %dma_start3A_662 = arith.constant 0 : i32
        %dma_start3A_663 = tpu.memref_slice %arg15[%dma_start3A_661, %dma_start3A_662] : memref<10240x16xf32, #tpu.memory_space<vmem_shared>> -> memref<10240x16xf32, #tpu.memory_space<vmem_shared>>
        tpu.enqueue_indirect_dma source(%dma_start3A_663 : memref<10240x16xf32, #tpu.memory_space<vmem_shared>>) target(%dma_start3A_657 : memref<125x16xf32, #tpu.memory_space<vmem>>) offsets(%dma_start3A_660 : memref<125xi32, #tpu.memory_space<vmem>>) semaphore(%arg16 : memref<!tpu.dma_semaphore, #tpu.memory_space<semaphore_mem>>)
      } else {
      }
      %mul3A_613 = arith.constant 4 : i32
      %mul3A_614 = arith.muli %mul3A_613, %scan3A_521 : i32
      %add3A_615 = arith.constant 3 : i32
      %add3A_616 = arith.addi %mul3A_614, %add3A_615 : i32
      %dma_wait3A_617 = arith.constant 0 : i32
      %dma_wait3A_618 = arith.constant 0 : i32
      %dma_wait3A_619 = tpu.memref_slice %arg11[%dma_wait3A_617, %dma_wait3A_618] : memref<128x16xf32, #tpu.memory_space<vmem>> -> memref<125x16xf32, #tpu.memory_space<vmem>>
      %dma_wait3A_620 = arith.constant 0 : i32
      %dma_wait3A_621 = tpu.memref_slice %arg6[%add3A_616, %dma_wait3A_620] : memref<80x125xi32, #tpu.memory_space<vmem>> -> memref<1x125xi32, #tpu.memory_space<vmem>>
      %dma_wait3A_622 = tpu.memref_squeeze %dma_wait3A_621 : memref<1x125xi32, #tpu.memory_space<vmem>> -> memref<125xi32, #tpu.memory_space<vmem>>
      %dma_wait3A_623 = arith.constant 0 : i32
      %dma_wait3A_624 = arith.constant 0 : i32
      %dma_wait3A_625 = tpu.memref_slice %arg15[%dma_wait3A_623, %dma_wait3A_624] : memref<10240x16xf32, #tpu.memory_space<vmem_shared>> -> memref<10240x16xf32, #tpu.memory_space<vmem_shared>>
      tpu.wait_indirect_dma semaphore(%arg19 : memref<!tpu.dma_semaphore, #tpu.memory_space<semaphore_mem>>) src(%dma_wait3A_625 : memref<10240x16xf32, #tpu.memory_space<vmem_shared>>) dst(%dma_wait3A_619 : memref<125x16xf32, #tpu.memory_space<vmem>>)
      %dma_start3A_626 = arith.constant 0 : i32
      %dma_start3A_627 = arith.constant 0 : i32
      %dma_start3A_628 = tpu.memref_slice %arg11[%dma_start3A_626, %dma_start3A_627] : memref<128x16xf32, #tpu.memory_space<vmem>> -> memref<125x16xf32, #tpu.memory_space<vmem>>
      %dma_start3A_629 = arith.constant 0 : i32
      %dma_start3A_630 = tpu.memref_slice %arg7[%add3A_616, %dma_start3A_629] : memref<80x125xi32, #tpu.memory_space<vmem>> -> memref<1x125xi32, #tpu.memory_space<vmem>>
      %dma_start3A_631 = tpu.memref_squeeze %dma_start3A_630 : memref<1x125xi32, #tpu.memory_space<vmem>> -> memref<125xi32, #tpu.memory_space<vmem>>
      %dma_start3A_632 = arith.constant 0 : i32
      %dma_start3A_633 = arith.constant 0 : i32
      %dma_start3A_634 = tpu.memref_slice %arg14[%dma_start3A_632, %dma_start3A_633] : memref<10240x16xf32, #tpu.memory_space<vmem_shared>> -> memref<10240x16xf32, #tpu.memory_space<vmem_shared>>
      tpu.enqueue_indirect_dma source(%dma_start3A_628 : memref<125x16xf32, #tpu.memory_space<vmem>>) target(%dma_start3A_634 : memref<10240x16xf32, #tpu.memory_space<vmem_shared>>) offsets(%dma_start3A_631 : memref<125xi32, #tpu.memory_space<vmem>>) semaphore(%arg23 : memref<!tpu.dma_semaphore, #tpu.memory_space<semaphore_mem>>) {add = true}
      %add3A_635 = arith.constant 2 : i32
      %add3A_636 = arith.addi %add3A_616, %add3A_635 : i32
      %ge3A_637 = arith.constant 4 : i32
      %ge3A_638 = arith.cmpi sge, %add3A_636, %ge3A_637 : i32
      %lt3A_639 = arith.constant 80 : i32
      %lt3A_640 = arith.cmpi slt, %add3A_636, %lt3A_639 : i32
      %and3A_641 = arith.andi %ge3A_638, %lt3A_640 : i1
      %convert_element_type3A_642 = arith.extui %and3A_641 : i1 to i32
      %cond3A_643 = arith.constant 0 : i32
      %cond3A_644 = arith.cmpi ne, %convert_element_type3A_642, %cond3A_643 : i32
      scf.if %cond3A_644 {
        %sub3A = arith.constant 4 : i32
        %sub3A_645 = arith.subi %add3A_636, %sub3A : i32
        %dma_wait3A_646 = arith.constant 0 : i32
        %dma_wait3A_647 = arith.constant 0 : i32
        %dma_wait3A_648 = tpu.memref_slice %arg9[%dma_wait3A_646, %dma_wait3A_647] : memref<128x16xf32, #tpu.memory_space<vmem>> -> memref<125x16xf32, #tpu.memory_space<vmem>>
        %dma_wait3A_649 = arith.constant 0 : i32
        %dma_wait3A_650 = tpu.memref_slice %arg7[%sub3A_645, %dma_wait3A_649] : memref<80x125xi32, #tpu.memory_space<vmem>> -> memref<1x125xi32, #tpu.memory_space<vmem>>
        %dma_wait3A_651 = tpu.memref_squeeze %dma_wait3A_650 : memref<1x125xi32, #tpu.memory_space<vmem>> -> memref<125xi32, #tpu.memory_space<vmem>>
        %dma_wait3A_652 = arith.constant 0 : i32
        %dma_wait3A_653 = arith.constant 0 : i32
        %dma_wait3A_654 = tpu.memref_slice %arg14[%dma_wait3A_652, %dma_wait3A_653] : memref<10240x16xf32, #tpu.memory_space<vmem_shared>> -> memref<10240x16xf32, #tpu.memory_space<vmem_shared>>
        tpu.wait_indirect_dma semaphore(%arg21 : memref<!tpu.dma_semaphore, #tpu.memory_space<semaphore_mem>>) src(%dma_wait3A_648 : memref<125x16xf32, #tpu.memory_space<vmem>>) dst(%dma_wait3A_654 : memref<10240x16xf32, #tpu.memory_space<vmem_shared>>)
        %dma_start3A_655 = arith.constant 0 : i32
        %dma_start3A_656 = arith.constant 0 : i32
        %dma_start3A_657 = tpu.memref_slice %arg9[%dma_start3A_655, %dma_start3A_656] : memref<128x16xf32, #tpu.memory_space<vmem>> -> memref<125x16xf32, #tpu.memory_space<vmem>>
        %dma_start3A_658 = arith.constant 0 : i32
        %dma_start3A_659 = tpu.memref_slice %arg6[%add3A_636, %dma_start3A_658] : memref<80x125xi32, #tpu.memory_space<vmem>> -> memref<1x125xi32, #tpu.memory_space<vmem>>
        %dma_start3A_660 = tpu.memref_squeeze %dma_start3A_659 : memref<1x125xi32, #tpu.memory_space<vmem>> -> memref<125xi32, #tpu.memory_space<vmem>>
        %dma_start3A_661 = arith.constant 0 : i32
        %dma_start3A_662 = arith.constant 0 : i32
        %dma_start3A_663 = tpu.memref_slice %arg15[%dma_start3A_661, %dma_start3A_662] : memref<10240x16xf32, #tpu.memory_space<vmem_shared>> -> memref<10240x16xf32, #tpu.memory_space<vmem_shared>>
        tpu.enqueue_indirect_dma source(%dma_start3A_663 : memref<10240x16xf32, #tpu.memory_space<vmem_shared>>) target(%dma_start3A_657 : memref<125x16xf32, #tpu.memory_space<vmem>>) offsets(%dma_start3A_660 : memref<125xi32, #tpu.memory_space<vmem>>) semaphore(%arg17 : memref<!tpu.dma_semaphore, #tpu.memory_space<semaphore_mem>>)
      } else {
      }
    }
    %scan3A_259 = arith.constant 20 : i32
    %dma_wait3A_260 = arith.constant 76 : i32
    %dma_wait3A_261 = arith.constant 0 : i32
    %dma_wait3A_262 = arith.constant 0 : i32
    %dma_wait3A_263 = tpu.memref_slice %arg8[%dma_wait3A_261, %dma_wait3A_262] : memref<128x16xf32, #tpu.memory_space<vmem>> -> memref<125x16xf32, #tpu.memory_space<vmem>>
    %dma_wait3A_264 = arith.constant 0 : i32
    %dma_wait3A_265 = tpu.memref_slice %arg7[%dma_wait3A_260, %dma_wait3A_264] : memref<80x125xi32, #tpu.memory_space<vmem>> -> memref<1x125xi32, #tpu.memory_space<vmem>>
    %dma_wait3A_266 = tpu.memref_squeeze %dma_wait3A_265 : memref<1x125xi32, #tpu.memory_space<vmem>> -> memref<125xi32, #tpu.memory_space<vmem>>
    %dma_wait3A_267 = arith.constant 0 : i32
    %dma_wait3A_268 = arith.constant 0 : i32
    %dma_wait3A_269 = tpu.memref_slice %arg14[%dma_wait3A_267, %dma_wait3A_268] : memref<10240x16xf32, #tpu.memory_space<vmem_shared>> -> memref<10240x16xf32, #tpu.memory_space<vmem_shared>>
    tpu.wait_indirect_dma semaphore(%arg20 : memref<!tpu.dma_semaphore, #tpu.memory_space<semaphore_mem>>) src(%dma_wait3A_263 : memref<125x16xf32, #tpu.memory_space<vmem>>) dst(%dma_wait3A_269 : memref<10240x16xf32, #tpu.memory_space<vmem_shared>>)
    %dma_wait3A_270 = arith.constant 77 : i32
    %dma_wait3A_271 = arith.constant 0 : i32
    %dma_wait3A_272 = arith.constant 0 : i32
    %dma_wait3A_273 = tpu.memref_slice %arg9[%dma_wait3A_271, %dma_wait3A_272] : memref<128x16xf32, #tpu.memory_space<vmem>> -> memref<125x16xf32, #tpu.memory_space<vmem>>
    %dma_wait3A_274 = arith.constant 0 : i32
    %dma_wait3A_275 = tpu.memref_slice %arg7[%dma_wait3A_270, %dma_wait3A_274] : memref<80x125xi32, #tpu.memory_space<vmem>> -> memref<1x125xi32, #tpu.memory_space<vmem>>
    %dma_wait3A_276 = tpu.memref_squeeze %dma_wait3A_275 : memref<1x125xi32, #tpu.memory_space<vmem>> -> memref<125xi32, #tpu.memory_space<vmem>>
    %dma_wait3A_277 = arith.constant 0 : i32
    %dma_wait3A_278 = arith.constant 0 : i32
    %dma_wait3A_279 = tpu.memref_slice %arg14[%dma_wait3A_277, %dma_wait3A_278] : memref<10240x16xf32, #tpu.memory_space<vmem_shared>> -> memref<10240x16xf32, #tpu.memory_space<vmem_shared>>
    tpu.wait_indirect_dma semaphore(%arg21 : memref<!tpu.dma_semaphore, #tpu.memory_space<semaphore_mem>>) src(%dma_wait3A_273 : memref<125x16xf32, #tpu.memory_space<vmem>>) dst(%dma_wait3A_279 : memref<10240x16xf32, #tpu.memory_space<vmem_shared>>)
    %dma_wait3A_280 = arith.constant 78 : i32
    %dma_wait3A_281 = arith.constant 0 : i32
    %dma_wait3A_282 = arith.constant 0 : i32
    %dma_wait3A_283 = tpu.memref_slice %arg10[%dma_wait3A_281, %dma_wait3A_282] : memref<128x16xf32, #tpu.memory_space<vmem>> -> memref<125x16xf32, #tpu.memory_space<vmem>>
    %dma_wait3A_284 = arith.constant 0 : i32
    %dma_wait3A_285 = tpu.memref_slice %arg7[%dma_wait3A_280, %dma_wait3A_284] : memref<80x125xi32, #tpu.memory_space<vmem>> -> memref<1x125xi32, #tpu.memory_space<vmem>>
    %dma_wait3A_286 = tpu.memref_squeeze %dma_wait3A_285 : memref<1x125xi32, #tpu.memory_space<vmem>> -> memref<125xi32, #tpu.memory_space<vmem>>
    %dma_wait3A_287 = arith.constant 0 : i32
    %dma_wait3A_288 = arith.constant 0 : i32
    %dma_wait3A_289 = tpu.memref_slice %arg14[%dma_wait3A_287, %dma_wait3A_288] : memref<10240x16xf32, #tpu.memory_space<vmem_shared>> -> memref<10240x16xf32, #tpu.memory_space<vmem_shared>>
    tpu.wait_indirect_dma semaphore(%arg22 : memref<!tpu.dma_semaphore, #tpu.memory_space<semaphore_mem>>) src(%dma_wait3A_283 : memref<125x16xf32, #tpu.memory_space<vmem>>) dst(%dma_wait3A_289 : memref<10240x16xf32, #tpu.memory_space<vmem_shared>>)
    %dma_wait3A_290 = arith.constant 79 : i32
    %dma_wait3A_291 = arith.constant 0 : i32
    %dma_wait3A_292 = arith.constant 0 : i32
    %dma_wait3A_293 = tpu.memref_slice %arg11[%dma_wait3A_291, %dma_wait3A_292] : memref<128x16xf32, #tpu.memory_space<vmem>> -> memref<125x16xf32, #tpu.memory_space<vmem>>
    %dma_wait3A_294 = arith.constant 0 : i32
    %dma_wait3A_295 = tpu.memref_slice %arg7[%dma_wait3A_290, %dma_wait3A_294] : memref<80x125xi32, #tpu.memory_space<vmem>> -> memref<1x125xi32, #tpu.memory_space<vmem>>
    %dma_wait3A_296 = tpu.memref_squeeze %dma_wait3A_295 : memref<1x125xi32, #tpu.memory_space<vmem>> -> memref<125xi32, #tpu.memory_space<vmem>>
    %dma_wait3A_297 = arith.constant 0 : i32
    %dma_wait3A_298 = arith.constant 0 : i32
    %dma_wait3A_299 = tpu.memref_slice %arg14[%dma_wait3A_297, %dma_wait3A_298] : memref<10240x16xf32, #tpu.memory_space<vmem_shared>> -> memref<10240x16xf32, #tpu.memory_space<vmem_shared>>
    tpu.wait_indirect_dma semaphore(%arg23 : memref<!tpu.dma_semaphore, #tpu.memory_space<semaphore_mem>>) src(%dma_wait3A_293 : memref<125x16xf32, #tpu.memory_space<vmem>>) dst(%dma_wait3A_299 : memref<10240x16xf32, #tpu.memory_space<vmem_shared>>)
    %barrier3A_300 = arith.constant 0 : index
    tpu.barrier barrier_id(%barrier3A_300)
    %mul3A_301 = arith.constant 640 : i32
    %mul3A_302 = arith.muli %arg1, %mul3A_301 : i32
    %add3A_303 = arith.constant 0 : i32
    %add3A_304 = arith.addi %mul3A_302, %add3A_303 : i32
    %dma_start3A_305 = arith.constant 0 : i32
    %dma_start3A_306 = tpu.memref_slice %arg14[%add3A_304, %dma_start3A_305] : memref<10240x16xf32, #tpu.memory_space<vmem_shared>> -> memref<128x16xf32, #tpu.memory_space<vmem_shared>>
    %dma_start3A_307 = arith.constant 0 : i32
    %dma_start3A_308 = tpu.memref_slice %arg14[%add3A_304, %dma_start3A_307] : memref<10240x16xf32, #tpu.memory_space<vmem_shared>> -> memref<128x16xf32, #tpu.memory_space<vmem_shared>>
    tpu.enqueue_dma source(%dma_start3A_308 : memref<128x16xf32, #tpu.memory_space<vmem_shared>>) target(%arg8 : memref<128x16xf32, #tpu.memory_space<vmem>>) target_semaphore(%arg20 : memref<!tpu.dma_semaphore, #tpu.memory_space<semaphore_mem>>)
    %mul3A_309 = arith.constant 640 : i32
    %mul3A_310 = arith.muli %arg1, %mul3A_309 : i32
    %add3A_311 = arith.constant 128 : i32
    %add3A_312 = arith.addi %mul3A_310, %add3A_311 : i32
    %dma_start3A_313 = arith.constant 0 : i32
    %dma_start3A_314 = tpu.memref_slice %arg14[%add3A_312, %dma_start3A_313] : memref<10240x16xf32, #tpu.memory_space<vmem_shared>> -> memref<128x16xf32, #tpu.memory_space<vmem_shared>>
    %dma_start3A_315 = arith.constant 0 : i32
    %dma_start3A_316 = tpu.memref_slice %arg14[%add3A_312, %dma_start3A_315] : memref<10240x16xf32, #tpu.memory_space<vmem_shared>> -> memref<128x16xf32, #tpu.memory_space<vmem_shared>>
    tpu.enqueue_dma source(%dma_start3A_316 : memref<128x16xf32, #tpu.memory_space<vmem_shared>>) target(%arg9 : memref<128x16xf32, #tpu.memory_space<vmem>>) target_semaphore(%arg21 : memref<!tpu.dma_semaphore, #tpu.memory_space<semaphore_mem>>)
    %mul3A_317 = arith.constant 640 : i32
    %mul3A_318 = arith.muli %arg1, %mul3A_317 : i32
    %add3A_319 = arith.constant 256 : i32
    %add3A_320 = arith.addi %mul3A_318, %add3A_319 : i32
    %dma_start3A_321 = arith.constant 0 : i32
    %dma_start3A_322 = tpu.memref_slice %arg14[%add3A_320, %dma_start3A_321] : memref<10240x16xf32, #tpu.memory_space<vmem_shared>> -> memref<128x16xf32, #tpu.memory_space<vmem_shared>>
    %dma_start3A_323 = arith.constant 0 : i32
    %dma_start3A_324 = tpu.memref_slice %arg14[%add3A_320, %dma_start3A_323] : memref<10240x16xf32, #tpu.memory_space<vmem_shared>> -> memref<128x16xf32, #tpu.memory_space<vmem_shared>>
    tpu.enqueue_dma source(%dma_start3A_324 : memref<128x16xf32, #tpu.memory_space<vmem_shared>>) target(%arg10 : memref<128x16xf32, #tpu.memory_space<vmem>>) target_semaphore(%arg22 : memref<!tpu.dma_semaphore, #tpu.memory_space<semaphore_mem>>)
    %mul3A_325 = arith.constant 640 : i32
    %mul3A_326 = arith.muli %arg1, %mul3A_325 : i32
    %add3A_327 = arith.constant 384 : i32
    %add3A_328 = arith.addi %mul3A_326, %add3A_327 : i32
    %dma_start3A_329 = arith.constant 0 : i32
    %dma_start3A_330 = tpu.memref_slice %arg14[%add3A_328, %dma_start3A_329] : memref<10240x16xf32, #tpu.memory_space<vmem_shared>> -> memref<128x16xf32, #tpu.memory_space<vmem_shared>>
    %dma_start3A_331 = arith.constant 0 : i32
    %dma_start3A_332 = tpu.memref_slice %arg14[%add3A_328, %dma_start3A_331] : memref<10240x16xf32, #tpu.memory_space<vmem_shared>> -> memref<128x16xf32, #tpu.memory_space<vmem_shared>>
    tpu.enqueue_dma source(%dma_start3A_332 : memref<128x16xf32, #tpu.memory_space<vmem_shared>>) target(%arg11 : memref<128x16xf32, #tpu.memory_space<vmem>>) target_semaphore(%arg23 : memref<!tpu.dma_semaphore, #tpu.memory_space<semaphore_mem>>)
    %mul3A_333 = arith.constant 640 : i32
    %mul3A_334 = arith.muli %arg1, %mul3A_333 : i32
    %add3A_335 = arith.constant 512 : i32
    %add3A_336 = arith.addi %mul3A_334, %add3A_335 : i32
    %dma_start3A_337 = arith.constant 0 : i32
    %dma_start3A_338 = tpu.memref_slice %arg14[%add3A_336, %dma_start3A_337] : memref<10240x16xf32, #tpu.memory_space<vmem_shared>> -> memref<128x16xf32, #tpu.memory_space<vmem_shared>>
    %dma_start3A_339 = arith.constant 0 : i32
    %dma_start3A_340 = tpu.memref_slice %arg14[%add3A_336, %dma_start3A_339] : memref<10240x16xf32, #tpu.memory_space<vmem_shared>> -> memref<128x16xf32, #tpu.memory_space<vmem_shared>>
    tpu.enqueue_dma source(%dma_start3A_340 : memref<128x16xf32, #tpu.memory_space<vmem_shared>>) target(%arg12 : memref<128x16xf32, #tpu.memory_space<vmem>>) target_semaphore(%arg16 : memref<!tpu.dma_semaphore, #tpu.memory_space<semaphore_mem>>)
    %mul3A_341 = arith.constant 640 : i32
    %mul3A_342 = arith.muli %arg1, %mul3A_341 : i32
    %add3A_343 = arith.constant 0 : i32
    %add3A_344 = arith.addi %mul3A_342, %add3A_343 : i32
    %dma_wait3A_345 = arith.constant 0 : i32
    %dma_wait3A_346 = tpu.memref_slice %arg14[%add3A_344, %dma_wait3A_345] : memref<10240x16xf32, #tpu.memory_space<vmem_shared>> -> memref<128x16xf32, #tpu.memory_space<vmem_shared>>
    %dma_wait3A_347 = arith.constant 0 : i32
    %dma_wait3A_348 = tpu.memref_slice %arg14[%add3A_344, %dma_wait3A_347] : memref<10240x16xf32, #tpu.memory_space<vmem_shared>> -> memref<128x16xf32, #tpu.memory_space<vmem_shared>>
    tpu.wait_dma2 semaphore(%arg20 : memref<!tpu.dma_semaphore, #tpu.memory_space<semaphore_mem>>) src(%dma_wait3A_348 : memref<128x16xf32, #tpu.memory_space<vmem_shared>>) dst(%arg8 : memref<128x16xf32, #tpu.memory_space<vmem>>)
    %dma_start3A_349 = arith.constant 0 : i32
    %dma_start3A_350 = arith.constant 0 : i32
    %dma_start3A_351 = tpu.memref_slice %arg5[%arg0, %dma_start3A_349, %dma_start3A_350] : memref<2x10240x16xf32, #tpu.memory_space<hbm>> -> memref<1x10240x16xf32, #tpu.memory_space<hbm>>
    %dma_start3A_352 = tpu.memref_squeeze %dma_start3A_351 : memref<1x10240x16xf32, #tpu.memory_space<hbm>> -> memref<10240x16xf32, #tpu.memory_space<hbm>>
    %dma_start3A_353 = arith.constant 0 : i32
    %dma_start3A_354 = tpu.memref_slice %dma_start3A_352[%add3A_344, %dma_start3A_353] : memref<10240x16xf32, #tpu.memory_space<hbm>> -> memref<128x16xf32, #tpu.memory_space<hbm>>
    %dma_start3A_355 = arith.constant 0 : i32
    %dma_start3A_356 = arith.constant 0 : i32
    %dma_start3A_357 = tpu.memref_slice %arg5[%arg0, %dma_start3A_355, %dma_start3A_356] : memref<2x10240x16xf32, #tpu.memory_space<hbm>> -> memref<1x10240x16xf32, #tpu.memory_space<hbm>>
    %dma_start3A_358 = tpu.memref_squeeze %dma_start3A_357 : memref<1x10240x16xf32, #tpu.memory_space<hbm>> -> memref<10240x16xf32, #tpu.memory_space<hbm>>
    %dma_start3A_359 = arith.constant 0 : i32
    %dma_start3A_360 = tpu.memref_slice %dma_start3A_358[%add3A_344, %dma_start3A_359] : memref<10240x16xf32, #tpu.memory_space<hbm>> -> memref<128x16xf32, #tpu.memory_space<hbm>>
    tpu.enqueue_dma source(%arg8 : memref<128x16xf32, #tpu.memory_space<vmem>>) target(%dma_start3A_360 : memref<128x16xf32, #tpu.memory_space<hbm>>) target_semaphore(%arg20 : memref<!tpu.dma_semaphore, #tpu.memory_space<semaphore_mem>>)
    %mul3A_361 = arith.constant 640 : i32
    %mul3A_362 = arith.muli %arg1, %mul3A_361 : i32
    %add3A_363 = arith.constant 128 : i32
    %add3A_364 = arith.addi %mul3A_362, %add3A_363 : i32
    %dma_wait3A_365 = arith.constant 0 : i32
    %dma_wait3A_366 = tpu.memref_slice %arg14[%add3A_364, %dma_wait3A_365] : memref<10240x16xf32, #tpu.memory_space<vmem_shared>> -> memref<128x16xf32, #tpu.memory_space<vmem_shared>>
    %dma_wait3A_367 = arith.constant 0 : i32
    %dma_wait3A_368 = tpu.memref_slice %arg14[%add3A_364, %dma_wait3A_367] : memref<10240x16xf32, #tpu.memory_space<vmem_shared>> -> memref<128x16xf32, #tpu.memory_space<vmem_shared>>
    tpu.wait_dma2 semaphore(%arg21 : memref<!tpu.dma_semaphore, #tpu.memory_space<semaphore_mem>>) src(%dma_wait3A_368 : memref<128x16xf32, #tpu.memory_space<vmem_shared>>) dst(%arg9 : memref<128x16xf32, #tpu.memory_space<vmem>>)
    %dma_start3A_369 = arith.constant 0 : i32
    %dma_start3A_370 = arith.constant 0 : i32
    %dma_start3A_371 = tpu.memref_slice %arg5[%arg0, %dma_start3A_369, %dma_start3A_370] : memref<2x10240x16xf32, #tpu.memory_space<hbm>> -> memref<1x10240x16xf32, #tpu.memory_space<hbm>>
    %dma_start3A_372 = tpu.memref_squeeze %dma_start3A_371 : memref<1x10240x16xf32, #tpu.memory_space<hbm>> -> memref<10240x16xf32, #tpu.memory_space<hbm>>
    %dma_start3A_373 = arith.constant 0 : i32
    %dma_start3A_374 = tpu.memref_slice %dma_start3A_372[%add3A_364, %dma_start3A_373] : memref<10240x16xf32, #tpu.memory_space<hbm>> -> memref<128x16xf32, #tpu.memory_space<hbm>>
    %dma_start3A_375 = arith.constant 0 : i32
    %dma_start3A_376 = arith.constant 0 : i32
    %dma_start3A_377 = tpu.memref_slice %arg5[%arg0, %dma_start3A_375, %dma_start3A_376] : memref<2x10240x16xf32, #tpu.memory_space<hbm>> -> memref<1x10240x16xf32, #tpu.memory_space<hbm>>
    %dma_start3A_378 = tpu.memref_squeeze %dma_start3A_377 : memref<1x10240x16xf32, #tpu.memory_space<hbm>> -> memref<10240x16xf32, #tpu.memory_space<hbm>>
    %dma_start3A_379 = arith.constant 0 : i32
    %dma_start3A_380 = tpu.memref_slice %dma_start3A_378[%add3A_364, %dma_start3A_379] : memref<10240x16xf32, #tpu.memory_space<hbm>> -> memref<128x16xf32, #tpu.memory_space<hbm>>
    tpu.enqueue_dma source(%arg9 : memref<128x16xf32, #tpu.memory_space<vmem>>) target(%dma_start3A_380 : memref<128x16xf32, #tpu.memory_space<hbm>>) target_semaphore(%arg21 : memref<!tpu.dma_semaphore, #tpu.memory_space<semaphore_mem>>)
    %mul3A_381 = arith.constant 640 : i32
    %mul3A_382 = arith.muli %arg1, %mul3A_381 : i32
    %add3A_383 = arith.constant 256 : i32
    %add3A_384 = arith.addi %mul3A_382, %add3A_383 : i32
    %dma_wait3A_385 = arith.constant 0 : i32
    %dma_wait3A_386 = tpu.memref_slice %arg14[%add3A_384, %dma_wait3A_385] : memref<10240x16xf32, #tpu.memory_space<vmem_shared>> -> memref<128x16xf32, #tpu.memory_space<vmem_shared>>
    %dma_wait3A_387 = arith.constant 0 : i32
    %dma_wait3A_388 = tpu.memref_slice %arg14[%add3A_384, %dma_wait3A_387] : memref<10240x16xf32, #tpu.memory_space<vmem_shared>> -> memref<128x16xf32, #tpu.memory_space<vmem_shared>>
    tpu.wait_dma2 semaphore(%arg22 : memref<!tpu.dma_semaphore, #tpu.memory_space<semaphore_mem>>) src(%dma_wait3A_388 : memref<128x16xf32, #tpu.memory_space<vmem_shared>>) dst(%arg10 : memref<128x16xf32, #tpu.memory_space<vmem>>)
    %dma_start3A_389 = arith.constant 0 : i32
    %dma_start3A_390 = arith.constant 0 : i32
    %dma_start3A_391 = tpu.memref_slice %arg5[%arg0, %dma_start3A_389, %dma_start3A_390] : memref<2x10240x16xf32, #tpu.memory_space<hbm>> -> memref<1x10240x16xf32, #tpu.memory_space<hbm>>
    %dma_start3A_392 = tpu.memref_squeeze %dma_start3A_391 : memref<1x10240x16xf32, #tpu.memory_space<hbm>> -> memref<10240x16xf32, #tpu.memory_space<hbm>>
    %dma_start3A_393 = arith.constant 0 : i32
    %dma_start3A_394 = tpu.memref_slice %dma_start3A_392[%add3A_384, %dma_start3A_393] : memref<10240x16xf32, #tpu.memory_space<hbm>> -> memref<128x16xf32, #tpu.memory_space<hbm>>
    %dma_start3A_395 = arith.constant 0 : i32
    %dma_start3A_396 = arith.constant 0 : i32
    %dma_start3A_397 = tpu.memref_slice %arg5[%arg0, %dma_start3A_395, %dma_start3A_396] : memref<2x10240x16xf32, #tpu.memory_space<hbm>> -> memref<1x10240x16xf32, #tpu.memory_space<hbm>>
    %dma_start3A_398 = tpu.memref_squeeze %dma_start3A_397 : memref<1x10240x16xf32, #tpu.memory_space<hbm>> -> memref<10240x16xf32, #tpu.memory_space<hbm>>
    %dma_start3A_399 = arith.constant 0 : i32
    %dma_start3A_400 = tpu.memref_slice %dma_start3A_398[%add3A_384, %dma_start3A_399] : memref<10240x16xf32, #tpu.memory_space<hbm>> -> memref<128x16xf32, #tpu.memory_space<hbm>>
    tpu.enqueue_dma source(%arg10 : memref<128x16xf32, #tpu.memory_space<vmem>>) target(%dma_start3A_400 : memref<128x16xf32, #tpu.memory_space<hbm>>) target_semaphore(%arg22 : memref<!tpu.dma_semaphore, #tpu.memory_space<semaphore_mem>>)
    %mul3A_401 = arith.constant 640 : i32
    %mul3A_402 = arith.muli %arg1, %mul3A_401 : i32
    %add3A_403 = arith.constant 384 : i32
    %add3A_404 = arith.addi %mul3A_402, %add3A_403 : i32
    %dma_wait3A_405 = arith.constant 0 : i32
    %dma_wait3A_406 = tpu.memref_slice %arg14[%add3A_404, %dma_wait3A_405] : memref<10240x16xf32, #tpu.memory_space<vmem_shared>> -> memref<128x16xf32, #tpu.memory_space<vmem_shared>>
    %dma_wait3A_407 = arith.constant 0 : i32
    %dma_wait3A_408 = tpu.memref_slice %arg14[%add3A_404, %dma_wait3A_407] : memref<10240x16xf32, #tpu.memory_space<vmem_shared>> -> memref<128x16xf32, #tpu.memory_space<vmem_shared>>
    tpu.wait_dma2 semaphore(%arg23 : memref<!tpu.dma_semaphore, #tpu.memory_space<semaphore_mem>>) src(%dma_wait3A_408 : memref<128x16xf32, #tpu.memory_space<vmem_shared>>) dst(%arg11 : memref<128x16xf32, #tpu.memory_space<vmem>>)
    %dma_start3A_409 = arith.constant 0 : i32
    %dma_start3A_410 = arith.constant 0 : i32
    %dma_start3A_411 = tpu.memref_slice %arg5[%arg0, %dma_start3A_409, %dma_start3A_410] : memref<2x10240x16xf32, #tpu.memory_space<hbm>> -> memref<1x10240x16xf32, #tpu.memory_space<hbm>>
    %dma_start3A_412 = tpu.memref_squeeze %dma_start3A_411 : memref<1x10240x16xf32, #tpu.memory_space<hbm>> -> memref<10240x16xf32, #tpu.memory_space<hbm>>
    %dma_start3A_413 = arith.constant 0 : i32
    %dma_start3A_414 = tpu.memref_slice %dma_start3A_412[%add3A_404, %dma_start3A_413] : memref<10240x16xf32, #tpu.memory_space<hbm>> -> memref<128x16xf32, #tpu.memory_space<hbm>>
    %dma_start3A_415 = arith.constant 0 : i32
    %dma_start3A_416 = arith.constant 0 : i32
    %dma_start3A_417 = tpu.memref_slice %arg5[%arg0, %dma_start3A_415, %dma_start3A_416] : memref<2x10240x16xf32, #tpu.memory_space<hbm>> -> memref<1x10240x16xf32, #tpu.memory_space<hbm>>
    %dma_start3A_418 = tpu.memref_squeeze %dma_start3A_417 : memref<1x10240x16xf32, #tpu.memory_space<hbm>> -> memref<10240x16xf32, #tpu.memory_space<hbm>>
    %dma_start3A_419 = arith.constant 0 : i32
    %dma_start3A_420 = tpu.memref_slice %dma_start3A_418[%add3A_404, %dma_start3A_419] : memref<10240x16xf32, #tpu.memory_space<hbm>> -> memref<128x16xf32, #tpu.memory_space<hbm>>
    tpu.enqueue_dma source(%arg11 : memref<128x16xf32, #tpu.memory_space<vmem>>) target(%dma_start3A_420 : memref<128x16xf32, #tpu.memory_space<hbm>>) target_semaphore(%arg23 : memref<!tpu.dma_semaphore, #tpu.memory_space<semaphore_mem>>)
    %mul3A_421 = arith.constant 640 : i32
    %mul3A_422 = arith.muli %arg1, %mul3A_421 : i32
    %add3A_423 = arith.constant 512 : i32
    %add3A_424 = arith.addi %mul3A_422, %add3A_423 : i32
    %dma_wait3A_425 = arith.constant 0 : i32
    %dma_wait3A_426 = tpu.memref_slice %arg14[%add3A_424, %dma_wait3A_425] : memref<10240x16xf32, #tpu.memory_space<vmem_shared>> -> memref<128x16xf32, #tpu.memory_space<vmem_shared>>
    %dma_wait3A_427 = arith.constant 0 : i32
    %dma_wait3A_428 = tpu.memref_slice %arg14[%add3A_424, %dma_wait3A_427] : memref<10240x16xf32, #tpu.memory_space<vmem_shared>> -> memref<128x16xf32, #tpu.memory_space<vmem_shared>>
    tpu.wait_dma2 semaphore(%arg16 : memref<!tpu.dma_semaphore, #tpu.memory_space<semaphore_mem>>) src(%dma_wait3A_428 : memref<128x16xf32, #tpu.memory_space<vmem_shared>>) dst(%arg12 : memref<128x16xf32, #tpu.memory_space<vmem>>)
    %dma_start3A_429 = arith.constant 0 : i32
    %dma_start3A_430 = arith.constant 0 : i32
    %dma_start3A_431 = tpu.memref_slice %arg5[%arg0, %dma_start3A_429, %dma_start3A_430] : memref<2x10240x16xf32, #tpu.memory_space<hbm>> -> memref<1x10240x16xf32, #tpu.memory_space<hbm>>
    %dma_start3A_432 = tpu.memref_squeeze %dma_start3A_431 : memref<1x10240x16xf32, #tpu.memory_space<hbm>> -> memref<10240x16xf32, #tpu.memory_space<hbm>>
    %dma_start3A_433 = arith.constant 0 : i32
    %dma_start3A_434 = tpu.memref_slice %dma_start3A_432[%add3A_424, %dma_start3A_433] : memref<10240x16xf32, #tpu.memory_space<hbm>> -> memref<128x16xf32, #tpu.memory_space<hbm>>
    %dma_start3A_435 = arith.constant 0 : i32
    %dma_start3A_436 = arith.constant 0 : i32
    %dma_start3A_437 = tpu.memref_slice %arg5[%arg0, %dma_start3A_435, %dma_start3A_436] : memref<2x10240x16xf32, #tpu.memory_space<hbm>> -> memref<1x10240x16xf32, #tpu.memory_space<hbm>>
    %dma_start3A_438 = tpu.memref_squeeze %dma_start3A_437 : memref<1x10240x16xf32, #tpu.memory_space<hbm>> -> memref<10240x16xf32, #tpu.memory_space<hbm>>
    %dma_start3A_439 = arith.constant 0 : i32
    %dma_start3A_440 = tpu.memref_slice %dma_start3A_438[%add3A_424, %dma_start3A_439] : memref<10240x16xf32, #tpu.memory_space<hbm>> -> memref<128x16xf32, #tpu.memory_space<hbm>>
    tpu.enqueue_dma source(%arg12 : memref<128x16xf32, #tpu.memory_space<vmem>>) target(%dma_start3A_440 : memref<128x16xf32, #tpu.memory_space<hbm>>) target_semaphore(%arg16 : memref<!tpu.dma_semaphore, #tpu.memory_space<semaphore_mem>>)
    %mul3A_441 = arith.constant 640 : i32
    %mul3A_442 = arith.muli %arg1, %mul3A_441 : i32
    %add3A_443 = arith.constant 0 : i32
    %add3A_444 = arith.addi %mul3A_442, %add3A_443 : i32
    %dma_wait3A_445 = arith.constant 0 : i32
    %dma_wait3A_446 = arith.constant 0 : i32
    %dma_wait3A_447 = tpu.memref_slice %arg5[%arg0, %dma_wait3A_445, %dma_wait3A_446] : memref<2x10240x16xf32, #tpu.memory_space<hbm>> -> memref<1x10240x16xf32, #tpu.memory_space<hbm>>
    %dma_wait3A_448 = tpu.memref_squeeze %dma_wait3A_447 : memref<1x10240x16xf32, #tpu.memory_space<hbm>> -> memref<10240x16xf32, #tpu.memory_space<hbm>>
    %dma_wait3A_449 = arith.constant 0 : i32
    %dma_wait3A_450 = tpu.memref_slice %dma_wait3A_448[%add3A_444, %dma_wait3A_449] : memref<10240x16xf32, #tpu.memory_space<hbm>> -> memref<128x16xf32, #tpu.memory_space<hbm>>
    %dma_wait3A_451 = arith.constant 0 : i32
    %dma_wait3A_452 = arith.constant 0 : i32
    %dma_wait3A_453 = tpu.memref_slice %arg5[%arg0, %dma_wait3A_451, %dma_wait3A_452] : memref<2x10240x16xf32, #tpu.memory_space<hbm>> -> memref<1x10240x16xf32, #tpu.memory_space<hbm>>
    %dma_wait3A_454 = tpu.memref_squeeze %dma_wait3A_453 : memref<1x10240x16xf32, #tpu.memory_space<hbm>> -> memref<10240x16xf32, #tpu.memory_space<hbm>>
    %dma_wait3A_455 = arith.constant 0 : i32
    %dma_wait3A_456 = tpu.memref_slice %dma_wait3A_454[%add3A_444, %dma_wait3A_455] : memref<10240x16xf32, #tpu.memory_space<hbm>> -> memref<128x16xf32, #tpu.memory_space<hbm>>
    tpu.wait_dma2 semaphore(%arg20 : memref<!tpu.dma_semaphore, #tpu.memory_space<semaphore_mem>>) src(%arg8 : memref<128x16xf32, #tpu.memory_space<vmem>>) dst(%dma_wait3A_456 : memref<128x16xf32, #tpu.memory_space<hbm>>)
    %mul3A_457 = arith.constant 640 : i32
    %mul3A_458 = arith.muli %arg1, %mul3A_457 : i32
    %add3A_459 = arith.constant 128 : i32
    %add3A_460 = arith.addi %mul3A_458, %add3A_459 : i32
    %dma_wait3A_461 = arith.constant 0 : i32
    %dma_wait3A_462 = arith.constant 0 : i32
    %dma_wait3A_463 = tpu.memref_slice %arg5[%arg0, %dma_wait3A_461, %dma_wait3A_462] : memref<2x10240x16xf32, #tpu.memory_space<hbm>> -> memref<1x10240x16xf32, #tpu.memory_space<hbm>>
    %dma_wait3A_464 = tpu.memref_squeeze %dma_wait3A_463 : memref<1x10240x16xf32, #tpu.memory_space<hbm>> -> memref<10240x16xf32, #tpu.memory_space<hbm>>
    %dma_wait3A_465 = arith.constant 0 : i32
    %dma_wait3A_466 = tpu.memref_slice %dma_wait3A_464[%add3A_460, %dma_wait3A_465] : memref<10240x16xf32, #tpu.memory_space<hbm>> -> memref<128x16xf32, #tpu.memory_space<hbm>>
    %dma_wait3A_467 = arith.constant 0 : i32
    %dma_wait3A_468 = arith.constant 0 : i32
    %dma_wait3A_469 = tpu.memref_slice %arg5[%arg0, %dma_wait3A_467, %dma_wait3A_468] : memref<2x10240x16xf32, #tpu.memory_space<hbm>> -> memref<1x10240x16xf32, #tpu.memory_space<hbm>>
    %dma_wait3A_470 = tpu.memref_squeeze %dma_wait3A_469 : memref<1x10240x16xf32, #tpu.memory_space<hbm>> -> memref<10240x16xf32, #tpu.memory_space<hbm>>
    %dma_wait3A_471 = arith.constant 0 : i32
    %dma_wait3A_472 = tpu.memref_slice %dma_wait3A_470[%add3A_460, %dma_wait3A_471] : memref<10240x16xf32, #tpu.memory_space<hbm>> -> memref<128x16xf32, #tpu.memory_space<hbm>>
    tpu.wait_dma2 semaphore(%arg21 : memref<!tpu.dma_semaphore, #tpu.memory_space<semaphore_mem>>) src(%arg9 : memref<128x16xf32, #tpu.memory_space<vmem>>) dst(%dma_wait3A_472 : memref<128x16xf32, #tpu.memory_space<hbm>>)
    %mul3A_473 = arith.constant 640 : i32
    %mul3A_474 = arith.muli %arg1, %mul3A_473 : i32
    %add3A_475 = arith.constant 256 : i32
    %add3A_476 = arith.addi %mul3A_474, %add3A_475 : i32
    %dma_wait3A_477 = arith.constant 0 : i32
    %dma_wait3A_478 = arith.constant 0 : i32
    %dma_wait3A_479 = tpu.memref_slice %arg5[%arg0, %dma_wait3A_477, %dma_wait3A_478] : memref<2x10240x16xf32, #tpu.memory_space<hbm>> -> memref<1x10240x16xf32, #tpu.memory_space<hbm>>
    %dma_wait3A_480 = tpu.memref_squeeze %dma_wait3A_479 : memref<1x10240x16xf32, #tpu.memory_space<hbm>> -> memref<10240x16xf32, #tpu.memory_space<hbm>>
    %dma_wait3A_481 = arith.constant 0 : i32
    %dma_wait3A_482 = tpu.memref_slice %dma_wait3A_480[%add3A_476, %dma_wait3A_481] : memref<10240x16xf32, #tpu.memory_space<hbm>> -> memref<128x16xf32, #tpu.memory_space<hbm>>
    %dma_wait3A_483 = arith.constant 0 : i32
    %dma_wait3A_484 = arith.constant 0 : i32
    %dma_wait3A_485 = tpu.memref_slice %arg5[%arg0, %dma_wait3A_483, %dma_wait3A_484] : memref<2x10240x16xf32, #tpu.memory_space<hbm>> -> memref<1x10240x16xf32, #tpu.memory_space<hbm>>
    %dma_wait3A_486 = tpu.memref_squeeze %dma_wait3A_485 : memref<1x10240x16xf32, #tpu.memory_space<hbm>> -> memref<10240x16xf32, #tpu.memory_space<hbm>>
    %dma_wait3A_487 = arith.constant 0 : i32
    %dma_wait3A_488 = tpu.memref_slice %dma_wait3A_486[%add3A_476, %dma_wait3A_487] : memref<10240x16xf32, #tpu.memory_space<hbm>> -> memref<128x16xf32, #tpu.memory_space<hbm>>
    tpu.wait_dma2 semaphore(%arg22 : memref<!tpu.dma_semaphore, #tpu.memory_space<semaphore_mem>>) src(%arg10 : memref<128x16xf32, #tpu.memory_space<vmem>>) dst(%dma_wait3A_488 : memref<128x16xf32, #tpu.memory_space<hbm>>)
    %mul3A_489 = arith.constant 640 : i32
    %mul3A_490 = arith.muli %arg1, %mul3A_489 : i32
    %add3A_491 = arith.constant 384 : i32
    %add3A_492 = arith.addi %mul3A_490, %add3A_491 : i32
    %dma_wait3A_493 = arith.constant 0 : i32
    %dma_wait3A_494 = arith.constant 0 : i32
    %dma_wait3A_495 = tpu.memref_slice %arg5[%arg0, %dma_wait3A_493, %dma_wait3A_494] : memref<2x10240x16xf32, #tpu.memory_space<hbm>> -> memref<1x10240x16xf32, #tpu.memory_space<hbm>>
    %dma_wait3A_496 = tpu.memref_squeeze %dma_wait3A_495 : memref<1x10240x16xf32, #tpu.memory_space<hbm>> -> memref<10240x16xf32, #tpu.memory_space<hbm>>
    %dma_wait3A_497 = arith.constant 0 : i32
    %dma_wait3A_498 = tpu.memref_slice %dma_wait3A_496[%add3A_492, %dma_wait3A_497] : memref<10240x16xf32, #tpu.memory_space<hbm>> -> memref<128x16xf32, #tpu.memory_space<hbm>>
    %dma_wait3A_499 = arith.constant 0 : i32
    %dma_wait3A_500 = arith.constant 0 : i32
    %dma_wait3A_501 = tpu.memref_slice %arg5[%arg0, %dma_wait3A_499, %dma_wait3A_500] : memref<2x10240x16xf32, #tpu.memory_space<hbm>> -> memref<1x10240x16xf32, #tpu.memory_space<hbm>>
    %dma_wait3A_502 = tpu.memref_squeeze %dma_wait3A_501 : memref<1x10240x16xf32, #tpu.memory_space<hbm>> -> memref<10240x16xf32, #tpu.memory_space<hbm>>
    %dma_wait3A_503 = arith.constant 0 : i32
    %dma_wait3A_504 = tpu.memref_slice %dma_wait3A_502[%add3A_492, %dma_wait3A_503] : memref<10240x16xf32, #tpu.memory_space<hbm>> -> memref<128x16xf32, #tpu.memory_space<hbm>>
    tpu.wait_dma2 semaphore(%arg23 : memref<!tpu.dma_semaphore, #tpu.memory_space<semaphore_mem>>) src(%arg11 : memref<128x16xf32, #tpu.memory_space<vmem>>) dst(%dma_wait3A_504 : memref<128x16xf32, #tpu.memory_space<hbm>>)
    %mul3A_505 = arith.constant 640 : i32
    %mul3A_506 = arith.muli %arg1, %mul3A_505 : i32
    %add3A_507 = arith.constant 512 : i32
    %add3A_508 = arith.addi %mul3A_506, %add3A_507 : i32
    %dma_wait3A_509 = arith.constant 0 : i32
    %dma_wait3A_510 = arith.constant 0 : i32
    %dma_wait3A_511 = tpu.memref_slice %arg5[%arg0, %dma_wait3A_509, %dma_wait3A_510] : memref<2x10240x16xf32, #tpu.memory_space<hbm>> -> memref<1x10240x16xf32, #tpu.memory_space<hbm>>
    %dma_wait3A_512 = tpu.memref_squeeze %dma_wait3A_511 : memref<1x10240x16xf32, #tpu.memory_space<hbm>> -> memref<10240x16xf32, #tpu.memory_space<hbm>>
    %dma_wait3A_513 = arith.constant 0 : i32
    %dma_wait3A_514 = tpu.memref_slice %dma_wait3A_512[%add3A_508, %dma_wait3A_513] : memref<10240x16xf32, #tpu.memory_space<hbm>> -> memref<128x16xf32, #tpu.memory_space<hbm>>
    %dma_wait3A_515 = arith.constant 0 : i32
    %dma_wait3A_516 = arith.constant 0 : i32
    %dma_wait3A_517 = tpu.memref_slice %arg5[%arg0, %dma_wait3A_515, %dma_wait3A_516] : memref<2x10240x16xf32, #tpu.memory_space<hbm>> -> memref<1x10240x16xf32, #tpu.memory_space<hbm>>
    %dma_wait3A_518 = tpu.memref_squeeze %dma_wait3A_517 : memref<1x10240x16xf32, #tpu.memory_space<hbm>> -> memref<10240x16xf32, #tpu.memory_space<hbm>>
    %dma_wait3A_519 = arith.constant 0 : i32
    %dma_wait3A_520 = tpu.memref_slice %dma_wait3A_518[%add3A_508, %dma_wait3A_519] : memref<10240x16xf32, #tpu.memory_space<hbm>> -> memref<128x16xf32, #tpu.memory_space<hbm>>
    tpu.wait_dma2 semaphore(%arg16 : memref<!tpu.dma_semaphore, #tpu.memory_space<semaphore_mem>>) src(%arg12 : memref<128x16xf32, #tpu.memory_space<vmem>>) dst(%dma_wait3A_520 : memref<128x16xf32, #tpu.memory_space<hbm>>)
    return
  }
}

#map = affine_map<(d0, d1) -> (0, 0, 0, 0)>
#map1 = affine_map<(d0, d1) -> (0, 0)>
#map2 = affine_map<(d0, d1) -> (0, 0, 0)>
module attributes {stable_mosaic.version = 14 : i64} {
  func.func @prop(%arg0: i32, %arg1: i32, %arg2: memref<2x32x80x125xi32, #tpu.memory_space<hbm>>, %arg3: memref<10240x128xf32, #tpu.memory_space<hbm>>, %arg4: memref<128x16xf32, #tpu.memory_space<hbm>>, %arg5: memref<2x10240x16xf32, #tpu.memory_space<hbm>>, %arg6: memref<80x125xi32, #tpu.memory_space<vmem>>, %arg7: memref<80x125xi32, #tpu.memory_space<vmem>>, %arg8: memref<128x16xf32, #tpu.memory_space<vmem>>, %arg9: memref<128x16xf32, #tpu.memory_space<vmem>>, %arg10: memref<128x16xf32, #tpu.memory_space<vmem>>, %arg11: memref<128x16xf32, #tpu.memory_space<vmem>>, %arg12: memref<128x16xf32, #tpu.memory_space<vmem>>, %arg13: memref<128x128xf32, #tpu.memory_space<vmem>>, %arg14: memref<10240x16xf32, #tpu.memory_space<vmem_shared>>, %arg15: memref<10240x16xf32, #tpu.memory_space<vmem_shared>>, %arg16: memref<!tpu.dma_semaphore, #tpu.memory_space<semaphore_mem>>, %arg17: memref<!tpu.dma_semaphore, #tpu.memory_space<semaphore_mem>>, %arg18: memref<!tpu.dma_semaphore, #tpu.memory_space<semaphore_mem>>, %arg19: memref<!tpu.dma_semaphore, #tpu.memory_space<semaphore_mem>>, %arg20: memref<!tpu.dma_semaphore, #tpu.memory_space<semaphore_mem>>, %arg21: memref<!tpu.dma_semaphore, #tpu.memory_space<semaphore_mem>>, %arg22: memref<!tpu.dma_semaphore, #tpu.memory_space<semaphore_mem>>, %arg23: memref<!tpu.dma_semaphore, #tpu.memory_space<semaphore_mem>>) attributes {dimension_semantics = [#tpu.dimension_semantics<core_parallel>, #tpu.dimension_semantics<subcore_parallel>], iteration_bounds = array<i64: 2, 16>, scalar_prefetch = 0 : i64, scratch_operands = 18 : i64, tpu.core_type = #tpu.core_type<sc_vector_subcore>, window_params = [{transform_indices = #map}, {transform_indices = #map1}, {transform_indices = #map1}, {transform_indices = #map2}]} {
    %mul3A = arith.constant 16 : i32
    %mul3A_0 = arith.muli %arg0, %mul3A : i32
    %add3A = arith.addi %mul3A_0, %arg1 : i32
    %dma_start3A = arith.constant 0 : i32
    %dma_start3A_1 = arith.constant 0 : i32
    %dma_start3A_2 = arith.constant 0 : i32
    %dma_start3A_3 = arith.constant 0 : i32
    %dma_start3A_4 = tpu.memref_slice %arg2[%dma_start3A, %dma_start3A_1, %dma_start3A_2, %dma_start3A_3] : memref<2x32x80x125xi32, #tpu.memory_space<hbm>> -> memref<1x32x80x125xi32, #tpu.memory_space<hbm>>
    %dma_start3A_5 = tpu.memref_squeeze %dma_start3A_4 : memref<1x32x80x125xi32, #tpu.memory_space<hbm>> -> memref<32x80x125xi32, #tpu.memory_space<hbm>>
    %dma_start3A_6 = arith.constant 0 : i32
    %dma_start3A_7 = arith.constant 0 : i32
    %dma_start3A_8 = tpu.memref_slice %dma_start3A_5[%add3A, %dma_start3A_6, %dma_start3A_7] : memref<32x80x125xi32, #tpu.memory_space<hbm>> -> memref<1x80x125xi32, #tpu.memory_space<hbm>>
    %dma_start3A_9 = tpu.memref_squeeze %dma_start3A_8 : memref<1x80x125xi32, #tpu.memory_space<hbm>> -> memref<80x125xi32, #tpu.memory_space<hbm>>
    %dma_start3A_10 = arith.constant 0 : i32
    %dma_start3A_11 = arith.constant 0 : i32
    %dma_start3A_12 = arith.constant 0 : i32
    %dma_start3A_13 = tpu.memref_slice %arg2[%dma_start3A, %dma_start3A_10, %dma_start3A_11, %dma_start3A_12] : memref<2x32x80x125xi32, #tpu.memory_space<hbm>> -> memref<1x32x80x125xi32, #tpu.memory_space<hbm>>
    %dma_start3A_14 = tpu.memref_squeeze %dma_start3A_13 : memref<1x32x80x125xi32, #tpu.memory_space<hbm>> -> memref<32x80x125xi32, #tpu.memory_space<hbm>>
    %dma_start3A_15 = arith.constant 0 : i32
    %dma_start3A_16 = arith.constant 0 : i32
    %dma_start3A_17 = tpu.memref_slice %dma_start3A_14[%add3A, %dma_start3A_15, %dma_start3A_16] : memref<32x80x125xi32, #tpu.memory_space<hbm>> -> memref<1x80x125xi32, #tpu.memory_space<hbm>>
    %dma_start3A_18 = tpu.memref_squeeze %dma_start3A_17 : memref<1x80x125xi32, #tpu.memory_space<hbm>> -> memref<80x125xi32, #tpu.memory_space<hbm>>
    tpu.enqueue_dma source(%dma_start3A_18 : memref<80x125xi32, #tpu.memory_space<hbm>>) target(%arg6 : memref<80x125xi32, #tpu.memory_space<vmem>>) target_semaphore(%arg20 : memref<!tpu.dma_semaphore, #tpu.memory_space<semaphore_mem>>)
    %dma_start3A_19 = arith.constant 1 : i32
    %dma_start3A_20 = arith.constant 0 : i32
    %dma_start3A_21 = arith.constant 0 : i32
    %dma_start3A_22 = arith.constant 0 : i32
    %dma_start3A_23 = tpu.memref_slice %arg2[%dma_start3A_19, %dma_start3A_20, %dma_start3A_21, %dma_start3A_22] : memref<2x32x80x125xi32, #tpu.memory_space<hbm>> -> memref<1x32x80x125xi32, #tpu.memory_space<hbm>>
    %dma_start3A_24 = tpu.memref_squeeze %dma_start3A_23 : memref<1x32x80x125xi32, #tpu.memory_space<hbm>> -> memref<32x80x125xi32, #tpu.memory_space<hbm>>
    %dma_start3A_25 = arith.constant 0 : i32
    %dma_start3A_26 = arith.constant 0 : i32
    %dma_start3A_27 = tpu.memref_slice %dma_start3A_24[%add3A, %dma_start3A_25, %dma_start3A_26] : memref<32x80x125xi32, #tpu.memory_space<hbm>> -> memref<1x80x125xi32, #tpu.memory_space<hbm>>
    %dma_start3A_28 = tpu.memref_squeeze %dma_start3A_27 : memref<1x80x125xi32, #tpu.memory_space<hbm>> -> memref<80x125xi32, #tpu.memory_space<hbm>>
    %dma_start3A_29 = arith.constant 0 : i32
    %dma_start3A_30 = arith.constant 0 : i32
    %dma_start3A_31 = arith.constant 0 : i32
    %dma_start3A_32 = tpu.memref_slice %arg2[%dma_start3A_19, %dma_start3A_29, %dma_start3A_30, %dma_start3A_31] : memref<2x32x80x125xi32, #tpu.memory_space<hbm>> -> memref<1x32x80x125xi32, #tpu.memory_space<hbm>>
    %dma_start3A_33 = tpu.memref_squeeze %dma_start3A_32 : memref<1x32x80x125xi32, #tpu.memory_space<hbm>> -> memref<32x80x125xi32, #tpu.memory_space<hbm>>
    %dma_start3A_34 = arith.constant 0 : i32
    %dma_start3A_35 = arith.constant 0 : i32
    %dma_start3A_36 = tpu.memref_slice %dma_start3A_33[%add3A, %dma_start3A_34, %dma_start3A_35] : memref<32x80x125xi32, #tpu.memory_space<hbm>> -> memref<1x80x125xi32, #tpu.memory_space<hbm>>
    %dma_start3A_37 = tpu.memref_squeeze %dma_start3A_36 : memref<1x80x125xi32, #tpu.memory_space<hbm>> -> memref<80x125xi32, #tpu.memory_space<hbm>>
    tpu.enqueue_dma source(%dma_start3A_37 : memref<80x125xi32, #tpu.memory_space<hbm>>) target(%arg7 : memref<80x125xi32, #tpu.memory_space<vmem>>) target_semaphore(%arg21 : memref<!tpu.dma_semaphore, #tpu.memory_space<semaphore_mem>>)
    "tpu.region"() ({
      %run_scoped3A = tpu.sem_alloc : memref<!tpu.dma_semaphore, #tpu.memory_space<semaphore_mem>>
      tpu.enqueue_dma source(%arg4 : memref<128x16xf32, #tpu.memory_space<hbm>>) target(%arg12 : memref<128x16xf32, #tpu.memory_space<vmem>>) target_semaphore(%run_scoped3A : memref<!tpu.dma_semaphore, #tpu.memory_space<semaphore_mem>>)
      tpu.wait_dma2 semaphore(%run_scoped3A : memref<!tpu.dma_semaphore, #tpu.memory_space<semaphore_mem>>) src(%arg4 : memref<128x16xf32, #tpu.memory_space<hbm>>) dst(%arg12 : memref<128x16xf32, #tpu.memory_space<vmem>>)
      tpu.yield
    }) : () -> ()
    %mul3A_38 = arith.constant 640 : i32
    %mul3A_39 = arith.muli %arg1, %mul3A_38 : i32
    %add3A_40 = arith.constant 0 : i32
    %add3A_41 = arith.addi %mul3A_39, %add3A_40 : i32
    %dma_start3A_42 = arith.constant 0 : i32
    %dma_start3A_43 = tpu.memref_slice %arg14[%add3A_41, %dma_start3A_42] : memref<10240x16xf32, #tpu.memory_space<vmem_shared>> -> memref<128x16xf32, #tpu.memory_space<vmem_shared>>
    %dma_start3A_44 = arith.constant 0 : i32
    %dma_start3A_45 = tpu.memref_slice %arg14[%add3A_41, %dma_start3A_44] : memref<10240x16xf32, #tpu.memory_space<vmem_shared>> -> memref<128x16xf32, #tpu.memory_space<vmem_shared>>
    tpu.enqueue_dma source(%arg12 : memref<128x16xf32, #tpu.memory_space<vmem>>) target(%dma_start3A_45 : memref<128x16xf32, #tpu.memory_space<vmem_shared>>) target_semaphore(%arg22 : memref<!tpu.dma_semaphore, #tpu.memory_space<semaphore_mem>>)
    %mul3A_46 = arith.constant 640 : i32
    %mul3A_47 = arith.muli %arg1, %mul3A_46 : i32
    %add3A_48 = arith.constant 128 : i32
    %add3A_49 = arith.addi %mul3A_47, %add3A_48 : i32
    %dma_start3A_50 = arith.constant 0 : i32
    %dma_start3A_51 = tpu.memref_slice %arg14[%add3A_49, %dma_start3A_50] : memref<10240x16xf32, #tpu.memory_space<vmem_shared>> -> memref<128x16xf32, #tpu.memory_space<vmem_shared>>
    %dma_start3A_52 = arith.constant 0 : i32
    %dma_start3A_53 = tpu.memref_slice %arg14[%add3A_49, %dma_start3A_52] : memref<10240x16xf32, #tpu.memory_space<vmem_shared>> -> memref<128x16xf32, #tpu.memory_space<vmem_shared>>
    tpu.enqueue_dma source(%arg12 : memref<128x16xf32, #tpu.memory_space<vmem>>) target(%dma_start3A_53 : memref<128x16xf32, #tpu.memory_space<vmem_shared>>) target_semaphore(%arg22 : memref<!tpu.dma_semaphore, #tpu.memory_space<semaphore_mem>>)
    %mul3A_54 = arith.constant 640 : i32
    %mul3A_55 = arith.muli %arg1, %mul3A_54 : i32
    %add3A_56 = arith.constant 256 : i32
    %add3A_57 = arith.addi %mul3A_55, %add3A_56 : i32
    %dma_start3A_58 = arith.constant 0 : i32
    %dma_start3A_59 = tpu.memref_slice %arg14[%add3A_57, %dma_start3A_58] : memref<10240x16xf32, #tpu.memory_space<vmem_shared>> -> memref<128x16xf32, #tpu.memory_space<vmem_shared>>
    %dma_start3A_60 = arith.constant 0 : i32
    %dma_start3A_61 = tpu.memref_slice %arg14[%add3A_57, %dma_start3A_60] : memref<10240x16xf32, #tpu.memory_space<vmem_shared>> -> memref<128x16xf32, #tpu.memory_space<vmem_shared>>
    tpu.enqueue_dma source(%arg12 : memref<128x16xf32, #tpu.memory_space<vmem>>) target(%dma_start3A_61 : memref<128x16xf32, #tpu.memory_space<vmem_shared>>) target_semaphore(%arg22 : memref<!tpu.dma_semaphore, #tpu.memory_space<semaphore_mem>>)
    %mul3A_62 = arith.constant 640 : i32
    %mul3A_63 = arith.muli %arg1, %mul3A_62 : i32
    %add3A_64 = arith.constant 384 : i32
    %add3A_65 = arith.addi %mul3A_63, %add3A_64 : i32
    %dma_start3A_66 = arith.constant 0 : i32
    %dma_start3A_67 = tpu.memref_slice %arg14[%add3A_65, %dma_start3A_66] : memref<10240x16xf32, #tpu.memory_space<vmem_shared>> -> memref<128x16xf32, #tpu.memory_space<vmem_shared>>
    %dma_start3A_68 = arith.constant 0 : i32
    %dma_start3A_69 = tpu.memref_slice %arg14[%add3A_65, %dma_start3A_68] : memref<10240x16xf32, #tpu.memory_space<vmem_shared>> -> memref<128x16xf32, #tpu.memory_space<vmem_shared>>
    tpu.enqueue_dma source(%arg12 : memref<128x16xf32, #tpu.memory_space<vmem>>) target(%dma_start3A_69 : memref<128x16xf32, #tpu.memory_space<vmem_shared>>) target_semaphore(%arg22 : memref<!tpu.dma_semaphore, #tpu.memory_space<semaphore_mem>>)
    %mul3A_70 = arith.constant 640 : i32
    %mul3A_71 = arith.muli %arg1, %mul3A_70 : i32
    %add3A_72 = arith.constant 512 : i32
    %add3A_73 = arith.addi %mul3A_71, %add3A_72 : i32
    %dma_start3A_74 = arith.constant 0 : i32
    %dma_start3A_75 = tpu.memref_slice %arg14[%add3A_73, %dma_start3A_74] : memref<10240x16xf32, #tpu.memory_space<vmem_shared>> -> memref<128x16xf32, #tpu.memory_space<vmem_shared>>
    %dma_start3A_76 = arith.constant 0 : i32
    %dma_start3A_77 = tpu.memref_slice %arg14[%add3A_73, %dma_start3A_76] : memref<10240x16xf32, #tpu.memory_space<vmem_shared>> -> memref<128x16xf32, #tpu.memory_space<vmem_shared>>
    tpu.enqueue_dma source(%arg12 : memref<128x16xf32, #tpu.memory_space<vmem>>) target(%dma_start3A_77 : memref<128x16xf32, #tpu.memory_space<vmem_shared>>) target_semaphore(%arg22 : memref<!tpu.dma_semaphore, #tpu.memory_space<semaphore_mem>>)
    %mul3A_78 = arith.constant 640 : i32
    %mul3A_79 = arith.muli %arg1, %mul3A_78 : i32
    %add3A_80 = arith.constant 0 : i32
    %add3A_81 = arith.addi %mul3A_79, %add3A_80 : i32
    %dma_start3A_82 = arith.constant 0 : i32
    %dma_start3A_83 = tpu.memref_slice %arg3[%add3A_81, %dma_start3A_82] : memref<10240x128xf32, #tpu.memory_space<hbm>> -> memref<128x128xf32, #tpu.memory_space<hbm>>
    %dma_start3A_84 = arith.constant 0 : i32
    %dma_start3A_85 = tpu.memref_slice %arg3[%add3A_81, %dma_start3A_84] : memref<10240x128xf32, #tpu.memory_space<hbm>> -> memref<128x128xf32, #tpu.memory_space<hbm>>
    tpu.enqueue_dma source(%dma_start3A_85 : memref<128x128xf32, #tpu.memory_space<hbm>>) target(%arg13 : memref<128x128xf32, #tpu.memory_space<vmem>>) target_semaphore(%arg19 : memref<!tpu.dma_semaphore, #tpu.memory_space<semaphore_mem>>)
    %dma_wait3A = arith.constant 0 : i32
    %dma_wait3A_86 = tpu.memref_slice %arg3[%add3A_81, %dma_wait3A] : memref<10240x128xf32, #tpu.memory_space<hbm>> -> memref<128x128xf32, #tpu.memory_space<hbm>>
    %dma_wait3A_87 = arith.constant 0 : i32
    %dma_wait3A_88 = tpu.memref_slice %arg3[%add3A_81, %dma_wait3A_87] : memref<10240x128xf32, #tpu.memory_space<hbm>> -> memref<128x128xf32, #tpu.memory_space<hbm>>
    tpu.wait_dma2 semaphore(%arg19 : memref<!tpu.dma_semaphore, #tpu.memory_space<semaphore_mem>>) src(%dma_wait3A_88 : memref<128x128xf32, #tpu.memory_space<hbm>>) dst(%arg13 : memref<128x128xf32, #tpu.memory_space<vmem>>)
    "tpu.region"() ({
      %run_scoped3A = tpu.sem_alloc : memref<!tpu.dma_semaphore, #tpu.memory_space<semaphore_mem>>
      %dma_start3A_521 = arith.constant 0 : i32
      %dma_start3A_522 = arith.constant 0 : i32
      %dma_start3A_523 = tpu.memref_slice %arg13[%dma_start3A_521, %dma_start3A_522] : memref<128x128xf32, #tpu.memory_space<vmem>> -> memref<128x16xf32, #tpu.memory_space<vmem>>
      %dma_start3A_524 = arith.constant 0 : i32
      %dma_start3A_525 = tpu.memref_slice %arg15[%add3A_81, %dma_start3A_524] : memref<10240x16xf32, #tpu.memory_space<vmem_shared>> -> memref<128x16xf32, #tpu.memory_space<vmem_shared>>
      %dma_start3A_526 = arith.constant 0 : i32
      %dma_start3A_527 = tpu.memref_slice %arg15[%add3A_81, %dma_start3A_526] : memref<10240x16xf32, #tpu.memory_space<vmem_shared>> -> memref<128x16xf32, #tpu.memory_space<vmem_shared>>
      %dma_start3A_528 = arith.constant 0 : i32
      %dma_start3A_529 = arith.constant 0 : i32
      %dma_start3A_530 = tpu.memref_slice %arg13[%dma_start3A_528, %dma_start3A_529] : memref<128x128xf32, #tpu.memory_space<vmem>> -> memref<128x16xf32, #tpu.memory_space<vmem>>
      tpu.enqueue_dma source(%dma_start3A_530 : memref<128x16xf32, #tpu.memory_space<vmem>>) target(%dma_start3A_527 : memref<128x16xf32, #tpu.memory_space<vmem_shared>>) target_semaphore(%run_scoped3A : memref<!tpu.dma_semaphore, #tpu.memory_space<semaphore_mem>>)
      %dma_wait3A_531 = arith.constant 0 : i32
      %dma_wait3A_532 = arith.constant 0 : i32
      %dma_wait3A_533 = tpu.memref_slice %arg13[%dma_wait3A_531, %dma_wait3A_532] : memref<128x128xf32, #tpu.memory_space<vmem>> -> memref<128x16xf32, #tpu.memory_space<vmem>>
      %dma_wait3A_534 = arith.constant 0 : i32
      %dma_wait3A_535 = tpu.memref_slice %arg15[%add3A_81, %dma_wait3A_534] : memref<10240x16xf32, #tpu.memory_space<vmem_shared>> -> memref<128x16xf32, #tpu.memory_space<vmem_shared>>
      %dma_wait3A_536 = arith.constant 0 : i32
      %dma_wait3A_537 = tpu.memref_slice %arg15[%add3A_81, %dma_wait3A_536] : memref<10240x16xf32, #tpu.memory_space<vmem_shared>> -> memref<128x16xf32, #tpu.memory_space<vmem_shared>>
      %dma_wait3A_538 = arith.constant 0 : i32
      %dma_wait3A_539 = arith.constant 0 : i32
      %dma_wait3A_540 = tpu.memref_slice %arg13[%dma_wait3A_538, %dma_wait3A_539] : memref<128x128xf32, #tpu.memory_space<vmem>> -> memref<128x16xf32, #tpu.memory_space<vmem>>
      tpu.wait_dma2 semaphore(%run_scoped3A : memref<!tpu.dma_semaphore, #tpu.memory_space<semaphore_mem>>) src(%dma_wait3A_540 : memref<128x16xf32, #tpu.memory_space<vmem>>) dst(%dma_wait3A_537 : memref<128x16xf32, #tpu.memory_space<vmem_shared>>)
      tpu.yield
    }) : () -> ()
    %mul3A_89 = arith.constant 640 : i32
    %mul3A_90 = arith.muli %arg1, %mul3A_89 : i32
    %add3A_91 = arith.constant 128 : i32
    %add3A_92 = arith.addi %mul3A_90, %add3A_91 : i32
    %dma_start3A_93 = arith.constant 0 : i32
    %dma_start3A_94 = tpu.memref_slice %arg3[%add3A_92, %dma_start3A_93] : memref<10240x128xf32, #tpu.memory_space<hbm>> -> memref<128x128xf32, #tpu.memory_space<hbm>>
    %dma_start3A_95 = arith.constant 0 : i32
    %dma_start3A_96 = tpu.memref_slice %arg3[%add3A_92, %dma_start3A_95] : memref<10240x128xf32, #tpu.memory_space<hbm>> -> memref<128x128xf32, #tpu.memory_space<hbm>>
    tpu.enqueue_dma source(%dma_start3A_96 : memref<128x128xf32, #tpu.memory_space<hbm>>) target(%arg13 : memref<128x128xf32, #tpu.memory_space<vmem>>) target_semaphore(%arg19 : memref<!tpu.dma_semaphore, #tpu.memory_space<semaphore_mem>>)
    %dma_wait3A_97 = arith.constant 0 : i32
    %dma_wait3A_98 = tpu.memref_slice %arg3[%add3A_92, %dma_wait3A_97] : memref<10240x128xf32, #tpu.memory_space<hbm>> -> memref<128x128xf32, #tpu.memory_space<hbm>>
    %dma_wait3A_99 = arith.constant 0 : i32
    %dma_wait3A_100 = tpu.memref_slice %arg3[%add3A_92, %dma_wait3A_99] : memref<10240x128xf32, #tpu.memory_space<hbm>> -> memref<128x128xf32, #tpu.memory_space<hbm>>
    tpu.wait_dma2 semaphore(%arg19 : memref<!tpu.dma_semaphore, #tpu.memory_space<semaphore_mem>>) src(%dma_wait3A_100 : memref<128x128xf32, #tpu.memory_space<hbm>>) dst(%arg13 : memref<128x128xf32, #tpu.memory_space<vmem>>)
    "tpu.region"() ({
      %run_scoped3A = tpu.sem_alloc : memref<!tpu.dma_semaphore, #tpu.memory_space<semaphore_mem>>
      %dma_start3A_521 = arith.constant 0 : i32
      %dma_start3A_522 = arith.constant 0 : i32
      %dma_start3A_523 = tpu.memref_slice %arg13[%dma_start3A_521, %dma_start3A_522] : memref<128x128xf32, #tpu.memory_space<vmem>> -> memref<128x16xf32, #tpu.memory_space<vmem>>
      %dma_start3A_524 = arith.constant 0 : i32
      %dma_start3A_525 = tpu.memref_slice %arg15[%add3A_92, %dma_start3A_524] : memref<10240x16xf32, #tpu.memory_space<vmem_shared>> -> memref<128x16xf32, #tpu.memory_space<vmem_shared>>
      %dma_start3A_526 = arith.constant 0 : i32
      %dma_start3A_527 = tpu.memref_slice %arg15[%add3A_92, %dma_start3A_526] : memref<10240x16xf32, #tpu.memory_space<vmem_shared>> -> memref<128x16xf32, #tpu.memory_space<vmem_shared>>
      %dma_start3A_528 = arith.constant 0 : i32
      %dma_start3A_529 = arith.constant 0 : i32
      %dma_start3A_530 = tpu.memref_slice %arg13[%dma_start3A_528, %dma_start3A_529] : memref<128x128xf32, #tpu.memory_space<vmem>> -> memref<128x16xf32, #tpu.memory_space<vmem>>
      tpu.enqueue_dma source(%dma_start3A_530 : memref<128x16xf32, #tpu.memory_space<vmem>>) target(%dma_start3A_527 : memref<128x16xf32, #tpu.memory_space<vmem_shared>>) target_semaphore(%run_scoped3A : memref<!tpu.dma_semaphore, #tpu.memory_space<semaphore_mem>>)
      %dma_wait3A_531 = arith.constant 0 : i32
      %dma_wait3A_532 = arith.constant 0 : i32
      %dma_wait3A_533 = tpu.memref_slice %arg13[%dma_wait3A_531, %dma_wait3A_532] : memref<128x128xf32, #tpu.memory_space<vmem>> -> memref<128x16xf32, #tpu.memory_space<vmem>>
      %dma_wait3A_534 = arith.constant 0 : i32
      %dma_wait3A_535 = tpu.memref_slice %arg15[%add3A_92, %dma_wait3A_534] : memref<10240x16xf32, #tpu.memory_space<vmem_shared>> -> memref<128x16xf32, #tpu.memory_space<vmem_shared>>
      %dma_wait3A_536 = arith.constant 0 : i32
      %dma_wait3A_537 = tpu.memref_slice %arg15[%add3A_92, %dma_wait3A_536] : memref<10240x16xf32, #tpu.memory_space<vmem_shared>> -> memref<128x16xf32, #tpu.memory_space<vmem_shared>>
      %dma_wait3A_538 = arith.constant 0 : i32
      %dma_wait3A_539 = arith.constant 0 : i32
      %dma_wait3A_540 = tpu.memref_slice %arg13[%dma_wait3A_538, %dma_wait3A_539] : memref<128x128xf32, #tpu.memory_space<vmem>> -> memref<128x16xf32, #tpu.memory_space<vmem>>
      tpu.wait_dma2 semaphore(%run_scoped3A : memref<!tpu.dma_semaphore, #tpu.memory_space<semaphore_mem>>) src(%dma_wait3A_540 : memref<128x16xf32, #tpu.memory_space<vmem>>) dst(%dma_wait3A_537 : memref<128x16xf32, #tpu.memory_space<vmem_shared>>)
      tpu.yield
    }) : () -> ()
    %mul3A_101 = arith.constant 640 : i32
    %mul3A_102 = arith.muli %arg1, %mul3A_101 : i32
    %add3A_103 = arith.constant 256 : i32
    %add3A_104 = arith.addi %mul3A_102, %add3A_103 : i32
    %dma_start3A_105 = arith.constant 0 : i32
    %dma_start3A_106 = tpu.memref_slice %arg3[%add3A_104, %dma_start3A_105] : memref<10240x128xf32, #tpu.memory_space<hbm>> -> memref<128x128xf32, #tpu.memory_space<hbm>>
    %dma_start3A_107 = arith.constant 0 : i32
    %dma_start3A_108 = tpu.memref_slice %arg3[%add3A_104, %dma_start3A_107] : memref<10240x128xf32, #tpu.memory_space<hbm>> -> memref<128x128xf32, #tpu.memory_space<hbm>>
    tpu.enqueue_dma source(%dma_start3A_108 : memref<128x128xf32, #tpu.memory_space<hbm>>) target(%arg13 : memref<128x128xf32, #tpu.memory_space<vmem>>) target_semaphore(%arg19 : memref<!tpu.dma_semaphore, #tpu.memory_space<semaphore_mem>>)
    %dma_wait3A_109 = arith.constant 0 : i32
    %dma_wait3A_110 = tpu.memref_slice %arg3[%add3A_104, %dma_wait3A_109] : memref<10240x128xf32, #tpu.memory_space<hbm>> -> memref<128x128xf32, #tpu.memory_space<hbm>>
    %dma_wait3A_111 = arith.constant 0 : i32
    %dma_wait3A_112 = tpu.memref_slice %arg3[%add3A_104, %dma_wait3A_111] : memref<10240x128xf32, #tpu.memory_space<hbm>> -> memref<128x128xf32, #tpu.memory_space<hbm>>
    tpu.wait_dma2 semaphore(%arg19 : memref<!tpu.dma_semaphore, #tpu.memory_space<semaphore_mem>>) src(%dma_wait3A_112 : memref<128x128xf32, #tpu.memory_space<hbm>>) dst(%arg13 : memref<128x128xf32, #tpu.memory_space<vmem>>)
    "tpu.region"() ({
      %run_scoped3A = tpu.sem_alloc : memref<!tpu.dma_semaphore, #tpu.memory_space<semaphore_mem>>
      %dma_start3A_521 = arith.constant 0 : i32
      %dma_start3A_522 = arith.constant 0 : i32
      %dma_start3A_523 = tpu.memref_slice %arg13[%dma_start3A_521, %dma_start3A_522] : memref<128x128xf32, #tpu.memory_space<vmem>> -> memref<128x16xf32, #tpu.memory_space<vmem>>
      %dma_start3A_524 = arith.constant 0 : i32
      %dma_start3A_525 = tpu.memref_slice %arg15[%add3A_104, %dma_start3A_524] : memref<10240x16xf32, #tpu.memory_space<vmem_shared>> -> memref<128x16xf32, #tpu.memory_space<vmem_shared>>
      %dma_start3A_526 = arith.constant 0 : i32
      %dma_start3A_527 = tpu.memref_slice %arg15[%add3A_104, %dma_start3A_526] : memref<10240x16xf32, #tpu.memory_space<vmem_shared>> -> memref<128x16xf32, #tpu.memory_space<vmem_shared>>
      %dma_start3A_528 = arith.constant 0 : i32
      %dma_start3A_529 = arith.constant 0 : i32
      %dma_start3A_530 = tpu.memref_slice %arg13[%dma_start3A_528, %dma_start3A_529] : memref<128x128xf32, #tpu.memory_space<vmem>> -> memref<128x16xf32, #tpu.memory_space<vmem>>
      tpu.enqueue_dma source(%dma_start3A_530 : memref<128x16xf32, #tpu.memory_space<vmem>>) target(%dma_start3A_527 : memref<128x16xf32, #tpu.memory_space<vmem_shared>>) target_semaphore(%run_scoped3A : memref<!tpu.dma_semaphore, #tpu.memory_space<semaphore_mem>>)
      %dma_wait3A_531 = arith.constant 0 : i32
      %dma_wait3A_532 = arith.constant 0 : i32
      %dma_wait3A_533 = tpu.memref_slice %arg13[%dma_wait3A_531, %dma_wait3A_532] : memref<128x128xf32, #tpu.memory_space<vmem>> -> memref<128x16xf32, #tpu.memory_space<vmem>>
      %dma_wait3A_534 = arith.constant 0 : i32
      %dma_wait3A_535 = tpu.memref_slice %arg15[%add3A_104, %dma_wait3A_534] : memref<10240x16xf32, #tpu.memory_space<vmem_shared>> -> memref<128x16xf32, #tpu.memory_space<vmem_shared>>
      %dma_wait3A_536 = arith.constant 0 : i32
      %dma_wait3A_537 = tpu.memref_slice %arg15[%add3A_104, %dma_wait3A_536] : memref<10240x16xf32, #tpu.memory_space<vmem_shared>> -> memref<128x16xf32, #tpu.memory_space<vmem_shared>>
      %dma_wait3A_538 = arith.constant 0 : i32
      %dma_wait3A_539 = arith.constant 0 : i32
      %dma_wait3A_540 = tpu.memref_slice %arg13[%dma_wait3A_538, %dma_wait3A_539] : memref<128x128xf32, #tpu.memory_space<vmem>> -> memref<128x16xf32, #tpu.memory_space<vmem>>
      tpu.wait_dma2 semaphore(%run_scoped3A : memref<!tpu.dma_semaphore, #tpu.memory_space<semaphore_mem>>) src(%dma_wait3A_540 : memref<128x16xf32, #tpu.memory_space<vmem>>) dst(%dma_wait3A_537 : memref<128x16xf32, #tpu.memory_space<vmem_shared>>)
      tpu.yield
    }) : () -> ()
    %mul3A_113 = arith.constant 640 : i32
    %mul3A_114 = arith.muli %arg1, %mul3A_113 : i32
    %add3A_115 = arith.constant 384 : i32
    %add3A_116 = arith.addi %mul3A_114, %add3A_115 : i32
    %dma_start3A_117 = arith.constant 0 : i32
    %dma_start3A_118 = tpu.memref_slice %arg3[%add3A_116, %dma_start3A_117] : memref<10240x128xf32, #tpu.memory_space<hbm>> -> memref<128x128xf32, #tpu.memory_space<hbm>>
    %dma_start3A_119 = arith.constant 0 : i32
    %dma_start3A_120 = tpu.memref_slice %arg3[%add3A_116, %dma_start3A_119] : memref<10240x128xf32, #tpu.memory_space<hbm>> -> memref<128x128xf32, #tpu.memory_space<hbm>>
    tpu.enqueue_dma source(%dma_start3A_120 : memref<128x128xf32, #tpu.memory_space<hbm>>) target(%arg13 : memref<128x128xf32, #tpu.memory_space<vmem>>) target_semaphore(%arg19 : memref<!tpu.dma_semaphore, #tpu.memory_space<semaphore_mem>>)
    %dma_wait3A_121 = arith.constant 0 : i32
    %dma_wait3A_122 = tpu.memref_slice %arg3[%add3A_116, %dma_wait3A_121] : memref<10240x128xf32, #tpu.memory_space<hbm>> -> memref<128x128xf32, #tpu.memory_space<hbm>>
    %dma_wait3A_123 = arith.constant 0 : i32
    %dma_wait3A_124 = tpu.memref_slice %arg3[%add3A_116, %dma_wait3A_123] : memref<10240x128xf32, #tpu.memory_space<hbm>> -> memref<128x128xf32, #tpu.memory_space<hbm>>
    tpu.wait_dma2 semaphore(%arg19 : memref<!tpu.dma_semaphore, #tpu.memory_space<semaphore_mem>>) src(%dma_wait3A_124 : memref<128x128xf32, #tpu.memory_space<hbm>>) dst(%arg13 : memref<128x128xf32, #tpu.memory_space<vmem>>)
    "tpu.region"() ({
      %run_scoped3A = tpu.sem_alloc : memref<!tpu.dma_semaphore, #tpu.memory_space<semaphore_mem>>
      %dma_start3A_521 = arith.constant 0 : i32
      %dma_start3A_522 = arith.constant 0 : i32
      %dma_start3A_523 = tpu.memref_slice %arg13[%dma_start3A_521, %dma_start3A_522] : memref<128x128xf32, #tpu.memory_space<vmem>> -> memref<128x16xf32, #tpu.memory_space<vmem>>
      %dma_start3A_524 = arith.constant 0 : i32
      %dma_start3A_525 = tpu.memref_slice %arg15[%add3A_116, %dma_start3A_524] : memref<10240x16xf32, #tpu.memory_space<vmem_shared>> -> memref<128x16xf32, #tpu.memory_space<vmem_shared>>
      %dma_start3A_526 = arith.constant 0 : i32
      %dma_start3A_527 = tpu.memref_slice %arg15[%add3A_116, %dma_start3A_526] : memref<10240x16xf32, #tpu.memory_space<vmem_shared>> -> memref<128x16xf32, #tpu.memory_space<vmem_shared>>
      %dma_start3A_528 = arith.constant 0 : i32
      %dma_start3A_529 = arith.constant 0 : i32
      %dma_start3A_530 = tpu.memref_slice %arg13[%dma_start3A_528, %dma_start3A_529] : memref<128x128xf32, #tpu.memory_space<vmem>> -> memref<128x16xf32, #tpu.memory_space<vmem>>
      tpu.enqueue_dma source(%dma_start3A_530 : memref<128x16xf32, #tpu.memory_space<vmem>>) target(%dma_start3A_527 : memref<128x16xf32, #tpu.memory_space<vmem_shared>>) target_semaphore(%run_scoped3A : memref<!tpu.dma_semaphore, #tpu.memory_space<semaphore_mem>>)
      %dma_wait3A_531 = arith.constant 0 : i32
      %dma_wait3A_532 = arith.constant 0 : i32
      %dma_wait3A_533 = tpu.memref_slice %arg13[%dma_wait3A_531, %dma_wait3A_532] : memref<128x128xf32, #tpu.memory_space<vmem>> -> memref<128x16xf32, #tpu.memory_space<vmem>>
      %dma_wait3A_534 = arith.constant 0 : i32
      %dma_wait3A_535 = tpu.memref_slice %arg15[%add3A_116, %dma_wait3A_534] : memref<10240x16xf32, #tpu.memory_space<vmem_shared>> -> memref<128x16xf32, #tpu.memory_space<vmem_shared>>
      %dma_wait3A_536 = arith.constant 0 : i32
      %dma_wait3A_537 = tpu.memref_slice %arg15[%add3A_116, %dma_wait3A_536] : memref<10240x16xf32, #tpu.memory_space<vmem_shared>> -> memref<128x16xf32, #tpu.memory_space<vmem_shared>>
      %dma_wait3A_538 = arith.constant 0 : i32
      %dma_wait3A_539 = arith.constant 0 : i32
      %dma_wait3A_540 = tpu.memref_slice %arg13[%dma_wait3A_538, %dma_wait3A_539] : memref<128x128xf32, #tpu.memory_space<vmem>> -> memref<128x16xf32, #tpu.memory_space<vmem>>
      tpu.wait_dma2 semaphore(%run_scoped3A : memref<!tpu.dma_semaphore, #tpu.memory_space<semaphore_mem>>) src(%dma_wait3A_540 : memref<128x16xf32, #tpu.memory_space<vmem>>) dst(%dma_wait3A_537 : memref<128x16xf32, #tpu.memory_space<vmem_shared>>)
      tpu.yield
    }) : () -> ()
    %mul3A_125 = arith.constant 640 : i32
    %mul3A_126 = arith.muli %arg1, %mul3A_125 : i32
    %add3A_127 = arith.constant 512 : i32
    %add3A_128 = arith.addi %mul3A_126, %add3A_127 : i32
    %dma_start3A_129 = arith.constant 0 : i32
    %dma_start3A_130 = tpu.memref_slice %arg3[%add3A_128, %dma_start3A_129] : memref<10240x128xf32, #tpu.memory_space<hbm>> -> memref<128x128xf32, #tpu.memory_space<hbm>>
    %dma_start3A_131 = arith.constant 0 : i32
    %dma_start3A_132 = tpu.memref_slice %arg3[%add3A_128, %dma_start3A_131] : memref<10240x128xf32, #tpu.memory_space<hbm>> -> memref<128x128xf32, #tpu.memory_space<hbm>>
    tpu.enqueue_dma source(%dma_start3A_132 : memref<128x128xf32, #tpu.memory_space<hbm>>) target(%arg13 : memref<128x128xf32, #tpu.memory_space<vmem>>) target_semaphore(%arg19 : memref<!tpu.dma_semaphore, #tpu.memory_space<semaphore_mem>>)
    %dma_wait3A_133 = arith.constant 0 : i32
    %dma_wait3A_134 = tpu.memref_slice %arg3[%add3A_128, %dma_wait3A_133] : memref<10240x128xf32, #tpu.memory_space<hbm>> -> memref<128x128xf32, #tpu.memory_space<hbm>>
    %dma_wait3A_135 = arith.constant 0 : i32
    %dma_wait3A_136 = tpu.memref_slice %arg3[%add3A_128, %dma_wait3A_135] : memref<10240x128xf32, #tpu.memory_space<hbm>> -> memref<128x128xf32, #tpu.memory_space<hbm>>
    tpu.wait_dma2 semaphore(%arg19 : memref<!tpu.dma_semaphore, #tpu.memory_space<semaphore_mem>>) src(%dma_wait3A_136 : memref<128x128xf32, #tpu.memory_space<hbm>>) dst(%arg13 : memref<128x128xf32, #tpu.memory_space<vmem>>)
    "tpu.region"() ({
      %run_scoped3A = tpu.sem_alloc : memref<!tpu.dma_semaphore, #tpu.memory_space<semaphore_mem>>
      %dma_start3A_521 = arith.constant 0 : i32
      %dma_start3A_522 = arith.constant 0 : i32
      %dma_start3A_523 = tpu.memref_slice %arg13[%dma_start3A_521, %dma_start3A_522] : memref<128x128xf32, #tpu.memory_space<vmem>> -> memref<128x16xf32, #tpu.memory_space<vmem>>
      %dma_start3A_524 = arith.constant 0 : i32
      %dma_start3A_525 = tpu.memref_slice %arg15[%add3A_128, %dma_start3A_524] : memref<10240x16xf32, #tpu.memory_space<vmem_shared>> -> memref<128x16xf32, #tpu.memory_space<vmem_shared>>
      %dma_start3A_526 = arith.constant 0 : i32
      %dma_start3A_527 = tpu.memref_slice %arg15[%add3A_128, %dma_start3A_526] : memref<10240x16xf32, #tpu.memory_space<vmem_shared>> -> memref<128x16xf32, #tpu.memory_space<vmem_shared>>
      %dma_start3A_528 = arith.constant 0 : i32
      %dma_start3A_529 = arith.constant 0 : i32
      %dma_start3A_530 = tpu.memref_slice %arg13[%dma_start3A_528, %dma_start3A_529] : memref<128x128xf32, #tpu.memory_space<vmem>> -> memref<128x16xf32, #tpu.memory_space<vmem>>
      tpu.enqueue_dma source(%dma_start3A_530 : memref<128x16xf32, #tpu.memory_space<vmem>>) target(%dma_start3A_527 : memref<128x16xf32, #tpu.memory_space<vmem_shared>>) target_semaphore(%run_scoped3A : memref<!tpu.dma_semaphore, #tpu.memory_space<semaphore_mem>>)
      %dma_wait3A_531 = arith.constant 0 : i32
      %dma_wait3A_532 = arith.constant 0 : i32
      %dma_wait3A_533 = tpu.memref_slice %arg13[%dma_wait3A_531, %dma_wait3A_532] : memref<128x128xf32, #tpu.memory_space<vmem>> -> memref<128x16xf32, #tpu.memory_space<vmem>>
      %dma_wait3A_534 = arith.constant 0 : i32
      %dma_wait3A_535 = tpu.memref_slice %arg15[%add3A_128, %dma_wait3A_534] : memref<10240x16xf32, #tpu.memory_space<vmem_shared>> -> memref<128x16xf32, #tpu.memory_space<vmem_shared>>
      %dma_wait3A_536 = arith.constant 0 : i32
      %dma_wait3A_537 = tpu.memref_slice %arg15[%add3A_128, %dma_wait3A_536] : memref<10240x16xf32, #tpu.memory_space<vmem_shared>> -> memref<128x16xf32, #tpu.memory_space<vmem_shared>>
      %dma_wait3A_538 = arith.constant 0 : i32
      %dma_wait3A_539 = arith.constant 0 : i32
      %dma_wait3A_540 = tpu.memref_slice %arg13[%dma_wait3A_538, %dma_wait3A_539] : memref<128x128xf32, #tpu.memory_space<vmem>> -> memref<128x16xf32, #tpu.memory_space<vmem>>
      tpu.wait_dma2 semaphore(%run_scoped3A : memref<!tpu.dma_semaphore, #tpu.memory_space<semaphore_mem>>) src(%dma_wait3A_540 : memref<128x16xf32, #tpu.memory_space<vmem>>) dst(%dma_wait3A_537 : memref<128x16xf32, #tpu.memory_space<vmem_shared>>)
      tpu.yield
    }) : () -> ()
    %dma_wait3A_137 = arith.constant 0 : i32
    %dma_wait3A_138 = arith.constant 0 : i32
    %dma_wait3A_139 = arith.constant 0 : i32
    %dma_wait3A_140 = arith.constant 0 : i32
    %dma_wait3A_141 = tpu.memref_slice %arg2[%dma_wait3A_137, %dma_wait3A_138, %dma_wait3A_139, %dma_wait3A_140] : memref<2x32x80x125xi32, #tpu.memory_space<hbm>> -> memref<1x32x80x125xi32, #tpu.memory_space<hbm>>
    %dma_wait3A_142 = tpu.memref_squeeze %dma_wait3A_141 : memref<1x32x80x125xi32, #tpu.memory_space<hbm>> -> memref<32x80x125xi32, #tpu.memory_space<hbm>>
    %dma_wait3A_143 = arith.constant 0 : i32
    %dma_wait3A_144 = arith.constant 0 : i32
    %dma_wait3A_145 = tpu.memref_slice %dma_wait3A_142[%add3A, %dma_wait3A_143, %dma_wait3A_144] : memref<32x80x125xi32, #tpu.memory_space<hbm>> -> memref<1x80x125xi32, #tpu.memory_space<hbm>>
    %dma_wait3A_146 = tpu.memref_squeeze %dma_wait3A_145 : memref<1x80x125xi32, #tpu.memory_space<hbm>> -> memref<80x125xi32, #tpu.memory_space<hbm>>
    %dma_wait3A_147 = arith.constant 0 : i32
    %dma_wait3A_148 = arith.constant 0 : i32
    %dma_wait3A_149 = arith.constant 0 : i32
    %dma_wait3A_150 = tpu.memref_slice %arg2[%dma_wait3A_137, %dma_wait3A_147, %dma_wait3A_148, %dma_wait3A_149] : memref<2x32x80x125xi32, #tpu.memory_space<hbm>> -> memref<1x32x80x125xi32, #tpu.memory_space<hbm>>
    %dma_wait3A_151 = tpu.memref_squeeze %dma_wait3A_150 : memref<1x32x80x125xi32, #tpu.memory_space<hbm>> -> memref<32x80x125xi32, #tpu.memory_space<hbm>>
    %dma_wait3A_152 = arith.constant 0 : i32
    %dma_wait3A_153 = arith.constant 0 : i32
    %dma_wait3A_154 = tpu.memref_slice %dma_wait3A_151[%add3A, %dma_wait3A_152, %dma_wait3A_153] : memref<32x80x125xi32, #tpu.memory_space<hbm>> -> memref<1x80x125xi32, #tpu.memory_space<hbm>>
    %dma_wait3A_155 = tpu.memref_squeeze %dma_wait3A_154 : memref<1x80x125xi32, #tpu.memory_space<hbm>> -> memref<80x125xi32, #tpu.memory_space<hbm>>
    tpu.wait_dma2 semaphore(%arg20 : memref<!tpu.dma_semaphore, #tpu.memory_space<semaphore_mem>>) src(%dma_wait3A_155 : memref<80x125xi32, #tpu.memory_space<hbm>>) dst(%arg6 : memref<80x125xi32, #tpu.memory_space<vmem>>)
    %dma_wait3A_156 = arith.constant 1 : i32
    %dma_wait3A_157 = arith.constant 0 : i32
    %dma_wait3A_158 = arith.constant 0 : i32
    %dma_wait3A_159 = arith.constant 0 : i32
    %dma_wait3A_160 = tpu.memref_slice %arg2[%dma_wait3A_156, %dma_wait3A_157, %dma_wait3A_158, %dma_wait3A_159] : memref<2x32x80x125xi32, #tpu.memory_space<hbm>> -> memref<1x32x80x125xi32, #tpu.memory_space<hbm>>
    %dma_wait3A_161 = tpu.memref_squeeze %dma_wait3A_160 : memref<1x32x80x125xi32, #tpu.memory_space<hbm>> -> memref<32x80x125xi32, #tpu.memory_space<hbm>>
    %dma_wait3A_162 = arith.constant 0 : i32
    %dma_wait3A_163 = arith.constant 0 : i32
    %dma_wait3A_164 = tpu.memref_slice %dma_wait3A_161[%add3A, %dma_wait3A_162, %dma_wait3A_163] : memref<32x80x125xi32, #tpu.memory_space<hbm>> -> memref<1x80x125xi32, #tpu.memory_space<hbm>>
    %dma_wait3A_165 = tpu.memref_squeeze %dma_wait3A_164 : memref<1x80x125xi32, #tpu.memory_space<hbm>> -> memref<80x125xi32, #tpu.memory_space<hbm>>
    %dma_wait3A_166 = arith.constant 0 : i32
    %dma_wait3A_167 = arith.constant 0 : i32
    %dma_wait3A_168 = arith.constant 0 : i32
    %dma_wait3A_169 = tpu.memref_slice %arg2[%dma_wait3A_156, %dma_wait3A_166, %dma_wait3A_167, %dma_wait3A_168] : memref<2x32x80x125xi32, #tpu.memory_space<hbm>> -> memref<1x32x80x125xi32, #tpu.memory_space<hbm>>
    %dma_wait3A_170 = tpu.memref_squeeze %dma_wait3A_169 : memref<1x32x80x125xi32, #tpu.memory_space<hbm>> -> memref<32x80x125xi32, #tpu.memory_space<hbm>>
    %dma_wait3A_171 = arith.constant 0 : i32
    %dma_wait3A_172 = arith.constant 0 : i32
    %dma_wait3A_173 = tpu.memref_slice %dma_wait3A_170[%add3A, %dma_wait3A_171, %dma_wait3A_172] : memref<32x80x125xi32, #tpu.memory_space<hbm>> -> memref<1x80x125xi32, #tpu.memory_space<hbm>>
    %dma_wait3A_174 = tpu.memref_squeeze %dma_wait3A_173 : memref<1x80x125xi32, #tpu.memory_space<hbm>> -> memref<80x125xi32, #tpu.memory_space<hbm>>
    tpu.wait_dma2 semaphore(%arg21 : memref<!tpu.dma_semaphore, #tpu.memory_space<semaphore_mem>>) src(%dma_wait3A_174 : memref<80x125xi32, #tpu.memory_space<hbm>>) dst(%arg7 : memref<80x125xi32, #tpu.memory_space<vmem>>)
    %mul3A_175 = arith.constant 640 : i32
    %mul3A_176 = arith.muli %arg1, %mul3A_175 : i32
    %add3A_177 = arith.constant 0 : i32
    %add3A_178 = arith.addi %mul3A_176, %add3A_177 : i32
    %dma_wait3A_179 = arith.constant 0 : i32
    %dma_wait3A_180 = tpu.memref_slice %arg14[%add3A_178, %dma_wait3A_179] : memref<10240x16xf32, #tpu.memory_space<vmem_shared>> -> memref<128x16xf32, #tpu.memory_space<vmem_shared>>
    %dma_wait3A_181 = arith.constant 0 : i32
    %dma_wait3A_182 = tpu.memref_slice %arg14[%add3A_178, %dma_wait3A_181] : memref<10240x16xf32, #tpu.memory_space<vmem_shared>> -> memref<128x16xf32, #tpu.memory_space<vmem_shared>>
    tpu.wait_dma2 semaphore(%arg22 : memref<!tpu.dma_semaphore, #tpu.memory_space<semaphore_mem>>) src(%arg12 : memref<128x16xf32, #tpu.memory_space<vmem>>) dst(%dma_wait3A_182 : memref<128x16xf32, #tpu.memory_space<vmem_shared>>)
    %mul3A_183 = arith.constant 640 : i32
    %mul3A_184 = arith.muli %arg1, %mul3A_183 : i32
    %add3A_185 = arith.constant 128 : i32
    %add3A_186 = arith.addi %mul3A_184, %add3A_185 : i32
    %dma_wait3A_187 = arith.constant 0 : i32
    %dma_wait3A_188 = tpu.memref_slice %arg14[%add3A_186, %dma_wait3A_187] : memref<10240x16xf32, #tpu.memory_space<vmem_shared>> -> memref<128x16xf32, #tpu.memory_space<vmem_shared>>
    %dma_wait3A_189 = arith.constant 0 : i32
    %dma_wait3A_190 = tpu.memref_slice %arg14[%add3A_186, %dma_wait3A_189] : memref<10240x16xf32, #tpu.memory_space<vmem_shared>> -> memref<128x16xf32, #tpu.memory_space<vmem_shared>>
    tpu.wait_dma2 semaphore(%arg22 : memref<!tpu.dma_semaphore, #tpu.memory_space<semaphore_mem>>) src(%arg12 : memref<128x16xf32, #tpu.memory_space<vmem>>) dst(%dma_wait3A_190 : memref<128x16xf32, #tpu.memory_space<vmem_shared>>)
    %mul3A_191 = arith.constant 640 : i32
    %mul3A_192 = arith.muli %arg1, %mul3A_191 : i32
    %add3A_193 = arith.constant 256 : i32
    %add3A_194 = arith.addi %mul3A_192, %add3A_193 : i32
    %dma_wait3A_195 = arith.constant 0 : i32
    %dma_wait3A_196 = tpu.memref_slice %arg14[%add3A_194, %dma_wait3A_195] : memref<10240x16xf32, #tpu.memory_space<vmem_shared>> -> memref<128x16xf32, #tpu.memory_space<vmem_shared>>
    %dma_wait3A_197 = arith.constant 0 : i32
    %dma_wait3A_198 = tpu.memref_slice %arg14[%add3A_194, %dma_wait3A_197] : memref<10240x16xf32, #tpu.memory_space<vmem_shared>> -> memref<128x16xf32, #tpu.memory_space<vmem_shared>>
    tpu.wait_dma2 semaphore(%arg22 : memref<!tpu.dma_semaphore, #tpu.memory_space<semaphore_mem>>) src(%arg12 : memref<128x16xf32, #tpu.memory_space<vmem>>) dst(%dma_wait3A_198 : memref<128x16xf32, #tpu.memory_space<vmem_shared>>)
    %mul3A_199 = arith.constant 640 : i32
    %mul3A_200 = arith.muli %arg1, %mul3A_199 : i32
    %add3A_201 = arith.constant 384 : i32
    %add3A_202 = arith.addi %mul3A_200, %add3A_201 : i32
    %dma_wait3A_203 = arith.constant 0 : i32
    %dma_wait3A_204 = tpu.memref_slice %arg14[%add3A_202, %dma_wait3A_203] : memref<10240x16xf32, #tpu.memory_space<vmem_shared>> -> memref<128x16xf32, #tpu.memory_space<vmem_shared>>
    %dma_wait3A_205 = arith.constant 0 : i32
    %dma_wait3A_206 = tpu.memref_slice %arg14[%add3A_202, %dma_wait3A_205] : memref<10240x16xf32, #tpu.memory_space<vmem_shared>> -> memref<128x16xf32, #tpu.memory_space<vmem_shared>>
    tpu.wait_dma2 semaphore(%arg22 : memref<!tpu.dma_semaphore, #tpu.memory_space<semaphore_mem>>) src(%arg12 : memref<128x16xf32, #tpu.memory_space<vmem>>) dst(%dma_wait3A_206 : memref<128x16xf32, #tpu.memory_space<vmem_shared>>)
    %mul3A_207 = arith.constant 640 : i32
    %mul3A_208 = arith.muli %arg1, %mul3A_207 : i32
    %add3A_209 = arith.constant 512 : i32
    %add3A_210 = arith.addi %mul3A_208, %add3A_209 : i32
    %dma_wait3A_211 = arith.constant 0 : i32
    %dma_wait3A_212 = tpu.memref_slice %arg14[%add3A_210, %dma_wait3A_211] : memref<10240x16xf32, #tpu.memory_space<vmem_shared>> -> memref<128x16xf32, #tpu.memory_space<vmem_shared>>
    %dma_wait3A_213 = arith.constant 0 : i32
    %dma_wait3A_214 = tpu.memref_slice %arg14[%add3A_210, %dma_wait3A_213] : memref<10240x16xf32, #tpu.memory_space<vmem_shared>> -> memref<128x16xf32, #tpu.memory_space<vmem_shared>>
    tpu.wait_dma2 semaphore(%arg22 : memref<!tpu.dma_semaphore, #tpu.memory_space<semaphore_mem>>) src(%arg12 : memref<128x16xf32, #tpu.memory_space<vmem>>) dst(%dma_wait3A_214 : memref<128x16xf32, #tpu.memory_space<vmem_shared>>)
    %barrier3A = arith.constant 0 : index
    tpu.barrier barrier_id(%barrier3A)
    %dma_start3A_215 = arith.constant 0 : i32
    %dma_start3A_216 = arith.constant 0 : i32
    %dma_start3A_217 = arith.constant 0 : i32
    %dma_start3A_218 = tpu.memref_slice %arg8[%dma_start3A_216, %dma_start3A_217] : memref<128x16xf32, #tpu.memory_space<vmem>> -> memref<125x16xf32, #tpu.memory_space<vmem>>
    %dma_start3A_219 = arith.constant 0 : i32
    %dma_start3A_220 = tpu.memref_slice %arg6[%dma_start3A_215, %dma_start3A_219] : memref<80x125xi32, #tpu.memory_space<vmem>> -> memref<1x125xi32, #tpu.memory_space<vmem>>
    %dma_start3A_221 = tpu.memref_squeeze %dma_start3A_220 : memref<1x125xi32, #tpu.memory_space<vmem>> -> memref<125xi32, #tpu.memory_space<vmem>>
    %dma_start3A_222 = arith.constant 0 : i32
    %dma_start3A_223 = arith.constant 0 : i32
    %dma_start3A_224 = tpu.memref_slice %arg15[%dma_start3A_222, %dma_start3A_223] : memref<10240x16xf32, #tpu.memory_space<vmem_shared>> -> memref<10240x16xf32, #tpu.memory_space<vmem_shared>>
    tpu.enqueue_indirect_dma source(%dma_start3A_224 : memref<10240x16xf32, #tpu.memory_space<vmem_shared>>) target(%dma_start3A_218 : memref<125x16xf32, #tpu.memory_space<vmem>>) offsets(%dma_start3A_221 : memref<125xi32, #tpu.memory_space<vmem>>) semaphore(%arg16 : memref<!tpu.dma_semaphore, #tpu.memory_space<semaphore_mem>>)
    %dma_start3A_225 = arith.constant 1 : i32
    %dma_start3A_226 = arith.constant 0 : i32
    %dma_start3A_227 = arith.constant 0 : i32
    %dma_start3A_228 = tpu.memref_slice %arg9[%dma_start3A_226, %dma_start3A_227] : memref<128x16xf32, #tpu.memory_space<vmem>> -> memref<125x16xf32, #tpu.memory_space<vmem>>
    %dma_start3A_229 = arith.constant 0 : i32
    %dma_start3A_230 = tpu.memref_slice %arg6[%dma_start3A_225, %dma_start3A_229] : memref<80x125xi32, #tpu.memory_space<vmem>> -> memref<1x125xi32, #tpu.memory_space<vmem>>
    %dma_start3A_231 = tpu.memref_squeeze %dma_start3A_230 : memref<1x125xi32, #tpu.memory_space<vmem>> -> memref<125xi32, #tpu.memory_space<vmem>>
    %dma_start3A_232 = arith.constant 0 : i32
    %dma_start3A_233 = arith.constant 0 : i32
    %dma_start3A_234 = tpu.memref_slice %arg15[%dma_start3A_232, %dma_start3A_233] : memref<10240x16xf32, #tpu.memory_space<vmem_shared>> -> memref<10240x16xf32, #tpu.memory_space<vmem_shared>>
    tpu.enqueue_indirect_dma source(%dma_start3A_234 : memref<10240x16xf32, #tpu.memory_space<vmem_shared>>) target(%dma_start3A_228 : memref<125x16xf32, #tpu.memory_space<vmem>>) offsets(%dma_start3A_231 : memref<125xi32, #tpu.memory_space<vmem>>) semaphore(%arg17 : memref<!tpu.dma_semaphore, #tpu.memory_space<semaphore_mem>>)
    %dma_start3A_235 = arith.constant 2 : i32
    %dma_start3A_236 = arith.constant 0 : i32
    %dma_start3A_237 = arith.constant 0 : i32
    %dma_start3A_238 = tpu.memref_slice %arg10[%dma_start3A_236, %dma_start3A_237] : memref<128x16xf32, #tpu.memory_space<vmem>> -> memref<125x16xf32, #tpu.memory_space<vmem>>
    %dma_start3A_239 = arith.constant 0 : i32
    %dma_start3A_240 = tpu.memref_slice %arg6[%dma_start3A_235, %dma_start3A_239] : memref<80x125xi32, #tpu.memory_space<vmem>> -> memref<1x125xi32, #tpu.memory_space<vmem>>
    %dma_start3A_241 = tpu.memref_squeeze %dma_start3A_240 : memref<1x125xi32, #tpu.memory_space<vmem>> -> memref<125xi32, #tpu.memory_space<vmem>>
    %dma_start3A_242 = arith.constant 0 : i32
    %dma_start3A_243 = arith.constant 0 : i32
    %dma_start3A_244 = tpu.memref_slice %arg15[%dma_start3A_242, %dma_start3A_243] : memref<10240x16xf32, #tpu.memory_space<vmem_shared>> -> memref<10240x16xf32, #tpu.memory_space<vmem_shared>>
    tpu.enqueue_indirect_dma source(%dma_start3A_244 : memref<10240x16xf32, #tpu.memory_space<vmem_shared>>) target(%dma_start3A_238 : memref<125x16xf32, #tpu.memory_space<vmem>>) offsets(%dma_start3A_241 : memref<125xi32, #tpu.memory_space<vmem>>) semaphore(%arg18 : memref<!tpu.dma_semaphore, #tpu.memory_space<semaphore_mem>>)
    %dma_start3A_245 = arith.constant 3 : i32
    %dma_start3A_246 = arith.constant 0 : i32
    %dma_start3A_247 = arith.constant 0 : i32
    %dma_start3A_248 = tpu.memref_slice %arg11[%dma_start3A_246, %dma_start3A_247] : memref<128x16xf32, #tpu.memory_space<vmem>> -> memref<125x16xf32, #tpu.memory_space<vmem>>
    %dma_start3A_249 = arith.constant 0 : i32
    %dma_start3A_250 = tpu.memref_slice %arg6[%dma_start3A_245, %dma_start3A_249] : memref<80x125xi32, #tpu.memory_space<vmem>> -> memref<1x125xi32, #tpu.memory_space<vmem>>
    %dma_start3A_251 = tpu.memref_squeeze %dma_start3A_250 : memref<1x125xi32, #tpu.memory_space<vmem>> -> memref<125xi32, #tpu.memory_space<vmem>>
    %dma_start3A_252 = arith.constant 0 : i32
    %dma_start3A_253 = arith.constant 0 : i32
    %dma_start3A_254 = tpu.memref_slice %arg15[%dma_start3A_252, %dma_start3A_253] : memref<10240x16xf32, #tpu.memory_space<vmem_shared>> -> memref<10240x16xf32, #tpu.memory_space<vmem_shared>>
    tpu.enqueue_indirect_dma source(%dma_start3A_254 : memref<10240x16xf32, #tpu.memory_space<vmem_shared>>) target(%dma_start3A_248 : memref<125x16xf32, #tpu.memory_space<vmem>>) offsets(%dma_start3A_251 : memref<125xi32, #tpu.memory_space<vmem>>) semaphore(%arg19 : memref<!tpu.dma_semaphore, #tpu.memory_space<semaphore_mem>>)
    %scan3A = arith.constant 0 : i32
    %scan3A_255 = arith.constant 0 : i32
    %scan3A_256 = arith.constant 20 : i32
    %scan3A_257 = arith.addi %scan3A_255, %scan3A_256 : i32
    %scan3A_258 = arith.constant 1 : i32
    scf.for %scan3A_521 = %scan3A_255 to %scan3A_257 step %scan3A_258  : i32 {
      %mul3A_522 = arith.constant 4 : i32
      %mul3A_523 = arith.muli %mul3A_522, %scan3A_521 : i32
      %add3A_524 = arith.constant 0 : i32
      %add3A_525 = arith.addi %mul3A_523, %add3A_524 : i32
      %dma_wait3A_526 = arith.constant 0 : i32
      %dma_wait3A_527 = arith.constant 0 : i32
      %dma_wait3A_528 = tpu.memref_slice %arg8[%dma_wait3A_526, %dma_wait3A_527] : memref<128x16xf32, #tpu.memory_space<vmem>> -> memref<125x16xf32, #tpu.memory_space<vmem>>
      %dma_wait3A_529 = arith.constant 0 : i32
      %dma_wait3A_530 = tpu.memref_slice %arg6[%add3A_525, %dma_wait3A_529] : memref<80x125xi32, #tpu.memory_space<vmem>> -> memref<1x125xi32, #tpu.memory_space<vmem>>
      %dma_wait3A_531 = tpu.memref_squeeze %dma_wait3A_530 : memref<1x125xi32, #tpu.memory_space<vmem>> -> memref<125xi32, #tpu.memory_space<vmem>>
      %dma_wait3A_532 = arith.constant 0 : i32
      %dma_wait3A_533 = arith.constant 0 : i32
      %dma_wait3A_534 = tpu.memref_slice %arg15[%dma_wait3A_532, %dma_wait3A_533] : memref<10240x16xf32, #tpu.memory_space<vmem_shared>> -> memref<10240x16xf32, #tpu.memory_space<vmem_shared>>
      tpu.wait_indirect_dma semaphore(%arg16 : memref<!tpu.dma_semaphore, #tpu.memory_space<semaphore_mem>>) src(%dma_wait3A_534 : memref<10240x16xf32, #tpu.memory_space<vmem_shared>>) dst(%dma_wait3A_528 : memref<125x16xf32, #tpu.memory_space<vmem>>)
      %dma_start3A_535 = arith.constant 0 : i32
      %dma_start3A_536 = arith.constant 0 : i32
      %dma_start3A_537 = tpu.memref_slice %arg8[%dma_start3A_535, %dma_start3A_536] : memref<128x16xf32, #tpu.memory_space<vmem>> -> memref<125x16xf32, #tpu.memory_space<vmem>>
      %dma_start3A_538 = arith.constant 0 : i32
      %dma_start3A_539 = tpu.memref_slice %arg7[%add3A_525, %dma_start3A_538] : memref<80x125xi32, #tpu.memory_space<vmem>> -> memref<1x125xi32, #tpu.memory_space<vmem>>
      %dma_start3A_540 = tpu.memref_squeeze %dma_start3A_539 : memref<1x125xi32, #tpu.memory_space<vmem>> -> memref<125xi32, #tpu.memory_space<vmem>>
      %dma_start3A_541 = arith.constant 0 : i32
      %dma_start3A_542 = arith.constant 0 : i32
      %dma_start3A_543 = tpu.memref_slice %arg14[%dma_start3A_541, %dma_start3A_542] : memref<10240x16xf32, #tpu.memory_space<vmem_shared>> -> memref<10240x16xf32, #tpu.memory_space<vmem_shared>>
      tpu.enqueue_indirect_dma source(%dma_start3A_537 : memref<125x16xf32, #tpu.memory_space<vmem>>) target(%dma_start3A_543 : memref<10240x16xf32, #tpu.memory_space<vmem_shared>>) offsets(%dma_start3A_540 : memref<125xi32, #tpu.memory_space<vmem>>) semaphore(%arg20 : memref<!tpu.dma_semaphore, #tpu.memory_space<semaphore_mem>>) {add = true}
      %add3A_544 = arith.constant 2 : i32
      %add3A_545 = arith.addi %add3A_525, %add3A_544 : i32
      %ge3A = arith.constant 4 : i32
      %ge3A_546 = arith.cmpi sge, %add3A_545, %ge3A : i32
      %lt3A = arith.constant 80 : i32
      %lt3A_547 = arith.cmpi slt, %add3A_545, %lt3A : i32
      %and3A = arith.andi %ge3A_546, %lt3A_547 : i1
      %convert_element_type3A = arith.extui %and3A : i1 to i32
      %cond3A = arith.constant 0 : i32
      %cond3A_548 = arith.cmpi ne, %convert_element_type3A, %cond3A : i32
      scf.if %cond3A_548 {
        %sub3A = arith.constant 4 : i32
        %sub3A_645 = arith.subi %add3A_545, %sub3A : i32
        %dma_wait3A_646 = arith.constant 0 : i32
        %dma_wait3A_647 = arith.constant 0 : i32
        %dma_wait3A_648 = tpu.memref_slice %arg10[%dma_wait3A_646, %dma_wait3A_647] : memref<128x16xf32, #tpu.memory_space<vmem>> -> memref<125x16xf32, #tpu.memory_space<vmem>>
        %dma_wait3A_649 = arith.constant 0 : i32
        %dma_wait3A_650 = tpu.memref_slice %arg7[%sub3A_645, %dma_wait3A_649] : memref<80x125xi32, #tpu.memory_space<vmem>> -> memref<1x125xi32, #tpu.memory_space<vmem>>
        %dma_wait3A_651 = tpu.memref_squeeze %dma_wait3A_650 : memref<1x125xi32, #tpu.memory_space<vmem>> -> memref<125xi32, #tpu.memory_space<vmem>>
        %dma_wait3A_652 = arith.constant 0 : i32
        %dma_wait3A_653 = arith.constant 0 : i32
        %dma_wait3A_654 = tpu.memref_slice %arg14[%dma_wait3A_652, %dma_wait3A_653] : memref<10240x16xf32, #tpu.memory_space<vmem_shared>> -> memref<10240x16xf32, #tpu.memory_space<vmem_shared>>
        tpu.wait_indirect_dma semaphore(%arg22 : memref<!tpu.dma_semaphore, #tpu.memory_space<semaphore_mem>>) src(%dma_wait3A_648 : memref<125x16xf32, #tpu.memory_space<vmem>>) dst(%dma_wait3A_654 : memref<10240x16xf32, #tpu.memory_space<vmem_shared>>)
        %dma_start3A_655 = arith.constant 0 : i32
        %dma_start3A_656 = arith.constant 0 : i32
        %dma_start3A_657 = tpu.memref_slice %arg10[%dma_start3A_655, %dma_start3A_656] : memref<128x16xf32, #tpu.memory_space<vmem>> -> memref<125x16xf32, #tpu.memory_space<vmem>>
        %dma_start3A_658 = arith.constant 0 : i32
        %dma_start3A_659 = tpu.memref_slice %arg6[%add3A_545, %dma_start3A_658] : memref<80x125xi32, #tpu.memory_space<vmem>> -> memref<1x125xi32, #tpu.memory_space<vmem>>
        %dma_start3A_660 = tpu.memref_squeeze %dma_start3A_659 : memref<1x125xi32, #tpu.memory_space<vmem>> -> memref<125xi32, #tpu.memory_space<vmem>>
        %dma_start3A_661 = arith.constant 0 : i32
        %dma_start3A_662 = arith.constant 0 : i32
        %dma_start3A_663 = tpu.memref_slice %arg15[%dma_start3A_661, %dma_start3A_662] : memref<10240x16xf32, #tpu.memory_space<vmem_shared>> -> memref<10240x16xf32, #tpu.memory_space<vmem_shared>>
        tpu.enqueue_indirect_dma source(%dma_start3A_663 : memref<10240x16xf32, #tpu.memory_space<vmem_shared>>) target(%dma_start3A_657 : memref<125x16xf32, #tpu.memory_space<vmem>>) offsets(%dma_start3A_660 : memref<125xi32, #tpu.memory_space<vmem>>) semaphore(%arg18 : memref<!tpu.dma_semaphore, #tpu.memory_space<semaphore_mem>>)
      } else {
      }
      %mul3A_549 = arith.constant 4 : i32
      %mul3A_550 = arith.muli %mul3A_549, %scan3A_521 : i32
      %add3A_551 = arith.constant 1 : i32
      %add3A_552 = arith.addi %mul3A_550, %add3A_551 : i32
      %dma_wait3A_553 = arith.constant 0 : i32
      %dma_wait3A_554 = arith.constant 0 : i32
      %dma_wait3A_555 = tpu.memref_slice %arg9[%dma_wait3A_553, %dma_wait3A_554] : memref<128x16xf32, #tpu.memory_space<vmem>> -> memref<125x16xf32, #tpu.memory_space<vmem>>
      %dma_wait3A_556 = arith.constant 0 : i32
      %dma_wait3A_557 = tpu.memref_slice %arg6[%add3A_552, %dma_wait3A_556] : memref<80x125xi32, #tpu.memory_space<vmem>> -> memref<1x125xi32, #tpu.memory_space<vmem>>
      %dma_wait3A_558 = tpu.memref_squeeze %dma_wait3A_557 : memref<1x125xi32, #tpu.memory_space<vmem>> -> memref<125xi32, #tpu.memory_space<vmem>>
      %dma_wait3A_559 = arith.constant 0 : i32
      %dma_wait3A_560 = arith.constant 0 : i32
      %dma_wait3A_561 = tpu.memref_slice %arg15[%dma_wait3A_559, %dma_wait3A_560] : memref<10240x16xf32, #tpu.memory_space<vmem_shared>> -> memref<10240x16xf32, #tpu.memory_space<vmem_shared>>
      tpu.wait_indirect_dma semaphore(%arg17 : memref<!tpu.dma_semaphore, #tpu.memory_space<semaphore_mem>>) src(%dma_wait3A_561 : memref<10240x16xf32, #tpu.memory_space<vmem_shared>>) dst(%dma_wait3A_555 : memref<125x16xf32, #tpu.memory_space<vmem>>)
      %dma_start3A_562 = arith.constant 0 : i32
      %dma_start3A_563 = arith.constant 0 : i32
      %dma_start3A_564 = tpu.memref_slice %arg9[%dma_start3A_562, %dma_start3A_563] : memref<128x16xf32, #tpu.memory_space<vmem>> -> memref<125x16xf32, #tpu.memory_space<vmem>>
      %dma_start3A_565 = arith.constant 0 : i32
      %dma_start3A_566 = tpu.memref_slice %arg7[%add3A_552, %dma_start3A_565] : memref<80x125xi32, #tpu.memory_space<vmem>> -> memref<1x125xi32, #tpu.memory_space<vmem>>
      %dma_start3A_567 = tpu.memref_squeeze %dma_start3A_566 : memref<1x125xi32, #tpu.memory_space<vmem>> -> memref<125xi32, #tpu.memory_space<vmem>>
      %dma_start3A_568 = arith.constant 0 : i32
      %dma_start3A_569 = arith.constant 0 : i32
      %dma_start3A_570 = tpu.memref_slice %arg14[%dma_start3A_568, %dma_start3A_569] : memref<10240x16xf32, #tpu.memory_space<vmem_shared>> -> memref<10240x16xf32, #tpu.memory_space<vmem_shared>>
      tpu.enqueue_indirect_dma source(%dma_start3A_564 : memref<125x16xf32, #tpu.memory_space<vmem>>) target(%dma_start3A_570 : memref<10240x16xf32, #tpu.memory_space<vmem_shared>>) offsets(%dma_start3A_567 : memref<125xi32, #tpu.memory_space<vmem>>) semaphore(%arg21 : memref<!tpu.dma_semaphore, #tpu.memory_space<semaphore_mem>>) {add = true}
      %add3A_571 = arith.constant 2 : i32
      %add3A_572 = arith.addi %add3A_552, %add3A_571 : i32
      %ge3A_573 = arith.constant 4 : i32
      %ge3A_574 = arith.cmpi sge, %add3A_572, %ge3A_573 : i32
      %lt3A_575 = arith.constant 80 : i32
      %lt3A_576 = arith.cmpi slt, %add3A_572, %lt3A_575 : i32
      %and3A_577 = arith.andi %ge3A_574, %lt3A_576 : i1
      %convert_element_type3A_578 = arith.extui %and3A_577 : i1 to i32
      %cond3A_579 = arith.constant 0 : i32
      %cond3A_580 = arith.cmpi ne, %convert_element_type3A_578, %cond3A_579 : i32
      scf.if %cond3A_580 {
        %sub3A = arith.constant 4 : i32
        %sub3A_645 = arith.subi %add3A_572, %sub3A : i32
        %dma_wait3A_646 = arith.constant 0 : i32
        %dma_wait3A_647 = arith.constant 0 : i32
        %dma_wait3A_648 = tpu.memref_slice %arg11[%dma_wait3A_646, %dma_wait3A_647] : memref<128x16xf32, #tpu.memory_space<vmem>> -> memref<125x16xf32, #tpu.memory_space<vmem>>
        %dma_wait3A_649 = arith.constant 0 : i32
        %dma_wait3A_650 = tpu.memref_slice %arg7[%sub3A_645, %dma_wait3A_649] : memref<80x125xi32, #tpu.memory_space<vmem>> -> memref<1x125xi32, #tpu.memory_space<vmem>>
        %dma_wait3A_651 = tpu.memref_squeeze %dma_wait3A_650 : memref<1x125xi32, #tpu.memory_space<vmem>> -> memref<125xi32, #tpu.memory_space<vmem>>
        %dma_wait3A_652 = arith.constant 0 : i32
        %dma_wait3A_653 = arith.constant 0 : i32
        %dma_wait3A_654 = tpu.memref_slice %arg14[%dma_wait3A_652, %dma_wait3A_653] : memref<10240x16xf32, #tpu.memory_space<vmem_shared>> -> memref<10240x16xf32, #tpu.memory_space<vmem_shared>>
        tpu.wait_indirect_dma semaphore(%arg23 : memref<!tpu.dma_semaphore, #tpu.memory_space<semaphore_mem>>) src(%dma_wait3A_648 : memref<125x16xf32, #tpu.memory_space<vmem>>) dst(%dma_wait3A_654 : memref<10240x16xf32, #tpu.memory_space<vmem_shared>>)
        %dma_start3A_655 = arith.constant 0 : i32
        %dma_start3A_656 = arith.constant 0 : i32
        %dma_start3A_657 = tpu.memref_slice %arg11[%dma_start3A_655, %dma_start3A_656] : memref<128x16xf32, #tpu.memory_space<vmem>> -> memref<125x16xf32, #tpu.memory_space<vmem>>
        %dma_start3A_658 = arith.constant 0 : i32
        %dma_start3A_659 = tpu.memref_slice %arg6[%add3A_572, %dma_start3A_658] : memref<80x125xi32, #tpu.memory_space<vmem>> -> memref<1x125xi32, #tpu.memory_space<vmem>>
        %dma_start3A_660 = tpu.memref_squeeze %dma_start3A_659 : memref<1x125xi32, #tpu.memory_space<vmem>> -> memref<125xi32, #tpu.memory_space<vmem>>
        %dma_start3A_661 = arith.constant 0 : i32
        %dma_start3A_662 = arith.constant 0 : i32
        %dma_start3A_663 = tpu.memref_slice %arg15[%dma_start3A_661, %dma_start3A_662] : memref<10240x16xf32, #tpu.memory_space<vmem_shared>> -> memref<10240x16xf32, #tpu.memory_space<vmem_shared>>
        tpu.enqueue_indirect_dma source(%dma_start3A_663 : memref<10240x16xf32, #tpu.memory_space<vmem_shared>>) target(%dma_start3A_657 : memref<125x16xf32, #tpu.memory_space<vmem>>) offsets(%dma_start3A_660 : memref<125xi32, #tpu.memory_space<vmem>>) semaphore(%arg19 : memref<!tpu.dma_semaphore, #tpu.memory_space<semaphore_mem>>)
      } else {
      }
      %mul3A_581 = arith.constant 4 : i32
      %mul3A_582 = arith.muli %mul3A_581, %scan3A_521 : i32
      %add3A_583 = arith.constant 2 : i32
      %add3A_584 = arith.addi %mul3A_582, %add3A_583 : i32
      %dma_wait3A_585 = arith.constant 0 : i32
      %dma_wait3A_586 = arith.constant 0 : i32
      %dma_wait3A_587 = tpu.memref_slice %arg10[%dma_wait3A_585, %dma_wait3A_586] : memref<128x16xf32, #tpu.memory_space<vmem>> -> memref<125x16xf32, #tpu.memory_space<vmem>>
      %dma_wait3A_588 = arith.constant 0 : i32
      %dma_wait3A_589 = tpu.memref_slice %arg6[%add3A_584, %dma_wait3A_588] : memref<80x125xi32, #tpu.memory_space<vmem>> -> memref<1x125xi32, #tpu.memory_space<vmem>>
      %dma_wait3A_590 = tpu.memref_squeeze %dma_wait3A_589 : memref<1x125xi32, #tpu.memory_space<vmem>> -> memref<125xi32, #tpu.memory_space<vmem>>
      %dma_wait3A_591 = arith.constant 0 : i32
      %dma_wait3A_592 = arith.constant 0 : i32
      %dma_wait3A_593 = tpu.memref_slice %arg15[%dma_wait3A_591, %dma_wait3A_592] : memref<10240x16xf32, #tpu.memory_space<vmem_shared>> -> memref<10240x16xf32, #tpu.memory_space<vmem_shared>>
      tpu.wait_indirect_dma semaphore(%arg18 : memref<!tpu.dma_semaphore, #tpu.memory_space<semaphore_mem>>) src(%dma_wait3A_593 : memref<10240x16xf32, #tpu.memory_space<vmem_shared>>) dst(%dma_wait3A_587 : memref<125x16xf32, #tpu.memory_space<vmem>>)
      %dma_start3A_594 = arith.constant 0 : i32
      %dma_start3A_595 = arith.constant 0 : i32
      %dma_start3A_596 = tpu.memref_slice %arg10[%dma_start3A_594, %dma_start3A_595] : memref<128x16xf32, #tpu.memory_space<vmem>> -> memref<125x16xf32, #tpu.memory_space<vmem>>
      %dma_start3A_597 = arith.constant 0 : i32
      %dma_start3A_598 = tpu.memref_slice %arg7[%add3A_584, %dma_start3A_597] : memref<80x125xi32, #tpu.memory_space<vmem>> -> memref<1x125xi32, #tpu.memory_space<vmem>>
      %dma_start3A_599 = tpu.memref_squeeze %dma_start3A_598 : memref<1x125xi32, #tpu.memory_space<vmem>> -> memref<125xi32, #tpu.memory_space<vmem>>
      %dma_start3A_600 = arith.constant 0 : i32
      %dma_start3A_601 = arith.constant 0 : i32
      %dma_start3A_602 = tpu.memref_slice %arg14[%dma_start3A_600, %dma_start3A_601] : memref<10240x16xf32, #tpu.memory_space<vmem_shared>> -> memref<10240x16xf32, #tpu.memory_space<vmem_shared>>
      tpu.enqueue_indirect_dma source(%dma_start3A_596 : memref<125x16xf32, #tpu.memory_space<vmem>>) target(%dma_start3A_602 : memref<10240x16xf32, #tpu.memory_space<vmem_shared>>) offsets(%dma_start3A_599 : memref<125xi32, #tpu.memory_space<vmem>>) semaphore(%arg22 : memref<!tpu.dma_semaphore, #tpu.memory_space<semaphore_mem>>) {add = true}
      %add3A_603 = arith.constant 2 : i32
      %add3A_604 = arith.addi %add3A_584, %add3A_603 : i32
      %ge3A_605 = arith.constant 4 : i32
      %ge3A_606 = arith.cmpi sge, %add3A_604, %ge3A_605 : i32
      %lt3A_607 = arith.constant 80 : i32
      %lt3A_608 = arith.cmpi slt, %add3A_604, %lt3A_607 : i32
      %and3A_609 = arith.andi %ge3A_606, %lt3A_608 : i1
      %convert_element_type3A_610 = arith.extui %and3A_609 : i1 to i32
      %cond3A_611 = arith.constant 0 : i32
      %cond3A_612 = arith.cmpi ne, %convert_element_type3A_610, %cond3A_611 : i32
      scf.if %cond3A_612 {
        %sub3A = arith.constant 4 : i32
        %sub3A_645 = arith.subi %add3A_604, %sub3A : i32
        %dma_wait3A_646 = arith.constant 0 : i32
        %dma_wait3A_647 = arith.constant 0 : i32
        %dma_wait3A_648 = tpu.memref_slice %arg8[%dma_wait3A_646, %dma_wait3A_647] : memref<128x16xf32, #tpu.memory_space<vmem>> -> memref<125x16xf32, #tpu.memory_space<vmem>>
        %dma_wait3A_649 = arith.constant 0 : i32
        %dma_wait3A_650 = tpu.memref_slice %arg7[%sub3A_645, %dma_wait3A_649] : memref<80x125xi32, #tpu.memory_space<vmem>> -> memref<1x125xi32, #tpu.memory_space<vmem>>
        %dma_wait3A_651 = tpu.memref_squeeze %dma_wait3A_650 : memref<1x125xi32, #tpu.memory_space<vmem>> -> memref<125xi32, #tpu.memory_space<vmem>>
        %dma_wait3A_652 = arith.constant 0 : i32
        %dma_wait3A_653 = arith.constant 0 : i32
        %dma_wait3A_654 = tpu.memref_slice %arg14[%dma_wait3A_652, %dma_wait3A_653] : memref<10240x16xf32, #tpu.memory_space<vmem_shared>> -> memref<10240x16xf32, #tpu.memory_space<vmem_shared>>
        tpu.wait_indirect_dma semaphore(%arg20 : memref<!tpu.dma_semaphore, #tpu.memory_space<semaphore_mem>>) src(%dma_wait3A_648 : memref<125x16xf32, #tpu.memory_space<vmem>>) dst(%dma_wait3A_654 : memref<10240x16xf32, #tpu.memory_space<vmem_shared>>)
        %dma_start3A_655 = arith.constant 0 : i32
        %dma_start3A_656 = arith.constant 0 : i32
        %dma_start3A_657 = tpu.memref_slice %arg8[%dma_start3A_655, %dma_start3A_656] : memref<128x16xf32, #tpu.memory_space<vmem>> -> memref<125x16xf32, #tpu.memory_space<vmem>>
        %dma_start3A_658 = arith.constant 0 : i32
        %dma_start3A_659 = tpu.memref_slice %arg6[%add3A_604, %dma_start3A_658] : memref<80x125xi32, #tpu.memory_space<vmem>> -> memref<1x125xi32, #tpu.memory_space<vmem>>
        %dma_start3A_660 = tpu.memref_squeeze %dma_start3A_659 : memref<1x125xi32, #tpu.memory_space<vmem>> -> memref<125xi32, #tpu.memory_space<vmem>>
        %dma_start3A_661 = arith.constant 0 : i32
        %dma_start3A_662 = arith.constant 0 : i32
        %dma_start3A_663 = tpu.memref_slice %arg15[%dma_start3A_661, %dma_start3A_662] : memref<10240x16xf32, #tpu.memory_space<vmem_shared>> -> memref<10240x16xf32, #tpu.memory_space<vmem_shared>>
        tpu.enqueue_indirect_dma source(%dma_start3A_663 : memref<10240x16xf32, #tpu.memory_space<vmem_shared>>) target(%dma_start3A_657 : memref<125x16xf32, #tpu.memory_space<vmem>>) offsets(%dma_start3A_660 : memref<125xi32, #tpu.memory_space<vmem>>) semaphore(%arg16 : memref<!tpu.dma_semaphore, #tpu.memory_space<semaphore_mem>>)
      } else {
      }
      %mul3A_613 = arith.constant 4 : i32
      %mul3A_614 = arith.muli %mul3A_613, %scan3A_521 : i32
      %add3A_615 = arith.constant 3 : i32
      %add3A_616 = arith.addi %mul3A_614, %add3A_615 : i32
      %dma_wait3A_617 = arith.constant 0 : i32
      %dma_wait3A_618 = arith.constant 0 : i32
      %dma_wait3A_619 = tpu.memref_slice %arg11[%dma_wait3A_617, %dma_wait3A_618] : memref<128x16xf32, #tpu.memory_space<vmem>> -> memref<125x16xf32, #tpu.memory_space<vmem>>
      %dma_wait3A_620 = arith.constant 0 : i32
      %dma_wait3A_621 = tpu.memref_slice %arg6[%add3A_616, %dma_wait3A_620] : memref<80x125xi32, #tpu.memory_space<vmem>> -> memref<1x125xi32, #tpu.memory_space<vmem>>
      %dma_wait3A_622 = tpu.memref_squeeze %dma_wait3A_621 : memref<1x125xi32, #tpu.memory_space<vmem>> -> memref<125xi32, #tpu.memory_space<vmem>>
      %dma_wait3A_623 = arith.constant 0 : i32
      %dma_wait3A_624 = arith.constant 0 : i32
      %dma_wait3A_625 = tpu.memref_slice %arg15[%dma_wait3A_623, %dma_wait3A_624] : memref<10240x16xf32, #tpu.memory_space<vmem_shared>> -> memref<10240x16xf32, #tpu.memory_space<vmem_shared>>
      tpu.wait_indirect_dma semaphore(%arg19 : memref<!tpu.dma_semaphore, #tpu.memory_space<semaphore_mem>>) src(%dma_wait3A_625 : memref<10240x16xf32, #tpu.memory_space<vmem_shared>>) dst(%dma_wait3A_619 : memref<125x16xf32, #tpu.memory_space<vmem>>)
      %dma_start3A_626 = arith.constant 0 : i32
      %dma_start3A_627 = arith.constant 0 : i32
      %dma_start3A_628 = tpu.memref_slice %arg11[%dma_start3A_626, %dma_start3A_627] : memref<128x16xf32, #tpu.memory_space<vmem>> -> memref<125x16xf32, #tpu.memory_space<vmem>>
      %dma_start3A_629 = arith.constant 0 : i32
      %dma_start3A_630 = tpu.memref_slice %arg7[%add3A_616, %dma_start3A_629] : memref<80x125xi32, #tpu.memory_space<vmem>> -> memref<1x125xi32, #tpu.memory_space<vmem>>
      %dma_start3A_631 = tpu.memref_squeeze %dma_start3A_630 : memref<1x125xi32, #tpu.memory_space<vmem>> -> memref<125xi32, #tpu.memory_space<vmem>>
      %dma_start3A_632 = arith.constant 0 : i32
      %dma_start3A_633 = arith.constant 0 : i32
      %dma_start3A_634 = tpu.memref_slice %arg14[%dma_start3A_632, %dma_start3A_633] : memref<10240x16xf32, #tpu.memory_space<vmem_shared>> -> memref<10240x16xf32, #tpu.memory_space<vmem_shared>>
      tpu.enqueue_indirect_dma source(%dma_start3A_628 : memref<125x16xf32, #tpu.memory_space<vmem>>) target(%dma_start3A_634 : memref<10240x16xf32, #tpu.memory_space<vmem_shared>>) offsets(%dma_start3A_631 : memref<125xi32, #tpu.memory_space<vmem>>) semaphore(%arg23 : memref<!tpu.dma_semaphore, #tpu.memory_space<semaphore_mem>>) {add = true}
      %add3A_635 = arith.constant 2 : i32
      %add3A_636 = arith.addi %add3A_616, %add3A_635 : i32
      %ge3A_637 = arith.constant 4 : i32
      %ge3A_638 = arith.cmpi sge, %add3A_636, %ge3A_637 : i32
      %lt3A_639 = arith.constant 80 : i32
      %lt3A_640 = arith.cmpi slt, %add3A_636, %lt3A_639 : i32
      %and3A_641 = arith.andi %ge3A_638, %lt3A_640 : i1
      %convert_element_type3A_642 = arith.extui %and3A_641 : i1 to i32
      %cond3A_643 = arith.constant 0 : i32
      %cond3A_644 = arith.cmpi ne, %convert_element_type3A_642, %cond3A_643 : i32
      scf.if %cond3A_644 {
        %sub3A = arith.constant 4 : i32
        %sub3A_645 = arith.subi %add3A_636, %sub3A : i32
        %dma_wait3A_646 = arith.constant 0 : i32
        %dma_wait3A_647 = arith.constant 0 : i32
        %dma_wait3A_648 = tpu.memref_slice %arg9[%dma_wait3A_646, %dma_wait3A_647] : memref<128x16xf32, #tpu.memory_space<vmem>> -> memref<125x16xf32, #tpu.memory_space<vmem>>
        %dma_wait3A_649 = arith.constant 0 : i32
        %dma_wait3A_650 = tpu.memref_slice %arg7[%sub3A_645, %dma_wait3A_649] : memref<80x125xi32, #tpu.memory_space<vmem>> -> memref<1x125xi32, #tpu.memory_space<vmem>>
        %dma_wait3A_651 = tpu.memref_squeeze %dma_wait3A_650 : memref<1x125xi32, #tpu.memory_space<vmem>> -> memref<125xi32, #tpu.memory_space<vmem>>
        %dma_wait3A_652 = arith.constant 0 : i32
        %dma_wait3A_653 = arith.constant 0 : i32
        %dma_wait3A_654 = tpu.memref_slice %arg14[%dma_wait3A_652, %dma_wait3A_653] : memref<10240x16xf32, #tpu.memory_space<vmem_shared>> -> memref<10240x16xf32, #tpu.memory_space<vmem_shared>>
        tpu.wait_indirect_dma semaphore(%arg21 : memref<!tpu.dma_semaphore, #tpu.memory_space<semaphore_mem>>) src(%dma_wait3A_648 : memref<125x16xf32, #tpu.memory_space<vmem>>) dst(%dma_wait3A_654 : memref<10240x16xf32, #tpu.memory_space<vmem_shared>>)
        %dma_start3A_655 = arith.constant 0 : i32
        %dma_start3A_656 = arith.constant 0 : i32
        %dma_start3A_657 = tpu.memref_slice %arg9[%dma_start3A_655, %dma_start3A_656] : memref<128x16xf32, #tpu.memory_space<vmem>> -> memref<125x16xf32, #tpu.memory_space<vmem>>
        %dma_start3A_658 = arith.constant 0 : i32
        %dma_start3A_659 = tpu.memref_slice %arg6[%add3A_636, %dma_start3A_658] : memref<80x125xi32, #tpu.memory_space<vmem>> -> memref<1x125xi32, #tpu.memory_space<vmem>>
        %dma_start3A_660 = tpu.memref_squeeze %dma_start3A_659 : memref<1x125xi32, #tpu.memory_space<vmem>> -> memref<125xi32, #tpu.memory_space<vmem>>
        %dma_start3A_661 = arith.constant 0 : i32
        %dma_start3A_662 = arith.constant 0 : i32
        %dma_start3A_663 = tpu.memref_slice %arg15[%dma_start3A_661, %dma_start3A_662] : memref<10240x16xf32, #tpu.memory_space<vmem_shared>> -> memref<10240x16xf32, #tpu.memory_space<vmem_shared>>
        tpu.enqueue_indirect_dma source(%dma_start3A_663 : memref<10240x16xf32, #tpu.memory_space<vmem_shared>>) target(%dma_start3A_657 : memref<125x16xf32, #tpu.memory_space<vmem>>) offsets(%dma_start3A_660 : memref<125xi32, #tpu.memory_space<vmem>>) semaphore(%arg17 : memref<!tpu.dma_semaphore, #tpu.memory_space<semaphore_mem>>)
      } else {
      }
    }
    %scan3A_259 = arith.constant 20 : i32
    %dma_wait3A_260 = arith.constant 76 : i32
    %dma_wait3A_261 = arith.constant 0 : i32
    %dma_wait3A_262 = arith.constant 0 : i32
    %dma_wait3A_263 = tpu.memref_slice %arg8[%dma_wait3A_261, %dma_wait3A_262] : memref<128x16xf32, #tpu.memory_space<vmem>> -> memref<125x16xf32, #tpu.memory_space<vmem>>
    %dma_wait3A_264 = arith.constant 0 : i32
    %dma_wait3A_265 = tpu.memref_slice %arg7[%dma_wait3A_260, %dma_wait3A_264] : memref<80x125xi32, #tpu.memory_space<vmem>> -> memref<1x125xi32, #tpu.memory_space<vmem>>
    %dma_wait3A_266 = tpu.memref_squeeze %dma_wait3A_265 : memref<1x125xi32, #tpu.memory_space<vmem>> -> memref<125xi32, #tpu.memory_space<vmem>>
    %dma_wait3A_267 = arith.constant 0 : i32
    %dma_wait3A_268 = arith.constant 0 : i32
    %dma_wait3A_269 = tpu.memref_slice %arg14[%dma_wait3A_267, %dma_wait3A_268] : memref<10240x16xf32, #tpu.memory_space<vmem_shared>> -> memref<10240x16xf32, #tpu.memory_space<vmem_shared>>
    tpu.wait_indirect_dma semaphore(%arg20 : memref<!tpu.dma_semaphore, #tpu.memory_space<semaphore_mem>>) src(%dma_wait3A_263 : memref<125x16xf32, #tpu.memory_space<vmem>>) dst(%dma_wait3A_269 : memref<10240x16xf32, #tpu.memory_space<vmem_shared>>)
    %dma_wait3A_270 = arith.constant 77 : i32
    %dma_wait3A_271 = arith.constant 0 : i32
    %dma_wait3A_272 = arith.constant 0 : i32
    %dma_wait3A_273 = tpu.memref_slice %arg9[%dma_wait3A_271, %dma_wait3A_272] : memref<128x16xf32, #tpu.memory_space<vmem>> -> memref<125x16xf32, #tpu.memory_space<vmem>>
    %dma_wait3A_274 = arith.constant 0 : i32
    %dma_wait3A_275 = tpu.memref_slice %arg7[%dma_wait3A_270, %dma_wait3A_274] : memref<80x125xi32, #tpu.memory_space<vmem>> -> memref<1x125xi32, #tpu.memory_space<vmem>>
    %dma_wait3A_276 = tpu.memref_squeeze %dma_wait3A_275 : memref<1x125xi32, #tpu.memory_space<vmem>> -> memref<125xi32, #tpu.memory_space<vmem>>
    %dma_wait3A_277 = arith.constant 0 : i32
    %dma_wait3A_278 = arith.constant 0 : i32
    %dma_wait3A_279 = tpu.memref_slice %arg14[%dma_wait3A_277, %dma_wait3A_278] : memref<10240x16xf32, #tpu.memory_space<vmem_shared>> -> memref<10240x16xf32, #tpu.memory_space<vmem_shared>>
    tpu.wait_indirect_dma semaphore(%arg21 : memref<!tpu.dma_semaphore, #tpu.memory_space<semaphore_mem>>) src(%dma_wait3A_273 : memref<125x16xf32, #tpu.memory_space<vmem>>) dst(%dma_wait3A_279 : memref<10240x16xf32, #tpu.memory_space<vmem_shared>>)
    %dma_wait3A_280 = arith.constant 78 : i32
    %dma_wait3A_281 = arith.constant 0 : i32
    %dma_wait3A_282 = arith.constant 0 : i32
    %dma_wait3A_283 = tpu.memref_slice %arg10[%dma_wait3A_281, %dma_wait3A_282] : memref<128x16xf32, #tpu.memory_space<vmem>> -> memref<125x16xf32, #tpu.memory_space<vmem>>
    %dma_wait3A_284 = arith.constant 0 : i32
    %dma_wait3A_285 = tpu.memref_slice %arg7[%dma_wait3A_280, %dma_wait3A_284] : memref<80x125xi32, #tpu.memory_space<vmem>> -> memref<1x125xi32, #tpu.memory_space<vmem>>
    %dma_wait3A_286 = tpu.memref_squeeze %dma_wait3A_285 : memref<1x125xi32, #tpu.memory_space<vmem>> -> memref<125xi32, #tpu.memory_space<vmem>>
    %dma_wait3A_287 = arith.constant 0 : i32
    %dma_wait3A_288 = arith.constant 0 : i32
    %dma_wait3A_289 = tpu.memref_slice %arg14[%dma_wait3A_287, %dma_wait3A_288] : memref<10240x16xf32, #tpu.memory_space<vmem_shared>> -> memref<10240x16xf32, #tpu.memory_space<vmem_shared>>
    tpu.wait_indirect_dma semaphore(%arg22 : memref<!tpu.dma_semaphore, #tpu.memory_space<semaphore_mem>>) src(%dma_wait3A_283 : memref<125x16xf32, #tpu.memory_space<vmem>>) dst(%dma_wait3A_289 : memref<10240x16xf32, #tpu.memory_space<vmem_shared>>)
    %dma_wait3A_290 = arith.constant 79 : i32
    %dma_wait3A_291 = arith.constant 0 : i32
    %dma_wait3A_292 = arith.constant 0 : i32
    %dma_wait3A_293 = tpu.memref_slice %arg11[%dma_wait3A_291, %dma_wait3A_292] : memref<128x16xf32, #tpu.memory_space<vmem>> -> memref<125x16xf32, #tpu.memory_space<vmem>>
    %dma_wait3A_294 = arith.constant 0 : i32
    %dma_wait3A_295 = tpu.memref_slice %arg7[%dma_wait3A_290, %dma_wait3A_294] : memref<80x125xi32, #tpu.memory_space<vmem>> -> memref<1x125xi32, #tpu.memory_space<vmem>>
    %dma_wait3A_296 = tpu.memref_squeeze %dma_wait3A_295 : memref<1x125xi32, #tpu.memory_space<vmem>> -> memref<125xi32, #tpu.memory_space<vmem>>
    %dma_wait3A_297 = arith.constant 0 : i32
    %dma_wait3A_298 = arith.constant 0 : i32
    %dma_wait3A_299 = tpu.memref_slice %arg14[%dma_wait3A_297, %dma_wait3A_298] : memref<10240x16xf32, #tpu.memory_space<vmem_shared>> -> memref<10240x16xf32, #tpu.memory_space<vmem_shared>>
    tpu.wait_indirect_dma semaphore(%arg23 : memref<!tpu.dma_semaphore, #tpu.memory_space<semaphore_mem>>) src(%dma_wait3A_293 : memref<125x16xf32, #tpu.memory_space<vmem>>) dst(%dma_wait3A_299 : memref<10240x16xf32, #tpu.memory_space<vmem_shared>>)
    %barrier3A_300 = arith.constant 0 : index
    tpu.barrier barrier_id(%barrier3A_300)
    %mul3A_301 = arith.constant 640 : i32
    %mul3A_302 = arith.muli %arg1, %mul3A_301 : i32
    %add3A_303 = arith.constant 0 : i32
    %add3A_304 = arith.addi %mul3A_302, %add3A_303 : i32
    %dma_start3A_305 = arith.constant 0 : i32
    %dma_start3A_306 = tpu.memref_slice %arg14[%add3A_304, %dma_start3A_305] : memref<10240x16xf32, #tpu.memory_space<vmem_shared>> -> memref<128x16xf32, #tpu.memory_space<vmem_shared>>
    %dma_start3A_307 = arith.constant 0 : i32
    %dma_start3A_308 = tpu.memref_slice %arg14[%add3A_304, %dma_start3A_307] : memref<10240x16xf32, #tpu.memory_space<vmem_shared>> -> memref<128x16xf32, #tpu.memory_space<vmem_shared>>
    tpu.enqueue_dma source(%dma_start3A_308 : memref<128x16xf32, #tpu.memory_space<vmem_shared>>) target(%arg8 : memref<128x16xf32, #tpu.memory_space<vmem>>) target_semaphore(%arg20 : memref<!tpu.dma_semaphore, #tpu.memory_space<semaphore_mem>>)
    %mul3A_309 = arith.constant 640 : i32
    %mul3A_310 = arith.muli %arg1, %mul3A_309 : i32
    %add3A_311 = arith.constant 128 : i32
    %add3A_312 = arith.addi %mul3A_310, %add3A_311 : i32
    %dma_start3A_313 = arith.constant 0 : i32
    %dma_start3A_314 = tpu.memref_slice %arg14[%add3A_312, %dma_start3A_313] : memref<10240x16xf32, #tpu.memory_space<vmem_shared>> -> memref<128x16xf32, #tpu.memory_space<vmem_shared>>
    %dma_start3A_315 = arith.constant 0 : i32
    %dma_start3A_316 = tpu.memref_slice %arg14[%add3A_312, %dma_start3A_315] : memref<10240x16xf32, #tpu.memory_space<vmem_shared>> -> memref<128x16xf32, #tpu.memory_space<vmem_shared>>
    tpu.enqueue_dma source(%dma_start3A_316 : memref<128x16xf32, #tpu.memory_space<vmem_shared>>) target(%arg9 : memref<128x16xf32, #tpu.memory_space<vmem>>) target_semaphore(%arg21 : memref<!tpu.dma_semaphore, #tpu.memory_space<semaphore_mem>>)
    %mul3A_317 = arith.constant 640 : i32
    %mul3A_318 = arith.muli %arg1, %mul3A_317 : i32
    %add3A_319 = arith.constant 256 : i32
    %add3A_320 = arith.addi %mul3A_318, %add3A_319 : i32
    %dma_start3A_321 = arith.constant 0 : i32
    %dma_start3A_322 = tpu.memref_slice %arg14[%add3A_320, %dma_start3A_321] : memref<10240x16xf32, #tpu.memory_space<vmem_shared>> -> memref<128x16xf32, #tpu.memory_space<vmem_shared>>
    %dma_start3A_323 = arith.constant 0 : i32
    %dma_start3A_324 = tpu.memref_slice %arg14[%add3A_320, %dma_start3A_323] : memref<10240x16xf32, #tpu.memory_space<vmem_shared>> -> memref<128x16xf32, #tpu.memory_space<vmem_shared>>
    tpu.enqueue_dma source(%dma_start3A_324 : memref<128x16xf32, #tpu.memory_space<vmem_shared>>) target(%arg10 : memref<128x16xf32, #tpu.memory_space<vmem>>) target_semaphore(%arg22 : memref<!tpu.dma_semaphore, #tpu.memory_space<semaphore_mem>>)
    %mul3A_325 = arith.constant 640 : i32
    %mul3A_326 = arith.muli %arg1, %mul3A_325 : i32
    %add3A_327 = arith.constant 384 : i32
    %add3A_328 = arith.addi %mul3A_326, %add3A_327 : i32
    %dma_start3A_329 = arith.constant 0 : i32
    %dma_start3A_330 = tpu.memref_slice %arg14[%add3A_328, %dma_start3A_329] : memref<10240x16xf32, #tpu.memory_space<vmem_shared>> -> memref<128x16xf32, #tpu.memory_space<vmem_shared>>
    %dma_start3A_331 = arith.constant 0 : i32
    %dma_start3A_332 = tpu.memref_slice %arg14[%add3A_328, %dma_start3A_331] : memref<10240x16xf32, #tpu.memory_space<vmem_shared>> -> memref<128x16xf32, #tpu.memory_space<vmem_shared>>
    tpu.enqueue_dma source(%dma_start3A_332 : memref<128x16xf32, #tpu.memory_space<vmem_shared>>) target(%arg11 : memref<128x16xf32, #tpu.memory_space<vmem>>) target_semaphore(%arg23 : memref<!tpu.dma_semaphore, #tpu.memory_space<semaphore_mem>>)
    %mul3A_333 = arith.constant 640 : i32
    %mul3A_334 = arith.muli %arg1, %mul3A_333 : i32
    %add3A_335 = arith.constant 512 : i32
    %add3A_336 = arith.addi %mul3A_334, %add3A_335 : i32
    %dma_start3A_337 = arith.constant 0 : i32
    %dma_start3A_338 = tpu.memref_slice %arg14[%add3A_336, %dma_start3A_337] : memref<10240x16xf32, #tpu.memory_space<vmem_shared>> -> memref<128x16xf32, #tpu.memory_space<vmem_shared>>
    %dma_start3A_339 = arith.constant 0 : i32
    %dma_start3A_340 = tpu.memref_slice %arg14[%add3A_336, %dma_start3A_339] : memref<10240x16xf32, #tpu.memory_space<vmem_shared>> -> memref<128x16xf32, #tpu.memory_space<vmem_shared>>
    tpu.enqueue_dma source(%dma_start3A_340 : memref<128x16xf32, #tpu.memory_space<vmem_shared>>) target(%arg12 : memref<128x16xf32, #tpu.memory_space<vmem>>) target_semaphore(%arg16 : memref<!tpu.dma_semaphore, #tpu.memory_space<semaphore_mem>>)
    %mul3A_341 = arith.constant 640 : i32
    %mul3A_342 = arith.muli %arg1, %mul3A_341 : i32
    %add3A_343 = arith.constant 0 : i32
    %add3A_344 = arith.addi %mul3A_342, %add3A_343 : i32
    %dma_wait3A_345 = arith.constant 0 : i32
    %dma_wait3A_346 = tpu.memref_slice %arg14[%add3A_344, %dma_wait3A_345] : memref<10240x16xf32, #tpu.memory_space<vmem_shared>> -> memref<128x16xf32, #tpu.memory_space<vmem_shared>>
    %dma_wait3A_347 = arith.constant 0 : i32
    %dma_wait3A_348 = tpu.memref_slice %arg14[%add3A_344, %dma_wait3A_347] : memref<10240x16xf32, #tpu.memory_space<vmem_shared>> -> memref<128x16xf32, #tpu.memory_space<vmem_shared>>
    tpu.wait_dma2 semaphore(%arg20 : memref<!tpu.dma_semaphore, #tpu.memory_space<semaphore_mem>>) src(%dma_wait3A_348 : memref<128x16xf32, #tpu.memory_space<vmem_shared>>) dst(%arg8 : memref<128x16xf32, #tpu.memory_space<vmem>>)
    %dma_start3A_349 = arith.constant 0 : i32
    %dma_start3A_350 = arith.constant 0 : i32
    %dma_start3A_351 = tpu.memref_slice %arg5[%arg0, %dma_start3A_349, %dma_start3A_350] : memref<2x10240x16xf32, #tpu.memory_space<hbm>> -> memref<1x10240x16xf32, #tpu.memory_space<hbm>>
    %dma_start3A_352 = tpu.memref_squeeze %dma_start3A_351 : memref<1x10240x16xf32, #tpu.memory_space<hbm>> -> memref<10240x16xf32, #tpu.memory_space<hbm>>
    %dma_start3A_353 = arith.constant 0 : i32
    %dma_start3A_354 = tpu.memref_slice %dma_start3A_352[%add3A_344, %dma_start3A_353] : memref<10240x16xf32, #tpu.memory_space<hbm>> -> memref<128x16xf32, #tpu.memory_space<hbm>>
    %dma_start3A_355 = arith.constant 0 : i32
    %dma_start3A_356 = arith.constant 0 : i32
    %dma_start3A_357 = tpu.memref_slice %arg5[%arg0, %dma_start3A_355, %dma_start3A_356] : memref<2x10240x16xf32, #tpu.memory_space<hbm>> -> memref<1x10240x16xf32, #tpu.memory_space<hbm>>
    %dma_start3A_358 = tpu.memref_squeeze %dma_start3A_357 : memref<1x10240x16xf32, #tpu.memory_space<hbm>> -> memref<10240x16xf32, #tpu.memory_space<hbm>>
    %dma_start3A_359 = arith.constant 0 : i32
    %dma_start3A_360 = tpu.memref_slice %dma_start3A_358[%add3A_344, %dma_start3A_359] : memref<10240x16xf32, #tpu.memory_space<hbm>> -> memref<128x16xf32, #tpu.memory_space<hbm>>
    tpu.enqueue_dma source(%arg8 : memref<128x16xf32, #tpu.memory_space<vmem>>) target(%dma_start3A_360 : memref<128x16xf32, #tpu.memory_space<hbm>>) target_semaphore(%arg20 : memref<!tpu.dma_semaphore, #tpu.memory_space<semaphore_mem>>)
    %mul3A_361 = arith.constant 640 : i32
    %mul3A_362 = arith.muli %arg1, %mul3A_361 : i32
    %add3A_363 = arith.constant 128 : i32
    %add3A_364 = arith.addi %mul3A_362, %add3A_363 : i32
    %dma_wait3A_365 = arith.constant 0 : i32
    %dma_wait3A_366 = tpu.memref_slice %arg14[%add3A_364, %dma_wait3A_365] : memref<10240x16xf32, #tpu.memory_space<vmem_shared>> -> memref<128x16xf32, #tpu.memory_space<vmem_shared>>
    %dma_wait3A_367 = arith.constant 0 : i32
    %dma_wait3A_368 = tpu.memref_slice %arg14[%add3A_364, %dma_wait3A_367] : memref<10240x16xf32, #tpu.memory_space<vmem_shared>> -> memref<128x16xf32, #tpu.memory_space<vmem_shared>>
    tpu.wait_dma2 semaphore(%arg21 : memref<!tpu.dma_semaphore, #tpu.memory_space<semaphore_mem>>) src(%dma_wait3A_368 : memref<128x16xf32, #tpu.memory_space<vmem_shared>>) dst(%arg9 : memref<128x16xf32, #tpu.memory_space<vmem>>)
    %dma_start3A_369 = arith.constant 0 : i32
    %dma_start3A_370 = arith.constant 0 : i32
    %dma_start3A_371 = tpu.memref_slice %arg5[%arg0, %dma_start3A_369, %dma_start3A_370] : memref<2x10240x16xf32, #tpu.memory_space<hbm>> -> memref<1x10240x16xf32, #tpu.memory_space<hbm>>
    %dma_start3A_372 = tpu.memref_squeeze %dma_start3A_371 : memref<1x10240x16xf32, #tpu.memory_space<hbm>> -> memref<10240x16xf32, #tpu.memory_space<hbm>>
    %dma_start3A_373 = arith.constant 0 : i32
    %dma_start3A_374 = tpu.memref_slice %dma_start3A_372[%add3A_364, %dma_start3A_373] : memref<10240x16xf32, #tpu.memory_space<hbm>> -> memref<128x16xf32, #tpu.memory_space<hbm>>
    %dma_start3A_375 = arith.constant 0 : i32
    %dma_start3A_376 = arith.constant 0 : i32
    %dma_start3A_377 = tpu.memref_slice %arg5[%arg0, %dma_start3A_375, %dma_start3A_376] : memref<2x10240x16xf32, #tpu.memory_space<hbm>> -> memref<1x10240x16xf32, #tpu.memory_space<hbm>>
    %dma_start3A_378 = tpu.memref_squeeze %dma_start3A_377 : memref<1x10240x16xf32, #tpu.memory_space<hbm>> -> memref<10240x16xf32, #tpu.memory_space<hbm>>
    %dma_start3A_379 = arith.constant 0 : i32
    %dma_start3A_380 = tpu.memref_slice %dma_start3A_378[%add3A_364, %dma_start3A_379] : memref<10240x16xf32, #tpu.memory_space<hbm>> -> memref<128x16xf32, #tpu.memory_space<hbm>>
    tpu.enqueue_dma source(%arg9 : memref<128x16xf32, #tpu.memory_space<vmem>>) target(%dma_start3A_380 : memref<128x16xf32, #tpu.memory_space<hbm>>) target_semaphore(%arg21 : memref<!tpu.dma_semaphore, #tpu.memory_space<semaphore_mem>>)
    %mul3A_381 = arith.constant 640 : i32
    %mul3A_382 = arith.muli %arg1, %mul3A_381 : i32
    %add3A_383 = arith.constant 256 : i32
    %add3A_384 = arith.addi %mul3A_382, %add3A_383 : i32
    %dma_wait3A_385 = arith.constant 0 : i32
    %dma_wait3A_386 = tpu.memref_slice %arg14[%add3A_384, %dma_wait3A_385] : memref<10240x16xf32, #tpu.memory_space<vmem_shared>> -> memref<128x16xf32, #tpu.memory_space<vmem_shared>>
    %dma_wait3A_387 = arith.constant 0 : i32
    %dma_wait3A_388 = tpu.memref_slice %arg14[%add3A_384, %dma_wait3A_387] : memref<10240x16xf32, #tpu.memory_space<vmem_shared>> -> memref<128x16xf32, #tpu.memory_space<vmem_shared>>
    tpu.wait_dma2 semaphore(%arg22 : memref<!tpu.dma_semaphore, #tpu.memory_space<semaphore_mem>>) src(%dma_wait3A_388 : memref<128x16xf32, #tpu.memory_space<vmem_shared>>) dst(%arg10 : memref<128x16xf32, #tpu.memory_space<vmem>>)
    %dma_start3A_389 = arith.constant 0 : i32
    %dma_start3A_390 = arith.constant 0 : i32
    %dma_start3A_391 = tpu.memref_slice %arg5[%arg0, %dma_start3A_389, %dma_start3A_390] : memref<2x10240x16xf32, #tpu.memory_space<hbm>> -> memref<1x10240x16xf32, #tpu.memory_space<hbm>>
    %dma_start3A_392 = tpu.memref_squeeze %dma_start3A_391 : memref<1x10240x16xf32, #tpu.memory_space<hbm>> -> memref<10240x16xf32, #tpu.memory_space<hbm>>
    %dma_start3A_393 = arith.constant 0 : i32
    %dma_start3A_394 = tpu.memref_slice %dma_start3A_392[%add3A_384, %dma_start3A_393] : memref<10240x16xf32, #tpu.memory_space<hbm>> -> memref<128x16xf32, #tpu.memory_space<hbm>>
    %dma_start3A_395 = arith.constant 0 : i32
    %dma_start3A_396 = arith.constant 0 : i32
    %dma_start3A_397 = tpu.memref_slice %arg5[%arg0, %dma_start3A_395, %dma_start3A_396] : memref<2x10240x16xf32, #tpu.memory_space<hbm>> -> memref<1x10240x16xf32, #tpu.memory_space<hbm>>
    %dma_start3A_398 = tpu.memref_squeeze %dma_start3A_397 : memref<1x10240x16xf32, #tpu.memory_space<hbm>> -> memref<10240x16xf32, #tpu.memory_space<hbm>>
    %dma_start3A_399 = arith.constant 0 : i32
    %dma_start3A_400 = tpu.memref_slice %dma_start3A_398[%add3A_384, %dma_start3A_399] : memref<10240x16xf32, #tpu.memory_space<hbm>> -> memref<128x16xf32, #tpu.memory_space<hbm>>
    tpu.enqueue_dma source(%arg10 : memref<128x16xf32, #tpu.memory_space<vmem>>) target(%dma_start3A_400 : memref<128x16xf32, #tpu.memory_space<hbm>>) target_semaphore(%arg22 : memref<!tpu.dma_semaphore, #tpu.memory_space<semaphore_mem>>)
    %mul3A_401 = arith.constant 640 : i32
    %mul3A_402 = arith.muli %arg1, %mul3A_401 : i32
    %add3A_403 = arith.constant 384 : i32
    %add3A_404 = arith.addi %mul3A_402, %add3A_403 : i32
    %dma_wait3A_405 = arith.constant 0 : i32
    %dma_wait3A_406 = tpu.memref_slice %arg14[%add3A_404, %dma_wait3A_405] : memref<10240x16xf32, #tpu.memory_space<vmem_shared>> -> memref<128x16xf32, #tpu.memory_space<vmem_shared>>
    %dma_wait3A_407 = arith.constant 0 : i32
    %dma_wait3A_408 = tpu.memref_slice %arg14[%add3A_404, %dma_wait3A_407] : memref<10240x16xf32, #tpu.memory_space<vmem_shared>> -> memref<128x16xf32, #tpu.memory_space<vmem_shared>>
    tpu.wait_dma2 semaphore(%arg23 : memref<!tpu.dma_semaphore, #tpu.memory_space<semaphore_mem>>) src(%dma_wait3A_408 : memref<128x16xf32, #tpu.memory_space<vmem_shared>>) dst(%arg11 : memref<128x16xf32, #tpu.memory_space<vmem>>)
    %dma_start3A_409 = arith.constant 0 : i32
    %dma_start3A_410 = arith.constant 0 : i32
    %dma_start3A_411 = tpu.memref_slice %arg5[%arg0, %dma_start3A_409, %dma_start3A_410] : memref<2x10240x16xf32, #tpu.memory_space<hbm>> -> memref<1x10240x16xf32, #tpu.memory_space<hbm>>
    %dma_start3A_412 = tpu.memref_squeeze %dma_start3A_411 : memref<1x10240x16xf32, #tpu.memory_space<hbm>> -> memref<10240x16xf32, #tpu.memory_space<hbm>>
    %dma_start3A_413 = arith.constant 0 : i32
    %dma_start3A_414 = tpu.memref_slice %dma_start3A_412[%add3A_404, %dma_start3A_413] : memref<10240x16xf32, #tpu.memory_space<hbm>> -> memref<128x16xf32, #tpu.memory_space<hbm>>
    %dma_start3A_415 = arith.constant 0 : i32
    %dma_start3A_416 = arith.constant 0 : i32
    %dma_start3A_417 = tpu.memref_slice %arg5[%arg0, %dma_start3A_415, %dma_start3A_416] : memref<2x10240x16xf32, #tpu.memory_space<hbm>> -> memref<1x10240x16xf32, #tpu.memory_space<hbm>>
    %dma_start3A_418 = tpu.memref_squeeze %dma_start3A_417 : memref<1x10240x16xf32, #tpu.memory_space<hbm>> -> memref<10240x16xf32, #tpu.memory_space<hbm>>
    %dma_start3A_419 = arith.constant 0 : i32
    %dma_start3A_420 = tpu.memref_slice %dma_start3A_418[%add3A_404, %dma_start3A_419] : memref<10240x16xf32, #tpu.memory_space<hbm>> -> memref<128x16xf32, #tpu.memory_space<hbm>>
    tpu.enqueue_dma source(%arg11 : memref<128x16xf32, #tpu.memory_space<vmem>>) target(%dma_start3A_420 : memref<128x16xf32, #tpu.memory_space<hbm>>) target_semaphore(%arg23 : memref<!tpu.dma_semaphore, #tpu.memory_space<semaphore_mem>>)
    %mul3A_421 = arith.constant 640 : i32
    %mul3A_422 = arith.muli %arg1, %mul3A_421 : i32
    %add3A_423 = arith.constant 512 : i32
    %add3A_424 = arith.addi %mul3A_422, %add3A_423 : i32
    %dma_wait3A_425 = arith.constant 0 : i32
    %dma_wait3A_426 = tpu.memref_slice %arg14[%add3A_424, %dma_wait3A_425] : memref<10240x16xf32, #tpu.memory_space<vmem_shared>> -> memref<128x16xf32, #tpu.memory_space<vmem_shared>>
    %dma_wait3A_427 = arith.constant 0 : i32
    %dma_wait3A_428 = tpu.memref_slice %arg14[%add3A_424, %dma_wait3A_427] : memref<10240x16xf32, #tpu.memory_space<vmem_shared>> -> memref<128x16xf32, #tpu.memory_space<vmem_shared>>
    tpu.wait_dma2 semaphore(%arg16 : memref<!tpu.dma_semaphore, #tpu.memory_space<semaphore_mem>>) src(%dma_wait3A_428 : memref<128x16xf32, #tpu.memory_space<vmem_shared>>) dst(%arg12 : memref<128x16xf32, #tpu.memory_space<vmem>>)
    %dma_start3A_429 = arith.constant 0 : i32
    %dma_start3A_430 = arith.constant 0 : i32
    %dma_start3A_431 = tpu.memref_slice %arg5[%arg0, %dma_start3A_429, %dma_start3A_430] : memref<2x10240x16xf32, #tpu.memory_space<hbm>> -> memref<1x10240x16xf32, #tpu.memory_space<hbm>>
    %dma_start3A_432 = tpu.memref_squeeze %dma_start3A_431 : memref<1x10240x16xf32, #tpu.memory_space<hbm>> -> memref<10240x16xf32, #tpu.memory_space<hbm>>
    %dma_start3A_433 = arith.constant 0 : i32
    %dma_start3A_434 = tpu.memref_slice %dma_start3A_432[%add3A_424, %dma_start3A_433] : memref<10240x16xf32, #tpu.memory_space<hbm>> -> memref<128x16xf32, #tpu.memory_space<hbm>>
    %dma_start3A_435 = arith.constant 0 : i32
    %dma_start3A_436 = arith.constant 0 : i32
    %dma_start3A_437 = tpu.memref_slice %arg5[%arg0, %dma_start3A_435, %dma_start3A_436] : memref<2x10240x16xf32, #tpu.memory_space<hbm>> -> memref<1x10240x16xf32, #tpu.memory_space<hbm>>
    %dma_start3A_438 = tpu.memref_squeeze %dma_start3A_437 : memref<1x10240x16xf32, #tpu.memory_space<hbm>> -> memref<10240x16xf32, #tpu.memory_space<hbm>>
    %dma_start3A_439 = arith.constant 0 : i32
    %dma_start3A_440 = tpu.memref_slice %dma_start3A_438[%add3A_424, %dma_start3A_439] : memref<10240x16xf32, #tpu.memory_space<hbm>> -> memref<128x16xf32, #tpu.memory_space<hbm>>
    tpu.enqueue_dma source(%arg12 : memref<128x16xf32, #tpu.memory_space<vmem>>) target(%dma_start3A_440 : memref<128x16xf32, #tpu.memory_space<hbm>>) target_semaphore(%arg16 : memref<!tpu.dma_semaphore, #tpu.memory_space<semaphore_mem>>)
    %mul3A_441 = arith.constant 640 : i32
    %mul3A_442 = arith.muli %arg1, %mul3A_441 : i32
    %add3A_443 = arith.constant 0 : i32
    %add3A_444 = arith.addi %mul3A_442, %add3A_443 : i32
    %dma_wait3A_445 = arith.constant 0 : i32
    %dma_wait3A_446 = arith.constant 0 : i32
    %dma_wait3A_447 = tpu.memref_slice %arg5[%arg0, %dma_wait3A_445, %dma_wait3A_446] : memref<2x10240x16xf32, #tpu.memory_space<hbm>> -> memref<1x10240x16xf32, #tpu.memory_space<hbm>>
    %dma_wait3A_448 = tpu.memref_squeeze %dma_wait3A_447 : memref<1x10240x16xf32, #tpu.memory_space<hbm>> -> memref<10240x16xf32, #tpu.memory_space<hbm>>
    %dma_wait3A_449 = arith.constant 0 : i32
    %dma_wait3A_450 = tpu.memref_slice %dma_wait3A_448[%add3A_444, %dma_wait3A_449] : memref<10240x16xf32, #tpu.memory_space<hbm>> -> memref<128x16xf32, #tpu.memory_space<hbm>>
    %dma_wait3A_451 = arith.constant 0 : i32
    %dma_wait3A_452 = arith.constant 0 : i32
    %dma_wait3A_453 = tpu.memref_slice %arg5[%arg0, %dma_wait3A_451, %dma_wait3A_452] : memref<2x10240x16xf32, #tpu.memory_space<hbm>> -> memref<1x10240x16xf32, #tpu.memory_space<hbm>>
    %dma_wait3A_454 = tpu.memref_squeeze %dma_wait3A_453 : memref<1x10240x16xf32, #tpu.memory_space<hbm>> -> memref<10240x16xf32, #tpu.memory_space<hbm>>
    %dma_wait3A_455 = arith.constant 0 : i32
    %dma_wait3A_456 = tpu.memref_slice %dma_wait3A_454[%add3A_444, %dma_wait3A_455] : memref<10240x16xf32, #tpu.memory_space<hbm>> -> memref<128x16xf32, #tpu.memory_space<hbm>>
    tpu.wait_dma2 semaphore(%arg20 : memref<!tpu.dma_semaphore, #tpu.memory_space<semaphore_mem>>) src(%arg8 : memref<128x16xf32, #tpu.memory_space<vmem>>) dst(%dma_wait3A_456 : memref<128x16xf32, #tpu.memory_space<hbm>>)
    %mul3A_457 = arith.constant 640 : i32
    %mul3A_458 = arith.muli %arg1, %mul3A_457 : i32
    %add3A_459 = arith.constant 128 : i32
    %add3A_460 = arith.addi %mul3A_458, %add3A_459 : i32
    %dma_wait3A_461 = arith.constant 0 : i32
    %dma_wait3A_462 = arith.constant 0 : i32
    %dma_wait3A_463 = tpu.memref_slice %arg5[%arg0, %dma_wait3A_461, %dma_wait3A_462] : memref<2x10240x16xf32, #tpu.memory_space<hbm>> -> memref<1x10240x16xf32, #tpu.memory_space<hbm>>
    %dma_wait3A_464 = tpu.memref_squeeze %dma_wait3A_463 : memref<1x10240x16xf32, #tpu.memory_space<hbm>> -> memref<10240x16xf32, #tpu.memory_space<hbm>>
    %dma_wait3A_465 = arith.constant 0 : i32
    %dma_wait3A_466 = tpu.memref_slice %dma_wait3A_464[%add3A_460, %dma_wait3A_465] : memref<10240x16xf32, #tpu.memory_space<hbm>> -> memref<128x16xf32, #tpu.memory_space<hbm>>
    %dma_wait3A_467 = arith.constant 0 : i32
    %dma_wait3A_468 = arith.constant 0 : i32
    %dma_wait3A_469 = tpu.memref_slice %arg5[%arg0, %dma_wait3A_467, %dma_wait3A_468] : memref<2x10240x16xf32, #tpu.memory_space<hbm>> -> memref<1x10240x16xf32, #tpu.memory_space<hbm>>
    %dma_wait3A_470 = tpu.memref_squeeze %dma_wait3A_469 : memref<1x10240x16xf32, #tpu.memory_space<hbm>> -> memref<10240x16xf32, #tpu.memory_space<hbm>>
    %dma_wait3A_471 = arith.constant 0 : i32
    %dma_wait3A_472 = tpu.memref_slice %dma_wait3A_470[%add3A_460, %dma_wait3A_471] : memref<10240x16xf32, #tpu.memory_space<hbm>> -> memref<128x16xf32, #tpu.memory_space<hbm>>
    tpu.wait_dma2 semaphore(%arg21 : memref<!tpu.dma_semaphore, #tpu.memory_space<semaphore_mem>>) src(%arg9 : memref<128x16xf32, #tpu.memory_space<vmem>>) dst(%dma_wait3A_472 : memref<128x16xf32, #tpu.memory_space<hbm>>)
    %mul3A_473 = arith.constant 640 : i32
    %mul3A_474 = arith.muli %arg1, %mul3A_473 : i32
    %add3A_475 = arith.constant 256 : i32
    %add3A_476 = arith.addi %mul3A_474, %add3A_475 : i32
    %dma_wait3A_477 = arith.constant 0 : i32
    %dma_wait3A_478 = arith.constant 0 : i32
    %dma_wait3A_479 = tpu.memref_slice %arg5[%arg0, %dma_wait3A_477, %dma_wait3A_478] : memref<2x10240x16xf32, #tpu.memory_space<hbm>> -> memref<1x10240x16xf32, #tpu.memory_space<hbm>>
    %dma_wait3A_480 = tpu.memref_squeeze %dma_wait3A_479 : memref<1x10240x16xf32, #tpu.memory_space<hbm>> -> memref<10240x16xf32, #tpu.memory_space<hbm>>
    %dma_wait3A_481 = arith.constant 0 : i32
    %dma_wait3A_482 = tpu.memref_slice %dma_wait3A_480[%add3A_476, %dma_wait3A_481] : memref<10240x16xf32, #tpu.memory_space<hbm>> -> memref<128x16xf32, #tpu.memory_space<hbm>>
    %dma_wait3A_483 = arith.constant 0 : i32
    %dma_wait3A_484 = arith.constant 0 : i32
    %dma_wait3A_485 = tpu.memref_slice %arg5[%arg0, %dma_wait3A_483, %dma_wait3A_484] : memref<2x10240x16xf32, #tpu.memory_space<hbm>> -> memref<1x10240x16xf32, #tpu.memory_space<hbm>>
    %dma_wait3A_486 = tpu.memref_squeeze %dma_wait3A_485 : memref<1x10240x16xf32, #tpu.memory_space<hbm>> -> memref<10240x16xf32, #tpu.memory_space<hbm>>
    %dma_wait3A_487 = arith.constant 0 : i32
    %dma_wait3A_488 = tpu.memref_slice %dma_wait3A_486[%add3A_476, %dma_wait3A_487] : memref<10240x16xf32, #tpu.memory_space<hbm>> -> memref<128x16xf32, #tpu.memory_space<hbm>>
    tpu.wait_dma2 semaphore(%arg22 : memref<!tpu.dma_semaphore, #tpu.memory_space<semaphore_mem>>) src(%arg10 : memref<128x16xf32, #tpu.memory_space<vmem>>) dst(%dma_wait3A_488 : memref<128x16xf32, #tpu.memory_space<hbm>>)
    %mul3A_489 = arith.constant 640 : i32
    %mul3A_490 = arith.muli %arg1, %mul3A_489 : i32
    %add3A_491 = arith.constant 384 : i32
    %add3A_492 = arith.addi %mul3A_490, %add3A_491 : i32
    %dma_wait3A_493 = arith.constant 0 : i32
    %dma_wait3A_494 = arith.constant 0 : i32
    %dma_wait3A_495 = tpu.memref_slice %arg5[%arg0, %dma_wait3A_493, %dma_wait3A_494] : memref<2x10240x16xf32, #tpu.memory_space<hbm>> -> memref<1x10240x16xf32, #tpu.memory_space<hbm>>
    %dma_wait3A_496 = tpu.memref_squeeze %dma_wait3A_495 : memref<1x10240x16xf32, #tpu.memory_space<hbm>> -> memref<10240x16xf32, #tpu.memory_space<hbm>>
    %dma_wait3A_497 = arith.constant 0 : i32
    %dma_wait3A_498 = tpu.memref_slice %dma_wait3A_496[%add3A_492, %dma_wait3A_497] : memref<10240x16xf32, #tpu.memory_space<hbm>> -> memref<128x16xf32, #tpu.memory_space<hbm>>
    %dma_wait3A_499 = arith.constant 0 : i32
    %dma_wait3A_500 = arith.constant 0 : i32
    %dma_wait3A_501 = tpu.memref_slice %arg5[%arg0, %dma_wait3A_499, %dma_wait3A_500] : memref<2x10240x16xf32, #tpu.memory_space<hbm>> -> memref<1x10240x16xf32, #tpu.memory_space<hbm>>
    %dma_wait3A_502 = tpu.memref_squeeze %dma_wait3A_501 : memref<1x10240x16xf32, #tpu.memory_space<hbm>> -> memref<10240x16xf32, #tpu.memory_space<hbm>>
    %dma_wait3A_503 = arith.constant 0 : i32
    %dma_wait3A_504 = tpu.memref_slice %dma_wait3A_502[%add3A_492, %dma_wait3A_503] : memref<10240x16xf32, #tpu.memory_space<hbm>> -> memref<128x16xf32, #tpu.memory_space<hbm>>
    tpu.wait_dma2 semaphore(%arg23 : memref<!tpu.dma_semaphore, #tpu.memory_space<semaphore_mem>>) src(%arg11 : memref<128x16xf32, #tpu.memory_space<vmem>>) dst(%dma_wait3A_504 : memref<128x16xf32, #tpu.memory_space<hbm>>)
    %mul3A_505 = arith.constant 640 : i32
    %mul3A_506 = arith.muli %arg1, %mul3A_505 : i32
    %add3A_507 = arith.constant 512 : i32
    %add3A_508 = arith.addi %mul3A_506, %add3A_507 : i32
    %dma_wait3A_509 = arith.constant 0 : i32
    %dma_wait3A_510 = arith.constant 0 : i32
    %dma_wait3A_511 = tpu.memref_slice %arg5[%arg0, %dma_wait3A_509, %dma_wait3A_510] : memref<2x10240x16xf32, #tpu.memory_space<hbm>> -> memref<1x10240x16xf32, #tpu.memory_space<hbm>>
    %dma_wait3A_512 = tpu.memref_squeeze %dma_wait3A_511 : memref<1x10240x16xf32, #tpu.memory_space<hbm>> -> memref<10240x16xf32, #tpu.memory_space<hbm>>
    %dma_wait3A_513 = arith.constant 0 : i32
    %dma_wait3A_514 = tpu.memref_slice %dma_wait3A_512[%add3A_508, %dma_wait3A_513] : memref<10240x16xf32, #tpu.memory_space<hbm>> -> memref<128x16xf32, #tpu.memory_space<hbm>>
    %dma_wait3A_515 = arith.constant 0 : i32
    %dma_wait3A_516 = arith.constant 0 : i32
    %dma_wait3A_517 = tpu.memref_slice %arg5[%arg0, %dma_wait3A_515, %dma_wait3A_516] : memref<2x10240x16xf32, #tpu.memory_space<hbm>> -> memref<1x10240x16xf32, #tpu.memory_space<hbm>>
    %dma_wait3A_518 = tpu.memref_squeeze %dma_wait3A_517 : memref<1x10240x16xf32, #tpu.memory_space<hbm>> -> memref<10240x16xf32, #tpu.memory_space<hbm>>
    %dma_wait3A_519 = arith.constant 0 : i32
    %dma_wait3A_520 = tpu.memref_slice %dma_wait3A_518[%add3A_508, %dma_wait3A_519] : memref<10240x16xf32, #tpu.memory_space<hbm>> -> memref<128x16xf32, #tpu.memory_space<hbm>>
    tpu.wait_dma2 semaphore(%arg16 : memref<!tpu.dma_semaphore, #tpu.memory_space<semaphore_mem>>) src(%arg12 : memref<128x16xf32, #tpu.memory_space<vmem>>) dst(%dma_wait3A_520 : memref<128x16xf32, #tpu.memory_space<hbm>>)
    return
  }
}

module attributes {stable_mosaic.version = 14 : i64} {
  func.func @_stage_a0_body(%arg0: memref<10000x128xf32, #tpu.memory_space<vmem>>, %arg1: memref<128x32xf32, #tpu.memory_space<vmem>>, %arg2: memref<10240x32xf32, #tpu.memory_space<vmem>>) attributes {dimension_semantics = [], scalar_prefetch = 0 : i64, scratch_operands = 0 : i64, tpu.core_type = #tpu.core_type<tc>} {
    %get3A = arith.constant 0 : index
    %get3A_0 = arith.constant 0 : index
    %get3A_1 = vector.load %arg0[%get3A, %get3A_0] : memref<10000x128xf32, #tpu.memory_space<vmem>>, vector<10000x128xf32>
    %get3A_2 = arith.constant 0 : index
    %get3A_3 = arith.constant 0 : index
    %get3A_4 = vector.load %arg1[%get3A_2, %get3A_3] : memref<128x32xf32, #tpu.memory_space<vmem>>, vector<128x32xf32>
    %dot_general3A = arith.constant dense<0.000000e+00> : vector<10000x32xf32>
    %dot_general3A_5 = tpu.matmul %get3A_1, %get3A_4, %dot_general3A {dimension_numbers = #tpu.dot_dimension_numbers<[1], [0], [0], [1], [0, 0, 1, 1], [], []>, transpose_lhs_hint = false} : vector<10000x128xf32>, vector<128x32xf32>, vector<10000x32xf32> -> vector<10000x32xf32>
    %broadcast_in_dim3A = arith.constant 0.000000e+00 : f32
    %broadcast_in_dim3A_6 = vector.broadcast %broadcast_in_dim3A : f32 to vector<240x32xf32>
    %concatenate3A = tpu.concatenate %dot_general3A_5, %broadcast_in_dim3A_6 in 0 : vector<10000x32xf32>, vector<240x32xf32> -> vector<10240x32xf32>
    %swap3A = arith.constant 0 : index
    %swap3A_7 = arith.constant 0 : index
    %swap3A_8 = vector.load %arg2[%swap3A, %swap3A_7] : memref<10240x32xf32, #tpu.memory_space<vmem>>, vector<10240x32xf32>
    tpu.vector_store %arg2[%swap3A, %swap3A_7], %concatenate3A {strides = array<i32>} : memref<10240x32xf32, #tpu.memory_space<vmem>>, vector<10240x32xf32>,
    return
  }
}

module attributes {stable_mosaic.version = 14 : i64} {
  func.func @_stage_a1_body(%arg0: memref<10240x32xf32, #tpu.memory_space<vmem>>, %arg1: memref<2x10240x8xf32, #tpu.memory_space<vmem>>, %arg2: memref<10240x128xf32, #tpu.memory_space<vmem>>, %arg3: memref<10240x8xf32, #tpu.memory_space<vmem>>) attributes {dimension_semantics = [], scalar_prefetch = 0 : i64, scratch_operands = 0 : i64, tpu.core_type = #tpu.core_type<tc>} {
    %get3A = arith.constant 0 : index
    %get3A_0 = arith.constant 0 : index
    %get3A_1 = arith.constant 0 : index
    %get3A_2 = vector.load %arg1[%get3A, %get3A_0, %get3A_1] : memref<2x10240x8xf32, #tpu.memory_space<vmem>>, vector<1x10240x1xf32>
    %get3A_3 = vector.shape_cast %get3A_2 : vector<1x10240x1xf32> to vector<10240x1xf32>
    %add3A = arith.constant 1.000000e+00 : f32
    %add3A_4 = vector.broadcast %add3A : f32 to vector<10240x1xf32>
    %add3A_5 = arith.addf %add3A_4, %get3A_3 : vector<10240x1xf32>
    %get3A_6 = arith.constant 1 : index
    %get3A_7 = arith.constant 0 : index
    %get3A_8 = arith.constant 0 : index
    %get3A_9 = vector.load %arg1[%get3A_6, %get3A_7, %get3A_8] : memref<2x10240x8xf32, #tpu.memory_space<vmem>>, vector<1x10240x1xf32>
    %get3A_10 = vector.shape_cast %get3A_9 : vector<1x10240x1xf32> to vector<10240x1xf32>
    %add3A_11 = arith.addf %add3A_5, %get3A_10 : vector<10240x1xf32>
    %rsqrt3A = math.rsqrt %add3A_11 : vector<10240x1xf32>
    %get3A_12 = arith.constant 0 : index
    %get3A_13 = arith.constant 0 : index
    %get3A_14 = vector.load %arg0[%get3A_12, %get3A_13] : memref<10240x32xf32, #tpu.memory_space<vmem>>, vector<10240x32xf32>
    %mul3A = vector.broadcast %rsqrt3A : vector<10240x1xf32> to vector<10240x32xf32>
    %mul3A_15 = arith.mulf %get3A_14, %mul3A : vector<10240x32xf32>
    %broadcast_in_dim3A = arith.constant 0.000000e+00 : f32
    %broadcast_in_dim3A_16 = vector.broadcast %broadcast_in_dim3A : f32 to vector<10240x96xf32>
    %concatenate3A = tpu.concatenate %mul3A_15, %broadcast_in_dim3A_16 in 1 : vector<10240x32xf32>, vector<10240x96xf32> -> vector<10240x128xf32>
    %swap3A = arith.constant 0 : index
    %swap3A_17 = arith.constant 0 : index
    %swap3A_18 = vector.load %arg2[%swap3A, %swap3A_17] : memref<10240x128xf32, #tpu.memory_space<vmem>>, vector<10240x128xf32>
    tpu.vector_store %arg2[%swap3A, %swap3A_17], %concatenate3A {strides = array<i32>} : memref<10240x128xf32, #tpu.memory_space<vmem>>, vector<10240x128xf32>,
    %broadcast_in_dim3A_19 = vector.shape_cast %rsqrt3A : vector<10240x1xf32> to vector<10240x1xf32>
    %broadcast_in_dim3A_20 = vector.broadcast %broadcast_in_dim3A_19 : vector<10240x1xf32> to vector<10240x8xf32>
    %swap3A_21 = arith.constant 0 : index
    %swap3A_22 = arith.constant 0 : index
    %swap3A_23 = vector.load %arg3[%swap3A_21, %swap3A_22] : memref<10240x8xf32, #tpu.memory_space<vmem>>, vector<10240x8xf32>
    tpu.vector_store %arg3[%swap3A_21, %swap3A_22], %broadcast_in_dim3A_20 {strides = array<i32>} : memref<10240x8xf32, #tpu.memory_space<vmem>>, vector<10240x8xf32>,
    return
  }
}

module attributes {stable_mosaic.version = 14 : i64} {
  func.func @_stage_bc_body(%arg0: memref<2x10240x32xf32, #tpu.memory_space<vmem>>, %arg1: memref<10240x128xf32, #tpu.memory_space<vmem>>, %arg2: memref<10240x8xf32, #tpu.memory_space<vmem>>, %arg3: memref<1x32xf32, #tpu.memory_space<vmem>>, %arg4: memref<32x16xf32, #tpu.memory_space<vmem>>, %arg5: memref<10240x128xf32, #tpu.memory_space<vmem>>) attributes {dimension_semantics = [], scalar_prefetch = 0 : i64, scratch_operands = 0 : i64, tpu.core_type = #tpu.core_type<tc>} {
    %get3A = arith.constant 0 : index
    %get3A_0 = arith.constant 0 : index
    %get3A_1 = vector.load %arg2[%get3A, %get3A_0] : memref<10240x8xf32, #tpu.memory_space<vmem>>, vector<10240x1xf32>
    %get3A_2 = arith.constant 0 : index
    %get3A_3 = arith.constant 0 : index
    %get3A_4 = arith.constant 0 : index
    %get3A_5 = vector.load %arg0[%get3A_2, %get3A_3, %get3A_4] : memref<2x10240x32xf32, #tpu.memory_space<vmem>>, vector<1x10240x32xf32>
    %get3A_6 = vector.shape_cast %get3A_5 : vector<1x10240x32xf32> to vector<10240x32xf32>
    %get3A_7 = arith.constant 1 : index
    %get3A_8 = arith.constant 0 : index
    %get3A_9 = arith.constant 0 : index
    %get3A_10 = vector.load %arg0[%get3A_7, %get3A_8, %get3A_9] : memref<2x10240x32xf32, #tpu.memory_space<vmem>>, vector<1x10240x32xf32>
    %get3A_11 = vector.shape_cast %get3A_10 : vector<1x10240x32xf32> to vector<10240x32xf32>
    %add3A = arith.addf %get3A_6, %get3A_11 : vector<10240x32xf32>
    %get3A_12 = arith.constant 0 : index
    %get3A_13 = arith.constant 0 : index
    %get3A_14 = vector.load %arg1[%get3A_12, %get3A_13] : memref<10240x128xf32, #tpu.memory_space<vmem>>, vector<10240x32xf32>
    %add3A_15 = arith.addf %add3A, %get3A_14 : vector<10240x32xf32>
    %mul3A = vector.broadcast %get3A_1 : vector<10240x1xf32> to vector<10240x32xf32>
    %mul3A_16 = arith.mulf %mul3A, %add3A_15 : vector<10240x32xf32>
    %get3A_17 = arith.constant 0 : index
    %get3A_18 = arith.constant 0 : index
    %get3A_19 = vector.load %arg3[%get3A_17, %get3A_18] : memref<1x32xf32, #tpu.memory_space<vmem>>, vector<1x32xf32>
    %add3A_20 = vector.broadcast %get3A_19 : vector<1x32xf32> to vector<10240x32xf32>
    %add3A_21 = arith.addf %mul3A_16, %add3A_20 : vector<10240x32xf32>
    %max3A = arith.constant 0.000000e+00 : f32
    %max3A_22 = vector.broadcast %max3A : f32 to vector<10240x32xf32>
    %max3A_23 = arith.maximumf %add3A_21, %max3A_22 : vector<10240x32xf32>
    %get3A_24 = arith.constant 0 : index
    %get3A_25 = arith.constant 0 : index
    %get3A_26 = vector.load %arg4[%get3A_24, %get3A_25] : memref<32x16xf32, #tpu.memory_space<vmem>>, vector<32x16xf32>
    %dot_general3A = arith.constant dense<0.000000e+00> : vector<10240x16xf32>
    %dot_general3A_27 = tpu.matmul %max3A_23, %get3A_26, %dot_general3A {dimension_numbers = #tpu.dot_dimension_numbers<[1], [0], [0], [1], [0, 0, 1, 1], [], []>, transpose_lhs_hint = false} : vector<10240x32xf32>, vector<32x16xf32>, vector<10240x16xf32> -> vector<10240x16xf32>
    %mul3A_28 = vector.broadcast %get3A_1 : vector<10240x1xf32> to vector<10240x16xf32>
    %mul3A_29 = arith.mulf %dot_general3A_27, %mul3A_28 : vector<10240x16xf32>
    %broadcast_in_dim3A = arith.constant 0.000000e+00 : f32
    %broadcast_in_dim3A_30 = vector.broadcast %broadcast_in_dim3A : f32 to vector<10240x112xf32>
    %concatenate3A = tpu.concatenate %mul3A_29, %broadcast_in_dim3A_30 in 1 : vector<10240x16xf32>, vector<10240x112xf32> -> vector<10240x128xf32>
    %swap3A = arith.constant 0 : index
    %swap3A_31 = arith.constant 0 : index
    %swap3A_32 = vector.load %arg5[%swap3A, %swap3A_31] : memref<10240x128xf32, #tpu.memory_space<vmem>>, vector<10240x128xf32>
    tpu.vector_store %arg5[%swap3A, %swap3A_31], %concatenate3A {strides = array<i32>} : memref<10240x128xf32, #tpu.memory_space<vmem>>, vector<10240x128xf32>,
    return
  }
}

module attributes {stable_mosaic.version = 14 : i64} {
  func.func @_stage_bc_body(%arg0: memref<2x10240x16xf32, #tpu.memory_space<vmem>>, %arg1: memref<10240x128xf32, #tpu.memory_space<vmem>>, %arg2: memref<10240x8xf32, #tpu.memory_space<vmem>>, %arg3: memref<1x16xf32, #tpu.memory_space<vmem>>, %arg4: memref<16x16xf32, #tpu.memory_space<vmem>>, %arg5: memref<10240x128xf32, #tpu.memory_space<vmem>>) attributes {dimension_semantics = [], scalar_prefetch = 0 : i64, scratch_operands = 0 : i64, tpu.core_type = #tpu.core_type<tc>} {
    %get3A = arith.constant 0 : index
    %get3A_0 = arith.constant 0 : index
    %get3A_1 = vector.load %arg2[%get3A, %get3A_0] : memref<10240x8xf32, #tpu.memory_space<vmem>>, vector<10240x1xf32>
    %get3A_2 = arith.constant 0 : index
    %get3A_3 = arith.constant 0 : index
    %get3A_4 = arith.constant 0 : index
    %get3A_5 = vector.load %arg0[%get3A_2, %get3A_3, %get3A_4] : memref<2x10240x16xf32, #tpu.memory_space<vmem>>, vector<1x10240x16xf32>
    %get3A_6 = vector.shape_cast %get3A_5 : vector<1x10240x16xf32> to vector<10240x16xf32>
    %get3A_7 = arith.constant 1 : index
    %get3A_8 = arith.constant 0 : index
    %get3A_9 = arith.constant 0 : index
    %get3A_10 = vector.load %arg0[%get3A_7, %get3A_8, %get3A_9] : memref<2x10240x16xf32, #tpu.memory_space<vmem>>, vector<1x10240x16xf32>
    %get3A_11 = vector.shape_cast %get3A_10 : vector<1x10240x16xf32> to vector<10240x16xf32>
    %add3A = arith.addf %get3A_6, %get3A_11 : vector<10240x16xf32>
    %get3A_12 = arith.constant 0 : index
    %get3A_13 = arith.constant 0 : index
    %get3A_14 = vector.load %arg1[%get3A_12, %get3A_13] : memref<10240x128xf32, #tpu.memory_space<vmem>>, vector<10240x16xf32>
    %add3A_15 = arith.addf %add3A, %get3A_14 : vector<10240x16xf32>
    %mul3A = vector.broadcast %get3A_1 : vector<10240x1xf32> to vector<10240x16xf32>
    %mul3A_16 = arith.mulf %mul3A, %add3A_15 : vector<10240x16xf32>
    %get3A_17 = arith.constant 0 : index
    %get3A_18 = arith.constant 0 : index
    %get3A_19 = vector.load %arg3[%get3A_17, %get3A_18] : memref<1x16xf32, #tpu.memory_space<vmem>>, vector<1x16xf32>
    %add3A_20 = vector.broadcast %get3A_19 : vector<1x16xf32> to vector<10240x16xf32>
    %add3A_21 = arith.addf %mul3A_16, %add3A_20 : vector<10240x16xf32>
    %max3A = arith.constant 0.000000e+00 : f32
    %max3A_22 = vector.broadcast %max3A : f32 to vector<10240x16xf32>
    %max3A_23 = arith.maximumf %add3A_21, %max3A_22 : vector<10240x16xf32>
    %get3A_24 = arith.constant 0 : index
    %get3A_25 = arith.constant 0 : index
    %get3A_26 = vector.load %arg4[%get3A_24, %get3A_25] : memref<16x16xf32, #tpu.memory_space<vmem>>, vector<16x16xf32>
    %dot_general3A = arith.constant dense<0.000000e+00> : vector<10240x16xf32>
    %dot_general3A_27 = tpu.matmul %max3A_23, %get3A_26, %dot_general3A {dimension_numbers = #tpu.dot_dimension_numbers<[1], [0], [0], [1], [0, 0, 1, 1], [], []>, transpose_lhs_hint = false} : vector<10240x16xf32>, vector<16x16xf32>, vector<10240x16xf32> -> vector<10240x16xf32>
    %mul3A_28 = vector.broadcast %get3A_1 : vector<10240x1xf32> to vector<10240x16xf32>
    %mul3A_29 = arith.mulf %dot_general3A_27, %mul3A_28 : vector<10240x16xf32>
    %broadcast_in_dim3A = arith.constant 0.000000e+00 : f32
    %broadcast_in_dim3A_30 = vector.broadcast %broadcast_in_dim3A : f32 to vector<10240x112xf32>
    %concatenate3A = tpu.concatenate %mul3A_29, %broadcast_in_dim3A_30 in 1 : vector<10240x16xf32>, vector<10240x112xf32> -> vector<10240x128xf32>
    %swap3A = arith.constant 0 : index
    %swap3A_31 = arith.constant 0 : index
    %swap3A_32 = vector.load %arg5[%swap3A, %swap3A_31] : memref<10240x128xf32, #tpu.memory_space<vmem>>, vector<10240x128xf32>
    tpu.vector_store %arg5[%swap3A, %swap3A_31], %concatenate3A {strides = array<i32>} : memref<10240x128xf32, #tpu.memory_space<vmem>>, vector<10240x128xf32>,
    return
  }
}

module attributes {stable_mosaic.version = 14 : i64} {
  func.func @_stage_d_body(%arg0: memref<2x10240x16xf32, #tpu.memory_space<vmem>>, %arg1: memref<10240x128xf32, #tpu.memory_space<vmem>>, %arg2: memref<10240x8xf32, #tpu.memory_space<vmem>>, %arg3: memref<1x16xf32, #tpu.memory_space<vmem>>, %arg4: memref<10000x8xf32, #tpu.memory_space<vmem>>) attributes {dimension_semantics = [], scalar_prefetch = 0 : i64, scratch_operands = 0 : i64, tpu.core_type = #tpu.core_type<tc>} {
    %get3A = arith.constant 0 : index
    %get3A_0 = arith.constant 0 : index
    %get3A_1 = vector.load %arg2[%get3A, %get3A_0] : memref<10240x8xf32, #tpu.memory_space<vmem>>, vector<10240x1xf32>
    %get3A_2 = arith.constant 0 : index
    %get3A_3 = arith.constant 0 : index
    %get3A_4 = arith.constant 0 : index
    %get3A_5 = vector.load %arg0[%get3A_2, %get3A_3, %get3A_4] : memref<2x10240x16xf32, #tpu.memory_space<vmem>>, vector<1x10240x16xf32>
    %get3A_6 = vector.shape_cast %get3A_5 : vector<1x10240x16xf32> to vector<10240x16xf32>
    %get3A_7 = arith.constant 1 : index
    %get3A_8 = arith.constant 0 : index
    %get3A_9 = arith.constant 0 : index
    %get3A_10 = vector.load %arg0[%get3A_7, %get3A_8, %get3A_9] : memref<2x10240x16xf32, #tpu.memory_space<vmem>>, vector<1x10240x16xf32>
    %get3A_11 = vector.shape_cast %get3A_10 : vector<1x10240x16xf32> to vector<10240x16xf32>
    %add3A = arith.addf %get3A_6, %get3A_11 : vector<10240x16xf32>
    %get3A_12 = arith.constant 0 : index
    %get3A_13 = arith.constant 0 : index
    %get3A_14 = vector.load %arg1[%get3A_12, %get3A_13] : memref<10240x128xf32, #tpu.memory_space<vmem>>, vector<10240x16xf32>
    %add3A_15 = arith.addf %add3A, %get3A_14 : vector<10240x16xf32>
    %mul3A = vector.broadcast %get3A_1 : vector<10240x1xf32> to vector<10240x16xf32>
    %mul3A_16 = arith.mulf %mul3A, %add3A_15 : vector<10240x16xf32>
    %get3A_17 = arith.constant 0 : index
    %get3A_18 = arith.constant 0 : index
    %get3A_19 = vector.load %arg3[%get3A_17, %get3A_18] : memref<1x16xf32, #tpu.memory_space<vmem>>, vector<1x16xf32>
    %add3A_20 = vector.broadcast %get3A_19 : vector<1x16xf32> to vector<10240x16xf32>
    %add3A_21 = arith.addf %mul3A_16, %add3A_20 : vector<10240x16xf32>
    %slice3A = vector.extract_strided_slice %add3A_21 {offsets = [0, 0], sizes = [10000, 8], strides = [1, 1]} : vector<10240x16xf32> to vector<10000x8xf32>
    %swap3A = arith.constant 0 : index
    %swap3A_22 = arith.constant 0 : index
    %swap3A_23 = vector.load %arg4[%swap3A, %swap3A_22] : memref<10000x8xf32, #tpu.memory_space<vmem>>, vector<10000x8xf32>
    tpu.vector_store %arg4[%swap3A, %swap3A_22], %slice3A {strides = array<i32>} : memref<10000x8xf32, #tpu.memory_space<vmem>>, vector<10000x8xf32>,
    return
  }
}

</mosaic_0001>

<sc_bundles>
// kernel: kernel.11.cloned.1.call-start
scs
__scs_entry_jumppad:
0x0: {  	(pc) =	sbr.rel $0x88, $3  }
0x1: {  	(tag) =	ssettag $0x0;
	lr =	simm.s32 $0x1  }
0x2: {  	[smem:$0x3F99] =	sst lr;
	_ =	strace $0xD0000000  }
0x3: {  	_ = 	snop  }
0x4: {  	_ = 	snop  }
0x5: {  	_ = 	snop  }
0x6: {  	_ = 	snop  }
0x7: {  	_ = 	snop  }
__scs_overlays_trampoline_lowered:
0x8: {  	[smem:$0x3FA8] =	sst s0  }
0x9: {  	[smem:$0x3FA9] =	sst s1  }
0xa: {  	[smem:$0x3FAA] =	sst s2  }
0xb: {  	[smem:$0x3FAB] =	sst s3  }
0xc: {  	[smem:$0x3FAC] =	sst s4  }
0xd: {  	[smem:$0x3FAD] =	sst s5  }
0xe: {  	[smem:$0x3FAE] =	sst s6  }
0xf: {  	[smem:$0x3FAF] =	sst s7  }
0x10: {  	[smem:$0x3FB0] =	sst s8  }
0x11: {  	[smem:$0x3FB1] =	sst s9;
	s0 =	simm.s32 @!p0 $0x0  }
0x12: {  	s1 =	sld [smem:$0x3F97];
	s0 =	simm.s32 @p0 $0x1  }
0x13: {  	[smem:$0x3FB2] =	sst s0;
	s0 =	simm.s32 @!p1 $0x0  }
0x14: {  	s2 =	sld [smem:$0x3F96];
	s0 =	simm.s32 @p1 $0x1  }
0x15: {  	[smem:$0x3FB3] =	sst s0;
	s0 =	simm.s32 @!p2 $0x0  }
0x16: {  	s3 =	sld [smem:$0x3FDB];
	s0 =	simm.s32 @p2 $0x1  }
0x17: {  	s4 =	simm.s32 $0x1BF5;
	[smem:$0x3FB5] =	sst s0  }
0x18: {  	s0 =	sld [smem:$0x3F98];
	_ =	swait.ge [sflag:s4], $0x0  }
0x19: {  	s7 =	sld [smem:$0x3F99]  }
0x1a: {  	s8 =	sadd.s32 $0xFFFFE003, lr  }
0x1b: {  	s9 =	sadd.s32 $0xFFFFFEF7, lr;
	s5 =	simm.s32 $0xFFFFFFFF;
	p2 =	slt.u32 s8, $0xFFFFF086  }
0x1c: {  	p1 =	slt.u32 s9, $0xF7A;
	s5 =	simm.s32 @!p2 $0x0  }
0x1d: {  	s5 =	simm.s32 @p1 $0x1;
	p0 =	seq.s32 s7, s2  }
0x1e: {  	s7 =	smul.u32 @!p0 $0xF7A, s2;
	p2 =	seq.s32 @!p0 s5, $0x0  }
0x1f: {  	s9 =	smul.u32 $0xF7A, s1;
	s8 =	simm.s32 @!p0 $0x1BF5;
	p2 =	por !p2, p0  }
0x20: {  	[sflag:s8] =	ssyncset.s32 @!p0 $0xFFFFF086;
	s6 =	sadd.s32 @!p0 s3, s7;
	s7 =	simm.s32 @!p0 $0x108  }
0x21: {  	s3 =	sadd.s32 s3, s9;
	s6 =	sadd.s32 @!p0 $0x88, s6;
	s7 =	simm.s32 @p2 $0x1082  }
0x22: {  	[simem:s7], [sflag:s8] =	dma.local @!p0 [hbm:s6], $0xF7A  }
0x23: {  	s9 =	sor.u32 $0xD0000000, s2;
	s6 =	simm.s32 $0x108;
	_ =	swait.ge @!p0 [sflag:s8], $0x0  }
0x24: {  	s3 =	sadd.s32 $0x88, s3;
	s6 =	simm.s32 @!p1 $0x1082;
	[sflag:s4] =	ssyncset.s32 $0xFFFFF086  }
0x25: {  	[simem:s6], [sflag:s4] =	dma.local [hbm:s3], $0xF7A  }
0x26: {  	[smem:$0x3F99] =	sst s1;
	(tag) =	ssettag s2;
	_ =	strace s9  }
0x27: {  	s1 =	sld [smem:$0x3FA9]  }
0x28: {  	s2 =	sld [smem:$0x3FAA]  }
0x29: {  	s4 =	sld [smem:$0x3FAC]  }
0x2a: {  	p0 =	seq.s32 s5, $0x0;
	s5 =	sld [smem:$0x3FAD]  }
0x2b: {  	s6 =	sld [smem:$0x3FAE]  }
0x2c: {  	s7 =	sld [smem:$0x3FAF]  }
0x2d: {  	s3 =	simm.s32 $0x108;
	s8 =	sld [smem:$0x3FB0]  }
0x2e: {  	s3 =	simm.s32 @!p0 $0x1082;
	s9 =	sld [smem:$0x3FB1]  }
0x2f: {  	lr =	sadd.s32 s0, s3;
	s0 =	sld [smem:$0x3FA8]  }
0x30: {  	s3 =	sld [smem:$0x3FAB]  }
0x31: {  	[smem:$0x3FB4] =	sst s10  }
0x32: {  	s10 =	sld [smem:$0x3FB2];
	_ =	sdelay $0x3  }
0x33: {  	p0 =	seq.s32 s10, $0x1;
	s10 =	sld [smem:$0x3FB4];
	_ =	sdelay $0x3  }
0x34: {  	[smem:$0x3FB4] =	sst s10  }
0x35: {  	s10 =	sld [smem:$0x3FB3];
	_ =	sdelay $0x3  }
0x36: {  	p1 =	seq.s32 s10, $0x1;
	s10 =	sld [smem:$0x3FB4];
	_ =	sdelay $0x3  }
0x37: {  	[smem:$0x3FB4] =	sst s10  }
0x38: {  	s10 =	sld [smem:$0x3FB5]  }
0x39: {  	_ = 	snop;
	(pc) =	sbr.ind lr, $3  }
0x3a: {  	_ = 	snop  }
0x3b: {  	_ = 	snop  }
0x3c: {  	p2 =	seq.s32 s10, $0x1;
	s10 =	sld [smem:$0x3FB4]  }
0x3d: {  	_ =	shalt  }
0x3e: {  	_ =	shalt  }
0x3f: {  	_ =	shalt  }
0x40: {  	_ =	shalt  }
0x41: {  	_ =	shalt  }
0x42: {  	_ =	shalt  }
0x43: {  	_ =	shalt  }
0x44: {  	_ =	shalt  }
0x45: {  	_ =	shalt  }
0x46: {  	_ =	shalt  }
0x47: {  	_ =	shalt  }
0x48: {  	_ =	shalt  }
0x49: {  	_ =	shalt  }
0x4a: {  	_ =	shalt  }
0x4b: {  	_ =	shalt  }
0x4c: {  	_ =	shalt  }
0x4d: {  	_ =	shalt  }
0x4e: {  	_ =	shalt  }
0x4f: {  	_ =	shalt  }
0x50: {  	_ =	shalt  }
0x51: {  	_ =	shalt  }
0x52: {  	_ =	shalt  }
0x53: {  	_ =	shalt  }
0x54: {  	_ =	shalt  }
0x55: {  	_ =	shalt  }
0x56: {  	_ =	shalt  }
0x57: {  	_ =	shalt  }
0x58: {  	_ =	shalt  }
0x59: {  	_ =	shalt  }
0x5a: {  	_ =	shalt  }
0x5b: {  	_ =	shalt  }
0x5c: {  	_ =	shalt  }
0x5d: {  	_ =	shalt  }
0x5e: {  	_ =	shalt  }
0x5f: {  	_ =	shalt  }
0x60: {  	_ =	shalt  }
0x61: {  	_ =	shalt  }
0x62: {  	_ =	shalt  }
0x63: {  	_ =	shalt  }
0x64: {  	_ =	shalt  }
0x65: {  	_ =	shalt  }
0x66: {  	_ =	shalt  }
0x67: {  	_ =	shalt  }
0x68: {  	_ =	shalt  }
0x69: {  	_ =	shalt  }
0x6a: {  	_ =	shalt  }
0x6b: {  	_ =	shalt  }
0x6c: {  	_ =	shalt  }
0x6d: {  	_ =	shalt  }
0x6e: {  	_ =	shalt  }
0x6f: {  	_ =	shalt  }
0x70: {  	_ =	shalt  }
0x71: {  	_ =	shalt  }
0x72: {  	_ =	shalt  }
0x73: {  	_ =	shalt  }
0x74: {  	_ =	shalt  }
0x75: {  	_ =	shalt  }
0x76: {  	_ =	shalt  }
0x77: {  	_ =	shalt  }
0x78: {  	_ =	shalt  }
0x79: {  	_ =	shalt  }
0x7a: {  	_ =	shalt  }
0x7b: {  	_ =	shalt  }
0x7c: {  	_ =	shalt  }
0x7d: {  	_ =	shalt  }
0x7e: {  	_ =	shalt  }
0x7f: {  	_ =	shalt  }
0x80: {  	_ =	shalt  }
0x81: {  	_ =	shalt  }
0x82: {  	_ =	shalt  }
0x83: {  	_ =	shalt  }
0x84: {  	_ =	shalt  }
0x85: {  	_ =	shalt  }
0x86: {  	_ =	shalt  }
0x87: {  	_ =	shalt  }
.Lfunc_end0:
.L_simem_size_0:
called_computation_lowered:
.L_overlay_start_0:
0x88: {  	s2 =	sld [smem:$0x3FD9]  }
0x89: {  	s3 =	sld [smem:$0x3FFE];
	_ =	sdelay $0x1  }
0x8a: {  	s1 =	srdreg.scid  }
0x8b: {  	s0 =	sand.u32 $0x1, s1  }
0x8c: {  	s17 =	sshll.u32 s0, $0xA;
	s2 =	sadd.s32 s3, s2  }
0x8d: {  	s2 =	sadd.s32 s2, s17  }
0x8e: {  	[smem:$0x3FC0] =	sst s2  }
0x8f: {  	_ = 	snop  }
0x90: {  	s2 =	sld [smem:$0x3FD0];
	(tm) =	ssettm $0x1  }
0x91: {  	s18 =	sld [smem:$0x3FFB];
	_ =	sdelay $0x3  }
0x92: {  	_ =	strace s18  }
0x93: {  	s3 =	sld [smem:$0x3FFC];
	_ =	sdelay $0x3  }
0x94: {  	_ =	strace s3  }
0x95: {  	s3 =	sld [smem:$0x3FFD];
	_ =	sdelay $0x3  }
0x96: {  	_ =	strace s3  }
0x97: {  	_ =	strace $0x8FFFFFFF  }
0x98: {  	s19 =	sld [smem:$0x3FDB];
	_ =	sdelay $0x1  }
0x99: {  	s4 =	simm.s32 $_scs_section_size  }
0x9a: {  	s5 =	simm.s32 $_size__tile_overlayer_lowered;
	s6 =	simm.s32 $_tile_overlayer_lowered  }
0x9b: {  	s22 =	simm.s32 $0x1BFF;
	s21 =	sshll.u32 s6, $0x1;
	s3 =	sadd.s32 s4, s19  }
0x9c: {  	s7 =	simm.s32 $0x0;
	s20 =	sshll.u32 s5, $0x1;
	s5 =	sadd.s32 s21, s3  }
0x9d: {  	[timem:s7], [sflag:s22] =	dma.local [hbm:s5], s20  }
0x9e: {  	_ =	swait.ge [sflag:s22], s20  }
0x9f: {  	s4 =	ssub.s32 $0x0, s20;
	[sflag:s22] =	ssyncset.done $0x0  }
0xa0: {  	[sflag:s22] =	ssyncadd.s32 s4;
	_ =	sdelay $0x1  }
0xa1: {  	s23 =	simm.s32 $0x1B8B  }
0xa2: {  	_ =	swait.ge [sflag:s23], $0x1  }
0xa3: {  	[sflag:s23] =	ssyncset.done $0x0  }
0xa4: {  	s25 =	simm.s32 $0x1B8E;
	s24 =	sld [smem:$0x3FFE];
	[sflag:s23] =	ssyncadd.s32 $0xFFFFFFFF  }
0xa5: {  	s26 =	simm.s32 $execute0_lowered;
	[smem:$0x3FD2] =	sst s25  }
0xa6: {  	s5 =	sshll.u32 s26, $0x1;
	_ =	strace $0x80000046;
	[dreg:$0x1] =	wrdreg $0xFFFFFFFF  }
0xa7: {  	s28 =	simm.s32 $_size_execute0_lowered;
	s3 =	sadd.s32 s3, s5;
	[dreg:$0x0] =	wrdreg $0x0  }
0xa8: {  	s5 =	sshll.u32 s28, $0x1;
	[dreg:$0x2] =	wrdreg s3  }
0xa9: {  	[dreg:$0x3] =	wrdreg s5  }
0xaa: {  	[dreg:$0x4] =	wrdreg $0xC0  }
0xab: {  	_ =	task [dreg:s7], $0x5FFFF  }
0xac: {  	[dreg:$0x1] =	wrdreg $0xFFFFFFFF  }
0xad: {  	[dreg:$0x0] =	wrdreg $0x60  }
0xae: {  	[dreg:$0x2] =	wrdreg s24  }
0xaf: {  	[dreg:$0x3] =	wrdreg s2  }
0xb0: {  	[dreg:$0x4] =	wrdreg $0x64000  }
0xb1: {  	[dreg:$0x5] =	wrdreg $0x9  }
0xb2: {  	_ =	task.clear_ibuf [dreg:s7], $0x6FFFF;
	_ =	strace $0x90000046  }
0xb3: {  	s29 =	simm.s32 $0x9;
	_ =	strace $0x80000048  }
0xb4: {  	_ =	swait.ge [sflag:s29], $0x1  }
0xb5: {  	[sflag:s29] =	ssyncadd.s32 $0xFFFFFFFF  }
0xb6: {  	_ =	strace $0x90000048  }
0xb7: {  	_ =	sfence  }
0xb8: {  	s30 =	sld [smem:$0x0];
	_ =	sdelay $0x2  }
0xb9: {  	s31 =	sshll.u32 s1, $0xD;
	s1 =	sshrl.u32 s1, $0x2  }
0xba: {  	s3 =	sand.u32 $0x4000, s31;
	s1 =	sadd.s32 s1, s30  }
0xbb: {  	s0 =	sor.u32 s3, s0;
	s1 =	sshll.u32 s1, $0x11  }
0xbc: {  	s0 =	sor.u32 s1, s0  }
0xbd: {  	s0 =	sadd.s32 $0x8F2B, s0  }
0xbe: {  	[sflag:s0] =	ssyncadd.remote.s32 $0x1  }
0xbf: {  	_ =	sfence.sel $0xFFFF  }
0xc0: {  	[dreg:$0x0] =	wrdreg $0xFFFFFFFF;
	(pc) =	sbr.abs _section_cstart, $3  }
0xc1: {  	[dreg:$0x1] =	wrdreg $0xFFFFFFFF  }
0xc2: {  	_ =	task.clear_ibuf [dreg:s7], $0x2FFFF;
	_ =	strace $0x9FFFFFFF  }
0xc3: {  	(tm) =	ssettm $0x7FFFFFFF  }
tec
execute0_lowered:
.L_overlay_start_1:
0x0: {  	(tag) =	ssettag $0x1  }
0x1: {  	s0 =	rddreg [dreg:$0x0];
	s1 =	srdreg.scid  }
0x2: {  	s3 =	rddreg [dreg:$0x2];
	s6 =	stileid.u32  }
0x3: {  	s4 =	simm.s32 $0x0;
	s16 =	simm.s32 $0x6;
	s17 =	simm.s32 $0x5000  }
0x4: {  	s18 =	simm.s32 $0x2;
	s19 =	simm.s32 $0x3;
	s29 =	simm.s32 $0x5400  }
0x5: {  	s30 =	simm.s32 $0x5800;
	s31 =	simm.s32 $0x5C00;
	s1 =	sand.u32 $0x1, s1  }
0x6: {  	[smem:$0x7FF] =	sst s4;
	s13 =	smul.u32 $0x1400, s6;
	s23 =	sadd.s32 $0x17200, s0  }
0x7: {  	s2 =	sshll.u32 s1, $0x4;
	_ =	strace $0x80000047;
	s5 =	smul.u32 $0x2800, s1  }
0x8: {  	s1 =	ssub.s32 $0x2, s1;
	[dreg:$0x4] =	wrdreg s23;
	s2 =	sor.u32 s6, s2  }
0x9: {  	s24 =	sshrl.u32 s1, $0x1;
	s26 =	sadd.s32 $0x400, s13;
	s8 =	sadd.s32 s13, s3  }
0xa: {  	s28 =	sadd.s32 $0x800, s13;
	s14 =	sadd.s32 $0xC00, s13;
	s15 =	sadd.s32 $0x1000, s13  }
0xb: {  	s20 =	sshrl.u32 s13, $0x3;
	s2 =	smul.u32 $0x500, s2;
	s1 =	ssub.s32 s1, s24  }
0xc: {  	s9 =	sadd.s32 s26, s3;
	s10 =	sadd.s32 s28, s3;
	s11 =	sadd.s32 s14, s3  }
0xd: {  	s12 =	sadd.s32 s15, s3;
	s23 =	sshrl.u32 s14, $0x3;
	s24 =	sshrl.u32 s15, $0x3  }
0xe: {  	s14 =	simm.s32 $0x2800;
	s15 =	simm.s32 $0x6000;
	s13 =	smax.u32 s1, $0x1  }
0xf: {  	s1 =	simm.s32 $0x1;
	s2 =	sadd.s32 s2, s0;
	s0 =	sadd.s32 s5, s0  }
0x10: {  	s5 =	sshrl.u32 s26, $0x3;
	s26 =	simm.s32 $0x7D;
	s25 =	sadd.s32 $0x3200, s2  }
0x11: {  	s7 =	sadd.s32 $0xD200, s2;
	s0 =	sadd.s32 $0x17400, s0;
	s2 =	sshrl.u32 s28, $0x3  }
0x12: {  	[dreg:$0x5] =	wrdreg s25;
	s20 =	sadd.s32 s20, s0;
	s21 =	sadd.s32 s5, s0  }
0x13: {  	s22 =	sadd.s32 s2, s0;
	s23 =	sadd.s32 s23, s0;
	s24 =	sadd.s32 s24, s0  }
0x14: {  	s25 =	simm.s32 $0x4;
	s0 =	simm.s32 $0x5;
	s2 =	simm.s32 $0x0  }
.LBB2_1:
0x15: {  	s5 =	rddreg [dreg:$0x5]  }
0x16: {  	[tilespmem:s4], [sflag:$0x2] =	stream.linear.gather [hbm4b:s5+s4], $0x2800, $0x38;
	[tilespmem:$0x7800] =	vst v63  }
0x17: {  	_ = 	snop  }
0x18: {  	[tilespmem:s14], [sflag:$0x3] =	stream.linear.gather [hbm4b:s7+s4], $0x2800, $0x38;
	[tilespmem:$0x7800] =	vst v63  }
0x19: {  	s6 =	rddreg [dreg:$0x1]  }
0x1a: {  	[tilespmem:s15], [sflag:$0x6] =	stream.linear.gather [hbm4b:s6+s4], $0x400, $0x38;
	[tilespmem:$0x7800] =	vst v63  }
0x1b: {  	_ =	swait.ge [sflag:s16], $0x400  }
0x1c: {  	[sflag:s16] =	ssyncset.done $0x0  }
0x1d: {  	s6 =	rddreg [dreg:$0x4];
	[sflag:s16] =	ssyncadd.s32 $0xFFFFFC00  }
0x1e: {  	[tilespmem:s17], [sflag:$0x6] =	stream.linear.gather [hbm4b:s6+s4], $0x400, $0x38;
	[tilespmem:$0x7800] =	vst v63  }
0x1f: {  	_ =	swait.ge [sflag:s16], $0x400  }
0x20: {  	[sflag:s16] =	ssyncset.done $0x0  }
0x21: {  	[sflag:s16] =	ssyncadd.s32 $0xFFFFFC00  }
0x22: {  	[spmem:s8] =	stream.linear.scatter [tilespmem:s15], [sflag:$0x4], $0x400, $0x38;
	[tilespmem:$0x7800] =	vst v63  }
0x23: {  	_ = 	snop  }
0x24: {  	[spmem:s9] =	stream.linear.scatter [tilespmem:s15], [sflag:$0x4], $0x400, $0x38;
	[tilespmem:$0x7800] =	vst v63  }
0x25: {  	_ = 	snop  }
0x26: {  	[spmem:s10] =	stream.linear.scatter [tilespmem:s15], [sflag:$0x4], $0x400, $0x38;
	[tilespmem:$0x7800] =	vst v63  }
0x27: {  	_ = 	snop  }
0x28: {  	[spmem:s11] =	stream.linear.scatter [tilespmem:s15], [sflag:$0x4], $0x400, $0x38;
	[tilespmem:$0x7800] =	vst v63  }
0x29: {  	_ = 	snop  }
0x2a: {  	[spmem:s12] =	stream.linear.scatter [tilespmem:s15], [sflag:$0x4], $0x400, $0x38;
	[tilespmem:$0x7800] =	vst v63  }
0x2b: {  	_ =	swait.ge [sflag:s18], $0x2800  }
0x2c: {  	[sflag:s18] =	ssyncset.done $0x0  }
0x2d: {  	[sflag:s18] =	ssyncadd.s32 $0xFFFFD800  }
0x2e: {  	_ =	swait.ge [sflag:s19], $0x2800  }
0x2f: {  	[sflag:s19] =	ssyncset.done $0x0  }
0x30: {  	[sflag:s19] =	ssyncadd.s32 $0xFFFFD800  }
0x31: {  	_ =	swait.ge [sflag:s25], $0x400  }
0x32: {  	[sflag:s25] =	ssyncset.done $0x0  }
0x33: {  	[sflag:s25] =	ssyncadd.s32 $0xFFFFFC00  }
0x34: {  	_ =	swait.ge [sflag:s25], $0x400  }
0x35: {  	[sflag:s25] =	ssyncset.done $0x0  }
0x36: {  	[sflag:s25] =	ssyncadd.s32 $0xFFFFFC00  }
0x37: {  	_ =	swait.ge [sflag:s25], $0x400  }
0x38: {  	[sflag:s25] =	ssyncset.done $0x0  }
0x39: {  	[sflag:s25] =	ssyncadd.s32 $0xFFFFFC00  }
0x3a: {  	_ =	swait.ge [sflag:s25], $0x400  }
0x3b: {  	[sflag:s25] =	ssyncset.done $0x0  }
0x3c: {  	[sflag:s25] =	ssyncadd.s32 $0xFFFFFC00  }
0x3d: {  	_ =	swait.ge [sflag:s25], $0x400  }
0x3e: {  	[sflag:s25] =	ssyncset.done $0x0  }
0x3f: {  	[sflag:s25] =	ssyncadd.s32 $0xFFFFFC00  }
0x40: {  	[bflag:$0x0] =	sbarrier.arrive $0xFFFF  }
0x41: {  	[spmem:s3] =	stream.indirect.scatter.add.f32 [tilespmem:s17], [sflag:$0x2], $0x8, s14, s26, $0xb8;
	[tilespmem:$0x7800] =	vst v63  }
0x42: {  	s6 =	simm.s32 $0x2880  }
0x43: {  	[spmem:s3] =	stream.indirect.scatter.add.f32 [tilespmem:s17], [sflag:$0x3], $0x8, s6, s26, $0xb8;
	[tilespmem:$0x7800] =	vst v63  }
0x44: {  	_ =	swait.ge [sflag:s18], $0x3E8  }
0x45: {  	[sflag:s18] =	ssyncset.done $0x0  }
0x46: {  	s6 =	simm.s32 $0x2900;
	[sflag:s18] =	ssyncadd.s32 $0xFFFFFC18  }
0x47: {  	[spmem:s3] =	stream.indirect.scatter.add.f32 [tilespmem:s17], [sflag:$0x2], $0x8, s6, s26, $0xb8;
	[tilespmem:$0x7800] =	vst v63  }
0x48: {  	_ =	swait.ge [sflag:s19], $0x3E8  }
0x49: {  	[sflag:s19] =	ssyncset.done $0x0  }
0x4a: {  	s28 =	simm.s32 $0xFFFF6800;
	s5 =	simm.s32 $0x2980;
	[sflag:s19] =	ssyncadd.s32 $0xFFFFFC18  }
.LBB2_2:
0x4b: {  	[spmem:s3] =	stream.indirect.scatter.add.f32 [tilespmem:s17], [sflag:$0x3], $0x8, s5, s26, $0xb8;
	[tilespmem:$0x7800] =	vst v63  }
0x4c: {  	s5 =	smov.u32 s28  }
0x4d: {  	p0 =	sne.s32 s28, $0xFFFFFC00;
	s28 =	sadd.s32 $0x400, s28;
	_ =	swait.ge [sflag:s18], $0x3E8  }
0x4e: {  	s5 =	sshra.s32 s5, $0x2;
	[sflag:s18] =	ssyncset.done $0x0  }
.Ltmp0:
0x4f: {  	s6 =	sadd.s32 $0x5000, s5;
	[sflag:s18] =	ssyncadd.s32 $0xFFFFFC18;
	(pc) =	sbr.rel @p0 .LBB2_2-.Ltmp0, $4  }
0x50: {  	[spmem:s3] =	stream.indirect.scatter.add.f32 [tilespmem:s17], [sflag:$0x2], $0x8, s6, s26, $0xb8;
	[tilespmem:$0x7800] =	vst v63  }
0x51: {  	_ =	swait.ge [sflag:s19], $0x3E8  }
0x52: {  	[sflag:s19] =	ssyncset.done $0x0  }
0x53: {  	s5 =	sadd.s32 $0x5080, s5;
	[sflag:s19] =	ssyncadd.s32 $0xFFFFFC18  }
0x54: {  	[spmem:s3] =	stream.indirect.scatter.add.f32 [tilespmem:s17], [sflag:$0x3], $0x8, s5, s26, $0xb8;
	[tilespmem:$0x7800] =	vst v63  }
0x55: {  	_ =	swait.ge [sflag:s18], $0x3E8  }
0x56: {  	[sflag:s18] =	ssyncset.done $0x0  }
0x57: {  	[sflag:s18] =	ssyncadd.s32 $0xFFFFFC18  }
0x58: {  	_ =	swait.ge [sflag:s19], $0x3E8  }
0x59: {  	[sflag:s19] =	ssyncset.done $0x0  }
0x5a: {  	[sflag:s19] =	ssyncadd.s32 $0xFFFFFC18  }
0x5b: {  	[bflag:$0x0] =	sbarrier.arrive $0xFFFF  }
0x5c: {  	[tilespmem:s17], [sflag:$0x2] =	stream.linear.gather [spmem:s8], $0x400, $0x38;
	[tilespmem:$0x7800] =	vst v63  }
0x5d: {  	_ = 	snop  }
0x5e: {  	[tilespmem:s29], [sflag:$0x3] =	stream.linear.gather [spmem:s9], $0x400, $0x38;
	[tilespmem:$0x7800] =	vst v63  }
0x5f: {  	_ = 	snop  }
0x60: {  	[tilespmem:s30], [sflag:$0x4] =	stream.linear.gather [spmem:s10], $0x400, $0x38;
	[tilespmem:$0x7800] =	vst v63  }
0x61: {  	_ = 	snop  }
0x62: {  	[tilespmem:s31], [sflag:$0x5] =	stream.linear.gather [spmem:s11], $0x400, $0x38;
	[tilespmem:$0x7800] =	vst v63  }
0x63: {  	_ = 	snop  }
0x64: {  	[tilespmem:s15], [sflag:$0x1] =	stream.linear.gather [spmem:s12], $0x400, $0x38;
	[tilespmem:$0x7800] =	vst v63  }
0x65: {  	_ =	swait.ge [sflag:s18], $0x400  }
0x66: {  	[sflag:s18] =	ssyncset.done $0x0  }
0x67: {  	[sflag:s18] =	ssyncadd.s32 $0xFFFFFC00  }
0x68: {  	[hbm4b:s20+s4] =	stream.linear.scatter [tilespmem:s17], [sflag:$0x2], $0x400, $0x38;
	[tilespmem:$0x7800] =	vst v63  }
0x69: {  	_ =	swait.ge [sflag:s19], $0x400  }
0x6a: {  	[sflag:s19] =	ssyncset.done $0x0  }
0x6b: {  	[sflag:s19] =	ssyncadd.s32 $0xFFFFFC00  }
0x6c: {  	[hbm4b:s21+s4] =	stream.linear.scatter [tilespmem:s29], [sflag:$0x3], $0x400, $0x38;
	[tilespmem:$0x7800] =	vst v63  }
0x6d: {  	_ =	swait.ge [sflag:s25], $0x400  }
0x6e: {  	[sflag:s25] =	ssyncset.done $0x0  }
0x6f: {  	[sflag:s25] =	ssyncadd.s32 $0xFFFFFC00  }
0x70: {  	[hbm4b:s22+s4] =	stream.linear.scatter [tilespmem:s30], [sflag:$0x4], $0x400, $0x38;
	[tilespmem:$0x7800] =	vst v63  }
0x71: {  	_ =	swait.ge [sflag:s0], $0x400  }
0x72: {  	[sflag:s0] =	ssyncset.done $0x0  }
0x73: {  	[sflag:s0] =	ssyncadd.s32 $0xFFFFFC00  }
0x74: {  	[hbm4b:s23+s4] =	stream.linear.scatter [tilespmem:s31], [sflag:$0x5], $0x400, $0x38;
	[tilespmem:$0x7800] =	vst v63  }
0x75: {  	_ =	swait.ge [sflag:s1], $0x400  }
0x76: {  	[sflag:s1] =	ssyncset.done $0x0  }
0x77: {  	[sflag:s1] =	ssyncadd.s32 $0xFFFFFC00  }
0x78: {  	[hbm4b:s24+s4] =	stream.linear.scatter [tilespmem:s15], [sflag:$0x1], $0x400, $0x38;
	[tilespmem:$0x7800] =	vst v63  }
0x79: {  	_ =	swait.ge [sflag:s18], $0x400  }
0x7a: {  	[sflag:s18] =	ssyncset.done $0x0  }
0x7b: {  	[sflag:s18] =	ssyncadd.s32 $0xFFFFFC00  }
0x7c: {  	_ =	swait.ge [sflag:s19], $0x400  }
0x7d: {  	[sflag:s19] =	ssyncset.done $0x0  }
0x7e: {  	[sflag:s19] =	ssyncadd.s32 $0xFFFFFC00  }
0x7f: {  	_ =	swait.ge [sflag:s25], $0x400  }
0x80: {  	[sflag:s25] =	ssyncset.done $0x0  }
0x81: {  	s2 =	sadd.s32 $0x1, s2;
	[sflag:s25] =	ssyncadd.s32 $0xFFFFFC00  }
0x82: {  	p0 =	sne.s32 s2, s13;
	_ =	swait.ge [sflag:s0], $0x400  }
.Ltmp1:
0x83: {  	[sflag:s0] =	ssyncset.done $0x0;
	(pc) =	sbr.rel @p0 .LBB2_1-.Ltmp1, $4  }
0x84: {  	[sflag:s0] =	ssyncadd.s32 $0xFFFFFC00  }
0x85: {  	_ =	swait.ge [sflag:s1], $0x400  }
0x86: {  	[sflag:s1] =	ssyncset.done $0x0  }
0x87: {  	[sflag:s1] =	ssyncadd.s32 $0xFFFFFC00  }
0x88: {  	_ =	sfence.sel $0x180000  }
0x89: {  	[bflag:$0x0] =	sbarrier.arrive $0xFFFF  }
0x8a: {  	_ =	strace $0x90000047  }
0x8b: {  	s0 =	stileid.u32;
	[bflag:$0x2] =	sbarrier.arrive $0xFFFF  }
0x8c: {  	p0 =	sne.s32 s0, $0x0;
	s0 =	rddreg [dreg:$0x3]  }
0x8d: {  	s0 =	sadd.s32 @!p0 $0x100000, s0  }
0x8e: {  	[sflag:s0] =	ssyncadd.tile.s32 @!p0 $0x1;
	_ =	shalt  }
.Lfunc_end2:
_tile_overlayer_lowered:
.L_overlay_start_2:
0x8f: {  	(tag) =	ssettag $0x2  }
0x90: {  	s0 =	rddreg [dreg:$0x0];
	s2 =	stileid.u32  }
0x91: {  	s1 =	rddreg [dreg:$0x1];
	p0 =	sne.s32 s2, $0x0  }
0x92: {  	s3 =	rddreg [dreg:$0x2];
	[bflag:$0x3] =	sbarrier.arrive $0xFFFF;
	s2 =	simm.s32 @!p0 $0x1C06  }
0x93: {  	[timem:s3], [sflag:s2] =	dma.local @!p0 [hbm:s0], s1  }
0x94: {  	s0 =	simm.s32 @!p0 $0x6  }
0x95: {  	_ =	swait.ge @!p0 [sflag:s0], s1  }
0x96: {  	s1 =	ssub.s32 @!p0 $0x0, s1;
	[sflag:s0] =	ssyncset.done @!p0 $0x0  }
0x97: {  	[sflag:s0] =	ssyncadd.s32 @!p0 s1  }
0x98: {  	[bflag:$0x3] =	sbarrier.arrive $0xFFFF  }
0x99: {  	_ =	shalt  }

// kernel: kernel.14.cloned.1.call-start
scs
__scs_entry_jumppad:
0x0: {  	(pc) =	sbr.rel $0x88, $3  }
0x1: {  	(tag) =	ssettag $0x0;
	lr =	simm.s32 $0x1  }
0x2: {  	[smem:$0x3F99] =	sst lr;
	_ =	strace $0xD0000000  }
0x3: {  	_ = 	snop  }
0x4: {  	_ = 	snop  }
0x5: {  	_ = 	snop  }
0x6: {  	_ = 	snop  }
0x7: {  	_ = 	snop  }
__scs_overlays_trampoline_lowered:
0x8: {  	[smem:$0x3FA8] =	sst s0  }
0x9: {  	[smem:$0x3FA9] =	sst s1  }
0xa: {  	[smem:$0x3FAA] =	sst s2  }
0xb: {  	[smem:$0x3FAB] =	sst s3  }
0xc: {  	[smem:$0x3FAC] =	sst s4  }
0xd: {  	[smem:$0x3FAD] =	sst s5  }
0xe: {  	[smem:$0x3FAE] =	sst s6  }
0xf: {  	[smem:$0x3FAF] =	sst s7  }
0x10: {  	[smem:$0x3FB0] =	sst s8  }
0x11: {  	[smem:$0x3FB1] =	sst s9;
	s0 =	simm.s32 @!p0 $0x0  }
0x12: {  	s1 =	sld [smem:$0x3F97];
	s0 =	simm.s32 @p0 $0x1  }
0x13: {  	[smem:$0x3FB2] =	sst s0;
	s0 =	simm.s32 @!p1 $0x0  }
0x14: {  	s2 =	sld [smem:$0x3F96];
	s0 =	simm.s32 @p1 $0x1  }
0x15: {  	[smem:$0x3FB3] =	sst s0;
	s0 =	simm.s32 @!p2 $0x0  }
0x16: {  	s3 =	sld [smem:$0x3FDB];
	s0 =	simm.s32 @p2 $0x1  }
0x17: {  	s4 =	simm.s32 $0x1BF5;
	[smem:$0x3FB5] =	sst s0  }
0x18: {  	s0 =	sld [smem:$0x3F98];
	_ =	swait.ge [sflag:s4], $0x0  }
0x19: {  	s7 =	sld [smem:$0x3F99]  }
0x1a: {  	s8 =	sadd.s32 $0xFFFFE003, lr  }
0x1b: {  	s9 =	sadd.s32 $0xFFFFFEF7, lr;
	s5 =	simm.s32 $0xFFFFFFFF;
	p2 =	slt.u32 s8, $0xFFFFF086  }
0x1c: {  	p1 =	slt.u32 s9, $0xF7A;
	s5 =	simm.s32 @!p2 $0x0  }
0x1d: {  	s5 =	simm.s32 @p1 $0x1;
	p0 =	seq.s32 s7, s2  }
0x1e: {  	s7 =	smul.u32 @!p0 $0xF7A, s2;
	p2 =	seq.s32 @!p0 s5, $0x0  }
0x1f: {  	s9 =	smul.u32 $0xF7A, s1;
	s8 =	simm.s32 @!p0 $0x1BF5;
	p2 =	por !p2, p0  }
0x20: {  	[sflag:s8] =	ssyncset.s32 @!p0 $0xFFFFF086;
	s6 =	sadd.s32 @!p0 s3, s7;
	s7 =	simm.s32 @!p0 $0x108  }
0x21: {  	s3 =	sadd.s32 s3, s9;
	s6 =	sadd.s32 @!p0 $0x88, s6;
	s7 =	simm.s32 @p2 $0x1082  }
0x22: {  	[simem:s7], [sflag:s8] =	dma.local @!p0 [hbm:s6], $0xF7A  }
0x23: {  	s9 =	sor.u32 $0xD0000000, s2;
	s6 =	simm.s32 $0x108;
	_ =	swait.ge @!p0 [sflag:s8], $0x0  }
0x24: {  	s3 =	sadd.s32 $0x88, s3;
	s6 =	simm.s32 @!p1 $0x1082;
	[sflag:s4] =	ssyncset.s32 $0xFFFFF086  }
0x25: {  	[simem:s6], [sflag:s4] =	dma.local [hbm:s3], $0xF7A  }
0x26: {  	[smem:$0x3F99] =	sst s1;
	(tag) =	ssettag s2;
	_ =	strace s9  }
0x27: {  	s1 =	sld [smem:$0x3FA9]  }
0x28: {  	s2 =	sld [smem:$0x3FAA]  }
0x29: {  	s4 =	sld [smem:$0x3FAC]  }
0x2a: {  	p0 =	seq.s32 s5, $0x0;
	s5 =	sld [smem:$0x3FAD]  }
0x2b: {  	s6 =	sld [smem:$0x3FAE]  }
0x2c: {  	s7 =	sld [smem:$0x3FAF]  }
0x2d: {  	s3 =	simm.s32 $0x108;
	s8 =	sld [smem:$0x3FB0]  }
0x2e: {  	s3 =	simm.s32 @!p0 $0x1082;
	s9 =	sld [smem:$0x3FB1]  }
0x2f: {  	lr =	sadd.s32 s0, s3;
	s0 =	sld [smem:$0x3FA8]  }
0x30: {  	s3 =	sld [smem:$0x3FAB]  }
0x31: {  	[smem:$0x3FB4] =	sst s10  }
0x32: {  	s10 =	sld [smem:$0x3FB2];
	_ =	sdelay $0x3  }
0x33: {  	p0 =	seq.s32 s10, $0x1;
	s10 =	sld [smem:$0x3FB4];
	_ =	sdelay $0x3  }
0x34: {  	[smem:$0x3FB4] =	sst s10  }
0x35: {  	s10 =	sld [smem:$0x3FB3];
	_ =	sdelay $0x3  }
0x36: {  	p1 =	seq.s32 s10, $0x1;
	s10 =	sld [smem:$0x3FB4];
	_ =	sdelay $0x3  }
0x37: {  	[smem:$0x3FB4] =	sst s10  }
0x38: {  	s10 =	sld [smem:$0x3FB5]  }
0x39: {  	_ = 	snop;
	(pc) =	sbr.ind lr, $3  }
0x3a: {  	_ = 	snop  }
0x3b: {  	_ = 	snop  }
0x3c: {  	p2 =	seq.s32 s10, $0x1;
	s10 =	sld [smem:$0x3FB4]  }
0x3d: {  	_ =	shalt  }
0x3e: {  	_ =	shalt  }
0x3f: {  	_ =	shalt  }
0x40: {  	_ =	shalt  }
0x41: {  	_ =	shalt  }
0x42: {  	_ =	shalt  }
0x43: {  	_ =	shalt  }
0x44: {  	_ =	shalt  }
0x45: {  	_ =	shalt  }
0x46: {  	_ =	shalt  }
0x47: {  	_ =	shalt  }
0x48: {  	_ =	shalt  }
0x49: {  	_ =	shalt  }
0x4a: {  	_ =	shalt  }
0x4b: {  	_ =	shalt  }
0x4c: {  	_ =	shalt  }
0x4d: {  	_ =	shalt  }
0x4e: {  	_ =	shalt  }
0x4f: {  	_ =	shalt  }
0x50: {  	_ =	shalt  }
0x51: {  	_ =	shalt  }
0x52: {  	_ =	shalt  }
0x53: {  	_ =	shalt  }
0x54: {  	_ =	shalt  }
0x55: {  	_ =	shalt  }
0x56: {  	_ =	shalt  }
0x57: {  	_ =	shalt  }
0x58: {  	_ =	shalt  }
0x59: {  	_ =	shalt  }
0x5a: {  	_ =	shalt  }
0x5b: {  	_ =	shalt  }
0x5c: {  	_ =	shalt  }
0x5d: {  	_ =	shalt  }
0x5e: {  	_ =	shalt  }
0x5f: {  	_ =	shalt  }
0x60: {  	_ =	shalt  }
0x61: {  	_ =	shalt  }
0x62: {  	_ =	shalt  }
0x63: {  	_ =	shalt  }
0x64: {  	_ =	shalt  }
0x65: {  	_ =	shalt  }
0x66: {  	_ =	shalt  }
0x67: {  	_ =	shalt  }
0x68: {  	_ =	shalt  }
0x69: {  	_ =	shalt  }
0x6a: {  	_ =	shalt  }
0x6b: {  	_ =	shalt  }
0x6c: {  	_ =	shalt  }
0x6d: {  	_ =	shalt  }
0x6e: {  	_ =	shalt  }
0x6f: {  	_ =	shalt  }
0x70: {  	_ =	shalt  }
0x71: {  	_ =	shalt  }
0x72: {  	_ =	shalt  }
0x73: {  	_ =	shalt  }
0x74: {  	_ =	shalt  }
0x75: {  	_ =	shalt  }
0x76: {  	_ =	shalt  }
0x77: {  	_ =	shalt  }
0x78: {  	_ =	shalt  }
0x79: {  	_ =	shalt  }
0x7a: {  	_ =	shalt  }
0x7b: {  	_ =	shalt  }
0x7c: {  	_ =	shalt  }
0x7d: {  	_ =	shalt  }
0x7e: {  	_ =	shalt  }
0x7f: {  	_ =	shalt  }
0x80: {  	_ =	shalt  }
0x81: {  	_ =	shalt  }
0x82: {  	_ =	shalt  }
0x83: {  	_ =	shalt  }
0x84: {  	_ =	shalt  }
0x85: {  	_ =	shalt  }
0x86: {  	_ =	shalt  }
0x87: {  	_ =	shalt  }
.Lfunc_end0:
.L_simem_size_0:
called_computation.1_lowered:
.L_overlay_start_0:
0x88: {  	s2 =	sld [smem:$0x3FD9]  }
0x89: {  	s3 =	sld [smem:$0x3FFE];
	_ =	sdelay $0x1  }
0x8a: {  	s1 =	srdreg.scid  }
0x8b: {  	s0 =	sand.u32 $0x1, s1  }
0x8c: {  	s17 =	sshll.u32 s0, $0xA;
	s2 =	sadd.s32 s3, s2  }
0x8d: {  	s2 =	sadd.s32 s2, s17  }
0x8e: {  	[smem:$0x3FC0] =	sst s2  }
0x8f: {  	_ = 	snop  }
0x90: {  	s2 =	sld [smem:$0x3FD0];
	(tm) =	ssettm $0x1  }
0x91: {  	s18 =	sld [smem:$0x3FFB];
	_ =	sdelay $0x3  }
0x92: {  	_ =	strace s18  }
0x93: {  	s3 =	sld [smem:$0x3FFC];
	_ =	sdelay $0x3  }
0x94: {  	_ =	strace s3  }
0x95: {  	s3 =	sld [smem:$0x3FFD];
	_ =	sdelay $0x3  }
0x96: {  	_ =	strace s3  }
0x97: {  	_ =	strace $0x8FFFFFFF  }
0x98: {  	s19 =	sld [smem:$0x3FDB];
	_ =	sdelay $0x1  }
0x99: {  	s4 =	simm.s32 $_scs_section_size  }
0x9a: {  	s5 =	simm.s32 $_size__tile_overlayer_lowered;
	s6 =	simm.s32 $_tile_overlayer_lowered  }
0x9b: {  	s22 =	simm.s32 $0x1BFF;
	s21 =	sshll.u32 s6, $0x1;
	s3 =	sadd.s32 s4, s19  }
0x9c: {  	s7 =	simm.s32 $0x0;
	s20 =	sshll.u32 s5, $0x1;
	s5 =	sadd.s32 s21, s3  }
0x9d: {  	[timem:s7], [sflag:s22] =	dma.local [hbm:s5], s20  }
0x9e: {  	_ =	swait.ge [sflag:s22], s20  }
0x9f: {  	s4 =	ssub.s32 $0x0, s20;
	[sflag:s22] =	ssyncset.done $0x0  }
0xa0: {  	[sflag:s22] =	ssyncadd.s32 s4;
	_ =	sdelay $0x1  }
0xa1: {  	s23 =	simm.s32 $0x1B8B  }
0xa2: {  	_ =	swait.ge [sflag:s23], $0x1  }
0xa3: {  	[sflag:s23] =	ssyncset.done $0x0  }
0xa4: {  	s25 =	simm.s32 $0x1B8E;
	s24 =	sld [smem:$0x3FFE];
	[sflag:s23] =	ssyncadd.s32 $0xFFFFFFFF  }
0xa5: {  	s26 =	simm.s32 $execute0_lowered;
	[smem:$0x3FD2] =	sst s25  }
0xa6: {  	s5 =	sshll.u32 s26, $0x1;
	_ =	strace $0x80000049;
	[dreg:$0x1] =	wrdreg $0xFFFFFFFF  }
0xa7: {  	s28 =	simm.s32 $_size_execute0_lowered;
	s3 =	sadd.s32 s3, s5;
	[dreg:$0x0] =	wrdreg $0x0  }
0xa8: {  	s5 =	sshll.u32 s28, $0x1;
	[dreg:$0x2] =	wrdreg s3  }
0xa9: {  	[dreg:$0x3] =	wrdreg s5  }
0xaa: {  	[dreg:$0x4] =	wrdreg $0xC0  }
0xab: {  	_ =	task [dreg:s7], $0x5FFFF  }
0xac: {  	[dreg:$0x1] =	wrdreg $0xFFFFFFFF  }
0xad: {  	[dreg:$0x0] =	wrdreg $0x60  }
0xae: {  	[dreg:$0x2] =	wrdreg s24  }
0xaf: {  	[dreg:$0x3] =	wrdreg s2  }
0xb0: {  	[dreg:$0x4] =	wrdreg $0xE0000  }
0xb1: {  	[dreg:$0x5] =	wrdreg $0x130000  }
0xb2: {  	[dreg:$0x6] =	wrdreg $0x9  }
0xb3: {  	_ =	task.clear_ibuf [dreg:s7], $0x7FFFF;
	_ =	strace $0x90000049  }
0xb4: {  	s29 =	simm.s32 $0x9;
	_ =	strace $0x8000004B  }
0xb5: {  	_ =	swait.ge [sflag:s29], $0x1  }
0xb6: {  	[sflag:s29] =	ssyncadd.s32 $0xFFFFFFFF  }
0xb7: {  	_ =	strace $0x9000004B  }
0xb8: {  	_ =	sfence  }
0xb9: {  	s30 =	sld [smem:$0x0];
	_ =	sdelay $0x2  }
0xba: {  	s31 =	sshll.u32 s1, $0xD;
	s1 =	sshrl.u32 s1, $0x2  }
0xbb: {  	s3 =	sand.u32 $0x4000, s31;
	s1 =	sadd.s32 s1, s30  }
0xbc: {  	s0 =	sor.u32 s3, s0;
	s1 =	sshll.u32 s1, $0x11  }
0xbd: {  	s0 =	sor.u32 s1, s0  }
0xbe: {  	s0 =	sadd.s32 $0x8F2B, s0  }
0xbf: {  	[sflag:s0] =	ssyncadd.remote.s32 $0x1  }
0xc0: {  	_ =	sfence.sel $0xFFFF  }
0xc1: {  	[dreg:$0x0] =	wrdreg $0xFFFFFFFF;
	(pc) =	sbr.abs _section_cstart, $3  }
0xc2: {  	[dreg:$0x1] =	wrdreg $0xFFFFFFFF  }
0xc3: {  	_ =	task.clear_ibuf [dreg:s7], $0x2FFFF;
	_ =	strace $0x9FFFFFFF  }
0xc4: {  	(tm) =	ssettm $0x7FFFFFFF  }
0xc5: {  	_ =	shalt  }
tec
execute0_lowered:
.L_overlay_start_1:
0x0: {  	(tag) =	ssettag $0x1  }
0x1: {  	s0 =	rddreg [dreg:$0x0]  }
0x2: {  	s1 =	srdreg.scid;
	s3 =	rddreg [dreg:$0x2]  }
0x3: {  	s8 =	stileid.u32;
	s4 =	rddreg [dreg:$0x3]  }
0x4: {  	s5 =	simm.s32 $0x0;
	s31 =	simm.s32 $0x9000;
	s9 =	smul.u32 $0x280, s8  }
0x5: {  	s1 =	sand.u32 $0x1, s1;
	[smem:$0x7FF] =	sst s5;
	s10 =	smul.u32 $0x5000, s8  }
0x6: {  	s7 =	sadd.s32 $0x17200, s0;
	s19 =	smul.u32 $0x2800, s8;
	s2 =	sshll.u32 s1, $0x4  }
0x7: {  	_ =	strace $0x8000004A;
	s6 =	smul.u32 $0xA000, s1;
	s1 =	ssub.s32 $0x2, s1  }
0x8: {  	s2 =	sor.u32 s8, s2;
	s16 =	sshrl.u32 s1, $0x1;
	s29 =	sadd.s32 s10, s3  }
0x9: {  	s18 =	sadd.s32 $0x80, s9;
	s12 =	sadd.s32 $0x100, s9;
	s13 =	sadd.s32 $0x180, s9  }
0xa: {  	s9 =	sadd.s32 $0x200, s9;
	s24 =	sshrl.u32 s10, $0x3;
	s2 =	smul.u32 $0x500, s2  }
0xb: {  	s1 =	ssub.s32 s1, s16;
	s11 =	sshll.u32 s18, $0x5;
	s20 =	sshll.u32 s18, $0x4  }
0xc: {  	s21 =	sshll.u32 s12, $0x4;
	s14 =	sshll.u32 s13, $0x4;
	s23 =	sshll.u32 s9, $0x4  }
0xd: {  	s25 =	sshll.u32 s12, $0x2;
	s26 =	sshll.u32 s13, $0x2;
	s15 =	sshll.u32 s9, $0x2  }
0xe: {  	s16 =	sshll.u32 s12, $0x5;
	[dreg:$0x11] =	wrdreg s29;
	s22 =	sadd.s32 s7, s14  }
0xf: {  	s30 =	sadd.s32 s11, s3;
	s2 =	sadd.s32 s2, s0;
	[dreg:$0xa] =	wrdreg s22  }
0x10: {  	s0 =	sadd.s32 s6, s0;
	s6 =	sadd.s32 s7, s19;
	[dreg:$0x12] =	wrdreg s30  }
0x11: {  	s12 =	simm.s32 $0x7000;
	s19 =	smax.u32 s1, $0x1;
	[dreg:$0x7] =	wrdreg s6  }
0x12: {  	s1 =	simm.s32 $0x5;
	s17 =	sadd.s32 $0x3200, s2;
	[dreg:$0x13] =	wrdreg s19  }
0x13: {  	s2 =	sadd.s32 $0xD200, s2;
	s6 =	sadd.s32 s7, s20;
	[dreg:$0x5] =	wrdreg s17  }
0x14: {  	s0 =	sadd.s32 $0x3F200, s0;
	s20 =	sadd.s32 s10, s4;
	[dreg:$0x6] =	wrdreg s2  }
0x15: {  	s10 =	simm.s32 $0x5000;
	[dreg:$0x8] =	wrdreg s6;
	s6 =	sadd.s32 s7, s21  }
0x16: {  	s2 =	sshll.u32 s18, $0x2;
	s8 =	sadd.s32 s25, s0;
	s14 =	sadd.s32 s26, s0  }
0x17: {  	s17 =	sshll.u32 s13, $0x5;
	s18 =	sshll.u32 s9, $0x5;
	s21 =	sadd.s32 s11, s4  }
0x18: {  	s9 =	simm.s32 $0x7D;
	s11 =	simm.s32 $0x6000;
	[dreg:$0x9] =	wrdreg s6  }
0x19: {  	s13 =	simm.s32 $0x8000;
	s6 =	sadd.s32 s7, s23;
	[dreg:$0xe] =	wrdreg s8  }
0x1a: {  	s2 =	sadd.s32 s2, s0;
	[dreg:$0xf] =	wrdreg s14;
	s23 =	sadd.s32 s16, s4  }
0x1b: {  	s26 =	sadd.s32 s17, s3;
	s25 =	sadd.s32 s17, s4;
	s22 =	sadd.s32 s18, s3  }
0x1c: {  	s28 =	sadd.s32 s18, s4;
	s7 =	simm.s32 $0x7;
	s14 =	simm.s32 $0x1  }
.Ltmp0:
0x1d: {  	s17 =	simm.s32 $0x8;
	[dreg:$0xb] =	wrdreg s6;
	(pc) =	sbr.rel .LBB2_1-.Ltmp0, $4  }
0x1e: {  	s18 =	simm.s32 $0x0;
	s6 =	sadd.s32 s24, s0;
	[dreg:$0xd] =	wrdreg s2  }
0x1f: {  	s0 =	sadd.s32 s15, s0;
	s24 =	sadd.s32 s16, s3;
	s2 =	simm.s32 $0x9  }
0x20: {  	s15 =	simm.s32 $0x2;
	s16 =	simm.s32 $0x3;
	[dreg:$0xc] =	wrdreg s6  }
0x21: {  	[dreg:$0x10] =	wrdreg s0;
	s0 =	simm.s32 $0x4;
	s6 =	simm.s32 $0x6  }
.LBB2_14:
0x22: {  	_ =	swait.ge [sflag:s0], $0xFA0  }
0x23: {  	[sflag:s0] =	ssyncset.done $0x0  }
0x24: {  	s8 =	simm.s32 $0x4F80;
	[sflag:s0] =	ssyncadd.s32 $0xFFFFF060  }
0x25: {  	[spmem:s3] =	stream.indirect.scatter.add.f32 [tilespmem:s13], [sflag:$0x8], $0x20, s8, s9, $0xb8;
	[tilespmem:$0x18000] =	vst v63  }
0x26: {  	_ =	swait.ge [sflag:s1], $0xFA0  }
0x27: {  	[sflag:s1] =	ssyncset.done $0x0  }
0x28: {  	[sflag:s1] =	ssyncadd.s32 $0xFFFFF060  }
0x29: {  	_ =	swait.ge [sflag:s6], $0xFA0  }
0x2a: {  	[sflag:s6] =	ssyncset.done $0x0  }
0x2b: {  	[sflag:s6] =	ssyncadd.s32 $0xFFFFF060  }
0x2c: {  	_ =	swait.ge [sflag:s7], $0xFA0  }
0x2d: {  	[sflag:s7] =	ssyncset.done $0x0  }
0x2e: {  	[sflag:s7] =	ssyncadd.s32 $0xFFFFF060  }
0x2f: {  	_ =	swait.ge [sflag:s17], $0xFA0  }
0x30: {  	[sflag:s17] =	ssyncset.done $0x0  }
0x31: {  	[sflag:s17] =	ssyncadd.s32 $0xFFFFF060  }
0x32: {  	[bflag:$0x0] =	sbarrier.arrive $0xFFFF  }
0x33: {  	s29 =	rddreg [dreg:$0x11]  }
0x34: {  	[tilespmem:s10], [sflag:$0x5] =	stream.linear.gather [spmem:s29], $0x1000, $0x38;
	[tilespmem:$0x18000] =	vst v63  }
0x35: {  	s30 =	rddreg [dreg:$0x12]  }
0x36: {  	[tilespmem:s11], [sflag:$0x6] =	stream.linear.gather [spmem:s30], $0x1000, $0x38;
	[tilespmem:$0x18000] =	vst v63  }
0x37: {  	_ = 	snop  }
0x38: {  	[tilespmem:s12], [sflag:$0x7] =	stream.linear.gather [spmem:s24], $0x1000, $0x38;
	[tilespmem:$0x18000] =	vst v63  }
0x39: {  	_ = 	snop  }
0x3a: {  	[tilespmem:s13], [sflag:$0x8] =	stream.linear.gather [spmem:s19], $0x1000, $0x38;
	[tilespmem:$0x18000] =	vst v63  }
0x3b: {  	_ = 	snop  }
0x3c: {  	[tilespmem:s31], [sflag:$0x1] =	stream.linear.gather [spmem:s22], $0x1000, $0x38;
	[tilespmem:$0x18000] =	vst v63  }
0x3d: {  	_ =	swait.ge [sflag:s1], $0x1000  }
0x3e: {  	[sflag:s1] =	ssyncset.done $0x0  }
0x3f: {  	s26 =	smov.u32 s19;
	s19 =	rddreg [dreg:$0xc];
	[sflag:s1] =	ssyncadd.s32 $0xFFFFF000  }
0x40: {  	[hbm4b:s19+s5] =	stream.linear.scatter [tilespmem:s10], [sflag:$0x5], $0x1000, $0x38;
	[tilespmem:$0x18000] =	vst v63  }
0x41: {  	_ =	swait.ge [sflag:s6], $0x1000  }
0x42: {  	[sflag:s6] =	ssyncset.done $0x0  }
0x43: {  	s19 =	rddreg [dreg:$0xd];
	[sflag:s6] =	ssyncadd.s32 $0xFFFFF000  }
0x44: {  	[hbm4b:s19+s5] =	stream.linear.scatter [tilespmem:s11], [sflag:$0x6], $0x1000, $0x38;
	[tilespmem:$0x18000] =	vst v63  }
0x45: {  	_ =	swait.ge [sflag:s7], $0x1000  }
0x46: {  	[sflag:s7] =	ssyncset.done $0x0  }
0x47: {  	s19 =	rddreg [dreg:$0xe];
	[sflag:s7] =	ssyncadd.s32 $0xFFFFF000  }
0x48: {  	[hbm4b:s19+s5] =	stream.linear.scatter [tilespmem:s12], [sflag:$0x7], $0x1000, $0x38;
	[tilespmem:$0x18000] =	vst v63  }
0x49: {  	_ =	swait.ge [sflag:s17], $0x1000  }
0x4a: {  	[sflag:s17] =	ssyncset.done $0x0  }
0x4b: {  	s19 =	rddreg [dreg:$0xf];
	[sflag:s17] =	ssyncadd.s32 $0xFFFFF000  }
0x4c: {  	[hbm4b:s19+s5] =	stream.linear.scatter [tilespmem:s13], [sflag:$0x8], $0x1000, $0x38;
	[tilespmem:$0x18000] =	vst v63  }
0x4d: {  	_ =	swait.ge [sflag:s14], $0x1000  }
0x4e: {  	[sflag:s14] =	ssyncset.done $0x0  }
0x4f: {  	s19 =	rddreg [dreg:$0x10];
	[sflag:s14] =	ssyncadd.s32 $0xFFFFF000  }
0x50: {  	[hbm4b:s19+s5] =	stream.linear.scatter [tilespmem:s31], [sflag:$0x1], $0x1000, $0x38;
	[tilespmem:$0x18000] =	vst v63  }
0x51: {  	_ =	swait.ge [sflag:s1], $0x1000  }
0x52: {  	[sflag:s1] =	ssyncset.done $0x0  }
0x53: {  	[sflag:s1] =	ssyncadd.s32 $0xFFFFF000  }
0x54: {  	_ =	swait.ge [sflag:s6], $0x1000  }
0x55: {  	[sflag:s6] =	ssyncset.done $0x0  }
0x56: {  	[sflag:s6] =	ssyncadd.s32 $0xFFFFF000  }
0x57: {  	_ =	swait.ge [sflag:s7], $0x1000  }
0x58: {  	[sflag:s7] =	ssyncset.done $0x0  }
0x59: {  	[sflag:s7] =	ssyncadd.s32 $0xFFFFF000  }
0x5a: {  	_ =	swait.ge [sflag:s17], $0x1000  }
0x5b: {  	[sflag:s17] =	ssyncset.done $0x0  }
0x5c: {  	[sflag:s17] =	ssyncadd.s32 $0xFFFFF000  }
0x5d: {  	_ =	swait.ge [sflag:s14], $0x1000  }
0x5e: {  	s18 =	sadd.s32 $0x1, s18;
	s19 =	rddreg [dreg:$0x13]  }
0x5f: {  	p0 =	sne.s32 s18, s19  }
.Ltmp1:
0x60: {  	_ = 	snop;
	(pc) =	sbr.rel @!p0 .LBB2_15-.Ltmp1, $3  }
0x61: {  	_ =	sdelay $0x1  }
0x62: {  	[sflag:s14] =	ssyncset.done $0x0  }
0x63: {  	[sflag:s14] =	ssyncadd.s32 $0xFFFFF000  }
.LBB2_1:
0x64: {  	s8 =	rddreg [dreg:$0x5]  }
0x65: {  	[tilespmem:s5], [sflag:$0x5] =	stream.linear.gather [hbm4b:s8+s5], $0x2800, $0x38;
	[tilespmem:$0x18000] =	vst v63  }
0x66: {  	s19 =	simm.s32 $0x2800;
	s8 =	rddreg [dreg:$0x6]  }
0x67: {  	[tilespmem:s19], [sflag:$0x6] =	stream.linear.gather [hbm4b:s8+s5], $0x2800, $0x38;
	[tilespmem:$0x18000] =	vst v63  }
0x68: {  	s19 =	rddreg [dreg:$0x1]  }
0x69: {  	[tilespmem:s31], [sflag:$0x9] =	stream.linear.gather [hbm4b:s19+s5], $0x1000, $0x38;
	[tilespmem:$0x18000] =	vst v63  }
0x6a: {  	_ =	swait.ge [sflag:s2], $0x1000  }
0x6b: {  	[sflag:s2] =	ssyncset.done $0x0  }
0x6c: {  	[sflag:s2] =	ssyncadd.s32 $0xFFFFF000  }
0x6d: {  	[spmem:s29] =	stream.linear.scatter [tilespmem:s31], [sflag:$0x7], $0x1000, $0x38;
	[tilespmem:$0x18000] =	vst v63  }
0x6e: {  	_ = 	snop  }
0x6f: {  	[spmem:s30] =	stream.linear.scatter [tilespmem:s31], [sflag:$0x7], $0x1000, $0x38;
	[tilespmem:$0x18000] =	vst v63  }
0x70: {  	_ = 	snop  }
0x71: {  	[spmem:s24] =	stream.linear.scatter [tilespmem:s31], [sflag:$0x7], $0x1000, $0x38;
	[tilespmem:$0x18000] =	vst v63  }
0x72: {  	_ = 	snop  }
0x73: {  	[spmem:s26] =	stream.linear.scatter [tilespmem:s31], [sflag:$0x7], $0x1000, $0x38;
	[tilespmem:$0x18000] =	vst v63  }
0x74: {  	_ = 	snop  }
0x75: {  	[spmem:s22] =	stream.linear.scatter [tilespmem:s31], [sflag:$0x7], $0x1000, $0x38;
	[tilespmem:$0x18000] =	vst v63  }
0x76: {  	s19 =	smov.u32 s26;
	s29 =	simm.s32 $0xA000;
	s26 =	rddreg [dreg:$0x7]  }
0x77: {  	[tilespmem:s29], [sflag:$0x4] =	stream.linear.gather [hbm4b:s26+s5], $0x4000, $0x38;
	[tilespmem:$0x18000] =	vst v63  }
0x78: {  	_ =	swait.ge [sflag:s0], $0x4000  }
0x79: {  	[sflag:s0] =	ssyncset.done $0x0  }
0x7a: {  	s30 =	sadd.s32 $0x0, s20;
	[sflag:s0] =	ssyncadd.s32 $0xFFFFC000  }
0x7b: {  	[spmem:s30] =	stream.linear.scatter [tilespmem:s29], [sflag:$0x9], $0x20, $0x38;
	[tilespmem:$0x18000] =	vst v63  }
0x7c: {  	s30 =	simm.s32 $0x80  }
.LBB2_2:
0x7d: {  	p0 =	sne.s32 s30, $0x3F80  }
.Ltmp2:
0x7e: {  	_ = 	snop;
	(pc) =	sbr.rel @p0 .LBB2_2-.Ltmp2, $4  }
0x7f: {  	_ = 	snop  }
0x80: {  	s8 =	sshra.s32 s30, $0x2;
	s30 =	sadd.s32 $0x80, s30  }
0x81: {  	s29 =	sadd.s32 $0x80, s29;
	s8 =	sadd.s32 s8, s20  }
0x82: {  	[spmem:s8] =	stream.linear.scatter [tilespmem:s29], [sflag:$0x9], $0x20, $0x38;
	[tilespmem:$0x18000] =	vst v63  }
0x83: {  	_ =	swait.ge [sflag:s2], $0x1000  }
0x84: {  	s8 =	simm.s32 $0x0;
	[sflag:s2] =	ssyncset.done $0x0  }
0x85: {  	s29 =	simm.s32 $0xA000;
	s30 =	rddreg [dreg:$0x8];
	[sflag:s2] =	ssyncadd.s32 $0xFFFFF000  }
0x86: {  	[tilespmem:s29], [sflag:$0x4] =	stream.linear.gather [hbm4b:s30+s8], $0x4000, $0x38;
	[tilespmem:$0x18000] =	vst v63  }
0x87: {  	_ =	swait.ge [sflag:s0], $0x4000  }
0x88: {  	[sflag:s0] =	ssyncset.done $0x0  }
0x89: {  	s26 =	sadd.s32 $0x0, s21;
	s30 =	simm.s32 $0x80;
	[sflag:s0] =	ssyncadd.s32 $0xFFFFC000  }
0x8a: {  	[spmem:s26] =	stream.linear.scatter [tilespmem:s29], [sflag:$0x9], $0x20, $0x38;
	[tilespmem:$0x18000] =	vst v63  }
.LBB2_4:
0x8b: {  	p0 =	sne.s32 s30, $0x3F80  }
.Ltmp3:
0x8c: {  	_ = 	snop;
	(pc) =	sbr.rel @p0 .LBB2_4-.Ltmp3, $4  }
0x8d: {  	_ = 	snop  }
0x8e: {  	s8 =	sshra.s32 s30, $0x2;
	s30 =	sadd.s32 $0x80, s30  }
0x8f: {  	s29 =	sadd.s32 $0x80, s29;
	s8 =	sadd.s32 s8, s21  }
0x90: {  	[spmem:s8] =	stream.linear.scatter [tilespmem:s29], [sflag:$0x9], $0x20, $0x38;
	[tilespmem:$0x18000] =	vst v63  }
0x91: {  	_ =	swait.ge [sflag:s2], $0x1000  }
0x92: {  	s8 =	simm.s32 $0x0;
	[sflag:s2] =	ssyncset.done $0x0  }
0x93: {  	s29 =	simm.s32 $0xA000;
	s30 =	rddreg [dreg:$0x9];
	[sflag:s2] =	ssyncadd.s32 $0xFFFFF000  }
0x94: {  	[tilespmem:s29], [sflag:$0x4] =	stream.linear.gather [hbm4b:s30+s8], $0x4000, $0x38;
	[tilespmem:$0x18000] =	vst v63  }
0x95: {  	_ =	swait.ge [sflag:s0], $0x4000  }
0x96: {  	[sflag:s0] =	ssyncset.done $0x0  }
0x97: {  	s26 =	sadd.s32 $0x0, s23;
	s30 =	simm.s32 $0x80;
	[sflag:s0] =	ssyncadd.s32 $0xFFFFC000  }
0x98: {  	[spmem:s26] =	stream.linear.scatter [tilespmem:s29], [sflag:$0x9], $0x20, $0x38;
	[tilespmem:$0x18000] =	vst v63  }
.LBB2_6:
0x99: {  	p0 =	sne.s32 s30, $0x3F80  }
.Ltmp4:
0x9a: {  	_ = 	snop;
	(pc) =	sbr.rel @p0 .LBB2_6-.Ltmp4, $4  }
0x9b: {  	_ = 	snop  }
0x9c: {  	s8 =	sshra.s32 s30, $0x2;
	s30 =	sadd.s32 $0x80, s30  }
0x9d: {  	s29 =	sadd.s32 $0x80, s29;
	s8 =	sadd.s32 s8, s23  }
0x9e: {  	[spmem:s8] =	stream.linear.scatter [tilespmem:s29], [sflag:$0x9], $0x20, $0x38;
	[tilespmem:$0x18000] =	vst v63  }
0x9f: {  	_ =	swait.ge [sflag:s2], $0x1000  }
0xa0: {  	s8 =	simm.s32 $0x0;
	[sflag:s2] =	ssyncset.done $0x0  }
0xa1: {  	s29 =	simm.s32 $0xA000;
	s30 =	rddreg [dreg:$0xa];
	[sflag:s2] =	ssyncadd.s32 $0xFFFFF000  }
0xa2: {  	[tilespmem:s29], [sflag:$0x4] =	stream.linear.gather [hbm4b:s30+s8], $0x4000, $0x38;
	[tilespmem:$0x18000] =	vst v63  }
0xa3: {  	_ =	swait.ge [sflag:s0], $0x4000  }
0xa4: {  	[sflag:s0] =	ssyncset.done $0x0  }
0xa5: {  	s26 =	sadd.s32 $0x0, s25;
	s30 =	simm.s32 $0x80;
	[sflag:s0] =	ssyncadd.s32 $0xFFFFC000  }
0xa6: {  	[spmem:s26] =	stream.linear.scatter [tilespmem:s29], [sflag:$0x9], $0x20, $0x38;
	[tilespmem:$0x18000] =	vst v63  }
.LBB2_8:
0xa7: {  	p0 =	sne.s32 s30, $0x3F80  }
.Ltmp5:
0xa8: {  	_ = 	snop;
	(pc) =	sbr.rel @p0 .LBB2_8-.Ltmp5, $4  }
0xa9: {  	_ = 	snop  }
0xaa: {  	s8 =	sshra.s32 s30, $0x2;
	s30 =	sadd.s32 $0x80, s30  }
0xab: {  	s29 =	sadd.s32 $0x80, s29;
	s8 =	sadd.s32 s8, s25  }
0xac: {  	[spmem:s8] =	stream.linear.scatter [tilespmem:s29], [sflag:$0x9], $0x20, $0x38;
	[tilespmem:$0x18000] =	vst v63  }
0xad: {  	_ =	swait.ge [sflag:s2], $0x1000  }
0xae: {  	s8 =	simm.s32 $0x0;
	[sflag:s2] =	ssyncset.done $0x0  }
0xaf: {  	s29 =	simm.s32 $0xA000;
	s30 =	rddreg [dreg:$0xb];
	[sflag:s2] =	ssyncadd.s32 $0xFFFFF000  }
0xb0: {  	[tilespmem:s29], [sflag:$0x4] =	stream.linear.gather [hbm4b:s30+s8], $0x4000, $0x38;
	[tilespmem:$0x18000] =	vst v63  }
0xb1: {  	_ =	swait.ge [sflag:s0], $0x4000  }
0xb2: {  	[sflag:s0] =	ssyncset.done $0x0  }
0xb3: {  	s26 =	sadd.s32 $0x0, s28;
	s30 =	simm.s32 $0x80;
	[sflag:s0] =	ssyncadd.s32 $0xFFFFC000  }
0xb4: {  	[spmem:s26] =	stream.linear.scatter [tilespmem:s29], [sflag:$0x9], $0x20, $0x38;
	[tilespmem:$0x18000] =	vst v63  }
.LBB2_10:
0xb5: {  	p0 =	sne.s32 s30, $0x3F80  }
.Ltmp6:
0xb6: {  	_ = 	snop;
	(pc) =	sbr.rel @p0 .LBB2_10-.Ltmp6, $4  }
0xb7: {  	_ = 	snop  }
0xb8: {  	s8 =	sshra.s32 s30, $0x2;
	s30 =	sadd.s32 $0x80, s30  }
0xb9: {  	s29 =	sadd.s32 $0x80, s29;
	s8 =	sadd.s32 s8, s28  }
0xba: {  	[spmem:s8] =	stream.linear.scatter [tilespmem:s29], [sflag:$0x9], $0x20, $0x38;
	[tilespmem:$0x18000] =	vst v63  }
0xbb: {  	_ =	swait.ge [sflag:s2], $0x1000  }
0xbc: {  	[sflag:s2] =	ssyncset.done $0x0  }
0xbd: {  	[sflag:s2] =	ssyncadd.s32 $0xFFFFF000  }
0xbe: {  	_ =	swait.ge [sflag:s1], $0x2800  }
0xbf: {  	[sflag:s1] =	ssyncset.done $0x0  }
0xc0: {  	[sflag:s1] =	ssyncadd.s32 $0xFFFFD800  }
0xc1: {  	_ =	swait.ge [sflag:s6], $0x2800  }
0xc2: {  	[sflag:s6] =	ssyncset.done $0x0  }
0xc3: {  	[sflag:s6] =	ssyncadd.s32 $0xFFFFD800  }
0xc4: {  	_ =	swait.ge [sflag:s7], $0x1000  }
0xc5: {  	[sflag:s7] =	ssyncset.done $0x0  }
0xc6: {  	[sflag:s7] =	ssyncadd.s32 $0xFFFFF000  }
0xc7: {  	_ =	swait.ge [sflag:s7], $0x1000  }
0xc8: {  	[sflag:s7] =	ssyncset.done $0x0  }
0xc9: {  	[sflag:s7] =	ssyncadd.s32 $0xFFFFF000  }
0xca: {  	_ =	swait.ge [sflag:s7], $0x1000  }
0xcb: {  	[sflag:s7] =	ssyncset.done $0x0  }
0xcc: {  	[sflag:s7] =	ssyncadd.s32 $0xFFFFF000  }
0xcd: {  	_ =	swait.ge [sflag:s7], $0x1000  }
0xce: {  	[sflag:s7] =	ssyncset.done $0x0  }
0xcf: {  	[sflag:s7] =	ssyncadd.s32 $0xFFFFF000  }
0xd0: {  	_ =	swait.ge [sflag:s7], $0x1000  }
0xd1: {  	[sflag:s7] =	ssyncset.done $0x0  }
0xd2: {  	[sflag:s7] =	ssyncadd.s32 $0xFFFFF000  }
0xd3: {  	s30 =	simm.s32 $0x0;
	[bflag:$0x0] =	sbarrier.arrive $0xFFFF  }
0xd4: {  	[tilespmem:s10], [sflag:$0x1] =	stream.indirect.gather [spmem:s4], $0x20, s30, s9, $0xb8;
	[tilespmem:$0x18000] =	vst v63  }
0xd5: {  	s8 =	simm.s32 $0x80  }
0xd6: {  	[tilespmem:s11], [sflag:$0x2] =	stream.indirect.gather [spmem:s4], $0x20, s8, s9, $0xb8;
	[tilespmem:$0x18000] =	vst v63  }
0xd7: {  	s26 =	simm.s32 $0x100  }
0xd8: {  	[tilespmem:s12], [sflag:$0x3] =	stream.indirect.gather [spmem:s4], $0x20, s26, s9, $0xb8;
	[tilespmem:$0x18000] =	vst v63  }
0xd9: {  	s29 =	simm.s32 $0x180  }
0xda: {  	[tilespmem:s13], [sflag:$0x4] =	stream.indirect.gather [spmem:s4], $0x20, s29, s9, $0xb8;
	[tilespmem:$0x18000] =	vst v63  }
0xdb: {  	_ =	swait.ge [sflag:s14], $0xFA0  }
0xdc: {  	[sflag:s14] =	ssyncset.done $0x0  }
0xdd: {  	s26 =	simm.s32 $0x2800;
	[sflag:s14] =	ssyncadd.s32 $0xFFFFF060  }
0xde: {  	[spmem:s3] =	stream.indirect.scatter.add.f32 [tilespmem:s10], [sflag:$0x5], $0x20, s26, s9, $0xb8;
	[tilespmem:$0x18000] =	vst v63  }
0xdf: {  	_ =	swait.ge [sflag:s15], $0xFA0  }
0xe0: {  	[sflag:s15] =	ssyncset.done $0x0  }
0xe1: {  	s29 =	simm.s32 $0x2880;
	[sflag:s15] =	ssyncadd.s32 $0xFFFFF060  }
0xe2: {  	[spmem:s3] =	stream.indirect.scatter.add.f32 [tilespmem:s11], [sflag:$0x6], $0x20, s29, s9, $0xb8;
	[tilespmem:$0x18000] =	vst v63  }
0xe3: {  	_ =	swait.ge [sflag:s16], $0xFA0  }
0xe4: {  	[sflag:s16] =	ssyncset.done $0x0  }
0xe5: {  	s26 =	simm.s32 $0x2900;
	[sflag:s16] =	ssyncadd.s32 $0xFFFFF060  }
0xe6: {  	[spmem:s3] =	stream.indirect.scatter.add.f32 [tilespmem:s12], [sflag:$0x7], $0x20, s26, s9, $0xb8;
	[tilespmem:$0x18000] =	vst v63  }
0xe7: {  	_ =	swait.ge [sflag:s1], $0xFA0  }
0xe8: {  	[sflag:s1] =	ssyncset.done $0x0  }
0xe9: {  	s29 =	simm.s32 $0x200;
	[sflag:s1] =	ssyncadd.s32 $0xFFFFF060  }
0xea: {  	[tilespmem:s10], [sflag:$0x1] =	stream.indirect.gather [spmem:s4], $0x20, s29, s9, $0xb8;
	[tilespmem:$0x18000] =	vst v63  }
0xeb: {  	_ =	swait.ge [sflag:s0], $0xFA0  }
0xec: {  	[sflag:s0] =	ssyncset.done $0x0  }
0xed: {  	s26 =	simm.s32 $0x2980;
	[sflag:s0] =	ssyncadd.s32 $0xFFFFF060  }
0xee: {  	[spmem:s3] =	stream.indirect.scatter.add.f32 [tilespmem:s13], [sflag:$0x8], $0x20, s26, s9, $0xb8;
	[tilespmem:$0x18000] =	vst v63  }
0xef: {  	_ =	swait.ge [sflag:s6], $0xFA0  }
0xf0: {  	[sflag:s6] =	ssyncset.done $0x0  }
0xf1: {  	s29 =	simm.s32 $0x280;
	[sflag:s6] =	ssyncadd.s32 $0xFFFFF060  }
0xf2: {  	[tilespmem:s11], [sflag:$0x2] =	stream.indirect.gather [spmem:s4], $0x20, s29, s9, $0xb8;
	[tilespmem:$0x18000] =	vst v63  }
.LBB2_12:
0xf3: {  	_ =	swait.ge [sflag:s14], $0xFA0  }
0xf4: {  	s29 =	sshra.s32 s30, $0x2;
	[sflag:s14] =	ssyncset.done $0x0  }
0xf5: {  	s8 =	sadd.s32 $0x2A00, s29;
	[sflag:s14] =	ssyncadd.s32 $0xFFFFF060  }
0xf6: {  	[spmem:s3] =	stream.indirect.scatter.add.f32 [tilespmem:s10], [sflag:$0x5], $0x20, s8, s9, $0xb8;
	[tilespmem:$0x18000] =	vst v63  }
0xf7: {  	_ =	swait.ge [sflag:s7], $0xFA0  }
0xf8: {  	[sflag:s7] =	ssyncset.done $0x0  }
0xf9: {  	s26 =	sadd.s32 $0x300, s29;
	[sflag:s7] =	ssyncadd.s32 $0xFFFFF060  }
0xfa: {  	[tilespmem:s12], [sflag:$0x3] =	stream.indirect.gather [spmem:s4], $0x20, s26, s9, $0xb8;
	[tilespmem:$0x18000] =	vst v63  }
0xfb: {  	_ =	swait.ge [sflag:s15], $0xFA0  }
0xfc: {  	[sflag:s15] =	ssyncset.done $0x0  }
0xfd: {  	s26 =	sadd.s32 $0x2A80, s29;
	[sflag:s15] =	ssyncadd.s32 $0xFFFFF060  }
0xfe: {  	[spmem:s3] =	stream.indirect.scatter.add.f32 [tilespmem:s11], [sflag:$0x6], $0x20, s26, s9, $0xb8;
	[tilespmem:$0x18000] =	vst v63  }
0xff: {  	_ =	swait.ge [sflag:s17], $0xFA0  }
0x100: {  	[sflag:s17] =	ssyncset.done $0x0  }
0x101: {  	p0 =	seq.s32 s30, $0x9000;
	s26 =	sadd.s32 $0x380, s29;
	[sflag:s17] =	ssyncadd.s32 $0xFFFFF060  }
0x102: {  	[tilespmem:s13], [sflag:$0x4] =	stream.indirect.gather [spmem:s4], $0x20, s26, s9, $0xb8;
	[tilespmem:$0x18000] =	vst v63  }
.Ltmp7:
0x103: {  	_ = 	snop;
	(pc) =	sbr.rel @p0 .LBB2_14-.Ltmp7, $4  }
0x104: {  	_ =	swait.ge [sflag:s16], $0xFA0  }
0x105: {  	[sflag:s16] =	ssyncset.done $0x0  }
0x106: {  	s26 =	sadd.s32 $0x2B00, s29;
	[sflag:s16] =	ssyncadd.s32 $0xFFFFF060  }
0x107: {  	[spmem:s3] =	stream.indirect.scatter.add.f32 [tilespmem:s12], [sflag:$0x7], $0x20, s26, s9, $0xb8;
	[tilespmem:$0x18000] =	vst v63  }
0x108: {  	_ =	swait.ge [sflag:s1], $0xFA0  }
0x109: {  	[sflag:s1] =	ssyncset.done $0x0  }
0x10a: {  	s8 =	sadd.s32 $0x400, s29;
	[sflag:s1] =	ssyncadd.s32 $0xFFFFF060  }
0x10b: {  	[tilespmem:s10], [sflag:$0x1] =	stream.indirect.gather [spmem:s4], $0x20, s8, s9, $0xb8;
	[tilespmem:$0x18000] =	vst v63  }
0x10c: {  	_ =	swait.ge [sflag:s0], $0xFA0  }
0x10d: {  	[sflag:s0] =	ssyncset.done $0x0  }
0x10e: {  	s26 =	sadd.s32 $0x2B80, s29;
	[sflag:s0] =	ssyncadd.s32 $0xFFFFF060  }
0x10f: {  	[spmem:s3] =	stream.indirect.scatter.add.f32 [tilespmem:s13], [sflag:$0x8], $0x20, s26, s9, $0xb8;
	[tilespmem:$0x18000] =	vst v63  }
.Ltmp8:
0x110: {  	_ = 	snop;
	(pc) =	sbr.rel .LBB2_12-.Ltmp8, $4  }
0x111: {  	_ =	swait.ge [sflag:s6], $0xFA0  }
0x112: {  	[sflag:s6] =	ssyncset.done $0x0  }
0x113: {  	s29 =	sadd.s32 $0x480, s29;
	s30 =	sadd.s32 $0x800, s30;
	[sflag:s6] =	ssyncadd.s32 $0xFFFFF060  }
0x114: {  	[tilespmem:s11], [sflag:$0x2] =	stream.indirect.gather [spmem:s4], $0x20, s29, s9, $0xb8;
	[tilespmem:$0x18000] =	vst v63  }
.LBB2_15:
0x115: {  	_ =	sfence.sel $0x180000  }
0x116: {  	[bflag:$0x0] =	sbarrier.arrive $0xFFFF  }
0x117: {  	_ =	strace $0x9000004A  }
0x118: {  	s0 =	stileid.u32;
	[bflag:$0x2] =	sbarrier.arrive $0xFFFF  }
0x119: {  	p0 =	sne.s32 s0, $0x0;
	s0 =	rddreg [dreg:$0x4]  }
0x11a: {  	s0 =	sadd.s32 @!p0 $0x100000, s0  }
0x11b: {  	[sflag:s0] =	ssyncadd.tile.s32 @!p0 $0x1;
	_ =	shalt  }
.Lfunc_end2:
_tile_overlayer_lowered:
.L_overlay_start_2:
0x11c: {  	(tag) =	ssettag $0x2  }
0x11d: {  	s0 =	rddreg [dreg:$0x0];
	s2 =	stileid.u32  }
0x11e: {  	s1 =	rddreg [dreg:$0x1];
	p0 =	sne.s32 s2, $0x0  }
0x11f: {  	s3 =	rddreg [dreg:$0x2];
	[bflag:$0x3] =	sbarrier.arrive $0xFFFF;
	s2 =	simm.s32 @!p0 $0x1C09  }
0x120: {  	[timem:s3], [sflag:s2] =	dma.local @!p0 [hbm:s0], s1  }
0x121: {  	s0 =	simm.s32 @!p0 $0x9  }
0x122: {  	_ =	swait.ge @!p0 [sflag:s0], s1  }
0x123: {  	s1 =	ssub.s32 @!p0 $0x0, s1;
	[sflag:s0] =	ssyncset.done @!p0 $0x0  }
0x124: {  	[sflag:s0] =	ssyncadd.s32 @!p0 s1  }
0x125: {  	[bflag:$0x3] =	sbarrier.arrive $0xFFFF  }
0x126: {  	_ =	shalt  }

// kernel: kernel.17.cloned.1.call-start
scs
__scs_entry_jumppad:
0x0: {  	(pc) =	sbr.rel $0x88, $3  }
0x1: {  	(tag) =	ssettag $0x0;
	lr =	simm.s32 $0x1  }
0x2: {  	[smem:$0x3F99] =	sst lr;
	_ =	strace $0xD0000000  }
0x3: {  	_ = 	snop  }
0x4: {  	_ = 	snop  }
0x5: {  	_ = 	snop  }
0x6: {  	_ = 	snop  }
0x7: {  	_ = 	snop  }
__scs_overlays_trampoline_lowered:
0x8: {  	[smem:$0x3FA8] =	sst s0  }
0x9: {  	[smem:$0x3FA9] =	sst s1  }
0xa: {  	[smem:$0x3FAA] =	sst s2  }
0xb: {  	[smem:$0x3FAB] =	sst s3  }
0xc: {  	[smem:$0x3FAC] =	sst s4  }
0xd: {  	[smem:$0x3FAD] =	sst s5  }
0xe: {  	[smem:$0x3FAE] =	sst s6  }
0xf: {  	[smem:$0x3FAF] =	sst s7  }
0x10: {  	[smem:$0x3FB0] =	sst s8  }
0x11: {  	[smem:$0x3FB1] =	sst s9;
	s0 =	simm.s32 @!p0 $0x0  }
0x12: {  	s1 =	sld [smem:$0x3F97];
	s0 =	simm.s32 @p0 $0x1  }
0x13: {  	[smem:$0x3FB2] =	sst s0;
	s0 =	simm.s32 @!p1 $0x0  }
0x14: {  	s2 =	sld [smem:$0x3F96];
	s0 =	simm.s32 @p1 $0x1  }
0x15: {  	[smem:$0x3FB3] =	sst s0;
	s0 =	simm.s32 @!p2 $0x0  }
0x16: {  	s3 =	sld [smem:$0x3FDB];
	s0 =	simm.s32 @p2 $0x1  }
0x17: {  	s4 =	simm.s32 $0x1BF5;
	[smem:$0x3FB5] =	sst s0  }
0x18: {  	s0 =	sld [smem:$0x3F98];
	_ =	swait.ge [sflag:s4], $0x0  }
0x19: {  	s7 =	sld [smem:$0x3F99]  }
0x1a: {  	s8 =	sadd.s32 $0xFFFFE003, lr  }
0x1b: {  	s9 =	sadd.s32 $0xFFFFFEF7, lr;
	s5 =	simm.s32 $0xFFFFFFFF;
	p2 =	slt.u32 s8, $0xFFFFF086  }
0x1c: {  	p1 =	slt.u32 s9, $0xF7A;
	s5 =	simm.s32 @!p2 $0x0  }
0x1d: {  	s5 =	simm.s32 @p1 $0x1;
	p0 =	seq.s32 s7, s2  }
0x1e: {  	s7 =	smul.u32 @!p0 $0xF7A, s2;
	p2 =	seq.s32 @!p0 s5, $0x0  }
0x1f: {  	s9 =	smul.u32 $0xF7A, s1;
	s8 =	simm.s32 @!p0 $0x1BF5;
	p2 =	por !p2, p0  }
0x20: {  	[sflag:s8] =	ssyncset.s32 @!p0 $0xFFFFF086;
	s6 =	sadd.s32 @!p0 s3, s7;
	s7 =	simm.s32 @!p0 $0x108  }
0x21: {  	s3 =	sadd.s32 s3, s9;
	s6 =	sadd.s32 @!p0 $0x88, s6;
	s7 =	simm.s32 @p2 $0x1082  }
0x22: {  	[simem:s7], [sflag:s8] =	dma.local @!p0 [hbm:s6], $0xF7A  }
0x23: {  	s9 =	sor.u32 $0xD0000000, s2;
	s6 =	simm.s32 $0x108;
	_ =	swait.ge @!p0 [sflag:s8], $0x0  }
0x24: {  	s3 =	sadd.s32 $0x88, s3;
	s6 =	simm.s32 @!p1 $0x1082;
	[sflag:s4] =	ssyncset.s32 $0xFFFFF086  }
0x25: {  	[simem:s6], [sflag:s4] =	dma.local [hbm:s3], $0xF7A  }
0x26: {  	[smem:$0x3F99] =	sst s1;
	(tag) =	ssettag s2;
	_ =	strace s9  }
0x27: {  	s1 =	sld [smem:$0x3FA9]  }
0x28: {  	s2 =	sld [smem:$0x3FAA]  }
0x29: {  	s4 =	sld [smem:$0x3FAC]  }
0x2a: {  	p0 =	seq.s32 s5, $0x0;
	s5 =	sld [smem:$0x3FAD]  }
0x2b: {  	s6 =	sld [smem:$0x3FAE]  }
0x2c: {  	s7 =	sld [smem:$0x3FAF]  }
0x2d: {  	s3 =	simm.s32 $0x108;
	s8 =	sld [smem:$0x3FB0]  }
0x2e: {  	s3 =	simm.s32 @!p0 $0x1082;
	s9 =	sld [smem:$0x3FB1]  }
0x2f: {  	lr =	sadd.s32 s0, s3;
	s0 =	sld [smem:$0x3FA8]  }
0x30: {  	s3 =	sld [smem:$0x3FAB]  }
0x31: {  	[smem:$0x3FB4] =	sst s10  }
0x32: {  	s10 =	sld [smem:$0x3FB2];
	_ =	sdelay $0x3  }
0x33: {  	p0 =	seq.s32 s10, $0x1;
	s10 =	sld [smem:$0x3FB4];
	_ =	sdelay $0x3  }
0x34: {  	[smem:$0x3FB4] =	sst s10  }
0x35: {  	s10 =	sld [smem:$0x3FB3];
	_ =	sdelay $0x3  }
0x36: {  	p1 =	seq.s32 s10, $0x1;
	s10 =	sld [smem:$0x3FB4];
	_ =	sdelay $0x3  }
0x37: {  	[smem:$0x3FB4] =	sst s10  }
0x38: {  	s10 =	sld [smem:$0x3FB5]  }
0x39: {  	_ = 	snop;
	(pc) =	sbr.ind lr, $3  }
0x3a: {  	_ = 	snop  }
0x3b: {  	_ = 	snop  }
0x3c: {  	p2 =	seq.s32 s10, $0x1;
	s10 =	sld [smem:$0x3FB4]  }
0x3d: {  	_ =	shalt  }
0x3e: {  	_ =	shalt  }
0x3f: {  	_ =	shalt  }
0x40: {  	_ =	shalt  }
0x41: {  	_ =	shalt  }
0x42: {  	_ =	shalt  }
0x43: {  	_ =	shalt  }
0x44: {  	_ =	shalt  }
0x45: {  	_ =	shalt  }
0x46: {  	_ =	shalt  }
0x47: {  	_ =	shalt  }
0x48: {  	_ =	shalt  }
0x49: {  	_ =	shalt  }
0x4a: {  	_ =	shalt  }
0x4b: {  	_ =	shalt  }
0x4c: {  	_ =	shalt  }
0x4d: {  	_ =	shalt  }
0x4e: {  	_ =	shalt  }
0x4f: {  	_ =	shalt  }
0x50: {  	_ =	shalt  }
0x51: {  	_ =	shalt  }
0x52: {  	_ =	shalt  }
0x53: {  	_ =	shalt  }
0x54: {  	_ =	shalt  }
0x55: {  	_ =	shalt  }
0x56: {  	_ =	shalt  }
0x57: {  	_ =	shalt  }
0x58: {  	_ =	shalt  }
0x59: {  	_ =	shalt  }
0x5a: {  	_ =	shalt  }
0x5b: {  	_ =	shalt  }
0x5c: {  	_ =	shalt  }
0x5d: {  	_ =	shalt  }
0x5e: {  	_ =	shalt  }
0x5f: {  	_ =	shalt  }
0x60: {  	_ =	shalt  }
0x61: {  	_ =	shalt  }
0x62: {  	_ =	shalt  }
0x63: {  	_ =	shalt  }
0x64: {  	_ =	shalt  }
0x65: {  	_ =	shalt  }
0x66: {  	_ =	shalt  }
0x67: {  	_ =	shalt  }
0x68: {  	_ =	shalt  }
0x69: {  	_ =	shalt  }
0x6a: {  	_ =	shalt  }
0x6b: {  	_ =	shalt  }
0x6c: {  	_ =	shalt  }
0x6d: {  	_ =	shalt  }
0x6e: {  	_ =	shalt  }
0x6f: {  	_ =	shalt  }
0x70: {  	_ =	shalt  }
0x71: {  	_ =	shalt  }
0x72: {  	_ =	shalt  }
0x73: {  	_ =	shalt  }
0x74: {  	_ =	shalt  }
0x75: {  	_ =	shalt  }
0x76: {  	_ =	shalt  }
0x77: {  	_ =	shalt  }
0x78: {  	_ =	shalt  }
0x79: {  	_ =	shalt  }
0x7a: {  	_ =	shalt  }
0x7b: {  	_ =	shalt  }
0x7c: {  	_ =	shalt  }
0x7d: {  	_ =	shalt  }
0x7e: {  	_ =	shalt  }
0x7f: {  	_ =	shalt  }
0x80: {  	_ =	shalt  }
0x81: {  	_ =	shalt  }
0x82: {  	_ =	shalt  }
0x83: {  	_ =	shalt  }
0x84: {  	_ =	shalt  }
0x85: {  	_ =	shalt  }
0x86: {  	_ =	shalt  }
0x87: {  	_ =	shalt  }
.Lfunc_end0:
.L_simem_size_0:
called_computation.2_lowered:
.L_overlay_start_0:
0x88: {  	s2 =	sld [smem:$0x3FD9]  }
0x89: {  	s3 =	sld [smem:$0x3FFE];
	_ =	sdelay $0x1  }
0x8a: {  	s1 =	srdreg.scid  }
0x8b: {  	s0 =	sand.u32 $0x1, s1  }
0x8c: {  	s17 =	sshll.u32 s0, $0xA;
	s2 =	sadd.s32 s3, s2  }
0x8d: {  	s2 =	sadd.s32 s2, s17  }
0x8e: {  	[smem:$0x3FC0] =	sst s2  }
0x8f: {  	_ = 	snop  }
0x90: {  	s2 =	sld [smem:$0x3FD0];
	(tm) =	ssettm $0x1  }
0x91: {  	s18 =	sld [smem:$0x3FFB];
	_ =	sdelay $0x3  }
0x92: {  	_ =	strace s18  }
0x93: {  	s3 =	sld [smem:$0x3FFC];
	_ =	sdelay $0x3  }
0x94: {  	_ =	strace s3  }
0x95: {  	s3 =	sld [smem:$0x3FFD];
	_ =	sdelay $0x3  }
0x96: {  	_ =	strace s3  }
0x97: {  	_ =	strace $0x8FFFFFFF  }
0x98: {  	s19 =	sld [smem:$0x3FDB];
	_ =	sdelay $0x1  }
0x99: {  	s4 =	simm.s32 $_scs_section_size  }
0x9a: {  	s5 =	simm.s32 $_size__tile_overlayer_lowered;
	s6 =	simm.s32 $_tile_overlayer_lowered  }
0x9b: {  	s22 =	simm.s32 $0x1BFF;
	s21 =	sshll.u32 s6, $0x1;
	s3 =	sadd.s32 s4, s19  }
0x9c: {  	s7 =	simm.s32 $0x0;
	s20 =	sshll.u32 s5, $0x1;
	s5 =	sadd.s32 s21, s3  }
0x9d: {  	[timem:s7], [sflag:s22] =	dma.local [hbm:s5], s20  }
0x9e: {  	_ =	swait.ge [sflag:s22], s20  }
0x9f: {  	s4 =	ssub.s32 $0x0, s20;
	[sflag:s22] =	ssyncset.done $0x0  }
0xa0: {  	[sflag:s22] =	ssyncadd.s32 s4;
	_ =	sdelay $0x1  }
0xa1: {  	s23 =	simm.s32 $0x1B8B  }
0xa2: {  	_ =	swait.ge [sflag:s23], $0x1  }
0xa3: {  	[sflag:s23] =	ssyncset.done $0x0  }
0xa4: {  	s25 =	simm.s32 $0x1B8E;
	s24 =	sld [smem:$0x3FFE];
	[sflag:s23] =	ssyncadd.s32 $0xFFFFFFFF  }
0xa5: {  	s26 =	simm.s32 $execute0_lowered;
	[smem:$0x3FD2] =	sst s25  }
0xa6: {  	s5 =	sshll.u32 s26, $0x1;
	_ =	strace $0x8000004C;
	[dreg:$0x1] =	wrdreg $0xFFFFFFFF  }
0xa7: {  	s28 =	simm.s32 $_size_execute0_lowered;
	s3 =	sadd.s32 s3, s5;
	[dreg:$0x0] =	wrdreg $0x0  }
0xa8: {  	s5 =	sshll.u32 s28, $0x1;
	[dreg:$0x2] =	wrdreg s3  }
0xa9: {  	[dreg:$0x3] =	wrdreg s5  }
0xaa: {  	[dreg:$0x4] =	wrdreg $0xC0  }
0xab: {  	_ =	task [dreg:s7], $0x5FFFF  }
0xac: {  	[dreg:$0x1] =	wrdreg $0xFFFFFFFF  }
0xad: {  	[dreg:$0x0] =	wrdreg $0x60  }
0xae: {  	[dreg:$0x2] =	wrdreg s24  }
0xaf: {  	[dreg:$0x3] =	wrdreg s2  }
0xb0: {  	[dreg:$0x4] =	wrdreg $0xB8000  }
0xb1: {  	[dreg:$0x5] =	wrdreg $0xE0000  }
0xb2: {  	[dreg:$0x6] =	wrdreg $0x9  }
0xb3: {  	_ =	task.clear_ibuf [dreg:s7], $0x7FFFF;
	_ =	strace $0x9000004C  }
0xb4: {  	s29 =	simm.s32 $0x9;
	_ =	strace $0x8000004E  }
0xb5: {  	_ =	swait.ge [sflag:s29], $0x1  }
0xb6: {  	[sflag:s29] =	ssyncadd.s32 $0xFFFFFFFF  }
0xb7: {  	_ =	strace $0x9000004E  }
0xb8: {  	_ =	sfence  }
0xb9: {  	s30 =	sld [smem:$0x0];
	_ =	sdelay $0x2  }
0xba: {  	s31 =	sshll.u32 s1, $0xD;
	s1 =	sshrl.u32 s1, $0x2  }
0xbb: {  	s3 =	sand.u32 $0x4000, s31;
	s1 =	sadd.s32 s1, s30  }
0xbc: {  	s0 =	sor.u32 s3, s0;
	s1 =	sshll.u32 s1, $0x11  }
0xbd: {  	s0 =	sor.u32 s1, s0  }
0xbe: {  	s0 =	sadd.s32 $0x8F2B, s0  }
0xbf: {  	[sflag:s0] =	ssyncadd.remote.s32 $0x1  }
0xc0: {  	_ =	sfence.sel $0xFFFF  }
0xc1: {  	[dreg:$0x0] =	wrdreg $0xFFFFFFFF;
	(pc) =	sbr.abs _section_cstart, $3  }
0xc2: {  	[dreg:$0x1] =	wrdreg $0xFFFFFFFF  }
0xc3: {  	_ =	task.clear_ibuf [dreg:s7], $0x2FFFF;
	_ =	strace $0x9FFFFFFF  }
0xc4: {  	(tm) =	ssettm $0x7FFFFFFF  }
0xc5: {  	_ =	shalt  }
tec
execute0_lowered:
.L_overlay_start_1:
0x0: {  	(tag) =	ssettag $0x1  }
0x1: {  	s0 =	rddreg [dreg:$0x0]  }
0x2: {  	s1 =	srdreg.scid;
	s3 =	rddreg [dreg:$0x2]  }
0x3: {  	s4 =	rddreg [dreg:$0x3];
	s9 =	stileid.u32;
	s5 =	simm.s32 $0x0  }
0x4: {  	s31 =	simm.s32 $0x7000;
	s30 =	simm.s32 $0x0;
	s1 =	sand.u32 $0x1, s1  }
0x5: {  	[smem:$0x7FF] =	sst s5;
	s7 =	sadd.s32 $0x17200, s0;
	s11 =	smul.u32 $0x280, s9  }
0x6: {  	s21 =	smul.u32 $0x2800, s9;
	s2 =	sshll.u32 s1, $0x4;
	_ =	strace $0x8000004D  }
0x7: {  	s6 =	smul.u32 $0x5000, s1;
	s1 =	ssub.s32 $0x2, s1;
	s2 =	sor.u32 s9, s2  }
0x8: {  	s8 =	sshrl.u32 s1, $0x1;
	s23 =	sadd.s32 $0x80, s11;
	s25 =	sadd.s32 s21, s3  }
0x9: {  	s15 =	sadd.s32 $0x100, s11;
	s17 =	sadd.s32 $0x180, s11;
	s11 =	sadd.s32 $0x200, s11  }
0xa: {  	s24 =	sadd.s32 s7, s21;
	s12 =	sadd.s32 s21, s4;
	s2 =	smul.u32 $0x500, s2  }
0xb: {  	s1 =	ssub.s32 s1, s8;
	s13 =	sshll.u32 s23, $0x4;
	s16 =	sshll.u32 s15, $0x4  }
0xc: {  	s18 =	sshll.u32 s17, $0x4;
	s19 =	sshll.u32 s11, $0x4;
	[dreg:$0x7] =	wrdreg s24  }
0xd: {  	s9 =	sshll.u32 s15, $0x1;
	s10 =	sshll.u32 s17, $0x1;
	s11 =	sshll.u32 s11, $0x1  }
0xe: {  	s29 =	sadd.s32 s13, s3;
	s26 =	sadd.s32 s7, s13;
	s14 =	sadd.s32 s13, s4  }
0xf: {  	s17 =	sadd.s32 s7, s16;
	s20 =	sadd.s32 s7, s18;
	s24 =	sadd.s32 s18, s4  }
0x10: {  	s28 =	sadd.s32 s19, s4;
	s2 =	sadd.s32 s2, s0;
	[dreg:$0x8] =	wrdreg s26  }
0x11: {  	s0 =	sadd.s32 s6, s0;
	s6 =	sshrl.u32 s21, $0x3;
	[dreg:$0xe] =	wrdreg s17  }
0x12: {  	s21 =	sadd.s32 s16, s4;
	[dreg:$0x10] =	wrdreg s20;
	s26 =	smax.u32 s1, $0x1  }
0x13: {  	s1 =	simm.s32 $0x9;
	s22 =	sadd.s32 $0x3200, s2;
	[dreg:$0x13] =	wrdreg s26  }
0x14: {  	s17 =	simm.s32 $0x6800;
	s2 =	sadd.s32 $0xD200, s2;
	[dreg:$0x5] =	wrdreg s22  }
0x15: {  	s20 =	simm.s32 $0x3;
	s0 =	sadd.s32 $0x3F200, s0;
	[dreg:$0x6] =	wrdreg s2  }
0x16: {  	s22 =	sadd.s32 s16, s3;
	s2 =	sshll.u32 s23, $0x1;
	s6 =	sadd.s32 s6, s0  }
0x17: {  	s13 =	sadd.s32 s9, s0;
	s15 =	sadd.s32 s10, s0;
	s9 =	sadd.s32 s18, s3  }
0x18: {  	s23 =	sadd.s32 s7, s19;
	s10 =	sadd.s32 s19, s3;
	[dreg:$0x9] =	wrdreg s6  }
0x19: {  	s7 =	simm.s32 $0x7;
	s16 =	simm.s32 $0x6000;
	[dreg:$0xb] =	wrdreg s13  }
0x1a: {  	s18 =	simm.s32 $0x1;
	s19 =	simm.s32 $0x2;
	[dreg:$0xc] =	wrdreg s15  }
.Ltmp0:
0x1b: {  	s2 =	sadd.s32 s2, s0;
	[dreg:$0x11] =	wrdreg s23;
	(pc) =	sbr.rel .LBB2_1-.Ltmp0, $4  }
0x1c: {  	s0 =	sadd.s32 s11, s0;
	s6 =	simm.s32 $0x6;
	[dreg:$0xf] =	wrdreg s9  }
0x1d: {  	s11 =	simm.s32 $0x7D;
	s13 =	simm.s32 $0x5000;
	[dreg:$0x12] =	wrdreg s10  }
0x1e: {  	s15 =	simm.s32 $0x5800;
	s23 =	simm.s32 $0x8;
	[dreg:$0xa] =	wrdreg s2  }
0x1f: {  	[dreg:$0xd] =	wrdreg s0;
	s2 =	simm.s32 $0x4;
	s0 =	simm.s32 $0x5  }
.LBB2_14:
0x20: {  	_ =	swait.ge [sflag:s2], $0x7D0  }
0x21: {  	[sflag:s2] =	ssyncset.done $0x0  }
0x22: {  	s8 =	simm.s32 $0x4F80;
	[sflag:s2] =	ssyncadd.s32 $0xFFFFF830  }
0x23: {  	[spmem:s3] =	stream.indirect.scatter.add.f32 [tilespmem:s17], [sflag:$0x8], $0x10, s8, s11, $0xb8;
	[tilespmem:$0x10800] =	vst v63  }
0x24: {  	_ =	swait.ge [sflag:s0], $0x7D0  }
0x25: {  	[sflag:s0] =	ssyncset.done $0x0  }
0x26: {  	[sflag:s0] =	ssyncadd.s32 $0xFFFFF830  }
0x27: {  	_ =	swait.ge [sflag:s6], $0x7D0  }
0x28: {  	[sflag:s6] =	ssyncset.done $0x0  }
0x29: {  	[sflag:s6] =	ssyncadd.s32 $0xFFFFF830  }
0x2a: {  	_ =	swait.ge [sflag:s7], $0x7D0  }
0x2b: {  	[sflag:s7] =	ssyncset.done $0x0  }
0x2c: {  	[sflag:s7] =	ssyncadd.s32 $0xFFFFF830  }
0x2d: {  	_ =	swait.ge [sflag:s23], $0x7D0  }
0x2e: {  	[sflag:s23] =	ssyncset.done $0x0  }
0x2f: {  	[sflag:s23] =	ssyncadd.s32 $0xFFFFF830  }
0x30: {  	[bflag:$0x0] =	sbarrier.arrive $0xFFFF  }
0x31: {  	[tilespmem:s13], [sflag:$0x5] =	stream.linear.gather [spmem:s9], $0x800, $0x38;
	[tilespmem:$0x10800] =	vst v63  }
0x32: {  	_ = 	snop  }
0x33: {  	[tilespmem:s15], [sflag:$0x6] =	stream.linear.gather [spmem:s10], $0x800, $0x38;
	[tilespmem:$0x10800] =	vst v63  }
0x34: {  	_ = 	snop  }
0x35: {  	[tilespmem:s16], [sflag:$0x7] =	stream.linear.gather [spmem:s26], $0x800, $0x38;
	[tilespmem:$0x10800] =	vst v63  }
0x36: {  	s25 =	smov.u32 s9;
	s9 =	rddreg [dreg:$0xf]  }
0x37: {  	[tilespmem:s17], [sflag:$0x8] =	stream.linear.gather [spmem:s9], $0x800, $0x38;
	[tilespmem:$0x10800] =	vst v63  }
0x38: {  	s29 =	smov.u32 s10;
	s10 =	rddreg [dreg:$0x12]  }
0x39: {  	[tilespmem:s31], [sflag:$0x1] =	stream.linear.gather [spmem:s10], $0x800, $0x38;
	[tilespmem:$0x10800] =	vst v63  }
0x3a: {  	_ =	swait.ge [sflag:s0], $0x800  }
0x3b: {  	[sflag:s0] =	ssyncset.done $0x0  }
0x3c: {  	s22 =	smov.u32 s26;
	s26 =	rddreg [dreg:$0x9];
	[sflag:s0] =	ssyncadd.s32 $0xFFFFF800  }
0x3d: {  	[hbm4b:s26+s5] =	stream.linear.scatter [tilespmem:s13], [sflag:$0x5], $0x800, $0x38;
	[tilespmem:$0x10800] =	vst v63  }
0x3e: {  	_ =	swait.ge [sflag:s6], $0x800  }
0x3f: {  	[sflag:s6] =	ssyncset.done $0x0  }
0x40: {  	s26 =	rddreg [dreg:$0xa];
	[sflag:s6] =	ssyncadd.s32 $0xFFFFF800  }
0x41: {  	[hbm4b:s26+s5] =	stream.linear.scatter [tilespmem:s15], [sflag:$0x6], $0x800, $0x38;
	[tilespmem:$0x10800] =	vst v63  }
0x42: {  	_ =	swait.ge [sflag:s7], $0x800  }
0x43: {  	[sflag:s7] =	ssyncset.done $0x0  }
0x44: {  	s26 =	rddreg [dreg:$0xb];
	[sflag:s7] =	ssyncadd.s32 $0xFFFFF800  }
0x45: {  	[hbm4b:s26+s5] =	stream.linear.scatter [tilespmem:s16], [sflag:$0x7], $0x800, $0x38;
	[tilespmem:$0x10800] =	vst v63  }
0x46: {  	_ =	swait.ge [sflag:s23], $0x800  }
0x47: {  	[sflag:s23] =	ssyncset.done $0x0  }
0x48: {  	s26 =	rddreg [dreg:$0xc];
	[sflag:s23] =	ssyncadd.s32 $0xFFFFF800  }
0x49: {  	[hbm4b:s26+s5] =	stream.linear.scatter [tilespmem:s17], [sflag:$0x8], $0x800, $0x38;
	[tilespmem:$0x10800] =	vst v63  }
0x4a: {  	_ =	swait.ge [sflag:s18], $0x800  }
0x4b: {  	[sflag:s18] =	ssyncset.done $0x0  }
0x4c: {  	s26 =	rddreg [dreg:$0xd];
	[sflag:s18] =	ssyncadd.s32 $0xFFFFF800  }
0x4d: {  	[hbm4b:s26+s5] =	stream.linear.scatter [tilespmem:s31], [sflag:$0x1], $0x800, $0x38;
	[tilespmem:$0x10800] =	vst v63  }
0x4e: {  	_ =	swait.ge [sflag:s0], $0x800  }
0x4f: {  	[sflag:s0] =	ssyncset.done $0x0  }
0x50: {  	[sflag:s0] =	ssyncadd.s32 $0xFFFFF800  }
0x51: {  	_ =	swait.ge [sflag:s6], $0x800  }
0x52: {  	[sflag:s6] =	ssyncset.done $0x0  }
0x53: {  	[sflag:s6] =	ssyncadd.s32 $0xFFFFF800  }
0x54: {  	_ =	swait.ge [sflag:s7], $0x800  }
0x55: {  	[sflag:s7] =	ssyncset.done $0x0  }
0x56: {  	[sflag:s7] =	ssyncadd.s32 $0xFFFFF800  }
0x57: {  	_ =	swait.ge [sflag:s23], $0x800  }
0x58: {  	[sflag:s23] =	ssyncset.done $0x0  }
0x59: {  	[sflag:s23] =	ssyncadd.s32 $0xFFFFF800  }
0x5a: {  	_ =	swait.ge [sflag:s18], $0x800  }
0x5b: {  	s30 =	sadd.s32 $0x1, s30;
	s26 =	rddreg [dreg:$0x13]  }
0x5c: {  	p0 =	sne.s32 s30, s26  }
.Ltmp1:
0x5d: {  	_ = 	snop;
	(pc) =	sbr.rel @!p0 .LBB2_15-.Ltmp1, $3  }
0x5e: {  	_ =	sdelay $0x1  }
0x5f: {  	[sflag:s18] =	ssyncset.done $0x0  }
0x60: {  	[sflag:s18] =	ssyncadd.s32 $0xFFFFF800  }
.LBB2_1:
0x61: {  	s8 =	rddreg [dreg:$0x5]  }
0x62: {  	[tilespmem:s5], [sflag:$0x5] =	stream.linear.gather [hbm4b:s8+s5], $0x2800, $0x38;
	[tilespmem:$0x10800] =	vst v63  }
0x63: {  	s26 =	simm.s32 $0x2800;
	s8 =	rddreg [dreg:$0x6]  }
0x64: {  	[tilespmem:s26], [sflag:$0x6] =	stream.linear.gather [hbm4b:s8+s5], $0x2800, $0x38;
	[tilespmem:$0x10800] =	vst v63  }
0x65: {  	s26 =	rddreg [dreg:$0x1]  }
0x66: {  	[tilespmem:s31], [sflag:$0x9] =	stream.linear.gather [hbm4b:s26+s5], $0x800, $0x38;
	[tilespmem:$0x10800] =	vst v63  }
0x67: {  	_ =	swait.ge [sflag:s1], $0x800  }
0x68: {  	[sflag:s1] =	ssyncset.done $0x0  }
0x69: {  	[sflag:s1] =	ssyncadd.s32 $0xFFFFF800  }
0x6a: {  	[spmem:s25] =	stream.linear.scatter [tilespmem:s31], [sflag:$0x7], $0x800, $0x38;
	[tilespmem:$0x10800] =	vst v63  }
0x6b: {  	_ = 	snop  }
0x6c: {  	[spmem:s29] =	stream.linear.scatter [tilespmem:s31], [sflag:$0x7], $0x800, $0x38;
	[tilespmem:$0x10800] =	vst v63  }
0x6d: {  	_ = 	snop  }
0x6e: {  	[spmem:s22] =	stream.linear.scatter [tilespmem:s31], [sflag:$0x7], $0x800, $0x38;
	[tilespmem:$0x10800] =	vst v63  }
0x6f: {  	s8 =	smov.u32 s9  }
0x70: {  	[spmem:s8] =	stream.linear.scatter [tilespmem:s31], [sflag:$0x7], $0x800, $0x38;
	[tilespmem:$0x10800] =	vst v63  }
0x71: {  	s9 =	smov.u32 s25;
	s25 =	smov.u32 s10  }
0x72: {  	[spmem:s25] =	stream.linear.scatter [tilespmem:s31], [sflag:$0x7], $0x800, $0x38;
	[tilespmem:$0x10800] =	vst v63  }
0x73: {  	s26 =	smov.u32 s22;
	s22 =	rddreg [dreg:$0x7];
	s25 =	simm.s32 $0x7800  }
0x74: {  	[tilespmem:s25], [sflag:$0x4] =	stream.linear.gather [hbm4b:s22+s5], $0x4000, $0x38;
	[tilespmem:$0x10800] =	vst v63  }
0x75: {  	_ =	swait.ge [sflag:s2], $0x4000  }
0x76: {  	[sflag:s2] =	ssyncset.done $0x0  }
0x77: {  	s10 =	smov.u32 s29;
	s29 =	sadd.s32 $0x0, s12;
	[sflag:s2] =	ssyncadd.s32 $0xFFFFC000  }
0x78: {  	[spmem:s29] =	stream.linear.scatter [tilespmem:s25], [sflag:$0x9], $0x10, $0x38;
	[tilespmem:$0x10800] =	vst v63  }
0x79: {  	s29 =	simm.s32 $0x40  }
.LBB2_2:
0x7a: {  	p0 =	sne.s32 s29, $0x1FC0  }
.Ltmp2:
0x7b: {  	_ = 	snop;
	(pc) =	sbr.rel @p0 .LBB2_2-.Ltmp2, $4  }
0x7c: {  	_ = 	snop  }
0x7d: {  	s8 =	sshra.s32 s29, $0x2;
	s29 =	sadd.s32 $0x40, s29  }
0x7e: {  	s25 =	sadd.s32 $0x80, s25;
	s8 =	sadd.s32 s8, s12  }
0x7f: {  	[spmem:s8] =	stream.linear.scatter [tilespmem:s25], [sflag:$0x9], $0x10, $0x38;
	[tilespmem:$0x10800] =	vst v63  }
0x80: {  	_ =	swait.ge [sflag:s1], $0x800  }
0x81: {  	s8 =	simm.s32 $0x0;
	[sflag:s1] =	ssyncset.done $0x0  }
0x82: {  	s25 =	simm.s32 $0x7800;
	s22 =	rddreg [dreg:$0x8];
	[sflag:s1] =	ssyncadd.s32 $0xFFFFF800  }
0x83: {  	[tilespmem:s25], [sflag:$0x4] =	stream.linear.gather [hbm4b:s22+s8], $0x4000, $0x38;
	[tilespmem:$0x10800] =	vst v63  }
0x84: {  	_ =	swait.ge [sflag:s2], $0x4000  }
0x85: {  	[sflag:s2] =	ssyncset.done $0x0  }
0x86: {  	s29 =	simm.s32 $0x40;
	s22 =	sadd.s32 $0x0, s14;
	[sflag:s2] =	ssyncadd.s32 $0xFFFFC000  }
0x87: {  	[spmem:s22] =	stream.linear.scatter [tilespmem:s25], [sflag:$0x9], $0x10, $0x38;
	[tilespmem:$0x10800] =	vst v63  }
.LBB2_4:
0x88: {  	p0 =	sne.s32 s29, $0x1FC0  }
.Ltmp3:
0x89: {  	_ = 	snop;
	(pc) =	sbr.rel @p0 .LBB2_4-.Ltmp3, $4  }
0x8a: {  	_ = 	snop  }
0x8b: {  	s8 =	sshra.s32 s29, $0x2;
	s29 =	sadd.s32 $0x40, s29  }
0x8c: {  	s25 =	sadd.s32 $0x80, s25;
	s8 =	sadd.s32 s8, s14  }
0x8d: {  	[spmem:s8] =	stream.linear.scatter [tilespmem:s25], [sflag:$0x9], $0x10, $0x38;
	[tilespmem:$0x10800] =	vst v63  }
0x8e: {  	_ =	swait.ge [sflag:s1], $0x800  }
0x8f: {  	s8 =	simm.s32 $0x0;
	[sflag:s1] =	ssyncset.done $0x0  }
0x90: {  	s25 =	simm.s32 $0x7800;
	s22 =	rddreg [dreg:$0xe];
	[sflag:s1] =	ssyncadd.s32 $0xFFFFF800  }
0x91: {  	[tilespmem:s25], [sflag:$0x4] =	stream.linear.gather [hbm4b:s22+s8], $0x4000, $0x38;
	[tilespmem:$0x10800] =	vst v63  }
0x92: {  	_ =	swait.ge [sflag:s2], $0x4000  }
0x93: {  	[sflag:s2] =	ssyncset.done $0x0  }
0x94: {  	s29 =	simm.s32 $0x40;
	s22 =	sadd.s32 $0x0, s21;
	[sflag:s2] =	ssyncadd.s32 $0xFFFFC000  }
0x95: {  	[spmem:s22] =	stream.linear.scatter [tilespmem:s25], [sflag:$0x9], $0x10, $0x38;
	[tilespmem:$0x10800] =	vst v63  }
.LBB2_6:
0x96: {  	p0 =	sne.s32 s29, $0x1FC0  }
.Ltmp4:
0x97: {  	_ = 	snop;
	(pc) =	sbr.rel @p0 .LBB2_6-.Ltmp4, $4  }
0x98: {  	_ = 	snop  }
0x99: {  	s8 =	sshra.s32 s29, $0x2;
	s29 =	sadd.s32 $0x40, s29  }
0x9a: {  	s25 =	sadd.s32 $0x80, s25;
	s8 =	sadd.s32 s8, s21  }
0x9b: {  	[spmem:s8] =	stream.linear.scatter [tilespmem:s25], [sflag:$0x9], $0x10, $0x38;
	[tilespmem:$0x10800] =	vst v63  }
0x9c: {  	_ =	swait.ge [sflag:s1], $0x800  }
0x9d: {  	s8 =	simm.s32 $0x0;
	[sflag:s1] =	ssyncset.done $0x0  }
0x9e: {  	s25 =	simm.s32 $0x7800;
	s22 =	rddreg [dreg:$0x10];
	[sflag:s1] =	ssyncadd.s32 $0xFFFFF800  }
0x9f: {  	[tilespmem:s25], [sflag:$0x4] =	stream.linear.gather [hbm4b:s22+s8], $0x4000, $0x38;
	[tilespmem:$0x10800] =	vst v63  }
0xa0: {  	_ =	swait.ge [sflag:s2], $0x4000  }
0xa1: {  	[sflag:s2] =	ssyncset.done $0x0  }
0xa2: {  	s29 =	simm.s32 $0x40;
	s22 =	sadd.s32 $0x0, s24;
	[sflag:s2] =	ssyncadd.s32 $0xFFFFC000  }
0xa3: {  	[spmem:s22] =	stream.linear.scatter [tilespmem:s25], [sflag:$0x9], $0x10, $0x38;
	[tilespmem:$0x10800] =	vst v63  }
.LBB2_8:
0xa4: {  	p0 =	sne.s32 s29, $0x1FC0  }
.Ltmp5:
0xa5: {  	_ = 	snop;
	(pc) =	sbr.rel @p0 .LBB2_8-.Ltmp5, $4  }
0xa6: {  	_ = 	snop  }
0xa7: {  	s8 =	sshra.s32 s29, $0x2;
	s29 =	sadd.s32 $0x40, s29  }
0xa8: {  	s25 =	sadd.s32 $0x80, s25;
	s8 =	sadd.s32 s8, s24  }
0xa9: {  	[spmem:s8] =	stream.linear.scatter [tilespmem:s25], [sflag:$0x9], $0x10, $0x38;
	[tilespmem:$0x10800] =	vst v63  }
0xaa: {  	_ =	swait.ge [sflag:s1], $0x800  }
0xab: {  	s8 =	simm.s32 $0x0;
	[sflag:s1] =	ssyncset.done $0x0  }
0xac: {  	s25 =	simm.s32 $0x7800;
	s22 =	rddreg [dreg:$0x11];
	[sflag:s1] =	ssyncadd.s32 $0xFFFFF800  }
0xad: {  	[tilespmem:s25], [sflag:$0x4] =	stream.linear.gather [hbm4b:s22+s8], $0x4000, $0x38;
	[tilespmem:$0x10800] =	vst v63  }
0xae: {  	_ =	swait.ge [sflag:s2], $0x4000  }
0xaf: {  	[sflag:s2] =	ssyncset.done $0x0  }
0xb0: {  	s29 =	simm.s32 $0x40;
	s22 =	sadd.s32 $0x0, s28;
	[sflag:s2] =	ssyncadd.s32 $0xFFFFC000  }
0xb1: {  	[spmem:s22] =	stream.linear.scatter [tilespmem:s25], [sflag:$0x9], $0x10, $0x38;
	[tilespmem:$0x10800] =	vst v63  }
.LBB2_10:
0xb2: {  	p0 =	sne.s32 s29, $0x1FC0  }
.Ltmp6:
0xb3: {  	_ = 	snop;
	(pc) =	sbr.rel @p0 .LBB2_10-.Ltmp6, $4  }
0xb4: {  	_ = 	snop  }
0xb5: {  	s8 =	sshra.s32 s29, $0x2;
	s29 =	sadd.s32 $0x40, s29  }
0xb6: {  	s25 =	sadd.s32 $0x80, s25;
	s8 =	sadd.s32 s8, s28  }
0xb7: {  	[spmem:s8] =	stream.linear.scatter [tilespmem:s25], [sflag:$0x9], $0x10, $0x38;
	[tilespmem:$0x10800] =	vst v63  }
0xb8: {  	_ =	swait.ge [sflag:s1], $0x800  }
0xb9: {  	[sflag:s1] =	ssyncset.done $0x0  }
0xba: {  	[sflag:s1] =	ssyncadd.s32 $0xFFFFF800  }
0xbb: {  	_ =	swait.ge [sflag:s0], $0x2800  }
0xbc: {  	[sflag:s0] =	ssyncset.done $0x0  }
0xbd: {  	[sflag:s0] =	ssyncadd.s32 $0xFFFFD800  }
0xbe: {  	_ =	swait.ge [sflag:s6], $0x2800  }
0xbf: {  	[sflag:s6] =	ssyncset.done $0x0  }
0xc0: {  	[sflag:s6] =	ssyncadd.s32 $0xFFFFD800  }
0xc1: {  	_ =	swait.ge [sflag:s7], $0x800  }
0xc2: {  	[sflag:s7] =	ssyncset.done $0x0  }
0xc3: {  	[sflag:s7] =	ssyncadd.s32 $0xFFFFF800  }
0xc4: {  	_ =	swait.ge [sflag:s7], $0x800  }
0xc5: {  	[sflag:s7] =	ssyncset.done $0x0  }
0xc6: {  	[sflag:s7] =	ssyncadd.s32 $0xFFFFF800  }
0xc7: {  	_ =	swait.ge [sflag:s7], $0x800  }
0xc8: {  	[sflag:s7] =	ssyncset.done $0x0  }
0xc9: {  	[sflag:s7] =	ssyncadd.s32 $0xFFFFF800  }
0xca: {  	_ =	swait.ge [sflag:s7], $0x800  }
0xcb: {  	[sflag:s7] =	ssyncset.done $0x0  }
0xcc: {  	[sflag:s7] =	ssyncadd.s32 $0xFFFFF800  }
0xcd: {  	_ =	swait.ge [sflag:s7], $0x800  }
0xce: {  	[sflag:s7] =	ssyncset.done $0x0  }
0xcf: {  	[sflag:s7] =	ssyncadd.s32 $0xFFFFF800  }
0xd0: {  	s25 =	simm.s32 $0x0;
	[bflag:$0x0] =	sbarrier.arrive $0xFFFF  }
0xd1: {  	[tilespmem:s13], [sflag:$0x1] =	stream.indirect.gather [spmem:s4], $0x10, s25, s11, $0xb8;
	[tilespmem:$0x10800] =	vst v63  }
0xd2: {  	s8 =	simm.s32 $0x80  }
0xd3: {  	[tilespmem:s15], [sflag:$0x2] =	stream.indirect.gather [spmem:s4], $0x10, s8, s11, $0xb8;
	[tilespmem:$0x10800] =	vst v63  }
0xd4: {  	s22 =	simm.s32 $0x100  }
0xd5: {  	[tilespmem:s16], [sflag:$0x3] =	stream.indirect.gather [spmem:s4], $0x10, s22, s11, $0xb8;
	[tilespmem:$0x10800] =	vst v63  }
0xd6: {  	s29 =	simm.s32 $0x180  }
0xd7: {  	[tilespmem:s17], [sflag:$0x4] =	stream.indirect.gather [spmem:s4], $0x10, s29, s11, $0xb8;
	[tilespmem:$0x10800] =	vst v63  }
0xd8: {  	_ =	swait.ge [sflag:s18], $0x7D0  }
0xd9: {  	[sflag:s18] =	ssyncset.done $0x0  }
0xda: {  	s22 =	simm.s32 $0x2800;
	[sflag:s18] =	ssyncadd.s32 $0xFFFFF830  }
0xdb: {  	[spmem:s3] =	stream.indirect.scatter.add.f32 [tilespmem:s13], [sflag:$0x5], $0x10, s22, s11, $0xb8;
	[tilespmem:$0x10800] =	vst v63  }
0xdc: {  	_ =	swait.ge [sflag:s19], $0x7D0  }
0xdd: {  	[sflag:s19] =	ssyncset.done $0x0  }
0xde: {  	s29 =	simm.s32 $0x2880;
	[sflag:s19] =	ssyncadd.s32 $0xFFFFF830  }
0xdf: {  	[spmem:s3] =	stream.indirect.scatter.add.f32 [tilespmem:s15], [sflag:$0x6], $0x10, s29, s11, $0xb8;
	[tilespmem:$0x10800] =	vst v63  }
0xe0: {  	_ =	swait.ge [sflag:s20], $0x7D0  }
0xe1: {  	[sflag:s20] =	ssyncset.done $0x0  }
0xe2: {  	s22 =	simm.s32 $0x2900;
	[sflag:s20] =	ssyncadd.s32 $0xFFFFF830  }
0xe3: {  	[spmem:s3] =	stream.indirect.scatter.add.f32 [tilespmem:s16], [sflag:$0x7], $0x10, s22, s11, $0xb8;
	[tilespmem:$0x10800] =	vst v63  }
0xe4: {  	_ =	swait.ge [sflag:s0], $0x7D0  }
0xe5: {  	[sflag:s0] =	ssyncset.done $0x0  }
0xe6: {  	s29 =	simm.s32 $0x200;
	[sflag:s0] =	ssyncadd.s32 $0xFFFFF830  }
0xe7: {  	[tilespmem:s13], [sflag:$0x1] =	stream.indirect.gather [spmem:s4], $0x10, s29, s11, $0xb8;
	[tilespmem:$0x10800] =	vst v63  }
0xe8: {  	_ =	swait.ge [sflag:s2], $0x7D0  }
0xe9: {  	[sflag:s2] =	ssyncset.done $0x0  }
0xea: {  	s22 =	simm.s32 $0x2980;
	[sflag:s2] =	ssyncadd.s32 $0xFFFFF830  }
0xeb: {  	[spmem:s3] =	stream.indirect.scatter.add.f32 [tilespmem:s17], [sflag:$0x8], $0x10, s22, s11, $0xb8;
	[tilespmem:$0x10800] =	vst v63  }
0xec: {  	_ =	swait.ge [sflag:s6], $0x7D0  }
0xed: {  	[sflag:s6] =	ssyncset.done $0x0  }
0xee: {  	s29 =	simm.s32 $0x280;
	[sflag:s6] =	ssyncadd.s32 $0xFFFFF830  }
0xef: {  	[tilespmem:s15], [sflag:$0x2] =	stream.indirect.gather [spmem:s4], $0x10, s29, s11, $0xb8;
	[tilespmem:$0x10800] =	vst v63  }
.LBB2_12:
0xf0: {  	_ =	swait.ge [sflag:s18], $0x7D0  }
0xf1: {  	s29 =	sshra.s32 s25, $0x2;
	[sflag:s18] =	ssyncset.done $0x0  }
0xf2: {  	s8 =	sadd.s32 $0x2A00, s29;
	[sflag:s18] =	ssyncadd.s32 $0xFFFFF830  }
0xf3: {  	[spmem:s3] =	stream.indirect.scatter.add.f32 [tilespmem:s13], [sflag:$0x5], $0x10, s8, s11, $0xb8;
	[tilespmem:$0x10800] =	vst v63  }
0xf4: {  	_ =	swait.ge [sflag:s7], $0x7D0  }
0xf5: {  	[sflag:s7] =	ssyncset.done $0x0  }
0xf6: {  	s22 =	sadd.s32 $0x300, s29;
	[sflag:s7] =	ssyncadd.s32 $0xFFFFF830  }
0xf7: {  	[tilespmem:s16], [sflag:$0x3] =	stream.indirect.gather [spmem:s4], $0x10, s22, s11, $0xb8;
	[tilespmem:$0x10800] =	vst v63  }
0xf8: {  	_ =	swait.ge [sflag:s19], $0x7D0  }
0xf9: {  	[sflag:s19] =	ssyncset.done $0x0  }
0xfa: {  	s22 =	sadd.s32 $0x2A80, s29;
	[sflag:s19] =	ssyncadd.s32 $0xFFFFF830  }
0xfb: {  	[spmem:s3] =	stream.indirect.scatter.add.f32 [tilespmem:s15], [sflag:$0x6], $0x10, s22, s11, $0xb8;
	[tilespmem:$0x10800] =	vst v63  }
0xfc: {  	_ =	swait.ge [sflag:s23], $0x7D0  }
0xfd: {  	[sflag:s23] =	ssyncset.done $0x0  }
0xfe: {  	p0 =	seq.s32 s25, $0x9000;
	s22 =	sadd.s32 $0x380, s29;
	[sflag:s23] =	ssyncadd.s32 $0xFFFFF830  }
0xff: {  	[tilespmem:s17], [sflag:$0x4] =	stream.indirect.gather [spmem:s4], $0x10, s22, s11, $0xb8;
	[tilespmem:$0x10800] =	vst v63  }
.Ltmp7:
0x100: {  	_ = 	snop;
	(pc) =	sbr.rel @p0 .LBB2_14-.Ltmp7, $4  }
0x101: {  	_ =	swait.ge [sflag:s20], $0x7D0  }
0x102: {  	[sflag:s20] =	ssyncset.done $0x0  }
0x103: {  	s22 =	sadd.s32 $0x2B00, s29;
	[sflag:s20] =	ssyncadd.s32 $0xFFFFF830  }
0x104: {  	[spmem:s3] =	stream.indirect.scatter.add.f32 [tilespmem:s16], [sflag:$0x7], $0x10, s22, s11, $0xb8;
	[tilespmem:$0x10800] =	vst v63  }
0x105: {  	_ =	swait.ge [sflag:s0], $0x7D0  }
0x106: {  	[sflag:s0] =	ssyncset.done $0x0  }
0x107: {  	s8 =	sadd.s32 $0x400, s29;
	[sflag:s0] =	ssyncadd.s32 $0xFFFFF830  }
0x108: {  	[tilespmem:s13], [sflag:$0x1] =	stream.indirect.gather [spmem:s4], $0x10, s8, s11, $0xb8;
	[tilespmem:$0x10800] =	vst v63  }
0x109: {  	_ =	swait.ge [sflag:s2], $0x7D0  }
0x10a: {  	[sflag:s2] =	ssyncset.done $0x0  }
0x10b: {  	s22 =	sadd.s32 $0x2B80, s29;
	[sflag:s2] =	ssyncadd.s32 $0xFFFFF830  }
0x10c: {  	[spmem:s3] =	stream.indirect.scatter.add.f32 [tilespmem:s17], [sflag:$0x8], $0x10, s22, s11, $0xb8;
	[tilespmem:$0x10800] =	vst v63  }
.Ltmp8:
0x10d: {  	_ = 	snop;
	(pc) =	sbr.rel .LBB2_12-.Ltmp8, $4  }
0x10e: {  	_ =	swait.ge [sflag:s6], $0x7D0  }
0x10f: {  	[sflag:s6] =	ssyncset.done $0x0  }
0x110: {  	s29 =	sadd.s32 $0x480, s29;
	s25 =	sadd.s32 $0x800, s25;
	[sflag:s6] =	ssyncadd.s32 $0xFFFFF830  }
0x111: {  	[tilespmem:s15], [sflag:$0x2] =	stream.indirect.gather [spmem:s4], $0x10, s29, s11, $0xb8;
	[tilespmem:$0x10800] =	vst v63  }
.LBB2_15:
0x112: {  	_ =	sfence.sel $0x180000  }
0x113: {  	[bflag:$0x0] =	sbarrier.arrive $0xFFFF  }
0x114: {  	_ =	strace $0x9000004D  }
0x115: {  	s0 =	stileid.u32;
	[bflag:$0x2] =	sbarrier.arrive $0xFFFF  }
0x116: {  	p0 =	sne.s32 s0, $0x0;
	s0 =	rddreg [dreg:$0x4]  }
0x117: {  	s0 =	sadd.s32 @!p0 $0x100000, s0  }
0x118: {  	[sflag:s0] =	ssyncadd.tile.s32 @!p0 $0x1;
	_ =	shalt  }
.Lfunc_end2:
_tile_overlayer_lowered:
.L_overlay_start_2:
0x119: {  	(tag) =	ssettag $0x2  }
0x11a: {  	s0 =	rddreg [dreg:$0x0];
	s2 =	stileid.u32  }
0x11b: {  	s1 =	rddreg [dreg:$0x1];
	p0 =	sne.s32 s2, $0x0  }
0x11c: {  	s3 =	rddreg [dreg:$0x2];
	[bflag:$0x3] =	sbarrier.arrive $0xFFFF;
	s2 =	simm.s32 @!p0 $0x1C09  }
0x11d: {  	[timem:s3], [sflag:s2] =	dma.local @!p0 [hbm:s0], s1  }
0x11e: {  	s0 =	simm.s32 @!p0 $0x9  }
0x11f: {  	_ =	swait.ge @!p0 [sflag:s0], s1  }
0x120: {  	s1 =	ssub.s32 @!p0 $0x0, s1;
	[sflag:s0] =	ssyncset.done @!p0 $0x0  }
0x121: {  	[sflag:s0] =	ssyncadd.s32 @!p0 s1  }
0x122: {  	[bflag:$0x3] =	sbarrier.arrive $0xFFFF  }
0x123: {  	_ =	shalt  }

// kernel: kernel.20.cloned.1.call-start
scs
__scs_entry_jumppad:
0x0: {  	(pc) =	sbr.rel $0x88, $3  }
0x1: {  	(tag) =	ssettag $0x0;
	lr =	simm.s32 $0x1  }
0x2: {  	[smem:$0x3F99] =	sst lr;
	_ =	strace $0xD0000000  }
0x3: {  	_ = 	snop  }
0x4: {  	_ = 	snop  }
0x5: {  	_ = 	snop  }
0x6: {  	_ = 	snop  }
0x7: {  	_ = 	snop  }
__scs_overlays_trampoline_lowered:
0x8: {  	[smem:$0x3FA8] =	sst s0  }
0x9: {  	[smem:$0x3FA9] =	sst s1  }
0xa: {  	[smem:$0x3FAA] =	sst s2  }
0xb: {  	[smem:$0x3FAB] =	sst s3  }
0xc: {  	[smem:$0x3FAC] =	sst s4  }
0xd: {  	[smem:$0x3FAD] =	sst s5  }
0xe: {  	[smem:$0x3FAE] =	sst s6  }
0xf: {  	[smem:$0x3FAF] =	sst s7  }
0x10: {  	[smem:$0x3FB0] =	sst s8  }
0x11: {  	[smem:$0x3FB1] =	sst s9;
	s0 =	simm.s32 @!p0 $0x0  }
0x12: {  	s1 =	sld [smem:$0x3F97];
	s0 =	simm.s32 @p0 $0x1  }
0x13: {  	[smem:$0x3FB2] =	sst s0;
	s0 =	simm.s32 @!p1 $0x0  }
0x14: {  	s2 =	sld [smem:$0x3F96];
	s0 =	simm.s32 @p1 $0x1  }
0x15: {  	[smem:$0x3FB3] =	sst s0;
	s0 =	simm.s32 @!p2 $0x0  }
0x16: {  	s3 =	sld [smem:$0x3FDB];
	s0 =	simm.s32 @p2 $0x1  }
0x17: {  	s4 =	simm.s32 $0x1BF5;
	[smem:$0x3FB5] =	sst s0  }
0x18: {  	s0 =	sld [smem:$0x3F98];
	_ =	swait.ge [sflag:s4], $0x0  }
0x19: {  	s7 =	sld [smem:$0x3F99]  }
0x1a: {  	s8 =	sadd.s32 $0xFFFFE003, lr  }
0x1b: {  	s9 =	sadd.s32 $0xFFFFFEF7, lr;
	s5 =	simm.s32 $0xFFFFFFFF;
	p2 =	slt.u32 s8, $0xFFFFF086  }
0x1c: {  	p1 =	slt.u32 s9, $0xF7A;
	s5 =	simm.s32 @!p2 $0x0  }
0x1d: {  	s5 =	simm.s32 @p1 $0x1;
	p0 =	seq.s32 s7, s2  }
0x1e: {  	s7 =	smul.u32 @!p0 $0xF7A, s2;
	p2 =	seq.s32 @!p0 s5, $0x0  }
0x1f: {  	s9 =	smul.u32 $0xF7A, s1;
	s8 =	simm.s32 @!p0 $0x1BF5;
	p2 =	por !p2, p0  }
0x20: {  	[sflag:s8] =	ssyncset.s32 @!p0 $0xFFFFF086;
	s6 =	sadd.s32 @!p0 s3, s7;
	s7 =	simm.s32 @!p0 $0x108  }
0x21: {  	s3 =	sadd.s32 s3, s9;
	s6 =	sadd.s32 @!p0 $0x88, s6;
	s7 =	simm.s32 @p2 $0x1082  }
0x22: {  	[simem:s7], [sflag:s8] =	dma.local @!p0 [hbm:s6], $0xF7A  }
0x23: {  	s9 =	sor.u32 $0xD0000000, s2;
	s6 =	simm.s32 $0x108;
	_ =	swait.ge @!p0 [sflag:s8], $0x0  }
0x24: {  	s3 =	sadd.s32 $0x88, s3;
	s6 =	simm.s32 @!p1 $0x1082;
	[sflag:s4] =	ssyncset.s32 $0xFFFFF086  }
0x25: {  	[simem:s6], [sflag:s4] =	dma.local [hbm:s3], $0xF7A  }
0x26: {  	[smem:$0x3F99] =	sst s1;
	(tag) =	ssettag s2;
	_ =	strace s9  }
0x27: {  	s1 =	sld [smem:$0x3FA9]  }
0x28: {  	s2 =	sld [smem:$0x3FAA]  }
0x29: {  	s4 =	sld [smem:$0x3FAC]  }
0x2a: {  	p0 =	seq.s32 s5, $0x0;
	s5 =	sld [smem:$0x3FAD]  }
0x2b: {  	s6 =	sld [smem:$0x3FAE]  }
0x2c: {  	s7 =	sld [smem:$0x3FAF]  }
0x2d: {  	s3 =	simm.s32 $0x108;
	s8 =	sld [smem:$0x3FB0]  }
0x2e: {  	s3 =	simm.s32 @!p0 $0x1082;
	s9 =	sld [smem:$0x3FB1]  }
0x2f: {  	lr =	sadd.s32 s0, s3;
	s0 =	sld [smem:$0x3FA8]  }
0x30: {  	s3 =	sld [smem:$0x3FAB]  }
0x31: {  	[smem:$0x3FB4] =	sst s10  }
0x32: {  	s10 =	sld [smem:$0x3FB2];
	_ =	sdelay $0x3  }
0x33: {  	p0 =	seq.s32 s10, $0x1;
	s10 =	sld [smem:$0x3FB4];
	_ =	sdelay $0x3  }
0x34: {  	[smem:$0x3FB4] =	sst s10  }
0x35: {  	s10 =	sld [smem:$0x3FB3];
	_ =	sdelay $0x3  }
0x36: {  	p1 =	seq.s32 s10, $0x1;
	s10 =	sld [smem:$0x3FB4];
	_ =	sdelay $0x3  }
0x37: {  	[smem:$0x3FB4] =	sst s10  }
0x38: {  	s10 =	sld [smem:$0x3FB5]  }
0x39: {  	_ = 	snop;
	(pc) =	sbr.ind lr, $3  }
0x3a: {  	_ = 	snop  }
0x3b: {  	_ = 	snop  }
0x3c: {  	p2 =	seq.s32 s10, $0x1;
	s10 =	sld [smem:$0x3FB4]  }
0x3d: {  	_ =	shalt  }
0x3e: {  	_ =	shalt  }
0x3f: {  	_ =	shalt  }
0x40: {  	_ =	shalt  }
0x41: {  	_ =	shalt  }
0x42: {  	_ =	shalt  }
0x43: {  	_ =	shalt  }
0x44: {  	_ =	shalt  }
0x45: {  	_ =	shalt  }
0x46: {  	_ =	shalt  }
0x47: {  	_ =	shalt  }
0x48: {  	_ =	shalt  }
0x49: {  	_ =	shalt  }
0x4a: {  	_ =	shalt  }
0x4b: {  	_ =	shalt  }
0x4c: {  	_ =	shalt  }
0x4d: {  	_ =	shalt  }
0x4e: {  	_ =	shalt  }
0x4f: {  	_ =	shalt  }
0x50: {  	_ =	shalt  }
0x51: {  	_ =	shalt  }
0x52: {  	_ =	shalt  }
0x53: {  	_ =	shalt  }
0x54: {  	_ =	shalt  }
0x55: {  	_ =	shalt  }
0x56: {  	_ =	shalt  }
0x57: {  	_ =	shalt  }
0x58: {  	_ =	shalt  }
0x59: {  	_ =	shalt  }
0x5a: {  	_ =	shalt  }
0x5b: {  	_ =	shalt  }
0x5c: {  	_ =	shalt  }
0x5d: {  	_ =	shalt  }
0x5e: {  	_ =	shalt  }
0x5f: {  	_ =	shalt  }
0x60: {  	_ =	shalt  }
0x61: {  	_ =	shalt  }
0x62: {  	_ =	shalt  }
0x63: {  	_ =	shalt  }
0x64: {  	_ =	shalt  }
0x65: {  	_ =	shalt  }
0x66: {  	_ =	shalt  }
0x67: {  	_ =	shalt  }
0x68: {  	_ =	shalt  }
0x69: {  	_ =	shalt  }
0x6a: {  	_ =	shalt  }
0x6b: {  	_ =	shalt  }
0x6c: {  	_ =	shalt  }
0x6d: {  	_ =	shalt  }
0x6e: {  	_ =	shalt  }
0x6f: {  	_ =	shalt  }
0x70: {  	_ =	shalt  }
0x71: {  	_ =	shalt  }
0x72: {  	_ =	shalt  }
0x73: {  	_ =	shalt  }
0x74: {  	_ =	shalt  }
0x75: {  	_ =	shalt  }
0x76: {  	_ =	shalt  }
0x77: {  	_ =	shalt  }
0x78: {  	_ =	shalt  }
0x79: {  	_ =	shalt  }
0x7a: {  	_ =	shalt  }
0x7b: {  	_ =	shalt  }
0x7c: {  	_ =	shalt  }
0x7d: {  	_ =	shalt  }
0x7e: {  	_ =	shalt  }
0x7f: {  	_ =	shalt  }
0x80: {  	_ =	shalt  }
0x81: {  	_ =	shalt  }
0x82: {  	_ =	shalt  }
0x83: {  	_ =	shalt  }
0x84: {  	_ =	shalt  }
0x85: {  	_ =	shalt  }
0x86: {  	_ =	shalt  }
0x87: {  	_ =	shalt  }
.Lfunc_end0:
.L_simem_size_0:
called_computation.3_lowered:
.L_overlay_start_0:
0x88: {  	s2 =	sld [smem:$0x3FD9]  }
0x89: {  	s3 =	sld [smem:$0x3FFE];
	_ =	sdelay $0x1  }
0x8a: {  	s1 =	srdreg.scid  }
0x8b: {  	s0 =	sand.u32 $0x1, s1  }
0x8c: {  	s17 =	sshll.u32 s0, $0xA;
	s2 =	sadd.s32 s3, s2  }
0x8d: {  	s2 =	sadd.s32 s2, s17  }
0x8e: {  	[smem:$0x3FC0] =	sst s2  }
0x8f: {  	_ = 	snop  }
0x90: {  	s2 =	sld [smem:$0x3FD0];
	(tm) =	ssettm $0x1  }
0x91: {  	s18 =	sld [smem:$0x3FFB];
	_ =	sdelay $0x3  }
0x92: {  	_ =	strace s18  }
0x93: {  	s3 =	sld [smem:$0x3FFC];
	_ =	sdelay $0x3  }
0x94: {  	_ =	strace s3  }
0x95: {  	s3 =	sld [smem:$0x3FFD];
	_ =	sdelay $0x3  }
0x96: {  	_ =	strace s3  }
0x97: {  	_ =	strace $0x8FFFFFFF  }
0x98: {  	s19 =	sld [smem:$0x3FDB];
	_ =	sdelay $0x1  }
0x99: {  	s4 =	simm.s32 $_scs_section_size  }
0x9a: {  	s5 =	simm.s32 $_size__tile_overlayer_lowered;
	s6 =	simm.s32 $_tile_overlayer_lowered  }
0x9b: {  	s22 =	simm.s32 $0x1BFF;
	s21 =	sshll.u32 s6, $0x1;
	s3 =	sadd.s32 s4, s19  }
0x9c: {  	s7 =	simm.s32 $0x0;
	s20 =	sshll.u32 s5, $0x1;
	s5 =	sadd.s32 s21, s3  }
0x9d: {  	[timem:s7], [sflag:s22] =	dma.local [hbm:s5], s20  }
0x9e: {  	_ =	swait.ge [sflag:s22], s20  }
0x9f: {  	s4 =	ssub.s32 $0x0, s20;
	[sflag:s22] =	ssyncset.done $0x0  }
0xa0: {  	[sflag:s22] =	ssyncadd.s32 s4;
	_ =	sdelay $0x1  }
0xa1: {  	s23 =	simm.s32 $0x1B8B  }
0xa2: {  	_ =	swait.ge [sflag:s23], $0x1  }
0xa3: {  	[sflag:s23] =	ssyncset.done $0x0  }
0xa4: {  	s25 =	simm.s32 $0x1B8E;
	s24 =	sld [smem:$0x3FFE];
	[sflag:s23] =	ssyncadd.s32 $0xFFFFFFFF  }
0xa5: {  	s26 =	simm.s32 $execute0_lowered;
	[smem:$0x3FD2] =	sst s25  }
0xa6: {  	s5 =	sshll.u32 s26, $0x1;
	_ =	strace $0x8000004F;
	[dreg:$0x1] =	wrdreg $0xFFFFFFFF  }
0xa7: {  	s28 =	simm.s32 $_size_execute0_lowered;
	s3 =	sadd.s32 s3, s5;
	[dreg:$0x0] =	wrdreg $0x0  }
0xa8: {  	s5 =	sshll.u32 s28, $0x1;
	[dreg:$0x2] =	wrdreg s3  }
0xa9: {  	[dreg:$0x3] =	wrdreg s5  }
0xaa: {  	[dreg:$0x4] =	wrdreg $0xC0  }
0xab: {  	_ =	task [dreg:s7], $0x5FFFF  }
0xac: {  	[dreg:$0x1] =	wrdreg $0xFFFFFFFF  }
0xad: {  	[dreg:$0x0] =	wrdreg $0x60  }
0xae: {  	[dreg:$0x2] =	wrdreg s24  }
0xaf: {  	[dreg:$0x3] =	wrdreg s2  }
0xb0: {  	[dreg:$0x4] =	wrdreg $0xB8000  }
0xb1: {  	[dreg:$0x5] =	wrdreg $0xE0000  }
0xb2: {  	[dreg:$0x6] =	wrdreg $0x9  }
0xb3: {  	_ =	task.clear_ibuf [dreg:s7], $0x7FFFF;
	_ =	strace $0x9000004F  }
0xb4: {  	s29 =	simm.s32 $0x9;
	_ =	strace $0x80000051  }
0xb5: {  	_ =	swait.ge [sflag:s29], $0x1  }
0xb6: {  	[sflag:s29] =	ssyncadd.s32 $0xFFFFFFFF  }
0xb7: {  	_ =	strace $0x90000051  }
0xb8: {  	_ =	sfence  }
0xb9: {  	s30 =	sld [smem:$0x0];
	_ =	sdelay $0x2  }
0xba: {  	s31 =	sshll.u32 s1, $0xD;
	s1 =	sshrl.u32 s1, $0x2  }
0xbb: {  	s3 =	sand.u32 $0x4000, s31;
	s1 =	sadd.s32 s1, s30  }
0xbc: {  	s0 =	sor.u32 s3, s0;
	s1 =	sshll.u32 s1, $0x11  }
0xbd: {  	s0 =	sor.u32 s1, s0  }
0xbe: {  	s0 =	sadd.s32 $0x8F2B, s0  }
0xbf: {  	[sflag:s0] =	ssyncadd.remote.s32 $0x1  }
0xc0: {  	_ =	sfence.sel $0xFFFF  }
0xc1: {  	[dreg:$0x0] =	wrdreg $0xFFFFFFFF;
	(pc) =	sbr.abs _section_cstart, $3  }
0xc2: {  	[dreg:$0x1] =	wrdreg $0xFFFFFFFF  }
0xc3: {  	_ =	task.clear_ibuf [dreg:s7], $0x2FFFF;
	_ =	strace $0x9FFFFFFF  }
0xc4: {  	(tm) =	ssettm $0x7FFFFFFF  }
0xc5: {  	_ =	shalt  }
tec
execute0_lowered:
.L_overlay_start_1:
0x0: {  	(tag) =	ssettag $0x1  }
0x1: {  	s0 =	rddreg [dreg:$0x0]  }
0x2: {  	s1 =	srdreg.scid;
	s3 =	rddreg [dreg:$0x2]  }
0x3: {  	s4 =	rddreg [dreg:$0x3];
	s9 =	stileid.u32;
	s5 =	simm.s32 $0x0  }
0x4: {  	s31 =	simm.s32 $0x7000;
	s30 =	simm.s32 $0x0;
	s1 =	sand.u32 $0x1, s1  }
0x5: {  	[smem:$0x7FF] =	sst s5;
	s7 =	sadd.s32 $0x17200, s0;
	s11 =	smul.u32 $0x280, s9  }
0x6: {  	s21 =	smul.u32 $0x2800, s9;
	s2 =	sshll.u32 s1, $0x4;
	_ =	strace $0x80000050  }
0x7: {  	s6 =	smul.u32 $0x5000, s1;
	s1 =	ssub.s32 $0x2, s1;
	s2 =	sor.u32 s9, s2  }
0x8: {  	s8 =	sshrl.u32 s1, $0x1;
	s23 =	sadd.s32 $0x80, s11;
	s25 =	sadd.s32 s21, s3  }
0x9: {  	s15 =	sadd.s32 $0x100, s11;
	s17 =	sadd.s32 $0x180, s11;
	s11 =	sadd.s32 $0x200, s11  }
0xa: {  	s24 =	sadd.s32 s7, s21;
	s12 =	sadd.s32 s21, s4;
	s2 =	smul.u32 $0x500, s2  }
0xb: {  	s1 =	ssub.s32 s1, s8;
	s13 =	sshll.u32 s23, $0x4;
	s16 =	sshll.u32 s15, $0x4  }
0xc: {  	s18 =	sshll.u32 s17, $0x4;
	s19 =	sshll.u32 s11, $0x4;
	[dreg:$0x7] =	wrdreg s24  }
0xd: {  	s9 =	sshll.u32 s15, $0x1;
	s10 =	sshll.u32 s17, $0x1;
	s11 =	sshll.u32 s11, $0x1  }
0xe: {  	s29 =	sadd.s32 s13, s3;
	s26 =	sadd.s32 s7, s13;
	s14 =	sadd.s32 s13, s4  }
0xf: {  	s17 =	sadd.s32 s7, s16;
	s20 =	sadd.s32 s7, s18;
	s24 =	sadd.s32 s18, s4  }
0x10: {  	s28 =	sadd.s32 s19, s4;
	s2 =	sadd.s32 s2, s0;
	[dreg:$0x8] =	wrdreg s26  }
0x11: {  	s0 =	sadd.s32 s6, s0;
	s6 =	sshrl.u32 s21, $0x3;
	[dreg:$0xe] =	wrdreg s17  }
0x12: {  	s21 =	sadd.s32 s16, s4;
	[dreg:$0x10] =	wrdreg s20;
	s26 =	smax.u32 s1, $0x1  }
0x13: {  	s1 =	simm.s32 $0x9;
	s22 =	sadd.s32 $0x3200, s2;
	[dreg:$0x13] =	wrdreg s26  }
0x14: {  	s17 =	simm.s32 $0x6800;
	s2 =	sadd.s32 $0xD200, s2;
	[dreg:$0x5] =	wrdreg s22  }
0x15: {  	s20 =	simm.s32 $0x3;
	s0 =	sadd.s32 $0x3F200, s0;
	[dreg:$0x6] =	wrdreg s2  }
0x16: {  	s22 =	sadd.s32 s16, s3;
	s2 =	sshll.u32 s23, $0x1;
	s6 =	sadd.s32 s6, s0  }
0x17: {  	s13 =	sadd.s32 s9, s0;
	s15 =	sadd.s32 s10, s0;
	s9 =	sadd.s32 s18, s3  }
0x18: {  	s23 =	sadd.s32 s7, s19;
	s10 =	sadd.s32 s19, s3;
	[dreg:$0x9] =	wrdreg s6  }
0x19: {  	s7 =	simm.s32 $0x7;
	s16 =	simm.s32 $0x6000;
	[dreg:$0xb] =	wrdreg s13  }
0x1a: {  	s18 =	simm.s32 $0x1;
	s19 =	simm.s32 $0x2;
	[dreg:$0xc] =	wrdreg s15  }
.Ltmp0:
0x1b: {  	s2 =	sadd.s32 s2, s0;
	[dreg:$0x11] =	wrdreg s23;
	(pc) =	sbr.rel .LBB2_1-.Ltmp0, $4  }
0x1c: {  	s0 =	sadd.s32 s11, s0;
	s6 =	simm.s32 $0x6;
	[dreg:$0xf] =	wrdreg s9  }
0x1d: {  	s11 =	simm.s32 $0x7D;
	s13 =	simm.s32 $0x5000;
	[dreg:$0x12] =	wrdreg s10  }
0x1e: {  	s15 =	simm.s32 $0x5800;
	s23 =	simm.s32 $0x8;
	[dreg:$0xa] =	wrdreg s2  }
0x1f: {  	[dreg:$0xd] =	wrdreg s0;
	s2 =	simm.s32 $0x4;
	s0 =	simm.s32 $0x5  }
.LBB2_14:
0x20: {  	_ =	swait.ge [sflag:s2], $0x7D0  }
0x21: {  	[sflag:s2] =	ssyncset.done $0x0  }
0x22: {  	s8 =	simm.s32 $0x4F80;
	[sflag:s2] =	ssyncadd.s32 $0xFFFFF830  }
0x23: {  	[spmem:s3] =	stream.indirect.scatter.add.f32 [tilespmem:s17], [sflag:$0x8], $0x10, s8, s11, $0xb8;
	[tilespmem:$0x10800] =	vst v63  }
0x24: {  	_ =	swait.ge [sflag:s0], $0x7D0  }
0x25: {  	[sflag:s0] =	ssyncset.done $0x0  }
0x26: {  	[sflag:s0] =	ssyncadd.s32 $0xFFFFF830  }
0x27: {  	_ =	swait.ge [sflag:s6], $0x7D0  }
0x28: {  	[sflag:s6] =	ssyncset.done $0x0  }
0x29: {  	[sflag:s6] =	ssyncadd.s32 $0xFFFFF830  }
0x2a: {  	_ =	swait.ge [sflag:s7], $0x7D0  }
0x2b: {  	[sflag:s7] =	ssyncset.done $0x0  }
0x2c: {  	[sflag:s7] =	ssyncadd.s32 $0xFFFFF830  }
0x2d: {  	_ =	swait.ge [sflag:s23], $0x7D0  }
0x2e: {  	[sflag:s23] =	ssyncset.done $0x0  }
0x2f: {  	[sflag:s23] =	ssyncadd.s32 $0xFFFFF830  }
0x30: {  	[bflag:$0x0] =	sbarrier.arrive $0xFFFF  }
0x31: {  	[tilespmem:s13], [sflag:$0x5] =	stream.linear.gather [spmem:s9], $0x800, $0x38;
	[tilespmem:$0x10800] =	vst v63  }
0x32: {  	_ = 	snop  }
0x33: {  	[tilespmem:s15], [sflag:$0x6] =	stream.linear.gather [spmem:s10], $0x800, $0x38;
	[tilespmem:$0x10800] =	vst v63  }
0x34: {  	_ = 	snop  }
0x35: {  	[tilespmem:s16], [sflag:$0x7] =	stream.linear.gather [spmem:s26], $0x800, $0x38;
	[tilespmem:$0x10800] =	vst v63  }
0x36: {  	s25 =	smov.u32 s9;
	s9 =	rddreg [dreg:$0xf]  }
0x37: {  	[tilespmem:s17], [sflag:$0x8] =	stream.linear.gather [spmem:s9], $0x800, $0x38;
	[tilespmem:$0x10800] =	vst v63  }
0x38: {  	s29 =	smov.u32 s10;
	s10 =	rddreg [dreg:$0x12]  }
0x39: {  	[tilespmem:s31], [sflag:$0x1] =	stream.linear.gather [spmem:s10], $0x800, $0x38;
	[tilespmem:$0x10800] =	vst v63  }
0x3a: {  	_ =	swait.ge [sflag:s0], $0x800  }
0x3b: {  	[sflag:s0] =	ssyncset.done $0x0  }
0x3c: {  	s22 =	smov.u32 s26;
	s26 =	rddreg [dreg:$0x9];
	[sflag:s0] =	ssyncadd.s32 $0xFFFFF800  }
0x3d: {  	[hbm4b:s26+s5] =	stream.linear.scatter [tilespmem:s13], [sflag:$0x5], $0x800, $0x38;
	[tilespmem:$0x10800] =	vst v63  }
0x3e: {  	_ =	swait.ge [sflag:s6], $0x800  }
0x3f: {  	[sflag:s6] =	ssyncset.done $0x0  }
0x40: {  	s26 =	rddreg [dreg:$0xa];
	[sflag:s6] =	ssyncadd.s32 $0xFFFFF800  }
0x41: {  	[hbm4b:s26+s5] =	stream.linear.scatter [tilespmem:s15], [sflag:$0x6], $0x800, $0x38;
	[tilespmem:$0x10800] =	vst v63  }
0x42: {  	_ =	swait.ge [sflag:s7], $0x800  }
0x43: {  	[sflag:s7] =	ssyncset.done $0x0  }
0x44: {  	s26 =	rddreg [dreg:$0xb];
	[sflag:s7] =	ssyncadd.s32 $0xFFFFF800  }
0x45: {  	[hbm4b:s26+s5] =	stream.linear.scatter [tilespmem:s16], [sflag:$0x7], $0x800, $0x38;
	[tilespmem:$0x10800] =	vst v63  }
0x46: {  	_ =	swait.ge [sflag:s23], $0x800  }
0x47: {  	[sflag:s23] =	ssyncset.done $0x0  }
0x48: {  	s26 =	rddreg [dreg:$0xc];
	[sflag:s23] =	ssyncadd.s32 $0xFFFFF800  }
0x49: {  	[hbm4b:s26+s5] =	stream.linear.scatter [tilespmem:s17], [sflag:$0x8], $0x800, $0x38;
	[tilespmem:$0x10800] =	vst v63  }
0x4a: {  	_ =	swait.ge [sflag:s18], $0x800  }
0x4b: {  	[sflag:s18] =	ssyncset.done $0x0  }
0x4c: {  	s26 =	rddreg [dreg:$0xd];
	[sflag:s18] =	ssyncadd.s32 $0xFFFFF800  }
0x4d: {  	[hbm4b:s26+s5] =	stream.linear.scatter [tilespmem:s31], [sflag:$0x1], $0x800, $0x38;
	[tilespmem:$0x10800] =	vst v63  }
0x4e: {  	_ =	swait.ge [sflag:s0], $0x800  }
0x4f: {  	[sflag:s0] =	ssyncset.done $0x0  }
0x50: {  	[sflag:s0] =	ssyncadd.s32 $0xFFFFF800  }
0x51: {  	_ =	swait.ge [sflag:s6], $0x800  }
0x52: {  	[sflag:s6] =	ssyncset.done $0x0  }
0x53: {  	[sflag:s6] =	ssyncadd.s32 $0xFFFFF800  }
0x54: {  	_ =	swait.ge [sflag:s7], $0x800  }
0x55: {  	[sflag:s7] =	ssyncset.done $0x0  }
0x56: {  	[sflag:s7] =	ssyncadd.s32 $0xFFFFF800  }
0x57: {  	_ =	swait.ge [sflag:s23], $0x800  }
0x58: {  	[sflag:s23] =	ssyncset.done $0x0  }
0x59: {  	[sflag:s23] =	ssyncadd.s32 $0xFFFFF800  }
0x5a: {  	_ =	swait.ge [sflag:s18], $0x800  }
0x5b: {  	s30 =	sadd.s32 $0x1, s30;
	s26 =	rddreg [dreg:$0x13]  }
0x5c: {  	p0 =	sne.s32 s30, s26  }
.Ltmp1:
0x5d: {  	_ = 	snop;
	(pc) =	sbr.rel @!p0 .LBB2_15-.Ltmp1, $3  }
0x5e: {  	_ =	sdelay $0x1  }
0x5f: {  	[sflag:s18] =	ssyncset.done $0x0  }
0x60: {  	[sflag:s18] =	ssyncadd.s32 $0xFFFFF800  }
.LBB2_1:
0x61: {  	s8 =	rddreg [dreg:$0x5]  }
0x62: {  	[tilespmem:s5], [sflag:$0x5] =	stream.linear.gather [hbm4b:s8+s5], $0x2800, $0x38;
	[tilespmem:$0x10800] =	vst v63  }
0x63: {  	s26 =	simm.s32 $0x2800;
	s8 =	rddreg [dreg:$0x6]  }
0x64: {  	[tilespmem:s26], [sflag:$0x6] =	stream.linear.gather [hbm4b:s8+s5], $0x2800, $0x38;
	[tilespmem:$0x10800] =	vst v63  }
0x65: {  	s26 =	rddreg [dreg:$0x1]  }
0x66: {  	[tilespmem:s31], [sflag:$0x9] =	stream.linear.gather [hbm4b:s26+s5], $0x800, $0x38;
	[tilespmem:$0x10800] =	vst v63  }
0x67: {  	_ =	swait.ge [sflag:s1], $0x800  }
0x68: {  	[sflag:s1] =	ssyncset.done $0x0  }
0x69: {  	[sflag:s1] =	ssyncadd.s32 $0xFFFFF800  }
0x6a: {  	[spmem:s25] =	stream.linear.scatter [tilespmem:s31], [sflag:$0x7], $0x800, $0x38;
	[tilespmem:$0x10800] =	vst v63  }
0x6b: {  	_ = 	snop  }
0x6c: {  	[spmem:s29] =	stream.linear.scatter [tilespmem:s31], [sflag:$0x7], $0x800, $0x38;
	[tilespmem:$0x10800] =	vst v63  }
0x6d: {  	_ = 	snop  }
0x6e: {  	[spmem:s22] =	stream.linear.scatter [tilespmem:s31], [sflag:$0x7], $0x800, $0x38;
	[tilespmem:$0x10800] =	vst v63  }
0x6f: {  	s8 =	smov.u32 s9  }
0x70: {  	[spmem:s8] =	stream.linear.scatter [tilespmem:s31], [sflag:$0x7], $0x800, $0x38;
	[tilespmem:$0x10800] =	vst v63  }
0x71: {  	s9 =	smov.u32 s25;
	s25 =	smov.u32 s10  }
0x72: {  	[spmem:s25] =	stream.linear.scatter [tilespmem:s31], [sflag:$0x7], $0x800, $0x38;
	[tilespmem:$0x10800] =	vst v63  }
0x73: {  	s26 =	smov.u32 s22;
	s22 =	rddreg [dreg:$0x7];
	s25 =	simm.s32 $0x7800  }
0x74: {  	[tilespmem:s25], [sflag:$0x4] =	stream.linear.gather [hbm4b:s22+s5], $0x4000, $0x38;
	[tilespmem:$0x10800] =	vst v63  }
0x75: {  	_ =	swait.ge [sflag:s2], $0x4000  }
0x76: {  	[sflag:s2] =	ssyncset.done $0x0  }
0x77: {  	s10 =	smov.u32 s29;
	s29 =	sadd.s32 $0x0, s12;
	[sflag:s2] =	ssyncadd.s32 $0xFFFFC000  }
0x78: {  	[spmem:s29] =	stream.linear.scatter [tilespmem:s25], [sflag:$0x9], $0x10, $0x38;
	[tilespmem:$0x10800] =	vst v63  }
0x79: {  	s29 =	simm.s32 $0x40  }
.LBB2_2:
0x7a: {  	p0 =	sne.s32 s29, $0x1FC0  }
.Ltmp2:
0x7b: {  	_ = 	snop;
	(pc) =	sbr.rel @p0 .LBB2_2-.Ltmp2, $4  }
0x7c: {  	_ = 	snop  }
0x7d: {  	s8 =	sshra.s32 s29, $0x2;
	s29 =	sadd.s32 $0x40, s29  }
0x7e: {  	s25 =	sadd.s32 $0x80, s25;
	s8 =	sadd.s32 s8, s12  }
0x7f: {  	[spmem:s8] =	stream.linear.scatter [tilespmem:s25], [sflag:$0x9], $0x10, $0x38;
	[tilespmem:$0x10800] =	vst v63  }
0x80: {  	_ =	swait.ge [sflag:s1], $0x800  }
0x81: {  	s8 =	simm.s32 $0x0;
	[sflag:s1] =	ssyncset.done $0x0  }
0x82: {  	s25 =	simm.s32 $0x7800;
	s22 =	rddreg [dreg:$0x8];
	[sflag:s1] =	ssyncadd.s32 $0xFFFFF800  }
0x83: {  	[tilespmem:s25], [sflag:$0x4] =	stream.linear.gather [hbm4b:s22+s8], $0x4000, $0x38;
	[tilespmem:$0x10800] =	vst v63  }
0x84: {  	_ =	swait.ge [sflag:s2], $0x4000  }
0x85: {  	[sflag:s2] =	ssyncset.done $0x0  }
0x86: {  	s29 =	simm.s32 $0x40;
	s22 =	sadd.s32 $0x0, s14;
	[sflag:s2] =	ssyncadd.s32 $0xFFFFC000  }
0x87: {  	[spmem:s22] =	stream.linear.scatter [tilespmem:s25], [sflag:$0x9], $0x10, $0x38;
	[tilespmem:$0x10800] =	vst v63  }
.LBB2_4:
0x88: {  	p0 =	sne.s32 s29, $0x1FC0  }
.Ltmp3:
0x89: {  	_ = 	snop;
	(pc) =	sbr.rel @p0 .LBB2_4-.Ltmp3, $4  }
0x8a: {  	_ = 	snop  }
0x8b: {  	s8 =	sshra.s32 s29, $0x2;
	s29 =	sadd.s32 $0x40, s29  }
0x8c: {  	s25 =	sadd.s32 $0x80, s25;
	s8 =	sadd.s32 s8, s14  }
0x8d: {  	[spmem:s8] =	stream.linear.scatter [tilespmem:s25], [sflag:$0x9], $0x10, $0x38;
	[tilespmem:$0x10800] =	vst v63  }
0x8e: {  	_ =	swait.ge [sflag:s1], $0x800  }
0x8f: {  	s8 =	simm.s32 $0x0;
	[sflag:s1] =	ssyncset.done $0x0  }
0x90: {  	s25 =	simm.s32 $0x7800;
	s22 =	rddreg [dreg:$0xe];
	[sflag:s1] =	ssyncadd.s32 $0xFFFFF800  }
0x91: {  	[tilespmem:s25], [sflag:$0x4] =	stream.linear.gather [hbm4b:s22+s8], $0x4000, $0x38;
	[tilespmem:$0x10800] =	vst v63  }
0x92: {  	_ =	swait.ge [sflag:s2], $0x4000  }
0x93: {  	[sflag:s2] =	ssyncset.done $0x0  }
0x94: {  	s29 =	simm.s32 $0x40;
	s22 =	sadd.s32 $0x0, s21;
	[sflag:s2] =	ssyncadd.s32 $0xFFFFC000  }
0x95: {  	[spmem:s22] =	stream.linear.scatter [tilespmem:s25], [sflag:$0x9], $0x10, $0x38;
	[tilespmem:$0x10800] =	vst v63  }
.LBB2_6:
0x96: {  	p0 =	sne.s32 s29, $0x1FC0  }
.Ltmp4:
0x97: {  	_ = 	snop;
	(pc) =	sbr.rel @p0 .LBB2_6-.Ltmp4, $4  }
0x98: {  	_ = 	snop  }
0x99: {  	s8 =	sshra.s32 s29, $0x2;
	s29 =	sadd.s32 $0x40, s29  }
0x9a: {  	s25 =	sadd.s32 $0x80, s25;
	s8 =	sadd.s32 s8, s21  }
0x9b: {  	[spmem:s8] =	stream.linear.scatter [tilespmem:s25], [sflag:$0x9], $0x10, $0x38;
	[tilespmem:$0x10800] =	vst v63  }
0x9c: {  	_ =	swait.ge [sflag:s1], $0x800  }
0x9d: {  	s8 =	simm.s32 $0x0;
	[sflag:s1] =	ssyncset.done $0x0  }
0x9e: {  	s25 =	simm.s32 $0x7800;
	s22 =	rddreg [dreg:$0x10];
	[sflag:s1] =	ssyncadd.s32 $0xFFFFF800  }
0x9f: {  	[tilespmem:s25], [sflag:$0x4] =	stream.linear.gather [hbm4b:s22+s8], $0x4000, $0x38;
	[tilespmem:$0x10800] =	vst v63  }
0xa0: {  	_ =	swait.ge [sflag:s2], $0x4000  }
0xa1: {  	[sflag:s2] =	ssyncset.done $0x0  }
0xa2: {  	s29 =	simm.s32 $0x40;
	s22 =	sadd.s32 $0x0, s24;
	[sflag:s2] =	ssyncadd.s32 $0xFFFFC000  }
0xa3: {  	[spmem:s22] =	stream.linear.scatter [tilespmem:s25], [sflag:$0x9], $0x10, $0x38;
	[tilespmem:$0x10800] =	vst v63  }
.LBB2_8:
0xa4: {  	p0 =	sne.s32 s29, $0x1FC0  }
.Ltmp5:
0xa5: {  	_ = 	snop;
	(pc) =	sbr.rel @p0 .LBB2_8-.Ltmp5, $4  }
0xa6: {  	_ = 	snop  }
0xa7: {  	s8 =	sshra.s32 s29, $0x2;
	s29 =	sadd.s32 $0x40, s29  }
0xa8: {  	s25 =	sadd.s32 $0x80, s25;
	s8 =	sadd.s32 s8, s24  }
0xa9: {  	[spmem:s8] =	stream.linear.scatter [tilespmem:s25], [sflag:$0x9], $0x10, $0x38;
	[tilespmem:$0x10800] =	vst v63  }
0xaa: {  	_ =	swait.ge [sflag:s1], $0x800  }
0xab: {  	s8 =	simm.s32 $0x0;
	[sflag:s1] =	ssyncset.done $0x0  }
0xac: {  	s25 =	simm.s32 $0x7800;
	s22 =	rddreg [dreg:$0x11];
	[sflag:s1] =	ssyncadd.s32 $0xFFFFF800  }
0xad: {  	[tilespmem:s25], [sflag:$0x4] =	stream.linear.gather [hbm4b:s22+s8], $0x4000, $0x38;
	[tilespmem:$0x10800] =	vst v63  }
0xae: {  	_ =	swait.ge [sflag:s2], $0x4000  }
0xaf: {  	[sflag:s2] =	ssyncset.done $0x0  }
0xb0: {  	s29 =	simm.s32 $0x40;
	s22 =	sadd.s32 $0x0, s28;
	[sflag:s2] =	ssyncadd.s32 $0xFFFFC000  }
0xb1: {  	[spmem:s22] =	stream.linear.scatter [tilespmem:s25], [sflag:$0x9], $0x10, $0x38;
	[tilespmem:$0x10800] =	vst v63  }
.LBB2_10:
0xb2: {  	p0 =	sne.s32 s29, $0x1FC0  }
.Ltmp6:
0xb3: {  	_ = 	snop;
	(pc) =	sbr.rel @p0 .LBB2_10-.Ltmp6, $4  }
0xb4: {  	_ = 	snop  }
0xb5: {  	s8 =	sshra.s32 s29, $0x2;
	s29 =	sadd.s32 $0x40, s29  }
0xb6: {  	s25 =	sadd.s32 $0x80, s25;
	s8 =	sadd.s32 s8, s28  }
0xb7: {  	[spmem:s8] =	stream.linear.scatter [tilespmem:s25], [sflag:$0x9], $0x10, $0x38;
	[tilespmem:$0x10800] =	vst v63  }
0xb8: {  	_ =	swait.ge [sflag:s1], $0x800  }
0xb9: {  	[sflag:s1] =	ssyncset.done $0x0  }
0xba: {  	[sflag:s1] =	ssyncadd.s32 $0xFFFFF800  }
0xbb: {  	_ =	swait.ge [sflag:s0], $0x2800  }
0xbc: {  	[sflag:s0] =	ssyncset.done $0x0  }
0xbd: {  	[sflag:s0] =	ssyncadd.s32 $0xFFFFD800  }
0xbe: {  	_ =	swait.ge [sflag:s6], $0x2800  }
0xbf: {  	[sflag:s6] =	ssyncset.done $0x0  }
0xc0: {  	[sflag:s6] =	ssyncadd.s32 $0xFFFFD800  }
0xc1: {  	_ =	swait.ge [sflag:s7], $0x800  }
0xc2: {  	[sflag:s7] =	ssyncset.done $0x0  }
0xc3: {  	[sflag:s7] =	ssyncadd.s32 $0xFFFFF800  }
0xc4: {  	_ =	swait.ge [sflag:s7], $0x800  }
0xc5: {  	[sflag:s7] =	ssyncset.done $0x0  }
0xc6: {  	[sflag:s7] =	ssyncadd.s32 $0xFFFFF800  }
0xc7: {  	_ =	swait.ge [sflag:s7], $0x800  }
0xc8: {  	[sflag:s7] =	ssyncset.done $0x0  }
0xc9: {  	[sflag:s7] =	ssyncadd.s32 $0xFFFFF800  }
0xca: {  	_ =	swait.ge [sflag:s7], $0x800  }
0xcb: {  	[sflag:s7] =	ssyncset.done $0x0  }
0xcc: {  	[sflag:s7] =	ssyncadd.s32 $0xFFFFF800  }
0xcd: {  	_ =	swait.ge [sflag:s7], $0x800  }
0xce: {  	[sflag:s7] =	ssyncset.done $0x0  }
0xcf: {  	[sflag:s7] =	ssyncadd.s32 $0xFFFFF800  }
0xd0: {  	s25 =	simm.s32 $0x0;
	[bflag:$0x0] =	sbarrier.arrive $0xFFFF  }
0xd1: {  	[tilespmem:s13], [sflag:$0x1] =	stream.indirect.gather [spmem:s4], $0x10, s25, s11, $0xb8;
	[tilespmem:$0x10800] =	vst v63  }
0xd2: {  	s8 =	simm.s32 $0x80  }
0xd3: {  	[tilespmem:s15], [sflag:$0x2] =	stream.indirect.gather [spmem:s4], $0x10, s8, s11, $0xb8;
	[tilespmem:$0x10800] =	vst v63  }
0xd4: {  	s22 =	simm.s32 $0x100  }
0xd5: {  	[tilespmem:s16], [sflag:$0x3] =	stream.indirect.gather [spmem:s4], $0x10, s22, s11, $0xb8;
	[tilespmem:$0x10800] =	vst v63  }
0xd6: {  	s29 =	simm.s32 $0x180  }
0xd7: {  	[tilespmem:s17], [sflag:$0x4] =	stream.indirect.gather [spmem:s4], $0x10, s29, s11, $0xb8;
	[tilespmem:$0x10800] =	vst v63  }
0xd8: {  	_ =	swait.ge [sflag:s18], $0x7D0  }
0xd9: {  	[sflag:s18] =	ssyncset.done $0x0  }
0xda: {  	s22 =	simm.s32 $0x2800;
	[sflag:s18] =	ssyncadd.s32 $0xFFFFF830  }
0xdb: {  	[spmem:s3] =	stream.indirect.scatter.add.f32 [tilespmem:s13], [sflag:$0x5], $0x10, s22, s11, $0xb8;
	[tilespmem:$0x10800] =	vst v63  }
0xdc: {  	_ =	swait.ge [sflag:s19], $0x7D0  }
0xdd: {  	[sflag:s19] =	ssyncset.done $0x0  }
0xde: {  	s29 =	simm.s32 $0x2880;
	[sflag:s19] =	ssyncadd.s32 $0xFFFFF830  }
0xdf: {  	[spmem:s3] =	stream.indirect.scatter.add.f32 [tilespmem:s15], [sflag:$0x6], $0x10, s29, s11, $0xb8;
	[tilespmem:$0x10800] =	vst v63  }
0xe0: {  	_ =	swait.ge [sflag:s20], $0x7D0  }
0xe1: {  	[sflag:s20] =	ssyncset.done $0x0  }
0xe2: {  	s22 =	simm.s32 $0x2900;
	[sflag:s20] =	ssyncadd.s32 $0xFFFFF830  }
0xe3: {  	[spmem:s3] =	stream.indirect.scatter.add.f32 [tilespmem:s16], [sflag:$0x7], $0x10, s22, s11, $0xb8;
	[tilespmem:$0x10800] =	vst v63  }
0xe4: {  	_ =	swait.ge [sflag:s0], $0x7D0  }
0xe5: {  	[sflag:s0] =	ssyncset.done $0x0  }
0xe6: {  	s29 =	simm.s32 $0x200;
	[sflag:s0] =	ssyncadd.s32 $0xFFFFF830  }
0xe7: {  	[tilespmem:s13], [sflag:$0x1] =	stream.indirect.gather [spmem:s4], $0x10, s29, s11, $0xb8;
	[tilespmem:$0x10800] =	vst v63  }
0xe8: {  	_ =	swait.ge [sflag:s2], $0x7D0  }
0xe9: {  	[sflag:s2] =	ssyncset.done $0x0  }
0xea: {  	s22 =	simm.s32 $0x2980;
	[sflag:s2] =	ssyncadd.s32 $0xFFFFF830  }
0xeb: {  	[spmem:s3] =	stream.indirect.scatter.add.f32 [tilespmem:s17], [sflag:$0x8], $0x10, s22, s11, $0xb8;
	[tilespmem:$0x10800] =	vst v63  }
0xec: {  	_ =	swait.ge [sflag:s6], $0x7D0  }
0xed: {  	[sflag:s6] =	ssyncset.done $0x0  }
0xee: {  	s29 =	simm.s32 $0x280;
	[sflag:s6] =	ssyncadd.s32 $0xFFFFF830  }
0xef: {  	[tilespmem:s15], [sflag:$0x2] =	stream.indirect.gather [spmem:s4], $0x10, s29, s11, $0xb8;
	[tilespmem:$0x10800] =	vst v63  }
.LBB2_12:
0xf0: {  	_ =	swait.ge [sflag:s18], $0x7D0  }
0xf1: {  	s29 =	sshra.s32 s25, $0x2;
	[sflag:s18] =	ssyncset.done $0x0  }
0xf2: {  	s8 =	sadd.s32 $0x2A00, s29;
	[sflag:s18] =	ssyncadd.s32 $0xFFFFF830  }
0xf3: {  	[spmem:s3] =	stream.indirect.scatter.add.f32 [tilespmem:s13], [sflag:$0x5], $0x10, s8, s11, $0xb8;
	[tilespmem:$0x10800] =	vst v63  }
0xf4: {  	_ =	swait.ge [sflag:s7], $0x7D0  }
0xf5: {  	[sflag:s7] =	ssyncset.done $0x0  }
0xf6: {  	s22 =	sadd.s32 $0x300, s29;
	[sflag:s7] =	ssyncadd.s32 $0xFFFFF830  }
0xf7: {  	[tilespmem:s16], [sflag:$0x3] =	stream.indirect.gather [spmem:s4], $0x10, s22, s11, $0xb8;
	[tilespmem:$0x10800] =	vst v63  }
0xf8: {  	_ =	swait.ge [sflag:s19], $0x7D0  }
0xf9: {  	[sflag:s19] =	ssyncset.done $0x0  }
0xfa: {  	s22 =	sadd.s32 $0x2A80, s29;
	[sflag:s19] =	ssyncadd.s32 $0xFFFFF830  }
0xfb: {  	[spmem:s3] =	stream.indirect.scatter.add.f32 [tilespmem:s15], [sflag:$0x6], $0x10, s22, s11, $0xb8;
	[tilespmem:$0x10800] =	vst v63  }
0xfc: {  	_ =	swait.ge [sflag:s23], $0x7D0  }
0xfd: {  	[sflag:s23] =	ssyncset.done $0x0  }
0xfe: {  	p0 =	seq.s32 s25, $0x9000;
	s22 =	sadd.s32 $0x380, s29;
	[sflag:s23] =	ssyncadd.s32 $0xFFFFF830  }
0xff: {  	[tilespmem:s17], [sflag:$0x4] =	stream.indirect.gather [spmem:s4], $0x10, s22, s11, $0xb8;
	[tilespmem:$0x10800] =	vst v63  }
.Ltmp7:
0x100: {  	_ = 	snop;
	(pc) =	sbr.rel @p0 .LBB2_14-.Ltmp7, $4  }
0x101: {  	_ =	swait.ge [sflag:s20], $0x7D0  }
0x102: {  	[sflag:s20] =	ssyncset.done $0x0  }
0x103: {  	s22 =	sadd.s32 $0x2B00, s29;
	[sflag:s20] =	ssyncadd.s32 $0xFFFFF830  }
0x104: {  	[spmem:s3] =	stream.indirect.scatter.add.f32 [tilespmem:s16], [sflag:$0x7], $0x10, s22, s11, $0xb8;
	[tilespmem:$0x10800] =	vst v63  }
0x105: {  	_ =	swait.ge [sflag:s0], $0x7D0  }
0x106: {  	[sflag:s0] =	ssyncset.done $0x0  }
0x107: {  	s8 =	sadd.s32 $0x400, s29;
	[sflag:s0] =	ssyncadd.s32 $0xFFFFF830  }
0x108: {  	[tilespmem:s13], [sflag:$0x1] =	stream.indirect.gather [spmem:s4], $0x10, s8, s11, $0xb8;
	[tilespmem:$0x10800] =	vst v63  }
0x109: {  	_ =	swait.ge [sflag:s2], $0x7D0  }
0x10a: {  	[sflag:s2] =	ssyncset.done $0x0  }
0x10b: {  	s22 =	sadd.s32 $0x2B80, s29;
	[sflag:s2] =	ssyncadd.s32 $0xFFFFF830  }
0x10c: {  	[spmem:s3] =	stream.indirect.scatter.add.f32 [tilespmem:s17], [sflag:$0x8], $0x10, s22, s11, $0xb8;
	[tilespmem:$0x10800] =	vst v63  }
.Ltmp8:
0x10d: {  	_ = 	snop;
	(pc) =	sbr.rel .LBB2_12-.Ltmp8, $4  }
0x10e: {  	_ =	swait.ge [sflag:s6], $0x7D0  }
0x10f: {  	[sflag:s6] =	ssyncset.done $0x0  }
0x110: {  	s29 =	sadd.s32 $0x480, s29;
	s25 =	sadd.s32 $0x800, s25;
	[sflag:s6] =	ssyncadd.s32 $0xFFFFF830  }
0x111: {  	[tilespmem:s15], [sflag:$0x2] =	stream.indirect.gather [spmem:s4], $0x10, s29, s11, $0xb8;
	[tilespmem:$0x10800] =	vst v63  }
.LBB2_15:
0x112: {  	_ =	sfence.sel $0x180000  }
0x113: {  	[bflag:$0x0] =	sbarrier.arrive $0xFFFF  }
0x114: {  	_ =	strace $0x90000050  }
0x115: {  	s0 =	stileid.u32;
	[bflag:$0x2] =	sbarrier.arrive $0xFFFF  }
0x116: {  	p0 =	sne.s32 s0, $0x0;
	s0 =	rddreg [dreg:$0x4]  }
0x117: {  	s0 =	sadd.s32 @!p0 $0x100000, s0  }
0x118: {  	[sflag:s0] =	ssyncadd.tile.s32 @!p0 $0x1;
	_ =	shalt  }
.Lfunc_end2:
_tile_overlayer_lowered:
.L_overlay_start_2:
0x119: {  	(tag) =	ssettag $0x2  }
0x11a: {  	s0 =	rddreg [dreg:$0x0];
	s2 =	stileid.u32  }
0x11b: {  	s1 =	rddreg [dreg:$0x1];
	p0 =	sne.s32 s2, $0x0  }
0x11c: {  	s3 =	rddreg [dreg:$0x2];
	[bflag:$0x3] =	sbarrier.arrive $0xFFFF;
	s2 =	simm.s32 @!p0 $0x1C09  }
0x11d: {  	[timem:s3], [sflag:s2] =	dma.local @!p0 [hbm:s0], s1  }
0x11e: {  	s0 =	simm.s32 @!p0 $0x9  }
0x11f: {  	_ =	swait.ge @!p0 [sflag:s0], s1  }
0x120: {  	s1 =	ssub.s32 @!p0 $0x0, s1;
	[sflag:s0] =	ssyncset.done @!p0 $0x0  }
0x121: {  	[sflag:s0] =	ssyncadd.s32 @!p0 s1  }
0x122: {  	[bflag:$0x3] =	sbarrier.arrive $0xFFFF  }
0x123: {  	_ =	shalt  }

</sc_bundles>
